<compile_context>
chip_gen: v7x
topology: tpu7x:2x2x1
jax: 0.10.2.dev20260603
libtpu: 0.0.44.dev20260713+nightly
codegen_flags: <defaults>
</compile_context>

<pallas_src>
import functools

import jax
import jax.numpy as jnp
from jax import lax
from jax.experimental import pallas as pl
from jax.experimental.pallas import tpu as pltpu
from jax.experimental.pallas import tpu_sc as plsc

HIDDEN = 64
CHUNK = 128
KMAX = 6

NC = 2
NS = 16
NW = NC * NS


def _plan(n_rows):
    n_chunks = -(-n_rows // CHUNK)
    cpw = -(-n_chunks // NW)
    best = None
    for k in range(1, KMAX + 1):
        gw = -(-cpw // k)
        gw += gw % 2
        span = gw * k
        cost = span * 1.2 + gw * 2.0
        if best is None or cost < best[0]:
            best = (cost, k, gw)
    _, k, gw = best
    return k, gw


@functools.lru_cache(maxsize=None)
def _make_sc_gather(n_pad_rows, K, gw):
    mesh = plsc.VectorSubcoreMesh(core_axis_name="c", subcore_axis_name="s")

    def body(table, idx_hbm, out_hbm, idx_v, rows0, rows1,
             sem_g, sem_w0, sem_w1):
        wid = lax.axis_index("s") * NC + lax.axis_index("c")
        span = gw * K
        grows = K * CHUNK
        c0 = wid * span
        hb = gw // 2

        def wr_desc(rows_v, sem, goff):
            return pltpu.make_async_copy(
                rows_v.at[pl.ds(0, grows)],
                out_hbm.at[pl.ds(goff * CHUNK, grows)],
                sem)

        def run_group(h, rows_v, sem_w, parity, idx_base):
            g = h * 2 + parity
            goff = c0 + g * K

            @pl.when(h >= 1)
            def _():
                wr_desc(rows_v, sem_w, goff - 2 * K).wait()

            for b in range(K):
                pltpu.make_async_copy(
                    table.at[idx_v.at[idx_base + b]],
                    rows_v.at[pl.ds(b * CHUNK, CHUNK)],
                    sem_g).start()
            for b in range(K):
                pltpu.make_async_copy(
                    table.at[idx_v.at[idx_base + b]],
                    rows_v.at[pl.ds(b * CHUNK, CHUNK)],
                    sem_g).wait()
            wr_desc(rows_v, sem_w, goff).start()

        def step(h, _):
            pltpu.sync_copy(
                idx_hbm.at[pl.ds(c0 + h * 2 * K, 2 * K)],
                idx_v.at[pl.ds(0, 2 * K)])
            run_group(h, rows0, sem_w0, 0, 0)
            run_group(h, rows1, sem_w1, 1, K)
            return ()

        lax.fori_loop(0, hb, step, ())

        wr_desc(rows0, sem_w0, c0 + (gw - 2) * K).wait()
        wr_desc(rows1, sem_w1, c0 + (gw - 1) * K).wait()

    return pl.kernel(
        body,
        out_type=jax.ShapeDtypeStruct((n_pad_rows, HIDDEN), jnp.float32),
        mesh=mesh,
        compiler_params=pltpu.CompilerParams(use_tc_tiling_on_sc=False),
        scratch_types=[
            pltpu.VMEM((2 * KMAX, CHUNK), jnp.int32),
            pltpu.VMEM((KMAX * CHUNK, HIDDEN), jnp.float32),
            pltpu.VMEM((KMAX * CHUNK, HIDDEN), jnp.float32),
            pltpu.SemaphoreType.DMA,
            pltpu.SemaphoreType.DMA,
            pltpu.SemaphoreType.DMA,
        ],
    )


def kernel(user, traj, geo, long_traj, traj_graph_x, geo_graph_x,
           user_table, loc_table, geo_table):
    tables = (user_table, loc_table, geo_table)
    srcs = (user, traj, geo, long_traj, traj_graph_x, geo_graph_x)
    tslots = (0, 1, 2, 1, 1, 2)

    order = (0, 2, 5, 1, 3, 4)

    outs = [None] * len(srcs)
    for t in order:
        src, tslot = srcs[t], tslots[t]
        table = tables[tslot]
        flat = src.reshape(-1).astype(jnp.int32)
        n = flat.shape[0]
        K, gw = _plan(n)
        npad = NW * gw * K * CHUNK
        if npad > n:
            pad = jnp.arange(npad - n, dtype=jnp.int32) % table.shape[0]
            flat = jnp.concatenate([flat, pad])
        idx2d = flat.reshape(-1, CHUNK)

        o = _make_sc_gather(npad, K, gw)(table, idx2d)
        o = lax.optimization_barrier(o.reshape(npad // 2, 2 * HIDDEN))
        outs[t] = o.reshape(npad, HIDDEN)[:n].reshape(src.shape + (HIDDEN,))

    return tuple(outs)

# --- scband reference (transcript-rebuilt; emitter-appended) ---
"""Pipeline reference for scband-embedding-layer-84035330113576 (READ-ONLY COPY).

The authoritative reference and input builder live on the scoring server;
editing this copy changes nothing except your own understanding.
"""

import jax, jax.numpy as jnp
import numpy as np

MAX_USER = 100000
MAX_LOC = 1000000
MAX_GEO = 100000
HIDDEN = 64


def setup_inputs(seed: int = 0) -> dict:
    key = jax.random.key(seed)
    ks = jax.random.split(key, 9)
    user = jax.random.randint(ks[0], (4096,), 0, MAX_USER)
    traj = jax.random.randint(ks[1], (4096, 50), 0, MAX_LOC)
    geo = jax.random.randint(ks[2], (4096, 50), 0, MAX_GEO)
    long_traj = jax.random.randint(ks[3], (4096, 200), 0, MAX_LOC)
    traj_graph_x = jax.random.randint(ks[4], (100000,), 0, MAX_LOC)
    geo_graph_x = jax.random.randint(ks[5], (50000,), 0, MAX_GEO)
    user_table = jax.random.normal(ks[6], (MAX_USER, HIDDEN), dtype=jnp.float32) * 0.1
    loc_table = jax.random.normal(ks[7], (MAX_LOC, HIDDEN), dtype=jnp.float32) * 0.1
    geo_table = jax.random.normal(ks[8], (MAX_GEO, HIDDEN), dtype=jnp.float32) * 0.1
    return {
        "user": user,
        "traj": traj,
        "geo": geo,
        "long_traj": long_traj,
        "traj_graph_x": traj_graph_x,
        "geo_graph_x": geo_graph_x,
        "user_table": user_table,
        "loc_table": loc_table,
        "geo_table": geo_table,
    }


def reference(user, traj, geo, long_traj, traj_graph_x, geo_graph_x, user_table, loc_table, geo_table):
    # EmbeddingLayer.forward: pure embedding gathers into three tables.
    # userEmbLayer(user)
    user_emb = jnp.take(user_table, user, axis=0)
    # locEmbLayer(traj)
    traj_emb = jnp.take(loc_table, traj, axis=0)
    # geoEmbLayer(geo)
    geo_emb = jnp.take(geo_table, geo, axis=0)
    # locEmbLayer(long_traj)
    long_traj_emb = jnp.take(loc_table, long_traj, axis=0)
    # traj_graph.x = locEmbLayer(traj_graph.x)
    traj_graph_x_emb = jnp.take(loc_table, traj_graph_x, axis=0)
    # geo_graph.x = geoEmbLayer(geo_graph.x)
    geo_graph_x_emb = jnp.take(geo_table, geo_graph_x, axis=0)
    return (user_emb, traj_emb, geo_emb, long_traj_emb, traj_graph_x_emb, geo_graph_x_emb)

if __name__ == "__main__":
    import jax
    _d = setup_inputs()
    print(jax.jit(kernel)(*tuple(_d.values())))

</pallas_src>

<mosaic_0001>
#map = affine_map<(d0, d1) -> (0, 0)>
module attributes {stable_mosaic.version = 14 : i64} {
  func.func @body(%arg0: i32, %arg1: i32, %arg2: memref<100000x64xf32, #tpu.memory_space<hbm>>, %arg3: memref<1600x128xi32, #tpu.memory_space<hbm>>, %arg4: memref<204800x64xf32, #tpu.memory_space<hbm>>, %arg5: memref<12x128xi32, #tpu.memory_space<vmem>>, %arg6: memref<768x64xf32, #tpu.memory_space<vmem>>, %arg7: memref<768x64xf32, #tpu.memory_space<vmem>>, %arg8: memref<!tpu.dma_semaphore, #tpu.memory_space<semaphore_mem>>, %arg9: memref<!tpu.dma_semaphore, #tpu.memory_space<semaphore_mem>>, %arg10: memref<!tpu.dma_semaphore, #tpu.memory_space<semaphore_mem>>) attributes {dimension_semantics = [#tpu.dimension_semantics<core_parallel>, #tpu.dimension_semantics<subcore_parallel>], iteration_bounds = array<i64: 2, 16>, scalar_prefetch = 0 : i64, scratch_operands = 6 : i64, tpu.core_type = #tpu.core_type<sc_vector_subcore>, window_params = [{transform_indices = #map}, {transform_indices = #map}, {transform_indices = #map}]} {
    %mul3A = arith.constant 2 : i32
    %mul3A_0 = arith.muli %arg1, %mul3A : i32
    %add3A = arith.addi %mul3A_0, %arg0 : i32
    %mul3A_1 = arith.constant 50 : i32
    %mul3A_2 = arith.muli %add3A, %mul3A_1 : i32
    %scan3A = arith.constant 0 : i32
    %scan3A_3 = arith.constant 5 : i32
    %scan3A_4 = arith.addi %scan3A, %scan3A_3 : i32
    %scan3A_5 = arith.constant 1 : i32
    scf.for %scan3A_34 = %scan3A to %scan3A_4 step %scan3A_5  : i32 {
      %mul3A_35 = arith.constant 2 : i32
      %mul3A_36 = arith.muli %scan3A_34, %mul3A_35 : i32
      %mul3A_37 = arith.constant 5 : i32
      %mul3A_38 = arith.muli %mul3A_36, %mul3A_37 : i32
      %add3A_39 = arith.addi %mul3A_2, %mul3A_38 : i32
      "tpu.region"() ({
        %run_scoped3A = tpu.sem_alloc : memref<!tpu.dma_semaphore, #tpu.memory_space<semaphore_mem>>
        %dma_start3A_284 = arith.constant 0 : i32
        %dma_start3A_285 = arith.constant 0 : i32
        %dma_start3A_286 = tpu.memref_slice %arg5[%dma_start3A_284, %dma_start3A_285] : memref<12x128xi32, #tpu.memory_space<vmem>> -> memref<10x128xi32, #tpu.memory_space<vmem>>
        %dma_start3A_287 = arith.constant 0 : i32
        %dma_start3A_288 = tpu.memref_slice %arg3[%add3A_39, %dma_start3A_287] : memref<1600x128xi32, #tpu.memory_space<hbm>> -> memref<10x128xi32, #tpu.memory_space<hbm>>
        %dma_start3A_289 = arith.constant 0 : i32
        %dma_start3A_290 = arith.constant 0 : i32
        %dma_start3A_291 = tpu.memref_slice %arg5[%dma_start3A_289, %dma_start3A_290] : memref<12x128xi32, #tpu.memory_space<vmem>> -> memref<10x128xi32, #tpu.memory_space<vmem>>
        %dma_start3A_292 = arith.constant 0 : i32
        %dma_start3A_293 = tpu.memref_slice %arg3[%add3A_39, %dma_start3A_292] : memref<1600x128xi32, #tpu.memory_space<hbm>> -> memref<10x128xi32, #tpu.memory_space<hbm>>
        tpu.enqueue_dma source(%dma_start3A_293 : memref<10x128xi32, #tpu.memory_space<hbm>>) target(%dma_start3A_291 : memref<10x128xi32, #tpu.memory_space<vmem>>) target_semaphore(%run_scoped3A : memref<!tpu.dma_semaphore, #tpu.memory_space<semaphore_mem>>)
        %dma_wait3A_294 = arith.constant 0 : i32
        %dma_wait3A_295 = arith.constant 0 : i32
        %dma_wait3A_296 = tpu.memref_slice %arg5[%dma_wait3A_294, %dma_wait3A_295] : memref<12x128xi32, #tpu.memory_space<vmem>> -> memref<10x128xi32, #tpu.memory_space<vmem>>
        %dma_wait3A_297 = arith.constant 0 : i32
        %dma_wait3A_298 = tpu.memref_slice %arg3[%add3A_39, %dma_wait3A_297] : memref<1600x128xi32, #tpu.memory_space<hbm>> -> memref<10x128xi32, #tpu.memory_space<hbm>>
        %dma_wait3A_299 = arith.constant 0 : i32
        %dma_wait3A_300 = arith.constant 0 : i32
        %dma_wait3A_301 = tpu.memref_slice %arg5[%dma_wait3A_299, %dma_wait3A_300] : memref<12x128xi32, #tpu.memory_space<vmem>> -> memref<10x128xi32, #tpu.memory_space<vmem>>
        %dma_wait3A_302 = arith.constant 0 : i32
        %dma_wait3A_303 = tpu.memref_slice %arg3[%add3A_39, %dma_wait3A_302] : memref<1600x128xi32, #tpu.memory_space<hbm>> -> memref<10x128xi32, #tpu.memory_space<hbm>>
        tpu.wait_dma2 semaphore(%run_scoped3A : memref<!tpu.dma_semaphore, #tpu.memory_space<semaphore_mem>>) src(%dma_wait3A_303 : memref<10x128xi32, #tpu.memory_space<hbm>>) dst(%dma_wait3A_301 : memref<10x128xi32, #tpu.memory_space<vmem>>)
        tpu.yield
      }) : () -> ()
      %mul3A_40 = arith.constant 2 : i32
      %mul3A_41 = arith.muli %scan3A_34, %mul3A_40 : i32
      %add3A_42 = arith.constant 0 : i32
      %add3A_43 = arith.addi %mul3A_41, %add3A_42 : i32
      %mul3A_44 = arith.constant 5 : i32
      %mul3A_45 = arith.muli %add3A_43, %mul3A_44 : i32
      %add3A_46 = arith.addi %mul3A_2, %mul3A_45 : i32
      %ge3A = arith.constant 1 : i32
      %ge3A_47 = arith.cmpi sge, %scan3A_34, %ge3A : i32
      %convert_element_type3A = arith.extui %ge3A_47 : i1 to i32
      %cond3A = arith.constant 0 : i32
      %cond3A_48 = arith.cmpi ne, %convert_element_type3A, %cond3A : i32
      scf.if %cond3A_48 {
        %sub3A = arith.constant 10 : i32
        %sub3A_284 = arith.subi %add3A_46, %sub3A : i32
        %mul3A_285 = arith.constant 128 : i32
        %mul3A_286 = arith.muli %sub3A_284, %mul3A_285 : i32
        %dma_wait3A_287 = arith.constant 0 : i32
        %dma_wait3A_288 = arith.constant 0 : i32
        %dma_wait3A_289 = tpu.memref_slice %arg6[%dma_wait3A_287, %dma_wait3A_288] : memref<768x64xf32, #tpu.memory_space<vmem>> -> memref<640x64xf32, #tpu.memory_space<vmem>>
        %dma_wait3A_290 = arith.constant 0 : i32
        %dma_wait3A_291 = tpu.memref_slice %arg4[%mul3A_286, %dma_wait3A_290] : memref<204800x64xf32, #tpu.memory_space<hbm>> -> memref<640x64xf32, #tpu.memory_space<hbm>>
        %dma_wait3A_292 = arith.constant 0 : i32
        %dma_wait3A_293 = tpu.memref_slice %arg4[%mul3A_286, %dma_wait3A_292] : memref<204800x64xf32, #tpu.memory_space<hbm>> -> memref<640x64xf32, #tpu.memory_space<hbm>>
        %dma_wait3A_294 = arith.constant 0 : i32
        %dma_wait3A_295 = arith.constant 0 : i32
        %dma_wait3A_296 = tpu.memref_slice %arg6[%dma_wait3A_294, %dma_wait3A_295] : memref<768x64xf32, #tpu.memory_space<vmem>> -> memref<640x64xf32, #tpu.memory_space<vmem>>
        tpu.wait_dma2 semaphore(%arg9 : memref<!tpu.dma_semaphore, #tpu.memory_space<semaphore_mem>>) src(%dma_wait3A_296 : memref<640x64xf32, #tpu.memory_space<vmem>>) dst(%dma_wait3A_293 : memref<640x64xf32, #tpu.memory_space<hbm>>)
      } else {
      }
      %dma_start3A = arith.constant 0 : i32
      %dma_start3A_49 = arith.constant 0 : i32
      %dma_start3A_50 = arith.constant 0 : i32
      %dma_start3A_51 = tpu.memref_slice %arg6[%dma_start3A_49, %dma_start3A_50] : memref<768x64xf32, #tpu.memory_space<vmem>> -> memref<128x64xf32, #tpu.memory_space<vmem>>
      %dma_start3A_52 = arith.constant 0 : i32
      %dma_start3A_53 = tpu.memref_slice %arg5[%dma_start3A, %dma_start3A_52] : memref<12x128xi32, #tpu.memory_space<vmem>> -> memref<1x128xi32, #tpu.memory_space<vmem>>
      %dma_start3A_54 = tpu.memref_squeeze %dma_start3A_53 : memref<1x128xi32, #tpu.memory_space<vmem>> -> memref<128xi32, #tpu.memory_space<vmem>>
      %dma_start3A_55 = arith.constant 0 : i32
      %dma_start3A_56 = arith.constant 0 : i32
      %dma_start3A_57 = tpu.memref_slice %arg2[%dma_start3A_55, %dma_start3A_56] : memref<100000x64xf32, #tpu.memory_space<hbm>> -> memref<100000x64xf32, #tpu.memory_space<hbm>>
      tpu.enqueue_indirect_dma source(%dma_start3A_57 : memref<100000x64xf32, #tpu.memory_space<hbm>>) target(%dma_start3A_51 : memref<128x64xf32, #tpu.memory_space<vmem>>) offsets(%dma_start3A_54 : memref<128xi32, #tpu.memory_space<vmem>>) semaphore(%arg8 : memref<!tpu.dma_semaphore, #tpu.memory_space<semaphore_mem>>)
      %dma_start3A_58 = arith.constant 1 : i32
      %dma_start3A_59 = arith.constant 128 : i32
      %dma_start3A_60 = arith.constant 0 : i32
      %dma_start3A_61 = tpu.memref_slice %arg6[%dma_start3A_59, %dma_start3A_60] : memref<768x64xf32, #tpu.memory_space<vmem>> -> memref<128x64xf32, #tpu.memory_space<vmem>>
      %dma_start3A_62 = arith.constant 0 : i32
      %dma_start3A_63 = tpu.memref_slice %arg5[%dma_start3A_58, %dma_start3A_62] : memref<12x128xi32, #tpu.memory_space<vmem>> -> memref<1x128xi32, #tpu.memory_space<vmem>>
      %dma_start3A_64 = tpu.memref_squeeze %dma_start3A_63 : memref<1x128xi32, #tpu.memory_space<vmem>> -> memref<128xi32, #tpu.memory_space<vmem>>
      %dma_start3A_65 = arith.constant 0 : i32
      %dma_start3A_66 = arith.constant 0 : i32
      %dma_start3A_67 = tpu.memref_slice %arg2[%dma_start3A_65, %dma_start3A_66] : memref<100000x64xf32, #tpu.memory_space<hbm>> -> memref<100000x64xf32, #tpu.memory_space<hbm>>
      tpu.enqueue_indirect_dma source(%dma_start3A_67 : memref<100000x64xf32, #tpu.memory_space<hbm>>) target(%dma_start3A_61 : memref<128x64xf32, #tpu.memory_space<vmem>>) offsets(%dma_start3A_64 : memref<128xi32, #tpu.memory_space<vmem>>) semaphore(%arg8 : memref<!tpu.dma_semaphore, #tpu.memory_space<semaphore_mem>>)
      %dma_start3A_68 = arith.constant 2 : i32
      %dma_start3A_69 = arith.constant 256 : i32
      %dma_start3A_70 = arith.constant 0 : i32
      %dma_start3A_71 = tpu.memref_slice %arg6[%dma_start3A_69, %dma_start3A_70] : memref<768x64xf32, #tpu.memory_space<vmem>> -> memref<128x64xf32, #tpu.memory_space<vmem>>
      %dma_start3A_72 = arith.constant 0 : i32
      %dma_start3A_73 = tpu.memref_slice %arg5[%dma_start3A_68, %dma_start3A_72] : memref<12x128xi32, #tpu.memory_space<vmem>> -> memref<1x128xi32, #tpu.memory_space<vmem>>
      %dma_start3A_74 = tpu.memref_squeeze %dma_start3A_73 : memref<1x128xi32, #tpu.memory_space<vmem>> -> memref<128xi32, #tpu.memory_space<vmem>>
      %dma_start3A_75 = arith.constant 0 : i32
      %dma_start3A_76 = arith.constant 0 : i32
      %dma_start3A_77 = tpu.memref_slice %arg2[%dma_start3A_75, %dma_start3A_76] : memref<100000x64xf32, #tpu.memory_space<hbm>> -> memref<100000x64xf32, #tpu.memory_space<hbm>>
      tpu.enqueue_indirect_dma source(%dma_start3A_77 : memref<100000x64xf32, #tpu.memory_space<hbm>>) target(%dma_start3A_71 : memref<128x64xf32, #tpu.memory_space<vmem>>) offsets(%dma_start3A_74 : memref<128xi32, #tpu.memory_space<vmem>>) semaphore(%arg8 : memref<!tpu.dma_semaphore, #tpu.memory_space<semaphore_mem>>)
      %dma_start3A_78 = arith.constant 3 : i32
      %dma_start3A_79 = arith.constant 384 : i32
      %dma_start3A_80 = arith.constant 0 : i32
      %dma_start3A_81 = tpu.memref_slice %arg6[%dma_start3A_79, %dma_start3A_80] : memref<768x64xf32, #tpu.memory_space<vmem>> -> memref<128x64xf32, #tpu.memory_space<vmem>>
      %dma_start3A_82 = arith.constant 0 : i32
      %dma_start3A_83 = tpu.memref_slice %arg5[%dma_start3A_78, %dma_start3A_82] : memref<12x128xi32, #tpu.memory_space<vmem>> -> memref<1x128xi32, #tpu.memory_space<vmem>>
      %dma_start3A_84 = tpu.memref_squeeze %dma_start3A_83 : memref<1x128xi32, #tpu.memory_space<vmem>> -> memref<128xi32, #tpu.memory_space<vmem>>
      %dma_start3A_85 = arith.constant 0 : i32
      %dma_start3A_86 = arith.constant 0 : i32
      %dma_start3A_87 = tpu.memref_slice %arg2[%dma_start3A_85, %dma_start3A_86] : memref<100000x64xf32, #tpu.memory_space<hbm>> -> memref<100000x64xf32, #tpu.memory_space<hbm>>
      tpu.enqueue_indirect_dma source(%dma_start3A_87 : memref<100000x64xf32, #tpu.memory_space<hbm>>) target(%dma_start3A_81 : memref<128x64xf32, #tpu.memory_space<vmem>>) offsets(%dma_start3A_84 : memref<128xi32, #tpu.memory_space<vmem>>) semaphore(%arg8 : memref<!tpu.dma_semaphore, #tpu.memory_space<semaphore_mem>>)
      %dma_start3A_88 = arith.constant 4 : i32
      %dma_start3A_89 = arith.constant 512 : i32
      %dma_start3A_90 = arith.constant 0 : i32
      %dma_start3A_91 = tpu.memref_slice %arg6[%dma_start3A_89, %dma_start3A_90] : memref<768x64xf32, #tpu.memory_space<vmem>> -> memref<128x64xf32, #tpu.memory_space<vmem>>
      %dma_start3A_92 = arith.constant 0 : i32
      %dma_start3A_93 = tpu.memref_slice %arg5[%dma_start3A_88, %dma_start3A_92] : memref<12x128xi32, #tpu.memory_space<vmem>> -> memref<1x128xi32, #tpu.memory_space<vmem>>
      %dma_start3A_94 = tpu.memref_squeeze %dma_start3A_93 : memref<1x128xi32, #tpu.memory_space<vmem>> -> memref<128xi32, #tpu.memory_space<vmem>>
      %dma_start3A_95 = arith.constant 0 : i32
      %dma_start3A_96 = arith.constant 0 : i32
      %dma_start3A_97 = tpu.memref_slice %arg2[%dma_start3A_95, %dma_start3A_96] : memref<100000x64xf32, #tpu.memory_space<hbm>> -> memref<100000x64xf32, #tpu.memory_space<hbm>>
      tpu.enqueue_indirect_dma source(%dma_start3A_97 : memref<100000x64xf32, #tpu.memory_space<hbm>>) target(%dma_start3A_91 : memref<128x64xf32, #tpu.memory_space<vmem>>) offsets(%dma_start3A_94 : memref<128xi32, #tpu.memory_space<vmem>>) semaphore(%arg8 : memref<!tpu.dma_semaphore, #tpu.memory_space<semaphore_mem>>)
      %dma_wait3A_98 = arith.constant 0 : i32
      %dma_wait3A_99 = arith.constant 0 : i32
      %dma_wait3A_100 = arith.constant 0 : i32
      %dma_wait3A_101 = tpu.memref_slice %arg6[%dma_wait3A_99, %dma_wait3A_100] : memref<768x64xf32, #tpu.memory_space<vmem>> -> memref<128x64xf32, #tpu.memory_space<vmem>>
      %dma_wait3A_102 = arith.constant 0 : i32
      %dma_wait3A_103 = tpu.memref_slice %arg5[%dma_wait3A_98, %dma_wait3A_102] : memref<12x128xi32, #tpu.memory_space<vmem>> -> memref<1x128xi32, #tpu.memory_space<vmem>>
      %dma_wait3A_104 = tpu.memref_squeeze %dma_wait3A_103 : memref<1x128xi32, #tpu.memory_space<vmem>> -> memref<128xi32, #tpu.memory_space<vmem>>
      %dma_wait3A_105 = arith.constant 0 : i32
      %dma_wait3A_106 = arith.constant 0 : i32
      %dma_wait3A_107 = tpu.memref_slice %arg2[%dma_wait3A_105, %dma_wait3A_106] : memref<100000x64xf32, #tpu.memory_space<hbm>> -> memref<100000x64xf32, #tpu.memory_space<hbm>>
      tpu.wait_indirect_dma semaphore(%arg8 : memref<!tpu.dma_semaphore, #tpu.memory_space<semaphore_mem>>) src(%dma_wait3A_107 : memref<100000x64xf32, #tpu.memory_space<hbm>>) dst(%dma_wait3A_101 : memref<128x64xf32, #tpu.memory_space<vmem>>)
      %dma_wait3A_108 = arith.constant 1 : i32
      %dma_wait3A_109 = arith.constant 128 : i32
      %dma_wait3A_110 = arith.constant 0 : i32
      %dma_wait3A_111 = tpu.memref_slice %arg6[%dma_wait3A_109, %dma_wait3A_110] : memref<768x64xf32, #tpu.memory_space<vmem>> -> memref<128x64xf32, #tpu.memory_space<vmem>>
      %dma_wait3A_112 = arith.constant 0 : i32
      %dma_wait3A_113 = tpu.memref_slice %arg5[%dma_wait3A_108, %dma_wait3A_112] : memref<12x128xi32, #tpu.memory_space<vmem>> -> memref<1x128xi32, #tpu.memory_space<vmem>>
      %dma_wait3A_114 = tpu.memref_squeeze %dma_wait3A_113 : memref<1x128xi32, #tpu.memory_space<vmem>> -> memref<128xi32, #tpu.memory_space<vmem>>
      %dma_wait3A_115 = arith.constant 0 : i32
      %dma_wait3A_116 = arith.constant 0 : i32
      %dma_wait3A_117 = tpu.memref_slice %arg2[%dma_wait3A_115, %dma_wait3A_116] : memref<100000x64xf32, #tpu.memory_space<hbm>> -> memref<100000x64xf32, #tpu.memory_space<hbm>>
      tpu.wait_indirect_dma semaphore(%arg8 : memref<!tpu.dma_semaphore, #tpu.memory_space<semaphore_mem>>) src(%dma_wait3A_117 : memref<100000x64xf32, #tpu.memory_space<hbm>>) dst(%dma_wait3A_111 : memref<128x64xf32, #tpu.memory_space<vmem>>)
      %dma_wait3A_118 = arith.constant 2 : i32
      %dma_wait3A_119 = arith.constant 256 : i32
      %dma_wait3A_120 = arith.constant 0 : i32
      %dma_wait3A_121 = tpu.memref_slice %arg6[%dma_wait3A_119, %dma_wait3A_120] : memref<768x64xf32, #tpu.memory_space<vmem>> -> memref<128x64xf32, #tpu.memory_space<vmem>>
      %dma_wait3A_122 = arith.constant 0 : i32
      %dma_wait3A_123 = tpu.memref_slice %arg5[%dma_wait3A_118, %dma_wait3A_122] : memref<12x128xi32, #tpu.memory_space<vmem>> -> memref<1x128xi32, #tpu.memory_space<vmem>>
      %dma_wait3A_124 = tpu.memref_squeeze %dma_wait3A_123 : memref<1x128xi32, #tpu.memory_space<vmem>> -> memref<128xi32, #tpu.memory_space<vmem>>
      %dma_wait3A_125 = arith.constant 0 : i32
      %dma_wait3A_126 = arith.constant 0 : i32
      %dma_wait3A_127 = tpu.memref_slice %arg2[%dma_wait3A_125, %dma_wait3A_126] : memref<100000x64xf32, #tpu.memory_space<hbm>> -> memref<100000x64xf32, #tpu.memory_space<hbm>>
      tpu.wait_indirect_dma semaphore(%arg8 : memref<!tpu.dma_semaphore, #tpu.memory_space<semaphore_mem>>) src(%dma_wait3A_127 : memref<100000x64xf32, #tpu.memory_space<hbm>>) dst(%dma_wait3A_121 : memref<128x64xf32, #tpu.memory_space<vmem>>)
      %dma_wait3A_128 = arith.constant 3 : i32
      %dma_wait3A_129 = arith.constant 384 : i32
      %dma_wait3A_130 = arith.constant 0 : i32
      %dma_wait3A_131 = tpu.memref_slice %arg6[%dma_wait3A_129, %dma_wait3A_130] : memref<768x64xf32, #tpu.memory_space<vmem>> -> memref<128x64xf32, #tpu.memory_space<vmem>>
      %dma_wait3A_132 = arith.constant 0 : i32
      %dma_wait3A_133 = tpu.memref_slice %arg5[%dma_wait3A_128, %dma_wait3A_132] : memref<12x128xi32, #tpu.memory_space<vmem>> -> memref<1x128xi32, #tpu.memory_space<vmem>>
      %dma_wait3A_134 = tpu.memref_squeeze %dma_wait3A_133 : memref<1x128xi32, #tpu.memory_space<vmem>> -> memref<128xi32, #tpu.memory_space<vmem>>
      %dma_wait3A_135 = arith.constant 0 : i32
      %dma_wait3A_136 = arith.constant 0 : i32
      %dma_wait3A_137 = tpu.memref_slice %arg2[%dma_wait3A_135, %dma_wait3A_136] : memref<100000x64xf32, #tpu.memory_space<hbm>> -> memref<100000x64xf32, #tpu.memory_space<hbm>>
      tpu.wait_indirect_dma semaphore(%arg8 : memref<!tpu.dma_semaphore, #tpu.memory_space<semaphore_mem>>) src(%dma_wait3A_137 : memref<100000x64xf32, #tpu.memory_space<hbm>>) dst(%dma_wait3A_131 : memref<128x64xf32, #tpu.memory_space<vmem>>)
      %dma_wait3A_138 = arith.constant 4 : i32
      %dma_wait3A_139 = arith.constant 512 : i32
      %dma_wait3A_140 = arith.constant 0 : i32
      %dma_wait3A_141 = tpu.memref_slice %arg6[%dma_wait3A_139, %dma_wait3A_140] : memref<768x64xf32, #tpu.memory_space<vmem>> -> memref<128x64xf32, #tpu.memory_space<vmem>>
      %dma_wait3A_142 = arith.constant 0 : i32
      %dma_wait3A_143 = tpu.memref_slice %arg5[%dma_wait3A_138, %dma_wait3A_142] : memref<12x128xi32, #tpu.memory_space<vmem>> -> memref<1x128xi32, #tpu.memory_space<vmem>>
      %dma_wait3A_144 = tpu.memref_squeeze %dma_wait3A_143 : memref<1x128xi32, #tpu.memory_space<vmem>> -> memref<128xi32, #tpu.memory_space<vmem>>
      %dma_wait3A_145 = arith.constant 0 : i32
      %dma_wait3A_146 = arith.constant 0 : i32
      %dma_wait3A_147 = tpu.memref_slice %arg2[%dma_wait3A_145, %dma_wait3A_146] : memref<100000x64xf32, #tpu.memory_space<hbm>> -> memref<100000x64xf32, #tpu.memory_space<hbm>>
      tpu.wait_indirect_dma semaphore(%arg8 : memref<!tpu.dma_semaphore, #tpu.memory_space<semaphore_mem>>) src(%dma_wait3A_147 : memref<100000x64xf32, #tpu.memory_space<hbm>>) dst(%dma_wait3A_141 : memref<128x64xf32, #tpu.memory_space<vmem>>)
      %mul3A_148 = arith.constant 128 : i32
      %mul3A_149 = arith.muli %add3A_46, %mul3A_148 : i32
      %dma_start3A_150 = arith.constant 0 : i32
      %dma_start3A_151 = arith.constant 0 : i32
      %dma_start3A_152 = tpu.memref_slice %arg6[%dma_start3A_150, %dma_start3A_151] : memref<768x64xf32, #tpu.memory_space<vmem>> -> memref<640x64xf32, #tpu.memory_space<vmem>>
      %dma_start3A_153 = arith.constant 0 : i32
      %dma_start3A_154 = tpu.memref_slice %arg4[%mul3A_149, %dma_start3A_153] : memref<204800x64xf32, #tpu.memory_space<hbm>> -> memref<640x64xf32, #tpu.memory_space<hbm>>
      %dma_start3A_155 = arith.constant 0 : i32
      %dma_start3A_156 = tpu.memref_slice %arg4[%mul3A_149, %dma_start3A_155] : memref<204800x64xf32, #tpu.memory_space<hbm>> -> memref<640x64xf32, #tpu.memory_space<hbm>>
      %dma_start3A_157 = arith.constant 0 : i32
      %dma_start3A_158 = arith.constant 0 : i32
      %dma_start3A_159 = tpu.memref_slice %arg6[%dma_start3A_157, %dma_start3A_158] : memref<768x64xf32, #tpu.memory_space<vmem>> -> memref<640x64xf32, #tpu.memory_space<vmem>>
      tpu.enqueue_dma source(%dma_start3A_159 : memref<640x64xf32, #tpu.memory_space<vmem>>) target(%dma_start3A_156 : memref<640x64xf32, #tpu.memory_space<hbm>>) target_semaphore(%arg9 : memref<!tpu.dma_semaphore, #tpu.memory_space<semaphore_mem>>)
      %mul3A_160 = arith.constant 2 : i32
      %mul3A_161 = arith.muli %scan3A_34, %mul3A_160 : i32
      %add3A_162 = arith.constant 1 : i32
      %add3A_163 = arith.addi %mul3A_161, %add3A_162 : i32
      %mul3A_164 = arith.constant 5 : i32
      %mul3A_165 = arith.muli %add3A_163, %mul3A_164 : i32
      %add3A_166 = arith.addi %mul3A_2, %mul3A_165 : i32
      %ge3A_167 = arith.constant 1 : i32
      %ge3A_168 = arith.cmpi sge, %scan3A_34, %ge3A_167 : i32
      %convert_element_type3A_169 = arith.extui %ge3A_168 : i1 to i32
      %cond3A_170 = arith.constant 0 : i32
      %cond3A_171 = arith.cmpi ne, %convert_element_type3A_169, %cond3A_170 : i32
      scf.if %cond3A_171 {
        %sub3A = arith.constant 10 : i32
        %sub3A_284 = arith.subi %add3A_166, %sub3A : i32
        %mul3A_285 = arith.constant 128 : i32
        %mul3A_286 = arith.muli %sub3A_284, %mul3A_285 : i32
        %dma_wait3A_287 = arith.constant 0 : i32
        %dma_wait3A_288 = arith.constant 0 : i32
        %dma_wait3A_289 = tpu.memref_slice %arg7[%dma_wait3A_287, %dma_wait3A_288] : memref<768x64xf32, #tpu.memory_space<vmem>> -> memref<640x64xf32, #tpu.memory_space<vmem>>
        %dma_wait3A_290 = arith.constant 0 : i32
        %dma_wait3A_291 = tpu.memref_slice %arg4[%mul3A_286, %dma_wait3A_290] : memref<204800x64xf32, #tpu.memory_space<hbm>> -> memref<640x64xf32, #tpu.memory_space<hbm>>
        %dma_wait3A_292 = arith.constant 0 : i32
        %dma_wait3A_293 = tpu.memref_slice %arg4[%mul3A_286, %dma_wait3A_292] : memref<204800x64xf32, #tpu.memory_space<hbm>> -> memref<640x64xf32, #tpu.memory_space<hbm>>
        %dma_wait3A_294 = arith.constant 0 : i32
        %dma_wait3A_295 = arith.constant 0 : i32
        %dma_wait3A_296 = tpu.memref_slice %arg7[%dma_wait3A_294, %dma_wait3A_295] : memref<768x64xf32, #tpu.memory_space<vmem>> -> memref<640x64xf32, #tpu.memory_space<vmem>>
        tpu.wait_dma2 semaphore(%arg10 : memref<!tpu.dma_semaphore, #tpu.memory_space<semaphore_mem>>) src(%dma_wait3A_296 : memref<640x64xf32, #tpu.memory_space<vmem>>) dst(%dma_wait3A_293 : memref<640x64xf32, #tpu.memory_space<hbm>>)
      } else {
      }
      %dma_start3A_172 = arith.constant 5 : i32
      %dma_start3A_173 = arith.constant 0 : i32
      %dma_start3A_174 = arith.constant 0 : i32
      %dma_start3A_175 = tpu.memref_slice %arg7[%dma_start3A_173, %dma_start3A_174] : memref<768x64xf32, #tpu.memory_space<vmem>> -> memref<128x64xf32, #tpu.memory_space<vmem>>
      %dma_start3A_176 = arith.constant 0 : i32
      %dma_start3A_177 = tpu.memref_slice %arg5[%dma_start3A_172, %dma_start3A_176] : memref<12x128xi32, #tpu.memory_space<vmem>> -> memref<1x128xi32, #tpu.memory_space<vmem>>
      %dma_start3A_178 = tpu.memref_squeeze %dma_start3A_177 : memref<1x128xi32, #tpu.memory_space<vmem>> -> memref<128xi32, #tpu.memory_space<vmem>>
      %dma_start3A_179 = arith.constant 0 : i32
      %dma_start3A_180 = arith.constant 0 : i32
      %dma_start3A_181 = tpu.memref_slice %arg2[%dma_start3A_179, %dma_start3A_180] : memref<100000x64xf32, #tpu.memory_space<hbm>> -> memref<100000x64xf32, #tpu.memory_space<hbm>>
      tpu.enqueue_indirect_dma source(%dma_start3A_181 : memref<100000x64xf32, #tpu.memory_space<hbm>>) target(%dma_start3A_175 : memref<128x64xf32, #tpu.memory_space<vmem>>) offsets(%dma_start3A_178 : memref<128xi32, #tpu.memory_space<vmem>>) semaphore(%arg8 : memref<!tpu.dma_semaphore, #tpu.memory_space<semaphore_mem>>)
      %dma_start3A_182 = arith.constant 6 : i32
      %dma_start3A_183 = arith.constant 128 : i32
      %dma_start3A_184 = arith.constant 0 : i32
      %dma_start3A_185 = tpu.memref_slice %arg7[%dma_start3A_183, %dma_start3A_184] : memref<768x64xf32, #tpu.memory_space<vmem>> -> memref<128x64xf32, #tpu.memory_space<vmem>>
      %dma_start3A_186 = arith.constant 0 : i32
      %dma_start3A_187 = tpu.memref_slice %arg5[%dma_start3A_182, %dma_start3A_186] : memref<12x128xi32, #tpu.memory_space<vmem>> -> memref<1x128xi32, #tpu.memory_space<vmem>>
      %dma_start3A_188 = tpu.memref_squeeze %dma_start3A_187 : memref<1x128xi32, #tpu.memory_space<vmem>> -> memref<128xi32, #tpu.memory_space<vmem>>
      %dma_start3A_189 = arith.constant 0 : i32
      %dma_start3A_190 = arith.constant 0 : i32
      %dma_start3A_191 = tpu.memref_slice %arg2[%dma_start3A_189, %dma_start3A_190] : memref<100000x64xf32, #tpu.memory_space<hbm>> -> memref<100000x64xf32, #tpu.memory_space<hbm>>
      tpu.enqueue_indirect_dma source(%dma_start3A_191 : memref<100000x64xf32, #tpu.memory_space<hbm>>) target(%dma_start3A_185 : memref<128x64xf32, #tpu.memory_space<vmem>>) offsets(%dma_start3A_188 : memref<128xi32, #tpu.memory_space<vmem>>) semaphore(%arg8 : memref<!tpu.dma_semaphore, #tpu.memory_space<semaphore_mem>>)
      %dma_start3A_192 = arith.constant 7 : i32
      %dma_start3A_193 = arith.constant 256 : i32
      %dma_start3A_194 = arith.constant 0 : i32
      %dma_start3A_195 = tpu.memref_slice %arg7[%dma_start3A_193, %dma_start3A_194] : memref<768x64xf32, #tpu.memory_space<vmem>> -> memref<128x64xf32, #tpu.memory_space<vmem>>
      %dma_start3A_196 = arith.constant 0 : i32
      %dma_start3A_197 = tpu.memref_slice %arg5[%dma_start3A_192, %dma_start3A_196] : memref<12x128xi32, #tpu.memory_space<vmem>> -> memref<1x128xi32, #tpu.memory_space<vmem>>
      %dma_start3A_198 = tpu.memref_squeeze %dma_start3A_197 : memref<1x128xi32, #tpu.memory_space<vmem>> -> memref<128xi32, #tpu.memory_space<vmem>>
      %dma_start3A_199 = arith.constant 0 : i32
      %dma_start3A_200 = arith.constant 0 : i32
      %dma_start3A_201 = tpu.memref_slice %arg2[%dma_start3A_199, %dma_start3A_200] : memref<100000x64xf32, #tpu.memory_space<hbm>> -> memref<100000x64xf32, #tpu.memory_space<hbm>>
      tpu.enqueue_indirect_dma source(%dma_start3A_201 : memref<100000x64xf32, #tpu.memory_space<hbm>>) target(%dma_start3A_195 : memref<128x64xf32, #tpu.memory_space<vmem>>) offsets(%dma_start3A_198 : memref<128xi32, #tpu.memory_space<vmem>>) semaphore(%arg8 : memref<!tpu.dma_semaphore, #tpu.memory_space<semaphore_mem>>)
      %dma_start3A_202 = arith.constant 8 : i32
      %dma_start3A_203 = arith.constant 384 : i32
      %dma_start3A_204 = arith.constant 0 : i32
      %dma_start3A_205 = tpu.memref_slice %arg7[%dma_start3A_203, %dma_start3A_204] : memref<768x64xf32, #tpu.memory_space<vmem>> -> memref<128x64xf32, #tpu.memory_space<vmem>>
      %dma_start3A_206 = arith.constant 0 : i32
      %dma_start3A_207 = tpu.memref_slice %arg5[%dma_start3A_202, %dma_start3A_206] : memref<12x128xi32, #tpu.memory_space<vmem>> -> memref<1x128xi32, #tpu.memory_space<vmem>>
      %dma_start3A_208 = tpu.memref_squeeze %dma_start3A_207 : memref<1x128xi32, #tpu.memory_space<vmem>> -> memref<128xi32, #tpu.memory_space<vmem>>
      %dma_start3A_209 = arith.constant 0 : i32
      %dma_start3A_210 = arith.constant 0 : i32
      %dma_start3A_211 = tpu.memref_slice %arg2[%dma_start3A_209, %dma_start3A_210] : memref<100000x64xf32, #tpu.memory_space<hbm>> -> memref<100000x64xf32, #tpu.memory_space<hbm>>
      tpu.enqueue_indirect_dma source(%dma_start3A_211 : memref<100000x64xf32, #tpu.memory_space<hbm>>) target(%dma_start3A_205 : memref<128x64xf32, #tpu.memory_space<vmem>>) offsets(%dma_start3A_208 : memref<128xi32, #tpu.memory_space<vmem>>) semaphore(%arg8 : memref<!tpu.dma_semaphore, #tpu.memory_space<semaphore_mem>>)
      %dma_start3A_212 = arith.constant 9 : i32
      %dma_start3A_213 = arith.constant 512 : i32
      %dma_start3A_214 = arith.constant 0 : i32
      %dma_start3A_215 = tpu.memref_slice %arg7[%dma_start3A_213, %dma_start3A_214] : memref<768x64xf32, #tpu.memory_space<vmem>> -> memref<128x64xf32, #tpu.memory_space<vmem>>
      %dma_start3A_216 = arith.constant 0 : i32
      %dma_start3A_217 = tpu.memref_slice %arg5[%dma_start3A_212, %dma_start3A_216] : memref<12x128xi32, #tpu.memory_space<vmem>> -> memref<1x128xi32, #tpu.memory_space<vmem>>
      %dma_start3A_218 = tpu.memref_squeeze %dma_start3A_217 : memref<1x128xi32, #tpu.memory_space<vmem>> -> memref<128xi32, #tpu.memory_space<vmem>>
      %dma_start3A_219 = arith.constant 0 : i32
      %dma_start3A_220 = arith.constant 0 : i32
      %dma_start3A_221 = tpu.memref_slice %arg2[%dma_start3A_219, %dma_start3A_220] : memref<100000x64xf32, #tpu.memory_space<hbm>> -> memref<100000x64xf32, #tpu.memory_space<hbm>>
      tpu.enqueue_indirect_dma source(%dma_start3A_221 : memref<100000x64xf32, #tpu.memory_space<hbm>>) target(%dma_start3A_215 : memref<128x64xf32, #tpu.memory_space<vmem>>) offsets(%dma_start3A_218 : memref<128xi32, #tpu.memory_space<vmem>>) semaphore(%arg8 : memref<!tpu.dma_semaphore, #tpu.memory_space<semaphore_mem>>)
      %dma_wait3A_222 = arith.constant 5 : i32
      %dma_wait3A_223 = arith.constant 0 : i32
      %dma_wait3A_224 = arith.constant 0 : i32
      %dma_wait3A_225 = tpu.memref_slice %arg7[%dma_wait3A_223, %dma_wait3A_224] : memref<768x64xf32, #tpu.memory_space<vmem>> -> memref<128x64xf32, #tpu.memory_space<vmem>>
      %dma_wait3A_226 = arith.constant 0 : i32
      %dma_wait3A_227 = tpu.memref_slice %arg5[%dma_wait3A_222, %dma_wait3A_226] : memref<12x128xi32, #tpu.memory_space<vmem>> -> memref<1x128xi32, #tpu.memory_space<vmem>>
      %dma_wait3A_228 = tpu.memref_squeeze %dma_wait3A_227 : memref<1x128xi32, #tpu.memory_space<vmem>> -> memref<128xi32, #tpu.memory_space<vmem>>
      %dma_wait3A_229 = arith.constant 0 : i32
      %dma_wait3A_230 = arith.constant 0 : i32
      %dma_wait3A_231 = tpu.memref_slice %arg2[%dma_wait3A_229, %dma_wait3A_230] : memref<100000x64xf32, #tpu.memory_space<hbm>> -> memref<100000x64xf32, #tpu.memory_space<hbm>>
      tpu.wait_indirect_dma semaphore(%arg8 : memref<!tpu.dma_semaphore, #tpu.memory_space<semaphore_mem>>) src(%dma_wait3A_231 : memref<100000x64xf32, #tpu.memory_space<hbm>>) dst(%dma_wait3A_225 : memref<128x64xf32, #tpu.memory_space<vmem>>)
      %dma_wait3A_232 = arith.constant 6 : i32
      %dma_wait3A_233 = arith.constant 128 : i32
      %dma_wait3A_234 = arith.constant 0 : i32
      %dma_wait3A_235 = tpu.memref_slice %arg7[%dma_wait3A_233, %dma_wait3A_234] : memref<768x64xf32, #tpu.memory_space<vmem>> -> memref<128x64xf32, #tpu.memory_space<vmem>>
      %dma_wait3A_236 = arith.constant 0 : i32
      %dma_wait3A_237 = tpu.memref_slice %arg5[%dma_wait3A_232, %dma_wait3A_236] : memref<12x128xi32, #tpu.memory_space<vmem>> -> memref<1x128xi32, #tpu.memory_space<vmem>>
      %dma_wait3A_238 = tpu.memref_squeeze %dma_wait3A_237 : memref<1x128xi32, #tpu.memory_space<vmem>> -> memref<128xi32, #tpu.memory_space<vmem>>
      %dma_wait3A_239 = arith.constant 0 : i32
      %dma_wait3A_240 = arith.constant 0 : i32
      %dma_wait3A_241 = tpu.memref_slice %arg2[%dma_wait3A_239, %dma_wait3A_240] : memref<100000x64xf32, #tpu.memory_space<hbm>> -> memref<100000x64xf32, #tpu.memory_space<hbm>>
      tpu.wait_indirect_dma semaphore(%arg8 : memref<!tpu.dma_semaphore, #tpu.memory_space<semaphore_mem>>) src(%dma_wait3A_241 : memref<100000x64xf32, #tpu.memory_space<hbm>>) dst(%dma_wait3A_235 : memref<128x64xf32, #tpu.memory_space<vmem>>)
      %dma_wait3A_242 = arith.constant 7 : i32
      %dma_wait3A_243 = arith.constant 256 : i32
      %dma_wait3A_244 = arith.constant 0 : i32
      %dma_wait3A_245 = tpu.memref_slice %arg7[%dma_wait3A_243, %dma_wait3A_244] : memref<768x64xf32, #tpu.memory_space<vmem>> -> memref<128x64xf32, #tpu.memory_space<vmem>>
      %dma_wait3A_246 = arith.constant 0 : i32
      %dma_wait3A_247 = tpu.memref_slice %arg5[%dma_wait3A_242, %dma_wait3A_246] : memref<12x128xi32, #tpu.memory_space<vmem>> -> memref<1x128xi32, #tpu.memory_space<vmem>>
      %dma_wait3A_248 = tpu.memref_squeeze %dma_wait3A_247 : memref<1x128xi32, #tpu.memory_space<vmem>> -> memref<128xi32, #tpu.memory_space<vmem>>
      %dma_wait3A_249 = arith.constant 0 : i32
      %dma_wait3A_250 = arith.constant 0 : i32
      %dma_wait3A_251 = tpu.memref_slice %arg2[%dma_wait3A_249, %dma_wait3A_250] : memref<100000x64xf32, #tpu.memory_space<hbm>> -> memref<100000x64xf32, #tpu.memory_space<hbm>>
      tpu.wait_indirect_dma semaphore(%arg8 : memref<!tpu.dma_semaphore, #tpu.memory_space<semaphore_mem>>) src(%dma_wait3A_251 : memref<100000x64xf32, #tpu.memory_space<hbm>>) dst(%dma_wait3A_245 : memref<128x64xf32, #tpu.memory_space<vmem>>)
      %dma_wait3A_252 = arith.constant 8 : i32
      %dma_wait3A_253 = arith.constant 384 : i32
      %dma_wait3A_254 = arith.constant 0 : i32
      %dma_wait3A_255 = tpu.memref_slice %arg7[%dma_wait3A_253, %dma_wait3A_254] : memref<768x64xf32, #tpu.memory_space<vmem>> -> memref<128x64xf32, #tpu.memory_space<vmem>>
      %dma_wait3A_256 = arith.constant 0 : i32
      %dma_wait3A_257 = tpu.memref_slice %arg5[%dma_wait3A_252, %dma_wait3A_256] : memref<12x128xi32, #tpu.memory_space<vmem>> -> memref<1x128xi32, #tpu.memory_space<vmem>>
      %dma_wait3A_258 = tpu.memref_squeeze %dma_wait3A_257 : memref<1x128xi32, #tpu.memory_space<vmem>> -> memref<128xi32, #tpu.memory_space<vmem>>
      %dma_wait3A_259 = arith.constant 0 : i32
      %dma_wait3A_260 = arith.constant 0 : i32
      %dma_wait3A_261 = tpu.memref_slice %arg2[%dma_wait3A_259, %dma_wait3A_260] : memref<100000x64xf32, #tpu.memory_space<hbm>> -> memref<100000x64xf32, #tpu.memory_space<hbm>>
      tpu.wait_indirect_dma semaphore(%arg8 : memref<!tpu.dma_semaphore, #tpu.memory_space<semaphore_mem>>) src(%dma_wait3A_261 : memref<100000x64xf32, #tpu.memory_space<hbm>>) dst(%dma_wait3A_255 : memref<128x64xf32, #tpu.memory_space<vmem>>)
      %dma_wait3A_262 = arith.constant 9 : i32
      %dma_wait3A_263 = arith.constant 512 : i32
      %dma_wait3A_264 = arith.constant 0 : i32
      %dma_wait3A_265 = tpu.memref_slice %arg7[%dma_wait3A_263, %dma_wait3A_264] : memref<768x64xf32, #tpu.memory_space<vmem>> -> memref<128x64xf32, #tpu.memory_space<vmem>>
      %dma_wait3A_266 = arith.constant 0 : i32
      %dma_wait3A_267 = tpu.memref_slice %arg5[%dma_wait3A_262, %dma_wait3A_266] : memref<12x128xi32, #tpu.memory_space<vmem>> -> memref<1x128xi32, #tpu.memory_space<vmem>>
      %dma_wait3A_268 = tpu.memref_squeeze %dma_wait3A_267 : memref<1x128xi32, #tpu.memory_space<vmem>> -> memref<128xi32, #tpu.memory_space<vmem>>
      %dma_wait3A_269 = arith.constant 0 : i32
      %dma_wait3A_270 = arith.constant 0 : i32
      %dma_wait3A_271 = tpu.memref_slice %arg2[%dma_wait3A_269, %dma_wait3A_270] : memref<100000x64xf32, #tpu.memory_space<hbm>> -> memref<100000x64xf32, #tpu.memory_space<hbm>>
      tpu.wait_indirect_dma semaphore(%arg8 : memref<!tpu.dma_semaphore, #tpu.memory_space<semaphore_mem>>) src(%dma_wait3A_271 : memref<100000x64xf32, #tpu.memory_space<hbm>>) dst(%dma_wait3A_265 : memref<128x64xf32, #tpu.memory_space<vmem>>)
      %mul3A_272 = arith.constant 128 : i32
      %mul3A_273 = arith.muli %add3A_166, %mul3A_272 : i32
      %dma_start3A_274 = arith.constant 0 : i32
      %dma_start3A_275 = arith.constant 0 : i32
      %dma_start3A_276 = tpu.memref_slice %arg7[%dma_start3A_274, %dma_start3A_275] : memref<768x64xf32, #tpu.memory_space<vmem>> -> memref<640x64xf32, #tpu.memory_space<vmem>>
      %dma_start3A_277 = arith.constant 0 : i32
      %dma_start3A_278 = tpu.memref_slice %arg4[%mul3A_273, %dma_start3A_277] : memref<204800x64xf32, #tpu.memory_space<hbm>> -> memref<640x64xf32, #tpu.memory_space<hbm>>
      %dma_start3A_279 = arith.constant 0 : i32
      %dma_start3A_280 = tpu.memref_slice %arg4[%mul3A_273, %dma_start3A_279] : memref<204800x64xf32, #tpu.memory_space<hbm>> -> memref<640x64xf32, #tpu.memory_space<hbm>>
      %dma_start3A_281 = arith.constant 0 : i32
      %dma_start3A_282 = arith.constant 0 : i32
      %dma_start3A_283 = tpu.memref_slice %arg7[%dma_start3A_281, %dma_start3A_282] : memref<768x64xf32, #tpu.memory_space<vmem>> -> memref<640x64xf32, #tpu.memory_space<vmem>>
      tpu.enqueue_dma source(%dma_start3A_283 : memref<640x64xf32, #tpu.memory_space<vmem>>) target(%dma_start3A_280 : memref<640x64xf32, #tpu.memory_space<hbm>>) target_semaphore(%arg10 : memref<!tpu.dma_semaphore, #tpu.memory_space<semaphore_mem>>)
    }
    %scan3A_6 = arith.constant 5 : i32
    %add3A_7 = arith.constant 40 : i32
    %add3A_8 = arith.addi %mul3A_2, %add3A_7 : i32
    %mul3A_9 = arith.constant 128 : i32
    %mul3A_10 = arith.muli %add3A_8, %mul3A_9 : i32
    %dma_wait3A = arith.constant 0 : i32
    %dma_wait3A_11 = arith.constant 0 : i32
    %dma_wait3A_12 = tpu.memref_slice %arg6[%dma_wait3A, %dma_wait3A_11] : memref<768x64xf32, #tpu.memory_space<vmem>> -> memref<640x64xf32, #tpu.memory_space<vmem>>
    %dma_wait3A_13 = arith.constant 0 : i32
    %dma_wait3A_14 = tpu.memref_slice %arg4[%mul3A_10, %dma_wait3A_13] : memref<204800x64xf32, #tpu.memory_space<hbm>> -> memref<640x64xf32, #tpu.memory_space<hbm>>
    %dma_wait3A_15 = arith.constant 0 : i32
    %dma_wait3A_16 = tpu.memref_slice %arg4[%mul3A_10, %dma_wait3A_15] : memref<204800x64xf32, #tpu.memory_space<hbm>> -> memref<640x64xf32, #tpu.memory_space<hbm>>
    %dma_wait3A_17 = arith.constant 0 : i32
    %dma_wait3A_18 = arith.constant 0 : i32
    %dma_wait3A_19 = tpu.memref_slice %arg6[%dma_wait3A_17, %dma_wait3A_18] : memref<768x64xf32, #tpu.memory_space<vmem>> -> memref<640x64xf32, #tpu.memory_space<vmem>>
    tpu.wait_dma2 semaphore(%arg9 : memref<!tpu.dma_semaphore, #tpu.memory_space<semaphore_mem>>) src(%dma_wait3A_19 : memref<640x64xf32, #tpu.memory_space<vmem>>) dst(%dma_wait3A_16 : memref<640x64xf32, #tpu.memory_space<hbm>>)
    %add3A_20 = arith.constant 45 : i32
    %add3A_21 = arith.addi %mul3A_2, %add3A_20 : i32
    %mul3A_22 = arith.constant 128 : i32
    %mul3A_23 = arith.muli %add3A_21, %mul3A_22 : i32
    %dma_wait3A_24 = arith.constant 0 : i32
    %dma_wait3A_25 = arith.constant 0 : i32
    %dma_wait3A_26 = tpu.memref_slice %arg7[%dma_wait3A_24, %dma_wait3A_25] : memref<768x64xf32, #tpu.memory_space<vmem>> -> memref<640x64xf32, #tpu.memory_space<vmem>>
    %dma_wait3A_27 = arith.constant 0 : i32
    %dma_wait3A_28 = tpu.memref_slice %arg4[%mul3A_23, %dma_wait3A_27] : memref<204800x64xf32, #tpu.memory_space<hbm>> -> memref<640x64xf32, #tpu.memory_space<hbm>>
    %dma_wait3A_29 = arith.constant 0 : i32
    %dma_wait3A_30 = tpu.memref_slice %arg4[%mul3A_23, %dma_wait3A_29] : memref<204800x64xf32, #tpu.memory_space<hbm>> -> memref<640x64xf32, #tpu.memory_space<hbm>>
    %dma_wait3A_31 = arith.constant 0 : i32
    %dma_wait3A_32 = arith.constant 0 : i32
    %dma_wait3A_33 = tpu.memref_slice %arg7[%dma_wait3A_31, %dma_wait3A_32] : memref<768x64xf32, #tpu.memory_space<vmem>> -> memref<640x64xf32, #tpu.memory_space<vmem>>
    tpu.wait_dma2 semaphore(%arg10 : memref<!tpu.dma_semaphore, #tpu.memory_space<semaphore_mem>>) src(%dma_wait3A_33 : memref<640x64xf32, #tpu.memory_space<vmem>>) dst(%dma_wait3A_30 : memref<640x64xf32, #tpu.memory_space<hbm>>)
    return
  }
}

#map = affine_map<(d0, d1) -> (0, 0)>
module attributes {stable_mosaic.version = 14 : i64} {
  func.func @body(%arg0: i32, %arg1: i32, %arg2: memref<1000000x64xf32, #tpu.memory_space<hbm>>, %arg3: memref<6528x128xi32, #tpu.memory_space<hbm>>, %arg4: memref<835584x64xf32, #tpu.memory_space<hbm>>, %arg5: memref<12x128xi32, #tpu.memory_space<vmem>>, %arg6: memref<768x64xf32, #tpu.memory_space<vmem>>, %arg7: memref<768x64xf32, #tpu.memory_space<vmem>>, %arg8: memref<!tpu.dma_semaphore, #tpu.memory_space<semaphore_mem>>, %arg9: memref<!tpu.dma_semaphore, #tpu.memory_space<semaphore_mem>>, %arg10: memref<!tpu.dma_semaphore, #tpu.memory_space<semaphore_mem>>) attributes {dimension_semantics = [#tpu.dimension_semantics<core_parallel>, #tpu.dimension_semantics<subcore_parallel>], iteration_bounds = array<i64: 2, 16>, scalar_prefetch = 0 : i64, scratch_operands = 6 : i64, tpu.core_type = #tpu.core_type<sc_vector_subcore>, window_params = [{transform_indices = #map}, {transform_indices = #map}, {transform_indices = #map}]} {
    %mul3A = arith.constant 2 : i32
    %mul3A_0 = arith.muli %arg1, %mul3A : i32
    %add3A = arith.addi %mul3A_0, %arg0 : i32
    %mul3A_1 = arith.constant 204 : i32
    %mul3A_2 = arith.muli %add3A, %mul3A_1 : i32
    %scan3A = arith.constant 0 : i32
    %scan3A_3 = arith.constant 17 : i32
    %scan3A_4 = arith.addi %scan3A, %scan3A_3 : i32
    %scan3A_5 = arith.constant 1 : i32
    scf.for %scan3A_34 = %scan3A to %scan3A_4 step %scan3A_5  : i32 {
      %mul3A_35 = arith.constant 2 : i32
      %mul3A_36 = arith.muli %scan3A_34, %mul3A_35 : i32
      %mul3A_37 = arith.constant 6 : i32
      %mul3A_38 = arith.muli %mul3A_36, %mul3A_37 : i32
      %add3A_39 = arith.addi %mul3A_2, %mul3A_38 : i32
      "tpu.region"() ({
        %run_scoped3A = tpu.sem_alloc : memref<!tpu.dma_semaphore, #tpu.memory_space<semaphore_mem>>
        %dma_start3A_324 = arith.constant 0 : i32
        %dma_start3A_325 = arith.constant 0 : i32
        %dma_start3A_326 = tpu.memref_slice %arg5[%dma_start3A_324, %dma_start3A_325] : memref<12x128xi32, #tpu.memory_space<vmem>> -> memref<12x128xi32, #tpu.memory_space<vmem>>
        %dma_start3A_327 = arith.constant 0 : i32
        %dma_start3A_328 = tpu.memref_slice %arg3[%add3A_39, %dma_start3A_327] : memref<6528x128xi32, #tpu.memory_space<hbm>> -> memref<12x128xi32, #tpu.memory_space<hbm>>
        %dma_start3A_329 = arith.constant 0 : i32
        %dma_start3A_330 = arith.constant 0 : i32
        %dma_start3A_331 = tpu.memref_slice %arg5[%dma_start3A_329, %dma_start3A_330] : memref<12x128xi32, #tpu.memory_space<vmem>> -> memref<12x128xi32, #tpu.memory_space<vmem>>
        %dma_start3A_332 = arith.constant 0 : i32
        %dma_start3A_333 = tpu.memref_slice %arg3[%add3A_39, %dma_start3A_332] : memref<6528x128xi32, #tpu.memory_space<hbm>> -> memref<12x128xi32, #tpu.memory_space<hbm>>
        tpu.enqueue_dma source(%dma_start3A_333 : memref<12x128xi32, #tpu.memory_space<hbm>>) target(%dma_start3A_331 : memref<12x128xi32, #tpu.memory_space<vmem>>) target_semaphore(%run_scoped3A : memref<!tpu.dma_semaphore, #tpu.memory_space<semaphore_mem>>)
        %dma_wait3A_334 = arith.constant 0 : i32
        %dma_wait3A_335 = arith.constant 0 : i32
        %dma_wait3A_336 = tpu.memref_slice %arg5[%dma_wait3A_334, %dma_wait3A_335] : memref<12x128xi32, #tpu.memory_space<vmem>> -> memref<12x128xi32, #tpu.memory_space<vmem>>
        %dma_wait3A_337 = arith.constant 0 : i32
        %dma_wait3A_338 = tpu.memref_slice %arg3[%add3A_39, %dma_wait3A_337] : memref<6528x128xi32, #tpu.memory_space<hbm>> -> memref<12x128xi32, #tpu.memory_space<hbm>>
        %dma_wait3A_339 = arith.constant 0 : i32
        %dma_wait3A_340 = arith.constant 0 : i32
        %dma_wait3A_341 = tpu.memref_slice %arg5[%dma_wait3A_339, %dma_wait3A_340] : memref<12x128xi32, #tpu.memory_space<vmem>> -> memref<12x128xi32, #tpu.memory_space<vmem>>
        %dma_wait3A_342 = arith.constant 0 : i32
        %dma_wait3A_343 = tpu.memref_slice %arg3[%add3A_39, %dma_wait3A_342] : memref<6528x128xi32, #tpu.memory_space<hbm>> -> memref<12x128xi32, #tpu.memory_space<hbm>>
        tpu.wait_dma2 semaphore(%run_scoped3A : memref<!tpu.dma_semaphore, #tpu.memory_space<semaphore_mem>>) src(%dma_wait3A_343 : memref<12x128xi32, #tpu.memory_space<hbm>>) dst(%dma_wait3A_341 : memref<12x128xi32, #tpu.memory_space<vmem>>)
        tpu.yield
      }) : () -> ()
      %mul3A_40 = arith.constant 2 : i32
      %mul3A_41 = arith.muli %scan3A_34, %mul3A_40 : i32
      %add3A_42 = arith.constant 0 : i32
      %add3A_43 = arith.addi %mul3A_41, %add3A_42 : i32
      %mul3A_44 = arith.constant 6 : i32
      %mul3A_45 = arith.muli %add3A_43, %mul3A_44 : i32
      %add3A_46 = arith.addi %mul3A_2, %mul3A_45 : i32
      %ge3A = arith.constant 1 : i32
      %ge3A_47 = arith.cmpi sge, %scan3A_34, %ge3A : i32
      %convert_element_type3A = arith.extui %ge3A_47 : i1 to i32
      %cond3A = arith.constant 0 : i32
      %cond3A_48 = arith.cmpi ne, %convert_element_type3A, %cond3A : i32
      scf.if %cond3A_48 {
        %sub3A = arith.constant 12 : i32
        %sub3A_324 = arith.subi %add3A_46, %sub3A : i32
        %mul3A_325 = arith.constant 128 : i32
        %mul3A_326 = arith.muli %sub3A_324, %mul3A_325 : i32
        %dma_wait3A_327 = arith.constant 0 : i32
        %dma_wait3A_328 = arith.constant 0 : i32
        %dma_wait3A_329 = tpu.memref_slice %arg6[%dma_wait3A_327, %dma_wait3A_328] : memref<768x64xf32, #tpu.memory_space<vmem>> -> memref<768x64xf32, #tpu.memory_space<vmem>>
        %dma_wait3A_330 = arith.constant 0 : i32
        %dma_wait3A_331 = tpu.memref_slice %arg4[%mul3A_326, %dma_wait3A_330] : memref<835584x64xf32, #tpu.memory_space<hbm>> -> memref<768x64xf32, #tpu.memory_space<hbm>>
        %dma_wait3A_332 = arith.constant 0 : i32
        %dma_wait3A_333 = tpu.memref_slice %arg4[%mul3A_326, %dma_wait3A_332] : memref<835584x64xf32, #tpu.memory_space<hbm>> -> memref<768x64xf32, #tpu.memory_space<hbm>>
        %dma_wait3A_334 = arith.constant 0 : i32
        %dma_wait3A_335 = arith.constant 0 : i32
        %dma_wait3A_336 = tpu.memref_slice %arg6[%dma_wait3A_334, %dma_wait3A_335] : memref<768x64xf32, #tpu.memory_space<vmem>> -> memref<768x64xf32, #tpu.memory_space<vmem>>
        tpu.wait_dma2 semaphore(%arg9 : memref<!tpu.dma_semaphore, #tpu.memory_space<semaphore_mem>>) src(%dma_wait3A_336 : memref<768x64xf32, #tpu.memory_space<vmem>>) dst(%dma_wait3A_333 : memref<768x64xf32, #tpu.memory_space<hbm>>)
      } else {
      }
      %dma_start3A = arith.constant 0 : i32
      %dma_start3A_49 = arith.constant 0 : i32
      %dma_start3A_50 = arith.constant 0 : i32
      %dma_start3A_51 = tpu.memref_slice %arg6[%dma_start3A_49, %dma_start3A_50] : memref<768x64xf32, #tpu.memory_space<vmem>> -> memref<128x64xf32, #tpu.memory_space<vmem>>
      %dma_start3A_52 = arith.constant 0 : i32
      %dma_start3A_53 = tpu.memref_slice %arg5[%dma_start3A, %dma_start3A_52] : memref<12x128xi32, #tpu.memory_space<vmem>> -> memref<1x128xi32, #tpu.memory_space<vmem>>
      %dma_start3A_54 = tpu.memref_squeeze %dma_start3A_53 : memref<1x128xi32, #tpu.memory_space<vmem>> -> memref<128xi32, #tpu.memory_space<vmem>>
      %dma_start3A_55 = arith.constant 0 : i32
      %dma_start3A_56 = arith.constant 0 : i32
      %dma_start3A_57 = tpu.memref_slice %arg2[%dma_start3A_55, %dma_start3A_56] : memref<1000000x64xf32, #tpu.memory_space<hbm>> -> memref<1000000x64xf32, #tpu.memory_space<hbm>>
      tpu.enqueue_indirect_dma source(%dma_start3A_57 : memref<1000000x64xf32, #tpu.memory_space<hbm>>) target(%dma_start3A_51 : memref<128x64xf32, #tpu.memory_space<vmem>>) offsets(%dma_start3A_54 : memref<128xi32, #tpu.memory_space<vmem>>) semaphore(%arg8 : memref<!tpu.dma_semaphore, #tpu.memory_space<semaphore_mem>>)
      %dma_start3A_58 = arith.constant 1 : i32
      %dma_start3A_59 = arith.constant 128 : i32
      %dma_start3A_60 = arith.constant 0 : i32
      %dma_start3A_61 = tpu.memref_slice %arg6[%dma_start3A_59, %dma_start3A_60] : memref<768x64xf32, #tpu.memory_space<vmem>> -> memref<128x64xf32, #tpu.memory_space<vmem>>
      %dma_start3A_62 = arith.constant 0 : i32
      %dma_start3A_63 = tpu.memref_slice %arg5[%dma_start3A_58, %dma_start3A_62] : memref<12x128xi32, #tpu.memory_space<vmem>> -> memref<1x128xi32, #tpu.memory_space<vmem>>
      %dma_start3A_64 = tpu.memref_squeeze %dma_start3A_63 : memref<1x128xi32, #tpu.memory_space<vmem>> -> memref<128xi32, #tpu.memory_space<vmem>>
      %dma_start3A_65 = arith.constant 0 : i32
      %dma_start3A_66 = arith.constant 0 : i32
      %dma_start3A_67 = tpu.memref_slice %arg2[%dma_start3A_65, %dma_start3A_66] : memref<1000000x64xf32, #tpu.memory_space<hbm>> -> memref<1000000x64xf32, #tpu.memory_space<hbm>>
      tpu.enqueue_indirect_dma source(%dma_start3A_67 : memref<1000000x64xf32, #tpu.memory_space<hbm>>) target(%dma_start3A_61 : memref<128x64xf32, #tpu.memory_space<vmem>>) offsets(%dma_start3A_64 : memref<128xi32, #tpu.memory_space<vmem>>) semaphore(%arg8 : memref<!tpu.dma_semaphore, #tpu.memory_space<semaphore_mem>>)
      %dma_start3A_68 = arith.constant 2 : i32
      %dma_start3A_69 = arith.constant 256 : i32
      %dma_start3A_70 = arith.constant 0 : i32
      %dma_start3A_71 = tpu.memref_slice %arg6[%dma_start3A_69, %dma_start3A_70] : memref<768x64xf32, #tpu.memory_space<vmem>> -> memref<128x64xf32, #tpu.memory_space<vmem>>
      %dma_start3A_72 = arith.constant 0 : i32
      %dma_start3A_73 = tpu.memref_slice %arg5[%dma_start3A_68, %dma_start3A_72] : memref<12x128xi32, #tpu.memory_space<vmem>> -> memref<1x128xi32, #tpu.memory_space<vmem>>
      %dma_start3A_74 = tpu.memref_squeeze %dma_start3A_73 : memref<1x128xi32, #tpu.memory_space<vmem>> -> memref<128xi32, #tpu.memory_space<vmem>>
      %dma_start3A_75 = arith.constant 0 : i32
      %dma_start3A_76 = arith.constant 0 : i32
      %dma_start3A_77 = tpu.memref_slice %arg2[%dma_start3A_75, %dma_start3A_76] : memref<1000000x64xf32, #tpu.memory_space<hbm>> -> memref<1000000x64xf32, #tpu.memory_space<hbm>>
      tpu.enqueue_indirect_dma source(%dma_start3A_77 : memref<1000000x64xf32, #tpu.memory_space<hbm>>) target(%dma_start3A_71 : memref<128x64xf32, #tpu.memory_space<vmem>>) offsets(%dma_start3A_74 : memref<128xi32, #tpu.memory_space<vmem>>) semaphore(%arg8 : memref<!tpu.dma_semaphore, #tpu.memory_space<semaphore_mem>>)
      %dma_start3A_78 = arith.constant 3 : i32
      %dma_start3A_79 = arith.constant 384 : i32
      %dma_start3A_80 = arith.constant 0 : i32
      %dma_start3A_81 = tpu.memref_slice %arg6[%dma_start3A_79, %dma_start3A_80] : memref<768x64xf32, #tpu.memory_space<vmem>> -> memref<128x64xf32, #tpu.memory_space<vmem>>
      %dma_start3A_82 = arith.constant 0 : i32
      %dma_start3A_83 = tpu.memref_slice %arg5[%dma_start3A_78, %dma_start3A_82] : memref<12x128xi32, #tpu.memory_space<vmem>> -> memref<1x128xi32, #tpu.memory_space<vmem>>
      %dma_start3A_84 = tpu.memref_squeeze %dma_start3A_83 : memref<1x128xi32, #tpu.memory_space<vmem>> -> memref<128xi32, #tpu.memory_space<vmem>>
      %dma_start3A_85 = arith.constant 0 : i32
      %dma_start3A_86 = arith.constant 0 : i32
      %dma_start3A_87 = tpu.memref_slice %arg2[%dma_start3A_85, %dma_start3A_86] : memref<1000000x64xf32, #tpu.memory_space<hbm>> -> memref<1000000x64xf32, #tpu.memory_space<hbm>>
      tpu.enqueue_indirect_dma source(%dma_start3A_87 : memref<1000000x64xf32, #tpu.memory_space<hbm>>) target(%dma_start3A_81 : memref<128x64xf32, #tpu.memory_space<vmem>>) offsets(%dma_start3A_84 : memref<128xi32, #tpu.memory_space<vmem>>) semaphore(%arg8 : memref<!tpu.dma_semaphore, #tpu.memory_space<semaphore_mem>>)
      %dma_start3A_88 = arith.constant 4 : i32
      %dma_start3A_89 = arith.constant 512 : i32
      %dma_start3A_90 = arith.constant 0 : i32
      %dma_start3A_91 = tpu.memref_slice %arg6[%dma_start3A_89, %dma_start3A_90] : memref<768x64xf32, #tpu.memory_space<vmem>> -> memref<128x64xf32, #tpu.memory_space<vmem>>
      %dma_start3A_92 = arith.constant 0 : i32
      %dma_start3A_93 = tpu.memref_slice %arg5[%dma_start3A_88, %dma_start3A_92] : memref<12x128xi32, #tpu.memory_space<vmem>> -> memref<1x128xi32, #tpu.memory_space<vmem>>
      %dma_start3A_94 = tpu.memref_squeeze %dma_start3A_93 : memref<1x128xi32, #tpu.memory_space<vmem>> -> memref<128xi32, #tpu.memory_space<vmem>>
      %dma_start3A_95 = arith.constant 0 : i32
      %dma_start3A_96 = arith.constant 0 : i32
      %dma_start3A_97 = tpu.memref_slice %arg2[%dma_start3A_95, %dma_start3A_96] : memref<1000000x64xf32, #tpu.memory_space<hbm>> -> memref<1000000x64xf32, #tpu.memory_space<hbm>>
      tpu.enqueue_indirect_dma source(%dma_start3A_97 : memref<1000000x64xf32, #tpu.memory_space<hbm>>) target(%dma_start3A_91 : memref<128x64xf32, #tpu.memory_space<vmem>>) offsets(%dma_start3A_94 : memref<128xi32, #tpu.memory_space<vmem>>) semaphore(%arg8 : memref<!tpu.dma_semaphore, #tpu.memory_space<semaphore_mem>>)
      %dma_start3A_98 = arith.constant 5 : i32
      %dma_start3A_99 = arith.constant 640 : i32
      %dma_start3A_100 = arith.constant 0 : i32
      %dma_start3A_101 = tpu.memref_slice %arg6[%dma_start3A_99, %dma_start3A_100] : memref<768x64xf32, #tpu.memory_space<vmem>> -> memref<128x64xf32, #tpu.memory_space<vmem>>
      %dma_start3A_102 = arith.constant 0 : i32
      %dma_start3A_103 = tpu.memref_slice %arg5[%dma_start3A_98, %dma_start3A_102] : memref<12x128xi32, #tpu.memory_space<vmem>> -> memref<1x128xi32, #tpu.memory_space<vmem>>
      %dma_start3A_104 = tpu.memref_squeeze %dma_start3A_103 : memref<1x128xi32, #tpu.memory_space<vmem>> -> memref<128xi32, #tpu.memory_space<vmem>>
      %dma_start3A_105 = arith.constant 0 : i32
      %dma_start3A_106 = arith.constant 0 : i32
      %dma_start3A_107 = tpu.memref_slice %arg2[%dma_start3A_105, %dma_start3A_106] : memref<1000000x64xf32, #tpu.memory_space<hbm>> -> memref<1000000x64xf32, #tpu.memory_space<hbm>>
      tpu.enqueue_indirect_dma source(%dma_start3A_107 : memref<1000000x64xf32, #tpu.memory_space<hbm>>) target(%dma_start3A_101 : memref<128x64xf32, #tpu.memory_space<vmem>>) offsets(%dma_start3A_104 : memref<128xi32, #tpu.memory_space<vmem>>) semaphore(%arg8 : memref<!tpu.dma_semaphore, #tpu.memory_space<semaphore_mem>>)
      %dma_wait3A_108 = arith.constant 0 : i32
      %dma_wait3A_109 = arith.constant 0 : i32
      %dma_wait3A_110 = arith.constant 0 : i32
      %dma_wait3A_111 = tpu.memref_slice %arg6[%dma_wait3A_109, %dma_wait3A_110] : memref<768x64xf32, #tpu.memory_space<vmem>> -> memref<128x64xf32, #tpu.memory_space<vmem>>
      %dma_wait3A_112 = arith.constant 0 : i32
      %dma_wait3A_113 = tpu.memref_slice %arg5[%dma_wait3A_108, %dma_wait3A_112] : memref<12x128xi32, #tpu.memory_space<vmem>> -> memref<1x128xi32, #tpu.memory_space<vmem>>
      %dma_wait3A_114 = tpu.memref_squeeze %dma_wait3A_113 : memref<1x128xi32, #tpu.memory_space<vmem>> -> memref<128xi32, #tpu.memory_space<vmem>>
      %dma_wait3A_115 = arith.constant 0 : i32
      %dma_wait3A_116 = arith.constant 0 : i32
      %dma_wait3A_117 = tpu.memref_slice %arg2[%dma_wait3A_115, %dma_wait3A_116] : memref<1000000x64xf32, #tpu.memory_space<hbm>> -> memref<1000000x64xf32, #tpu.memory_space<hbm>>
      tpu.wait_indirect_dma semaphore(%arg8 : memref<!tpu.dma_semaphore, #tpu.memory_space<semaphore_mem>>) src(%dma_wait3A_117 : memref<1000000x64xf32, #tpu.memory_space<hbm>>) dst(%dma_wait3A_111 : memref<128x64xf32, #tpu.memory_space<vmem>>)
      %dma_wait3A_118 = arith.constant 1 : i32
      %dma_wait3A_119 = arith.constant 128 : i32
      %dma_wait3A_120 = arith.constant 0 : i32
      %dma_wait3A_121 = tpu.memref_slice %arg6[%dma_wait3A_119, %dma_wait3A_120] : memref<768x64xf32, #tpu.memory_space<vmem>> -> memref<128x64xf32, #tpu.memory_space<vmem>>
      %dma_wait3A_122 = arith.constant 0 : i32
      %dma_wait3A_123 = tpu.memref_slice %arg5[%dma_wait3A_118, %dma_wait3A_122] : memref<12x128xi32, #tpu.memory_space<vmem>> -> memref<1x128xi32, #tpu.memory_space<vmem>>
      %dma_wait3A_124 = tpu.memref_squeeze %dma_wait3A_123 : memref<1x128xi32, #tpu.memory_space<vmem>> -> memref<128xi32, #tpu.memory_space<vmem>>
      %dma_wait3A_125 = arith.constant 0 : i32
      %dma_wait3A_126 = arith.constant 0 : i32
      %dma_wait3A_127 = tpu.memref_slice %arg2[%dma_wait3A_125, %dma_wait3A_126] : memref<1000000x64xf32, #tpu.memory_space<hbm>> -> memref<1000000x64xf32, #tpu.memory_space<hbm>>
      tpu.wait_indirect_dma semaphore(%arg8 : memref<!tpu.dma_semaphore, #tpu.memory_space<semaphore_mem>>) src(%dma_wait3A_127 : memref<1000000x64xf32, #tpu.memory_space<hbm>>) dst(%dma_wait3A_121 : memref<128x64xf32, #tpu.memory_space<vmem>>)
      %dma_wait3A_128 = arith.constant 2 : i32
      %dma_wait3A_129 = arith.constant 256 : i32
      %dma_wait3A_130 = arith.constant 0 : i32
      %dma_wait3A_131 = tpu.memref_slice %arg6[%dma_wait3A_129, %dma_wait3A_130] : memref<768x64xf32, #tpu.memory_space<vmem>> -> memref<128x64xf32, #tpu.memory_space<vmem>>
      %dma_wait3A_132 = arith.constant 0 : i32
      %dma_wait3A_133 = tpu.memref_slice %arg5[%dma_wait3A_128, %dma_wait3A_132] : memref<12x128xi32, #tpu.memory_space<vmem>> -> memref<1x128xi32, #tpu.memory_space<vmem>>
      %dma_wait3A_134 = tpu.memref_squeeze %dma_wait3A_133 : memref<1x128xi32, #tpu.memory_space<vmem>> -> memref<128xi32, #tpu.memory_space<vmem>>
      %dma_wait3A_135 = arith.constant 0 : i32
      %dma_wait3A_136 = arith.constant 0 : i32
      %dma_wait3A_137 = tpu.memref_slice %arg2[%dma_wait3A_135, %dma_wait3A_136] : memref<1000000x64xf32, #tpu.memory_space<hbm>> -> memref<1000000x64xf32, #tpu.memory_space<hbm>>
      tpu.wait_indirect_dma semaphore(%arg8 : memref<!tpu.dma_semaphore, #tpu.memory_space<semaphore_mem>>) src(%dma_wait3A_137 : memref<1000000x64xf32, #tpu.memory_space<hbm>>) dst(%dma_wait3A_131 : memref<128x64xf32, #tpu.memory_space<vmem>>)
      %dma_wait3A_138 = arith.constant 3 : i32
      %dma_wait3A_139 = arith.constant 384 : i32
      %dma_wait3A_140 = arith.constant 0 : i32
      %dma_wait3A_141 = tpu.memref_slice %arg6[%dma_wait3A_139, %dma_wait3A_140] : memref<768x64xf32, #tpu.memory_space<vmem>> -> memref<128x64xf32, #tpu.memory_space<vmem>>
      %dma_wait3A_142 = arith.constant 0 : i32
      %dma_wait3A_143 = tpu.memref_slice %arg5[%dma_wait3A_138, %dma_wait3A_142] : memref<12x128xi32, #tpu.memory_space<vmem>> -> memref<1x128xi32, #tpu.memory_space<vmem>>
      %dma_wait3A_144 = tpu.memref_squeeze %dma_wait3A_143 : memref<1x128xi32, #tpu.memory_space<vmem>> -> memref<128xi32, #tpu.memory_space<vmem>>
      %dma_wait3A_145 = arith.constant 0 : i32
      %dma_wait3A_146 = arith.constant 0 : i32
      %dma_wait3A_147 = tpu.memref_slice %arg2[%dma_wait3A_145, %dma_wait3A_146] : memref<1000000x64xf32, #tpu.memory_space<hbm>> -> memref<1000000x64xf32, #tpu.memory_space<hbm>>
      tpu.wait_indirect_dma semaphore(%arg8 : memref<!tpu.dma_semaphore, #tpu.memory_space<semaphore_mem>>) src(%dma_wait3A_147 : memref<1000000x64xf32, #tpu.memory_space<hbm>>) dst(%dma_wait3A_141 : memref<128x64xf32, #tpu.memory_space<vmem>>)
      %dma_wait3A_148 = arith.constant 4 : i32
      %dma_wait3A_149 = arith.constant 512 : i32
      %dma_wait3A_150 = arith.constant 0 : i32
      %dma_wait3A_151 = tpu.memref_slice %arg6[%dma_wait3A_149, %dma_wait3A_150] : memref<768x64xf32, #tpu.memory_space<vmem>> -> memref<128x64xf32, #tpu.memory_space<vmem>>
      %dma_wait3A_152 = arith.constant 0 : i32
      %dma_wait3A_153 = tpu.memref_slice %arg5[%dma_wait3A_148, %dma_wait3A_152] : memref<12x128xi32, #tpu.memory_space<vmem>> -> memref<1x128xi32, #tpu.memory_space<vmem>>
      %dma_wait3A_154 = tpu.memref_squeeze %dma_wait3A_153 : memref<1x128xi32, #tpu.memory_space<vmem>> -> memref<128xi32, #tpu.memory_space<vmem>>
      %dma_wait3A_155 = arith.constant 0 : i32
      %dma_wait3A_156 = arith.constant 0 : i32
      %dma_wait3A_157 = tpu.memref_slice %arg2[%dma_wait3A_155, %dma_wait3A_156] : memref<1000000x64xf32, #tpu.memory_space<hbm>> -> memref<1000000x64xf32, #tpu.memory_space<hbm>>
      tpu.wait_indirect_dma semaphore(%arg8 : memref<!tpu.dma_semaphore, #tpu.memory_space<semaphore_mem>>) src(%dma_wait3A_157 : memref<1000000x64xf32, #tpu.memory_space<hbm>>) dst(%dma_wait3A_151 : memref<128x64xf32, #tpu.memory_space<vmem>>)
      %dma_wait3A_158 = arith.constant 5 : i32
      %dma_wait3A_159 = arith.constant 640 : i32
      %dma_wait3A_160 = arith.constant 0 : i32
      %dma_wait3A_161 = tpu.memref_slice %arg6[%dma_wait3A_159, %dma_wait3A_160] : memref<768x64xf32, #tpu.memory_space<vmem>> -> memref<128x64xf32, #tpu.memory_space<vmem>>
      %dma_wait3A_162 = arith.constant 0 : i32
      %dma_wait3A_163 = tpu.memref_slice %arg5[%dma_wait3A_158, %dma_wait3A_162] : memref<12x128xi32, #tpu.memory_space<vmem>> -> memref<1x128xi32, #tpu.memory_space<vmem>>
      %dma_wait3A_164 = tpu.memref_squeeze %dma_wait3A_163 : memref<1x128xi32, #tpu.memory_space<vmem>> -> memref<128xi32, #tpu.memory_space<vmem>>
      %dma_wait3A_165 = arith.constant 0 : i32
      %dma_wait3A_166 = arith.constant 0 : i32
      %dma_wait3A_167 = tpu.memref_slice %arg2[%dma_wait3A_165, %dma_wait3A_166] : memref<1000000x64xf32, #tpu.memory_space<hbm>> -> memref<1000000x64xf32, #tpu.memory_space<hbm>>
      tpu.wait_indirect_dma semaphore(%arg8 : memref<!tpu.dma_semaphore, #tpu.memory_space<semaphore_mem>>) src(%dma_wait3A_167 : memref<1000000x64xf32, #tpu.memory_space<hbm>>) dst(%dma_wait3A_161 : memref<128x64xf32, #tpu.memory_space<vmem>>)
      %mul3A_168 = arith.constant 128 : i32
      %mul3A_169 = arith.muli %add3A_46, %mul3A_168 : i32
      %dma_start3A_170 = arith.constant 0 : i32
      %dma_start3A_171 = arith.constant 0 : i32
      %dma_start3A_172 = tpu.memref_slice %arg6[%dma_start3A_170, %dma_start3A_171] : memref<768x64xf32, #tpu.memory_space<vmem>> -> memref<768x64xf32, #tpu.memory_space<vmem>>
      %dma_start3A_173 = arith.constant 0 : i32
      %dma_start3A_174 = tpu.memref_slice %arg4[%mul3A_169, %dma_start3A_173] : memref<835584x64xf32, #tpu.memory_space<hbm>> -> memref<768x64xf32, #tpu.memory_space<hbm>>
      %dma_start3A_175 = arith.constant 0 : i32
      %dma_start3A_176 = tpu.memref_slice %arg4[%mul3A_169, %dma_start3A_175] : memref<835584x64xf32, #tpu.memory_space<hbm>> -> memref<768x64xf32, #tpu.memory_space<hbm>>
      %dma_start3A_177 = arith.constant 0 : i32
      %dma_start3A_178 = arith.constant 0 : i32
      %dma_start3A_179 = tpu.memref_slice %arg6[%dma_start3A_177, %dma_start3A_178] : memref<768x64xf32, #tpu.memory_space<vmem>> -> memref<768x64xf32, #tpu.memory_space<vmem>>
      tpu.enqueue_dma source(%dma_start3A_179 : memref<768x64xf32, #tpu.memory_space<vmem>>) target(%dma_start3A_176 : memref<768x64xf32, #tpu.memory_space<hbm>>) target_semaphore(%arg9 : memref<!tpu.dma_semaphore, #tpu.memory_space<semaphore_mem>>)
      %mul3A_180 = arith.constant 2 : i32
      %mul3A_181 = arith.muli %scan3A_34, %mul3A_180 : i32
      %add3A_182 = arith.constant 1 : i32
      %add3A_183 = arith.addi %mul3A_181, %add3A_182 : i32
      %mul3A_184 = arith.constant 6 : i32
      %mul3A_185 = arith.muli %add3A_183, %mul3A_184 : i32
      %add3A_186 = arith.addi %mul3A_2, %mul3A_185 : i32
      %ge3A_187 = arith.constant 1 : i32
      %ge3A_188 = arith.cmpi sge, %scan3A_34, %ge3A_187 : i32
      %convert_element_type3A_189 = arith.extui %ge3A_188 : i1 to i32
      %cond3A_190 = arith.constant 0 : i32
      %cond3A_191 = arith.cmpi ne, %convert_element_type3A_189, %cond3A_190 : i32
      scf.if %cond3A_191 {
        %sub3A = arith.constant 12 : i32
        %sub3A_324 = arith.subi %add3A_186, %sub3A : i32
        %mul3A_325 = arith.constant 128 : i32
        %mul3A_326 = arith.muli %sub3A_324, %mul3A_325 : i32
        %dma_wait3A_327 = arith.constant 0 : i32
        %dma_wait3A_328 = arith.constant 0 : i32
        %dma_wait3A_329 = tpu.memref_slice %arg7[%dma_wait3A_327, %dma_wait3A_328] : memref<768x64xf32, #tpu.memory_space<vmem>> -> memref<768x64xf32, #tpu.memory_space<vmem>>
        %dma_wait3A_330 = arith.constant 0 : i32
        %dma_wait3A_331 = tpu.memref_slice %arg4[%mul3A_326, %dma_wait3A_330] : memref<835584x64xf32, #tpu.memory_space<hbm>> -> memref<768x64xf32, #tpu.memory_space<hbm>>
        %dma_wait3A_332 = arith.constant 0 : i32
        %dma_wait3A_333 = tpu.memref_slice %arg4[%mul3A_326, %dma_wait3A_332] : memref<835584x64xf32, #tpu.memory_space<hbm>> -> memref<768x64xf32, #tpu.memory_space<hbm>>
        %dma_wait3A_334 = arith.constant 0 : i32
        %dma_wait3A_335 = arith.constant 0 : i32
        %dma_wait3A_336 = tpu.memref_slice %arg7[%dma_wait3A_334, %dma_wait3A_335] : memref<768x64xf32, #tpu.memory_space<vmem>> -> memref<768x64xf32, #tpu.memory_space<vmem>>
        tpu.wait_dma2 semaphore(%arg10 : memref<!tpu.dma_semaphore, #tpu.memory_space<semaphore_mem>>) src(%dma_wait3A_336 : memref<768x64xf32, #tpu.memory_space<vmem>>) dst(%dma_wait3A_333 : memref<768x64xf32, #tpu.memory_space<hbm>>)
      } else {
      }
      %dma_start3A_192 = arith.constant 6 : i32
      %dma_start3A_193 = arith.constant 0 : i32
      %dma_start3A_194 = arith.constant 0 : i32
      %dma_start3A_195 = tpu.memref_slice %arg7[%dma_start3A_193, %dma_start3A_194] : memref<768x64xf32, #tpu.memory_space<vmem>> -> memref<128x64xf32, #tpu.memory_space<vmem>>
      %dma_start3A_196 = arith.constant 0 : i32
      %dma_start3A_197 = tpu.memref_slice %arg5[%dma_start3A_192, %dma_start3A_196] : memref<12x128xi32, #tpu.memory_space<vmem>> -> memref<1x128xi32, #tpu.memory_space<vmem>>
      %dma_start3A_198 = tpu.memref_squeeze %dma_start3A_197 : memref<1x128xi32, #tpu.memory_space<vmem>> -> memref<128xi32, #tpu.memory_space<vmem>>
      %dma_start3A_199 = arith.constant 0 : i32
      %dma_start3A_200 = arith.constant 0 : i32
      %dma_start3A_201 = tpu.memref_slice %arg2[%dma_start3A_199, %dma_start3A_200] : memref<1000000x64xf32, #tpu.memory_space<hbm>> -> memref<1000000x64xf32, #tpu.memory_space<hbm>>
      tpu.enqueue_indirect_dma source(%dma_start3A_201 : memref<1000000x64xf32, #tpu.memory_space<hbm>>) target(%dma_start3A_195 : memref<128x64xf32, #tpu.memory_space<vmem>>) offsets(%dma_start3A_198 : memref<128xi32, #tpu.memory_space<vmem>>) semaphore(%arg8 : memref<!tpu.dma_semaphore, #tpu.memory_space<semaphore_mem>>)
      %dma_start3A_202 = arith.constant 7 : i32
      %dma_start3A_203 = arith.constant 128 : i32
      %dma_start3A_204 = arith.constant 0 : i32
      %dma_start3A_205 = tpu.memref_slice %arg7[%dma_start3A_203, %dma_start3A_204] : memref<768x64xf32, #tpu.memory_space<vmem>> -> memref<128x64xf32, #tpu.memory_space<vmem>>
      %dma_start3A_206 = arith.constant 0 : i32
      %dma_start3A_207 = tpu.memref_slice %arg5[%dma_start3A_202, %dma_start3A_206] : memref<12x128xi32, #tpu.memory_space<vmem>> -> memref<1x128xi32, #tpu.memory_space<vmem>>
      %dma_start3A_208 = tpu.memref_squeeze %dma_start3A_207 : memref<1x128xi32, #tpu.memory_space<vmem>> -> memref<128xi32, #tpu.memory_space<vmem>>
      %dma_start3A_209 = arith.constant 0 : i32
      %dma_start3A_210 = arith.constant 0 : i32
      %dma_start3A_211 = tpu.memref_slice %arg2[%dma_start3A_209, %dma_start3A_210] : memref<1000000x64xf32, #tpu.memory_space<hbm>> -> memref<1000000x64xf32, #tpu.memory_space<hbm>>
      tpu.enqueue_indirect_dma source(%dma_start3A_211 : memref<1000000x64xf32, #tpu.memory_space<hbm>>) target(%dma_start3A_205 : memref<128x64xf32, #tpu.memory_space<vmem>>) offsets(%dma_start3A_208 : memref<128xi32, #tpu.memory_space<vmem>>) semaphore(%arg8 : memref<!tpu.dma_semaphore, #tpu.memory_space<semaphore_mem>>)
      %dma_start3A_212 = arith.constant 8 : i32
      %dma_start3A_213 = arith.constant 256 : i32
      %dma_start3A_214 = arith.constant 0 : i32
      %dma_start3A_215 = tpu.memref_slice %arg7[%dma_start3A_213, %dma_start3A_214] : memref<768x64xf32, #tpu.memory_space<vmem>> -> memref<128x64xf32, #tpu.memory_space<vmem>>
      %dma_start3A_216 = arith.constant 0 : i32
      %dma_start3A_217 = tpu.memref_slice %arg5[%dma_start3A_212, %dma_start3A_216] : memref<12x128xi32, #tpu.memory_space<vmem>> -> memref<1x128xi32, #tpu.memory_space<vmem>>
      %dma_start3A_218 = tpu.memref_squeeze %dma_start3A_217 : memref<1x128xi32, #tpu.memory_space<vmem>> -> memref<128xi32, #tpu.memory_space<vmem>>
      %dma_start3A_219 = arith.constant 0 : i32
      %dma_start3A_220 = arith.constant 0 : i32
      %dma_start3A_221 = tpu.memref_slice %arg2[%dma_start3A_219, %dma_start3A_220] : memref<1000000x64xf32, #tpu.memory_space<hbm>> -> memref<1000000x64xf32, #tpu.memory_space<hbm>>
      tpu.enqueue_indirect_dma source(%dma_start3A_221 : memref<1000000x64xf32, #tpu.memory_space<hbm>>) target(%dma_start3A_215 : memref<128x64xf32, #tpu.memory_space<vmem>>) offsets(%dma_start3A_218 : memref<128xi32, #tpu.memory_space<vmem>>) semaphore(%arg8 : memref<!tpu.dma_semaphore, #tpu.memory_space<semaphore_mem>>)
      %dma_start3A_222 = arith.constant 9 : i32
      %dma_start3A_223 = arith.constant 384 : i32
      %dma_start3A_224 = arith.constant 0 : i32
      %dma_start3A_225 = tpu.memref_slice %arg7[%dma_start3A_223, %dma_start3A_224] : memref<768x64xf32, #tpu.memory_space<vmem>> -> memref<128x64xf32, #tpu.memory_space<vmem>>
      %dma_start3A_226 = arith.constant 0 : i32
      %dma_start3A_227 = tpu.memref_slice %arg5[%dma_start3A_222, %dma_start3A_226] : memref<12x128xi32, #tpu.memory_space<vmem>> -> memref<1x128xi32, #tpu.memory_space<vmem>>
      %dma_start3A_228 = tpu.memref_squeeze %dma_start3A_227 : memref<1x128xi32, #tpu.memory_space<vmem>> -> memref<128xi32, #tpu.memory_space<vmem>>
      %dma_start3A_229 = arith.constant 0 : i32
      %dma_start3A_230 = arith.constant 0 : i32
      %dma_start3A_231 = tpu.memref_slice %arg2[%dma_start3A_229, %dma_start3A_230] : memref<1000000x64xf32, #tpu.memory_space<hbm>> -> memref<1000000x64xf32, #tpu.memory_space<hbm>>
      tpu.enqueue_indirect_dma source(%dma_start3A_231 : memref<1000000x64xf32, #tpu.memory_space<hbm>>) target(%dma_start3A_225 : memref<128x64xf32, #tpu.memory_space<vmem>>) offsets(%dma_start3A_228 : memref<128xi32, #tpu.memory_space<vmem>>) semaphore(%arg8 : memref<!tpu.dma_semaphore, #tpu.memory_space<semaphore_mem>>)
      %dma_start3A_232 = arith.constant 10 : i32
      %dma_start3A_233 = arith.constant 512 : i32
      %dma_start3A_234 = arith.constant 0 : i32
      %dma_start3A_235 = tpu.memref_slice %arg7[%dma_start3A_233, %dma_start3A_234] : memref<768x64xf32, #tpu.memory_space<vmem>> -> memref<128x64xf32, #tpu.memory_space<vmem>>
      %dma_start3A_236 = arith.constant 0 : i32
      %dma_start3A_237 = tpu.memref_slice %arg5[%dma_start3A_232, %dma_start3A_236] : memref<12x128xi32, #tpu.memory_space<vmem>> -> memref<1x128xi32, #tpu.memory_space<vmem>>
      %dma_start3A_238 = tpu.memref_squeeze %dma_start3A_237 : memref<1x128xi32, #tpu.memory_space<vmem>> -> memref<128xi32, #tpu.memory_space<vmem>>
      %dma_start3A_239 = arith.constant 0 : i32
      %dma_start3A_240 = arith.constant 0 : i32
      %dma_start3A_241 = tpu.memref_slice %arg2[%dma_start3A_239, %dma_start3A_240] : memref<1000000x64xf32, #tpu.memory_space<hbm>> -> memref<1000000x64xf32, #tpu.memory_space<hbm>>
      tpu.enqueue_indirect_dma source(%dma_start3A_241 : memref<1000000x64xf32, #tpu.memory_space<hbm>>) target(%dma_start3A_235 : memref<128x64xf32, #tpu.memory_space<vmem>>) offsets(%dma_start3A_238 : memref<128xi32, #tpu.memory_space<vmem>>) semaphore(%arg8 : memref<!tpu.dma_semaphore, #tpu.memory_space<semaphore_mem>>)
      %dma_start3A_242 = arith.constant 11 : i32
      %dma_start3A_243 = arith.constant 640 : i32
      %dma_start3A_244 = arith.constant 0 : i32
      %dma_start3A_245 = tpu.memref_slice %arg7[%dma_start3A_243, %dma_start3A_244] : memref<768x64xf32, #tpu.memory_space<vmem>> -> memref<128x64xf32, #tpu.memory_space<vmem>>
      %dma_start3A_246 = arith.constant 0 : i32
      %dma_start3A_247 = tpu.memref_slice %arg5[%dma_start3A_242, %dma_start3A_246] : memref<12x128xi32, #tpu.memory_space<vmem>> -> memref<1x128xi32, #tpu.memory_space<vmem>>
      %dma_start3A_248 = tpu.memref_squeeze %dma_start3A_247 : memref<1x128xi32, #tpu.memory_space<vmem>> -> memref<128xi32, #tpu.memory_space<vmem>>
      %dma_start3A_249 = arith.constant 0 : i32
      %dma_start3A_250 = arith.constant 0 : i32
      %dma_start3A_251 = tpu.memref_slice %arg2[%dma_start3A_249, %dma_start3A_250] : memref<1000000x64xf32, #tpu.memory_space<hbm>> -> memref<1000000x64xf32, #tpu.memory_space<hbm>>
      tpu.enqueue_indirect_dma source(%dma_start3A_251 : memref<1000000x64xf32, #tpu.memory_space<hbm>>) target(%dma_start3A_245 : memref<128x64xf32, #tpu.memory_space<vmem>>) offsets(%dma_start3A_248 : memref<128xi32, #tpu.memory_space<vmem>>) semaphore(%arg8 : memref<!tpu.dma_semaphore, #tpu.memory_space<semaphore_mem>>)
      %dma_wait3A_252 = arith.constant 6 : i32
      %dma_wait3A_253 = arith.constant 0 : i32
      %dma_wait3A_254 = arith.constant 0 : i32
      %dma_wait3A_255 = tpu.memref_slice %arg7[%dma_wait3A_253, %dma_wait3A_254] : memref<768x64xf32, #tpu.memory_space<vmem>> -> memref<128x64xf32, #tpu.memory_space<vmem>>
      %dma_wait3A_256 = arith.constant 0 : i32
      %dma_wait3A_257 = tpu.memref_slice %arg5[%dma_wait3A_252, %dma_wait3A_256] : memref<12x128xi32, #tpu.memory_space<vmem>> -> memref<1x128xi32, #tpu.memory_space<vmem>>
      %dma_wait3A_258 = tpu.memref_squeeze %dma_wait3A_257 : memref<1x128xi32, #tpu.memory_space<vmem>> -> memref<128xi32, #tpu.memory_space<vmem>>
      %dma_wait3A_259 = arith.constant 0 : i32
      %dma_wait3A_260 = arith.constant 0 : i32
      %dma_wait3A_261 = tpu.memref_slice %arg2[%dma_wait3A_259, %dma_wait3A_260] : memref<1000000x64xf32, #tpu.memory_space<hbm>> -> memref<1000000x64xf32, #tpu.memory_space<hbm>>
      tpu.wait_indirect_dma semaphore(%arg8 : memref<!tpu.dma_semaphore, #tpu.memory_space<semaphore_mem>>) src(%dma_wait3A_261 : memref<1000000x64xf32, #tpu.memory_space<hbm>>) dst(%dma_wait3A_255 : memref<128x64xf32, #tpu.memory_space<vmem>>)
      %dma_wait3A_262 = arith.constant 7 : i32
      %dma_wait3A_263 = arith.constant 128 : i32
      %dma_wait3A_264 = arith.constant 0 : i32
      %dma_wait3A_265 = tpu.memref_slice %arg7[%dma_wait3A_263, %dma_wait3A_264] : memref<768x64xf32, #tpu.memory_space<vmem>> -> memref<128x64xf32, #tpu.memory_space<vmem>>
      %dma_wait3A_266 = arith.constant 0 : i32
      %dma_wait3A_267 = tpu.memref_slice %arg5[%dma_wait3A_262, %dma_wait3A_266] : memref<12x128xi32, #tpu.memory_space<vmem>> -> memref<1x128xi32, #tpu.memory_space<vmem>>
      %dma_wait3A_268 = tpu.memref_squeeze %dma_wait3A_267 : memref<1x128xi32, #tpu.memory_space<vmem>> -> memref<128xi32, #tpu.memory_space<vmem>>
      %dma_wait3A_269 = arith.constant 0 : i32
      %dma_wait3A_270 = arith.constant 0 : i32
      %dma_wait3A_271 = tpu.memref_slice %arg2[%dma_wait3A_269, %dma_wait3A_270] : memref<1000000x64xf32, #tpu.memory_space<hbm>> -> memref<1000000x64xf32, #tpu.memory_space<hbm>>
      tpu.wait_indirect_dma semaphore(%arg8 : memref<!tpu.dma_semaphore, #tpu.memory_space<semaphore_mem>>) src(%dma_wait3A_271 : memref<1000000x64xf32, #tpu.memory_space<hbm>>) dst(%dma_wait3A_265 : memref<128x64xf32, #tpu.memory_space<vmem>>)
      %dma_wait3A_272 = arith.constant 8 : i32
      %dma_wait3A_273 = arith.constant 256 : i32
      %dma_wait3A_274 = arith.constant 0 : i32
      %dma_wait3A_275 = tpu.memref_slice %arg7[%dma_wait3A_273, %dma_wait3A_274] : memref<768x64xf32, #tpu.memory_space<vmem>> -> memref<128x64xf32, #tpu.memory_space<vmem>>
      %dma_wait3A_276 = arith.constant 0 : i32
      %dma_wait3A_277 = tpu.memref_slice %arg5[%dma_wait3A_272, %dma_wait3A_276] : memref<12x128xi32, #tpu.memory_space<vmem>> -> memref<1x128xi32, #tpu.memory_space<vmem>>
      %dma_wait3A_278 = tpu.memref_squeeze %dma_wait3A_277 : memref<1x128xi32, #tpu.memory_space<vmem>> -> memref<128xi32, #tpu.memory_space<vmem>>
      %dma_wait3A_279 = arith.constant 0 : i32
      %dma_wait3A_280 = arith.constant 0 : i32
      %dma_wait3A_281 = tpu.memref_slice %arg2[%dma_wait3A_279, %dma_wait3A_280] : memref<1000000x64xf32, #tpu.memory_space<hbm>> -> memref<1000000x64xf32, #tpu.memory_space<hbm>>
      tpu.wait_indirect_dma semaphore(%arg8 : memref<!tpu.dma_semaphore, #tpu.memory_space<semaphore_mem>>) src(%dma_wait3A_281 : memref<1000000x64xf32, #tpu.memory_space<hbm>>) dst(%dma_wait3A_275 : memref<128x64xf32, #tpu.memory_space<vmem>>)
      %dma_wait3A_282 = arith.constant 9 : i32
      %dma_wait3A_283 = arith.constant 384 : i32
      %dma_wait3A_284 = arith.constant 0 : i32
      %dma_wait3A_285 = tpu.memref_slice %arg7[%dma_wait3A_283, %dma_wait3A_284] : memref<768x64xf32, #tpu.memory_space<vmem>> -> memref<128x64xf32, #tpu.memory_space<vmem>>
      %dma_wait3A_286 = arith.constant 0 : i32
      %dma_wait3A_287 = tpu.memref_slice %arg5[%dma_wait3A_282, %dma_wait3A_286] : memref<12x128xi32, #tpu.memory_space<vmem>> -> memref<1x128xi32, #tpu.memory_space<vmem>>
      %dma_wait3A_288 = tpu.memref_squeeze %dma_wait3A_287 : memref<1x128xi32, #tpu.memory_space<vmem>> -> memref<128xi32, #tpu.memory_space<vmem>>
      %dma_wait3A_289 = arith.constant 0 : i32
      %dma_wait3A_290 = arith.constant 0 : i32
      %dma_wait3A_291 = tpu.memref_slice %arg2[%dma_wait3A_289, %dma_wait3A_290] : memref<1000000x64xf32, #tpu.memory_space<hbm>> -> memref<1000000x64xf32, #tpu.memory_space<hbm>>
      tpu.wait_indirect_dma semaphore(%arg8 : memref<!tpu.dma_semaphore, #tpu.memory_space<semaphore_mem>>) src(%dma_wait3A_291 : memref<1000000x64xf32, #tpu.memory_space<hbm>>) dst(%dma_wait3A_285 : memref<128x64xf32, #tpu.memory_space<vmem>>)
      %dma_wait3A_292 = arith.constant 10 : i32
      %dma_wait3A_293 = arith.constant 512 : i32
      %dma_wait3A_294 = arith.constant 0 : i32
      %dma_wait3A_295 = tpu.memref_slice %arg7[%dma_wait3A_293, %dma_wait3A_294] : memref<768x64xf32, #tpu.memory_space<vmem>> -> memref<128x64xf32, #tpu.memory_space<vmem>>
      %dma_wait3A_296 = arith.constant 0 : i32
      %dma_wait3A_297 = tpu.memref_slice %arg5[%dma_wait3A_292, %dma_wait3A_296] : memref<12x128xi32, #tpu.memory_space<vmem>> -> memref<1x128xi32, #tpu.memory_space<vmem>>
      %dma_wait3A_298 = tpu.memref_squeeze %dma_wait3A_297 : memref<1x128xi32, #tpu.memory_space<vmem>> -> memref<128xi32, #tpu.memory_space<vmem>>
      %dma_wait3A_299 = arith.constant 0 : i32
      %dma_wait3A_300 = arith.constant 0 : i32
      %dma_wait3A_301 = tpu.memref_slice %arg2[%dma_wait3A_299, %dma_wait3A_300] : memref<1000000x64xf32, #tpu.memory_space<hbm>> -> memref<1000000x64xf32, #tpu.memory_space<hbm>>
      tpu.wait_indirect_dma semaphore(%arg8 : memref<!tpu.dma_semaphore, #tpu.memory_space<semaphore_mem>>) src(%dma_wait3A_301 : memref<1000000x64xf32, #tpu.memory_space<hbm>>) dst(%dma_wait3A_295 : memref<128x64xf32, #tpu.memory_space<vmem>>)
      %dma_wait3A_302 = arith.constant 11 : i32
      %dma_wait3A_303 = arith.constant 640 : i32
      %dma_wait3A_304 = arith.constant 0 : i32
      %dma_wait3A_305 = tpu.memref_slice %arg7[%dma_wait3A_303, %dma_wait3A_304] : memref<768x64xf32, #tpu.memory_space<vmem>> -> memref<128x64xf32, #tpu.memory_space<vmem>>
      %dma_wait3A_306 = arith.constant 0 : i32
      %dma_wait3A_307 = tpu.memref_slice %arg5[%dma_wait3A_302, %dma_wait3A_306] : memref<12x128xi32, #tpu.memory_space<vmem>> -> memref<1x128xi32, #tpu.memory_space<vmem>>
      %dma_wait3A_308 = tpu.memref_squeeze %dma_wait3A_307 : memref<1x128xi32, #tpu.memory_space<vmem>> -> memref<128xi32, #tpu.memory_space<vmem>>
      %dma_wait3A_309 = arith.constant 0 : i32
      %dma_wait3A_310 = arith.constant 0 : i32
      %dma_wait3A_311 = tpu.memref_slice %arg2[%dma_wait3A_309, %dma_wait3A_310] : memref<1000000x64xf32, #tpu.memory_space<hbm>> -> memref<1000000x64xf32, #tpu.memory_space<hbm>>
      tpu.wait_indirect_dma semaphore(%arg8 : memref<!tpu.dma_semaphore, #tpu.memory_space<semaphore_mem>>) src(%dma_wait3A_311 : memref<1000000x64xf32, #tpu.memory_space<hbm>>) dst(%dma_wait3A_305 : memref<128x64xf32, #tpu.memory_space<vmem>>)
      %mul3A_312 = arith.constant 128 : i32
      %mul3A_313 = arith.muli %add3A_186, %mul3A_312 : i32
      %dma_start3A_314 = arith.constant 0 : i32
      %dma_start3A_315 = arith.constant 0 : i32
      %dma_start3A_316 = tpu.memref_slice %arg7[%dma_start3A_314, %dma_start3A_315] : memref<768x64xf32, #tpu.memory_space<vmem>> -> memref<768x64xf32, #tpu.memory_space<vmem>>
      %dma_start3A_317 = arith.constant 0 : i32
      %dma_start3A_318 = tpu.memref_slice %arg4[%mul3A_313, %dma_start3A_317] : memref<835584x64xf32, #tpu.memory_space<hbm>> -> memref<768x64xf32, #tpu.memory_space<hbm>>
      %dma_start3A_319 = arith.constant 0 : i32
      %dma_start3A_320 = tpu.memref_slice %arg4[%mul3A_313, %dma_start3A_319] : memref<835584x64xf32, #tpu.memory_space<hbm>> -> memref<768x64xf32, #tpu.memory_space<hbm>>
      %dma_start3A_321 = arith.constant 0 : i32
      %dma_start3A_322 = arith.constant 0 : i32
      %dma_start3A_323 = tpu.memref_slice %arg7[%dma_start3A_321, %dma_start3A_322] : memref<768x64xf32, #tpu.memory_space<vmem>> -> memref<768x64xf32, #tpu.memory_space<vmem>>
      tpu.enqueue_dma source(%dma_start3A_323 : memref<768x64xf32, #tpu.memory_space<vmem>>) target(%dma_start3A_320 : memref<768x64xf32, #tpu.memory_space<hbm>>) target_semaphore(%arg10 : memref<!tpu.dma_semaphore, #tpu.memory_space<semaphore_mem>>)
    }
    %scan3A_6 = arith.constant 17 : i32
    %add3A_7 = arith.constant 192 : i32
    %add3A_8 = arith.addi %mul3A_2, %add3A_7 : i32
    %mul3A_9 = arith.constant 128 : i32
    %mul3A_10 = arith.muli %add3A_8, %mul3A_9 : i32
    %dma_wait3A = arith.constant 0 : i32
    %dma_wait3A_11 = arith.constant 0 : i32
    %dma_wait3A_12 = tpu.memref_slice %arg6[%dma_wait3A, %dma_wait3A_11] : memref<768x64xf32, #tpu.memory_space<vmem>> -> memref<768x64xf32, #tpu.memory_space<vmem>>
    %dma_wait3A_13 = arith.constant 0 : i32
    %dma_wait3A_14 = tpu.memref_slice %arg4[%mul3A_10, %dma_wait3A_13] : memref<835584x64xf32, #tpu.memory_space<hbm>> -> memref<768x64xf32, #tpu.memory_space<hbm>>
    %dma_wait3A_15 = arith.constant 0 : i32
    %dma_wait3A_16 = tpu.memref_slice %arg4[%mul3A_10, %dma_wait3A_15] : memref<835584x64xf32, #tpu.memory_space<hbm>> -> memref<768x64xf32, #tpu.memory_space<hbm>>
    %dma_wait3A_17 = arith.constant 0 : i32
    %dma_wait3A_18 = arith.constant 0 : i32
    %dma_wait3A_19 = tpu.memref_slice %arg6[%dma_wait3A_17, %dma_wait3A_18] : memref<768x64xf32, #tpu.memory_space<vmem>> -> memref<768x64xf32, #tpu.memory_space<vmem>>
    tpu.wait_dma2 semaphore(%arg9 : memref<!tpu.dma_semaphore, #tpu.memory_space<semaphore_mem>>) src(%dma_wait3A_19 : memref<768x64xf32, #tpu.memory_space<vmem>>) dst(%dma_wait3A_16 : memref<768x64xf32, #tpu.memory_space<hbm>>)
    %add3A_20 = arith.constant 198 : i32
    %add3A_21 = arith.addi %mul3A_2, %add3A_20 : i32
    %mul3A_22 = arith.constant 128 : i32
    %mul3A_23 = arith.muli %add3A_21, %mul3A_22 : i32
    %dma_wait3A_24 = arith.constant 0 : i32
    %dma_wait3A_25 = arith.constant 0 : i32
    %dma_wait3A_26 = tpu.memref_slice %arg7[%dma_wait3A_24, %dma_wait3A_25] : memref<768x64xf32, #tpu.memory_space<vmem>> -> memref<768x64xf32, #tpu.memory_space<vmem>>
    %dma_wait3A_27 = arith.constant 0 : i32
    %dma_wait3A_28 = tpu.memref_slice %arg4[%mul3A_23, %dma_wait3A_27] : memref<835584x64xf32, #tpu.memory_space<hbm>> -> memref<768x64xf32, #tpu.memory_space<hbm>>
    %dma_wait3A_29 = arith.constant 0 : i32
    %dma_wait3A_30 = tpu.memref_slice %arg4[%mul3A_23, %dma_wait3A_29] : memref<835584x64xf32, #tpu.memory_space<hbm>> -> memref<768x64xf32, #tpu.memory_space<hbm>>
    %dma_wait3A_31 = arith.constant 0 : i32
    %dma_wait3A_32 = arith.constant 0 : i32
    %dma_wait3A_33 = tpu.memref_slice %arg7[%dma_wait3A_31, %dma_wait3A_32] : memref<768x64xf32, #tpu.memory_space<vmem>> -> memref<768x64xf32, #tpu.memory_space<vmem>>
    tpu.wait_dma2 semaphore(%arg10 : memref<!tpu.dma_semaphore, #tpu.memory_space<semaphore_mem>>) src(%dma_wait3A_33 : memref<768x64xf32, #tpu.memory_space<vmem>>) dst(%dma_wait3A_30 : memref<768x64xf32, #tpu.memory_space<hbm>>)
    return
  }
}

#map = affine_map<(d0, d1) -> (0, 0)>
module attributes {stable_mosaic.version = 14 : i64} {
  func.func @body(%arg0: i32, %arg1: i32, %arg2: memref<100000x64xf32, #tpu.memory_space<hbm>>, %arg3: memref<64x128xi32, #tpu.memory_space<hbm>>, %arg4: memref<8192x64xf32, #tpu.memory_space<hbm>>, %arg5: memref<12x128xi32, #tpu.memory_space<vmem>>, %arg6: memref<768x64xf32, #tpu.memory_space<vmem>>, %arg7: memref<768x64xf32, #tpu.memory_space<vmem>>, %arg8: memref<!tpu.dma_semaphore, #tpu.memory_space<semaphore_mem>>, %arg9: memref<!tpu.dma_semaphore, #tpu.memory_space<semaphore_mem>>, %arg10: memref<!tpu.dma_semaphore, #tpu.memory_space<semaphore_mem>>) attributes {dimension_semantics = [#tpu.dimension_semantics<core_parallel>, #tpu.dimension_semantics<subcore_parallel>], iteration_bounds = array<i64: 2, 16>, scalar_prefetch = 0 : i64, scratch_operands = 6 : i64, tpu.core_type = #tpu.core_type<sc_vector_subcore>, window_params = [{transform_indices = #map}, {transform_indices = #map}, {transform_indices = #map}]} {
    %mul3A = arith.constant 2 : i32
    %mul3A_0 = arith.muli %arg1, %mul3A : i32
    %add3A = arith.addi %mul3A_0, %arg0 : i32
    %mul3A_1 = arith.constant 2 : i32
    %mul3A_2 = arith.muli %add3A, %mul3A_1 : i32
    %scan3A = arith.constant 0 : i32
    %mul3A_3 = arith.constant 2 : i32
    %mul3A_4 = arith.muli %scan3A, %mul3A_3 : i32
    %mul3A_5 = arith.constant 1 : i32
    %mul3A_6 = arith.muli %mul3A_4, %mul3A_5 : i32
    %add3A_7 = arith.addi %mul3A_2, %mul3A_6 : i32
    "tpu.region"() ({
      %run_scoped3A = tpu.sem_alloc : memref<!tpu.dma_semaphore, #tpu.memory_space<semaphore_mem>>
      %dma_start3A_120 = arith.constant 0 : i32
      %dma_start3A_121 = arith.constant 0 : i32
      %dma_start3A_122 = tpu.memref_slice %arg5[%dma_start3A_120, %dma_start3A_121] : memref<12x128xi32, #tpu.memory_space<vmem>> -> memref<2x128xi32, #tpu.memory_space<vmem>>
      %dma_start3A_123 = arith.constant 0 : i32
      %dma_start3A_124 = tpu.memref_slice %arg3[%add3A_7, %dma_start3A_123] : memref<64x128xi32, #tpu.memory_space<hbm>> -> memref<2x128xi32, #tpu.memory_space<hbm>>
      %dma_start3A_125 = arith.constant 0 : i32
      %dma_start3A_126 = arith.constant 0 : i32
      %dma_start3A_127 = tpu.memref_slice %arg5[%dma_start3A_125, %dma_start3A_126] : memref<12x128xi32, #tpu.memory_space<vmem>> -> memref<2x128xi32, #tpu.memory_space<vmem>>
      %dma_start3A_128 = arith.constant 0 : i32
      %dma_start3A_129 = tpu.memref_slice %arg3[%add3A_7, %dma_start3A_128] : memref<64x128xi32, #tpu.memory_space<hbm>> -> memref<2x128xi32, #tpu.memory_space<hbm>>
      tpu.enqueue_dma source(%dma_start3A_129 : memref<2x128xi32, #tpu.memory_space<hbm>>) target(%dma_start3A_127 : memref<2x128xi32, #tpu.memory_space<vmem>>) target_semaphore(%run_scoped3A : memref<!tpu.dma_semaphore, #tpu.memory_space<semaphore_mem>>)
      %dma_wait3A_130 = arith.constant 0 : i32
      %dma_wait3A_131 = arith.constant 0 : i32
      %dma_wait3A_132 = tpu.memref_slice %arg5[%dma_wait3A_130, %dma_wait3A_131] : memref<12x128xi32, #tpu.memory_space<vmem>> -> memref<2x128xi32, #tpu.memory_space<vmem>>
      %dma_wait3A_133 = arith.constant 0 : i32
      %dma_wait3A_134 = tpu.memref_slice %arg3[%add3A_7, %dma_wait3A_133] : memref<64x128xi32, #tpu.memory_space<hbm>> -> memref<2x128xi32, #tpu.memory_space<hbm>>
      %dma_wait3A_135 = arith.constant 0 : i32
      %dma_wait3A_136 = arith.constant 0 : i32
      %dma_wait3A_137 = tpu.memref_slice %arg5[%dma_wait3A_135, %dma_wait3A_136] : memref<12x128xi32, #tpu.memory_space<vmem>> -> memref<2x128xi32, #tpu.memory_space<vmem>>
      %dma_wait3A_138 = arith.constant 0 : i32
      %dma_wait3A_139 = tpu.memref_slice %arg3[%add3A_7, %dma_wait3A_138] : memref<64x128xi32, #tpu.memory_space<hbm>> -> memref<2x128xi32, #tpu.memory_space<hbm>>
      tpu.wait_dma2 semaphore(%run_scoped3A : memref<!tpu.dma_semaphore, #tpu.memory_space<semaphore_mem>>) src(%dma_wait3A_139 : memref<2x128xi32, #tpu.memory_space<hbm>>) dst(%dma_wait3A_137 : memref<2x128xi32, #tpu.memory_space<vmem>>)
      tpu.yield
    }) : () -> ()
    %mul3A_8 = arith.constant 2 : i32
    %mul3A_9 = arith.muli %scan3A, %mul3A_8 : i32
    %add3A_10 = arith.constant 0 : i32
    %add3A_11 = arith.addi %mul3A_9, %add3A_10 : i32
    %mul3A_12 = arith.constant 1 : i32
    %mul3A_13 = arith.muli %add3A_11, %mul3A_12 : i32
    %add3A_14 = arith.addi %mul3A_2, %mul3A_13 : i32
    %ge3A = arith.constant 1 : i32
    %ge3A_15 = arith.cmpi sge, %scan3A, %ge3A : i32
    %convert_element_type3A = arith.extui %ge3A_15 : i1 to i32
    %cond3A = arith.constant 0 : i32
    %cond3A_16 = arith.cmpi ne, %convert_element_type3A, %cond3A : i32
    scf.if %cond3A_16 {
      %sub3A = arith.constant 2 : i32
      %sub3A_120 = arith.subi %add3A_14, %sub3A : i32
      %mul3A_121 = arith.constant 128 : i32
      %mul3A_122 = arith.muli %sub3A_120, %mul3A_121 : i32
      %dma_wait3A_123 = arith.constant 0 : i32
      %dma_wait3A_124 = arith.constant 0 : i32
      %dma_wait3A_125 = tpu.memref_slice %arg6[%dma_wait3A_123, %dma_wait3A_124] : memref<768x64xf32, #tpu.memory_space<vmem>> -> memref<128x64xf32, #tpu.memory_space<vmem>>
      %dma_wait3A_126 = arith.constant 0 : i32
      %dma_wait3A_127 = tpu.memref_slice %arg4[%mul3A_122, %dma_wait3A_126] : memref<8192x64xf32, #tpu.memory_space<hbm>> -> memref<128x64xf32, #tpu.memory_space<hbm>>
      %dma_wait3A_128 = arith.constant 0 : i32
      %dma_wait3A_129 = tpu.memref_slice %arg4[%mul3A_122, %dma_wait3A_128] : memref<8192x64xf32, #tpu.memory_space<hbm>> -> memref<128x64xf32, #tpu.memory_space<hbm>>
      %dma_wait3A_130 = arith.constant 0 : i32
      %dma_wait3A_131 = arith.constant 0 : i32
      %dma_wait3A_132 = tpu.memref_slice %arg6[%dma_wait3A_130, %dma_wait3A_131] : memref<768x64xf32, #tpu.memory_space<vmem>> -> memref<128x64xf32, #tpu.memory_space<vmem>>
      tpu.wait_dma2 semaphore(%arg9 : memref<!tpu.dma_semaphore, #tpu.memory_space<semaphore_mem>>) src(%dma_wait3A_132 : memref<128x64xf32, #tpu.memory_space<vmem>>) dst(%dma_wait3A_129 : memref<128x64xf32, #tpu.memory_space<hbm>>)
    } else {
    }
    %dma_start3A = arith.constant 0 : i32
    %dma_start3A_17 = arith.constant 0 : i32
    %dma_start3A_18 = arith.constant 0 : i32
    %dma_start3A_19 = tpu.memref_slice %arg6[%dma_start3A_17, %dma_start3A_18] : memref<768x64xf32, #tpu.memory_space<vmem>> -> memref<128x64xf32, #tpu.memory_space<vmem>>
    %dma_start3A_20 = arith.constant 0 : i32
    %dma_start3A_21 = tpu.memref_slice %arg5[%dma_start3A, %dma_start3A_20] : memref<12x128xi32, #tpu.memory_space<vmem>> -> memref<1x128xi32, #tpu.memory_space<vmem>>
    %dma_start3A_22 = tpu.memref_squeeze %dma_start3A_21 : memref<1x128xi32, #tpu.memory_space<vmem>> -> memref<128xi32, #tpu.memory_space<vmem>>
    %dma_start3A_23 = arith.constant 0 : i32
    %dma_start3A_24 = arith.constant 0 : i32
    %dma_start3A_25 = tpu.memref_slice %arg2[%dma_start3A_23, %dma_start3A_24] : memref<100000x64xf32, #tpu.memory_space<hbm>> -> memref<100000x64xf32, #tpu.memory_space<hbm>>
    tpu.enqueue_indirect_dma source(%dma_start3A_25 : memref<100000x64xf32, #tpu.memory_space<hbm>>) target(%dma_start3A_19 : memref<128x64xf32, #tpu.memory_space<vmem>>) offsets(%dma_start3A_22 : memref<128xi32, #tpu.memory_space<vmem>>) semaphore(%arg8 : memref<!tpu.dma_semaphore, #tpu.memory_space<semaphore_mem>>)
    %dma_wait3A = arith.constant 0 : i32
    %dma_wait3A_26 = arith.constant 0 : i32
    %dma_wait3A_27 = arith.constant 0 : i32
    %dma_wait3A_28 = tpu.memref_slice %arg6[%dma_wait3A_26, %dma_wait3A_27] : memref<768x64xf32, #tpu.memory_space<vmem>> -> memref<128x64xf32, #tpu.memory_space<vmem>>
    %dma_wait3A_29 = arith.constant 0 : i32
    %dma_wait3A_30 = tpu.memref_slice %arg5[%dma_wait3A, %dma_wait3A_29] : memref<12x128xi32, #tpu.memory_space<vmem>> -> memref<1x128xi32, #tpu.memory_space<vmem>>
    %dma_wait3A_31 = tpu.memref_squeeze %dma_wait3A_30 : memref<1x128xi32, #tpu.memory_space<vmem>> -> memref<128xi32, #tpu.memory_space<vmem>>
    %dma_wait3A_32 = arith.constant 0 : i32
    %dma_wait3A_33 = arith.constant 0 : i32
    %dma_wait3A_34 = tpu.memref_slice %arg2[%dma_wait3A_32, %dma_wait3A_33] : memref<100000x64xf32, #tpu.memory_space<hbm>> -> memref<100000x64xf32, #tpu.memory_space<hbm>>
    tpu.wait_indirect_dma semaphore(%arg8 : memref<!tpu.dma_semaphore, #tpu.memory_space<semaphore_mem>>) src(%dma_wait3A_34 : memref<100000x64xf32, #tpu.memory_space<hbm>>) dst(%dma_wait3A_28 : memref<128x64xf32, #tpu.memory_space<vmem>>)
    %mul3A_35 = arith.constant 128 : i32
    %mul3A_36 = arith.muli %add3A_14, %mul3A_35 : i32
    %dma_start3A_37 = arith.constant 0 : i32
    %dma_start3A_38 = arith.constant 0 : i32
    %dma_start3A_39 = tpu.memref_slice %arg6[%dma_start3A_37, %dma_start3A_38] : memref<768x64xf32, #tpu.memory_space<vmem>> -> memref<128x64xf32, #tpu.memory_space<vmem>>
    %dma_start3A_40 = arith.constant 0 : i32
    %dma_start3A_41 = tpu.memref_slice %arg4[%mul3A_36, %dma_start3A_40] : memref<8192x64xf32, #tpu.memory_space<hbm>> -> memref<128x64xf32, #tpu.memory_space<hbm>>
    %dma_start3A_42 = arith.constant 0 : i32
    %dma_start3A_43 = tpu.memref_slice %arg4[%mul3A_36, %dma_start3A_42] : memref<8192x64xf32, #tpu.memory_space<hbm>> -> memref<128x64xf32, #tpu.memory_space<hbm>>
    %dma_start3A_44 = arith.constant 0 : i32
    %dma_start3A_45 = arith.constant 0 : i32
    %dma_start3A_46 = tpu.memref_slice %arg6[%dma_start3A_44, %dma_start3A_45] : memref<768x64xf32, #tpu.memory_space<vmem>> -> memref<128x64xf32, #tpu.memory_space<vmem>>
    tpu.enqueue_dma source(%dma_start3A_46 : memref<128x64xf32, #tpu.memory_space<vmem>>) target(%dma_start3A_43 : memref<128x64xf32, #tpu.memory_space<hbm>>) target_semaphore(%arg9 : memref<!tpu.dma_semaphore, #tpu.memory_space<semaphore_mem>>)
    %mul3A_47 = arith.constant 2 : i32
    %mul3A_48 = arith.muli %scan3A, %mul3A_47 : i32
    %add3A_49 = arith.constant 1 : i32
    %add3A_50 = arith.addi %mul3A_48, %add3A_49 : i32
    %mul3A_51 = arith.constant 1 : i32
    %mul3A_52 = arith.muli %add3A_50, %mul3A_51 : i32
    %add3A_53 = arith.addi %mul3A_2, %mul3A_52 : i32
    %ge3A_54 = arith.constant 1 : i32
    %ge3A_55 = arith.cmpi sge, %scan3A, %ge3A_54 : i32
    %convert_element_type3A_56 = arith.extui %ge3A_55 : i1 to i32
    %cond3A_57 = arith.constant 0 : i32
    %cond3A_58 = arith.cmpi ne, %convert_element_type3A_56, %cond3A_57 : i32
    scf.if %cond3A_58 {
      %sub3A = arith.constant 2 : i32
      %sub3A_120 = arith.subi %add3A_53, %sub3A : i32
      %mul3A_121 = arith.constant 128 : i32
      %mul3A_122 = arith.muli %sub3A_120, %mul3A_121 : i32
      %dma_wait3A_123 = arith.constant 0 : i32
      %dma_wait3A_124 = arith.constant 0 : i32
      %dma_wait3A_125 = tpu.memref_slice %arg7[%dma_wait3A_123, %dma_wait3A_124] : memref<768x64xf32, #tpu.memory_space<vmem>> -> memref<128x64xf32, #tpu.memory_space<vmem>>
      %dma_wait3A_126 = arith.constant 0 : i32
      %dma_wait3A_127 = tpu.memref_slice %arg4[%mul3A_122, %dma_wait3A_126] : memref<8192x64xf32, #tpu.memory_space<hbm>> -> memref<128x64xf32, #tpu.memory_space<hbm>>
      %dma_wait3A_128 = arith.constant 0 : i32
      %dma_wait3A_129 = tpu.memref_slice %arg4[%mul3A_122, %dma_wait3A_128] : memref<8192x64xf32, #tpu.memory_space<hbm>> -> memref<128x64xf32, #tpu.memory_space<hbm>>
      %dma_wait3A_130 = arith.constant 0 : i32
      %dma_wait3A_131 = arith.constant 0 : i32
      %dma_wait3A_132 = tpu.memref_slice %arg7[%dma_wait3A_130, %dma_wait3A_131] : memref<768x64xf32, #tpu.memory_space<vmem>> -> memref<128x64xf32, #tpu.memory_space<vmem>>
      tpu.wait_dma2 semaphore(%arg10 : memref<!tpu.dma_semaphore, #tpu.memory_space<semaphore_mem>>) src(%dma_wait3A_132 : memref<128x64xf32, #tpu.memory_space<vmem>>) dst(%dma_wait3A_129 : memref<128x64xf32, #tpu.memory_space<hbm>>)
    } else {
    }
    %dma_start3A_59 = arith.constant 1 : i32
    %dma_start3A_60 = arith.constant 0 : i32
    %dma_start3A_61 = arith.constant 0 : i32
    %dma_start3A_62 = tpu.memref_slice %arg7[%dma_start3A_60, %dma_start3A_61] : memref<768x64xf32, #tpu.memory_space<vmem>> -> memref<128x64xf32, #tpu.memory_space<vmem>>
    %dma_start3A_63 = arith.constant 0 : i32
    %dma_start3A_64 = tpu.memref_slice %arg5[%dma_start3A_59, %dma_start3A_63] : memref<12x128xi32, #tpu.memory_space<vmem>> -> memref<1x128xi32, #tpu.memory_space<vmem>>
    %dma_start3A_65 = tpu.memref_squeeze %dma_start3A_64 : memref<1x128xi32, #tpu.memory_space<vmem>> -> memref<128xi32, #tpu.memory_space<vmem>>
    %dma_start3A_66 = arith.constant 0 : i32
    %dma_start3A_67 = arith.constant 0 : i32
    %dma_start3A_68 = tpu.memref_slice %arg2[%dma_start3A_66, %dma_start3A_67] : memref<100000x64xf32, #tpu.memory_space<hbm>> -> memref<100000x64xf32, #tpu.memory_space<hbm>>
    tpu.enqueue_indirect_dma source(%dma_start3A_68 : memref<100000x64xf32, #tpu.memory_space<hbm>>) target(%dma_start3A_62 : memref<128x64xf32, #tpu.memory_space<vmem>>) offsets(%dma_start3A_65 : memref<128xi32, #tpu.memory_space<vmem>>) semaphore(%arg8 : memref<!tpu.dma_semaphore, #tpu.memory_space<semaphore_mem>>)
    %dma_wait3A_69 = arith.constant 1 : i32
    %dma_wait3A_70 = arith.constant 0 : i32
    %dma_wait3A_71 = arith.constant 0 : i32
    %dma_wait3A_72 = tpu.memref_slice %arg7[%dma_wait3A_70, %dma_wait3A_71] : memref<768x64xf32, #tpu.memory_space<vmem>> -> memref<128x64xf32, #tpu.memory_space<vmem>>
    %dma_wait3A_73 = arith.constant 0 : i32
    %dma_wait3A_74 = tpu.memref_slice %arg5[%dma_wait3A_69, %dma_wait3A_73] : memref<12x128xi32, #tpu.memory_space<vmem>> -> memref<1x128xi32, #tpu.memory_space<vmem>>
    %dma_wait3A_75 = tpu.memref_squeeze %dma_wait3A_74 : memref<1x128xi32, #tpu.memory_space<vmem>> -> memref<128xi32, #tpu.memory_space<vmem>>
    %dma_wait3A_76 = arith.constant 0 : i32
    %dma_wait3A_77 = arith.constant 0 : i32
    %dma_wait3A_78 = tpu.memref_slice %arg2[%dma_wait3A_76, %dma_wait3A_77] : memref<100000x64xf32, #tpu.memory_space<hbm>> -> memref<100000x64xf32, #tpu.memory_space<hbm>>
    tpu.wait_indirect_dma semaphore(%arg8 : memref<!tpu.dma_semaphore, #tpu.memory_space<semaphore_mem>>) src(%dma_wait3A_78 : memref<100000x64xf32, #tpu.memory_space<hbm>>) dst(%dma_wait3A_72 : memref<128x64xf32, #tpu.memory_space<vmem>>)
    %mul3A_79 = arith.constant 128 : i32
    %mul3A_80 = arith.muli %add3A_53, %mul3A_79 : i32
    %dma_start3A_81 = arith.constant 0 : i32
    %dma_start3A_82 = arith.constant 0 : i32
    %dma_start3A_83 = tpu.memref_slice %arg7[%dma_start3A_81, %dma_start3A_82] : memref<768x64xf32, #tpu.memory_space<vmem>> -> memref<128x64xf32, #tpu.memory_space<vmem>>
    %dma_start3A_84 = arith.constant 0 : i32
    %dma_start3A_85 = tpu.memref_slice %arg4[%mul3A_80, %dma_start3A_84] : memref<8192x64xf32, #tpu.memory_space<hbm>> -> memref<128x64xf32, #tpu.memory_space<hbm>>
    %dma_start3A_86 = arith.constant 0 : i32
    %dma_start3A_87 = tpu.memref_slice %arg4[%mul3A_80, %dma_start3A_86] : memref<8192x64xf32, #tpu.memory_space<hbm>> -> memref<128x64xf32, #tpu.memory_space<hbm>>
    %dma_start3A_88 = arith.constant 0 : i32
    %dma_start3A_89 = arith.constant 0 : i32
    %dma_start3A_90 = tpu.memref_slice %arg7[%dma_start3A_88, %dma_start3A_89] : memref<768x64xf32, #tpu.memory_space<vmem>> -> memref<128x64xf32, #tpu.memory_space<vmem>>
    tpu.enqueue_dma source(%dma_start3A_90 : memref<128x64xf32, #tpu.memory_space<vmem>>) target(%dma_start3A_87 : memref<128x64xf32, #tpu.memory_space<hbm>>) target_semaphore(%arg10 : memref<!tpu.dma_semaphore, #tpu.memory_space<semaphore_mem>>)
    %scan3A_91 = arith.constant 1 : i32
    %add3A_92 = arith.constant 0 : i32
    %add3A_93 = arith.addi %mul3A_2, %add3A_92 : i32
    %mul3A_94 = arith.constant 128 : i32
    %mul3A_95 = arith.muli %add3A_93, %mul3A_94 : i32
    %dma_wait3A_96 = arith.constant 0 : i32
    %dma_wait3A_97 = arith.constant 0 : i32
    %dma_wait3A_98 = tpu.memref_slice %arg6[%dma_wait3A_96, %dma_wait3A_97] : memref<768x64xf32, #tpu.memory_space<vmem>> -> memref<128x64xf32, #tpu.memory_space<vmem>>
    %dma_wait3A_99 = arith.constant 0 : i32
    %dma_wait3A_100 = tpu.memref_slice %arg4[%mul3A_95, %dma_wait3A_99] : memref<8192x64xf32, #tpu.memory_space<hbm>> -> memref<128x64xf32, #tpu.memory_space<hbm>>
    %dma_wait3A_101 = arith.constant 0 : i32
    %dma_wait3A_102 = tpu.memref_slice %arg4[%mul3A_95, %dma_wait3A_101] : memref<8192x64xf32, #tpu.memory_space<hbm>> -> memref<128x64xf32, #tpu.memory_space<hbm>>
    %dma_wait3A_103 = arith.constant 0 : i32
    %dma_wait3A_104 = arith.constant 0 : i32
    %dma_wait3A_105 = tpu.memref_slice %arg6[%dma_wait3A_103, %dma_wait3A_104] : memref<768x64xf32, #tpu.memory_space<vmem>> -> memref<128x64xf32, #tpu.memory_space<vmem>>
    tpu.wait_dma2 semaphore(%arg9 : memref<!tpu.dma_semaphore, #tpu.memory_space<semaphore_mem>>) src(%dma_wait3A_105 : memref<128x64xf32, #tpu.memory_space<vmem>>) dst(%dma_wait3A_102 : memref<128x64xf32, #tpu.memory_space<hbm>>)
    %add3A_106 = arith.constant 1 : i32
    %add3A_107 = arith.addi %mul3A_2, %add3A_106 : i32
    %mul3A_108 = arith.constant 128 : i32
    %mul3A_109 = arith.muli %add3A_107, %mul3A_108 : i32
    %dma_wait3A_110 = arith.constant 0 : i32
    %dma_wait3A_111 = arith.constant 0 : i32
    %dma_wait3A_112 = tpu.memref_slice %arg7[%dma_wait3A_110, %dma_wait3A_111] : memref<768x64xf32, #tpu.memory_space<vmem>> -> memref<128x64xf32, #tpu.memory_space<vmem>>
    %dma_wait3A_113 = arith.constant 0 : i32
    %dma_wait3A_114 = tpu.memref_slice %arg4[%mul3A_109, %dma_wait3A_113] : memref<8192x64xf32, #tpu.memory_space<hbm>> -> memref<128x64xf32, #tpu.memory_space<hbm>>
    %dma_wait3A_115 = arith.constant 0 : i32
    %dma_wait3A_116 = tpu.memref_slice %arg4[%mul3A_109, %dma_wait3A_115] : memref<8192x64xf32, #tpu.memory_space<hbm>> -> memref<128x64xf32, #tpu.memory_space<hbm>>
    %dma_wait3A_117 = arith.constant 0 : i32
    %dma_wait3A_118 = arith.constant 0 : i32
    %dma_wait3A_119 = tpu.memref_slice %arg7[%dma_wait3A_117, %dma_wait3A_118] : memref<768x64xf32, #tpu.memory_space<vmem>> -> memref<128x64xf32, #tpu.memory_space<vmem>>
    tpu.wait_dma2 semaphore(%arg10 : memref<!tpu.dma_semaphore, #tpu.memory_space<semaphore_mem>>) src(%dma_wait3A_119 : memref<128x64xf32, #tpu.memory_space<vmem>>) dst(%dma_wait3A_116 : memref<128x64xf32, #tpu.memory_space<hbm>>)
    return
  }
}

#map = affine_map<(d0, d1) -> (0, 0)>
module attributes {stable_mosaic.version = 14 : i64} {
  func.func @body(%arg0: i32, %arg1: i32, %arg2: memref<1000000x64xf32, #tpu.memory_space<hbm>>, %arg3: memref<1600x128xi32, #tpu.memory_space<hbm>>, %arg4: memref<204800x64xf32, #tpu.memory_space<hbm>>, %arg5: memref<12x128xi32, #tpu.memory_space<vmem>>, %arg6: memref<768x64xf32, #tpu.memory_space<vmem>>, %arg7: memref<768x64xf32, #tpu.memory_space<vmem>>, %arg8: memref<!tpu.dma_semaphore, #tpu.memory_space<semaphore_mem>>, %arg9: memref<!tpu.dma_semaphore, #tpu.memory_space<semaphore_mem>>, %arg10: memref<!tpu.dma_semaphore, #tpu.memory_space<semaphore_mem>>) attributes {dimension_semantics = [#tpu.dimension_semantics<core_parallel>, #tpu.dimension_semantics<subcore_parallel>], iteration_bounds = array<i64: 2, 16>, scalar_prefetch = 0 : i64, scratch_operands = 6 : i64, tpu.core_type = #tpu.core_type<sc_vector_subcore>, window_params = [{transform_indices = #map}, {transform_indices = #map}, {transform_indices = #map}]} {
    %mul3A = arith.constant 2 : i32
    %mul3A_0 = arith.muli %arg1, %mul3A : i32
    %add3A = arith.addi %mul3A_0, %arg0 : i32
    %mul3A_1 = arith.constant 50 : i32
    %mul3A_2 = arith.muli %add3A, %mul3A_1 : i32
    %scan3A = arith.constant 0 : i32
    %scan3A_3 = arith.constant 5 : i32
    %scan3A_4 = arith.addi %scan3A, %scan3A_3 : i32
    %scan3A_5 = arith.constant 1 : i32
    scf.for %scan3A_34 = %scan3A to %scan3A_4 step %scan3A_5  : i32 {
      %mul3A_35 = arith.constant 2 : i32
      %mul3A_36 = arith.muli %scan3A_34, %mul3A_35 : i32
      %mul3A_37 = arith.constant 5 : i32
      %mul3A_38 = arith.muli %mul3A_36, %mul3A_37 : i32
      %add3A_39 = arith.addi %mul3A_2, %mul3A_38 : i32
      "tpu.region"() ({
        %run_scoped3A = tpu.sem_alloc : memref<!tpu.dma_semaphore, #tpu.memory_space<semaphore_mem>>
        %dma_start3A_284 = arith.constant 0 : i32
        %dma_start3A_285 = arith.constant 0 : i32
        %dma_start3A_286 = tpu.memref_slice %arg5[%dma_start3A_284, %dma_start3A_285] : memref<12x128xi32, #tpu.memory_space<vmem>> -> memref<10x128xi32, #tpu.memory_space<vmem>>
        %dma_start3A_287 = arith.constant 0 : i32
        %dma_start3A_288 = tpu.memref_slice %arg3[%add3A_39, %dma_start3A_287] : memref<1600x128xi32, #tpu.memory_space<hbm>> -> memref<10x128xi32, #tpu.memory_space<hbm>>
        %dma_start3A_289 = arith.constant 0 : i32
        %dma_start3A_290 = arith.constant 0 : i32
        %dma_start3A_291 = tpu.memref_slice %arg5[%dma_start3A_289, %dma_start3A_290] : memref<12x128xi32, #tpu.memory_space<vmem>> -> memref<10x128xi32, #tpu.memory_space<vmem>>
        %dma_start3A_292 = arith.constant 0 : i32
        %dma_start3A_293 = tpu.memref_slice %arg3[%add3A_39, %dma_start3A_292] : memref<1600x128xi32, #tpu.memory_space<hbm>> -> memref<10x128xi32, #tpu.memory_space<hbm>>
        tpu.enqueue_dma source(%dma_start3A_293 : memref<10x128xi32, #tpu.memory_space<hbm>>) target(%dma_start3A_291 : memref<10x128xi32, #tpu.memory_space<vmem>>) target_semaphore(%run_scoped3A : memref<!tpu.dma_semaphore, #tpu.memory_space<semaphore_mem>>)
        %dma_wait3A_294 = arith.constant 0 : i32
        %dma_wait3A_295 = arith.constant 0 : i32
        %dma_wait3A_296 = tpu.memref_slice %arg5[%dma_wait3A_294, %dma_wait3A_295] : memref<12x128xi32, #tpu.memory_space<vmem>> -> memref<10x128xi32, #tpu.memory_space<vmem>>
        %dma_wait3A_297 = arith.constant 0 : i32
        %dma_wait3A_298 = tpu.memref_slice %arg3[%add3A_39, %dma_wait3A_297] : memref<1600x128xi32, #tpu.memory_space<hbm>> -> memref<10x128xi32, #tpu.memory_space<hbm>>
        %dma_wait3A_299 = arith.constant 0 : i32
        %dma_wait3A_300 = arith.constant 0 : i32
        %dma_wait3A_301 = tpu.memref_slice %arg5[%dma_wait3A_299, %dma_wait3A_300] : memref<12x128xi32, #tpu.memory_space<vmem>> -> memref<10x128xi32, #tpu.memory_space<vmem>>
        %dma_wait3A_302 = arith.constant 0 : i32
        %dma_wait3A_303 = tpu.memref_slice %arg3[%add3A_39, %dma_wait3A_302] : memref<1600x128xi32, #tpu.memory_space<hbm>> -> memref<10x128xi32, #tpu.memory_space<hbm>>
        tpu.wait_dma2 semaphore(%run_scoped3A : memref<!tpu.dma_semaphore, #tpu.memory_space<semaphore_mem>>) src(%dma_wait3A_303 : memref<10x128xi32, #tpu.memory_space<hbm>>) dst(%dma_wait3A_301 : memref<10x128xi32, #tpu.memory_space<vmem>>)
        tpu.yield
      }) : () -> ()
      %mul3A_40 = arith.constant 2 : i32
      %mul3A_41 = arith.muli %scan3A_34, %mul3A_40 : i32
      %add3A_42 = arith.constant 0 : i32
      %add3A_43 = arith.addi %mul3A_41, %add3A_42 : i32
      %mul3A_44 = arith.constant 5 : i32
      %mul3A_45 = arith.muli %add3A_43, %mul3A_44 : i32
      %add3A_46 = arith.addi %mul3A_2, %mul3A_45 : i32
      %ge3A = arith.constant 1 : i32
      %ge3A_47 = arith.cmpi sge, %scan3A_34, %ge3A : i32
      %convert_element_type3A = arith.extui %ge3A_47 : i1 to i32
      %cond3A = arith.constant 0 : i32
      %cond3A_48 = arith.cmpi ne, %convert_element_type3A, %cond3A : i32
      scf.if %cond3A_48 {
        %sub3A = arith.constant 10 : i32
        %sub3A_284 = arith.subi %add3A_46, %sub3A : i32
        %mul3A_285 = arith.constant 128 : i32
        %mul3A_286 = arith.muli %sub3A_284, %mul3A_285 : i32
        %dma_wait3A_287 = arith.constant 0 : i32
        %dma_wait3A_288 = arith.constant 0 : i32
        %dma_wait3A_289 = tpu.memref_slice %arg6[%dma_wait3A_287, %dma_wait3A_288] : memref<768x64xf32, #tpu.memory_space<vmem>> -> memref<640x64xf32, #tpu.memory_space<vmem>>
        %dma_wait3A_290 = arith.constant 0 : i32
        %dma_wait3A_291 = tpu.memref_slice %arg4[%mul3A_286, %dma_wait3A_290] : memref<204800x64xf32, #tpu.memory_space<hbm>> -> memref<640x64xf32, #tpu.memory_space<hbm>>
        %dma_wait3A_292 = arith.constant 0 : i32
        %dma_wait3A_293 = tpu.memref_slice %arg4[%mul3A_286, %dma_wait3A_292] : memref<204800x64xf32, #tpu.memory_space<hbm>> -> memref<640x64xf32, #tpu.memory_space<hbm>>
        %dma_wait3A_294 = arith.constant 0 : i32
        %dma_wait3A_295 = arith.constant 0 : i32
        %dma_wait3A_296 = tpu.memref_slice %arg6[%dma_wait3A_294, %dma_wait3A_295] : memref<768x64xf32, #tpu.memory_space<vmem>> -> memref<640x64xf32, #tpu.memory_space<vmem>>
        tpu.wait_dma2 semaphore(%arg9 : memref<!tpu.dma_semaphore, #tpu.memory_space<semaphore_mem>>) src(%dma_wait3A_296 : memref<640x64xf32, #tpu.memory_space<vmem>>) dst(%dma_wait3A_293 : memref<640x64xf32, #tpu.memory_space<hbm>>)
      } else {
      }
      %dma_start3A = arith.constant 0 : i32
      %dma_start3A_49 = arith.constant 0 : i32
      %dma_start3A_50 = arith.constant 0 : i32
      %dma_start3A_51 = tpu.memref_slice %arg6[%dma_start3A_49, %dma_start3A_50] : memref<768x64xf32, #tpu.memory_space<vmem>> -> memref<128x64xf32, #tpu.memory_space<vmem>>
      %dma_start3A_52 = arith.constant 0 : i32
      %dma_start3A_53 = tpu.memref_slice %arg5[%dma_start3A, %dma_start3A_52] : memref<12x128xi32, #tpu.memory_space<vmem>> -> memref<1x128xi32, #tpu.memory_space<vmem>>
      %dma_start3A_54 = tpu.memref_squeeze %dma_start3A_53 : memref<1x128xi32, #tpu.memory_space<vmem>> -> memref<128xi32, #tpu.memory_space<vmem>>
      %dma_start3A_55 = arith.constant 0 : i32
      %dma_start3A_56 = arith.constant 0 : i32
      %dma_start3A_57 = tpu.memref_slice %arg2[%dma_start3A_55, %dma_start3A_56] : memref<1000000x64xf32, #tpu.memory_space<hbm>> -> memref<1000000x64xf32, #tpu.memory_space<hbm>>
      tpu.enqueue_indirect_dma source(%dma_start3A_57 : memref<1000000x64xf32, #tpu.memory_space<hbm>>) target(%dma_start3A_51 : memref<128x64xf32, #tpu.memory_space<vmem>>) offsets(%dma_start3A_54 : memref<128xi32, #tpu.memory_space<vmem>>) semaphore(%arg8 : memref<!tpu.dma_semaphore, #tpu.memory_space<semaphore_mem>>)
      %dma_start3A_58 = arith.constant 1 : i32
      %dma_start3A_59 = arith.constant 128 : i32
      %dma_start3A_60 = arith.constant 0 : i32
      %dma_start3A_61 = tpu.memref_slice %arg6[%dma_start3A_59, %dma_start3A_60] : memref<768x64xf32, #tpu.memory_space<vmem>> -> memref<128x64xf32, #tpu.memory_space<vmem>>
      %dma_start3A_62 = arith.constant 0 : i32
      %dma_start3A_63 = tpu.memref_slice %arg5[%dma_start3A_58, %dma_start3A_62] : memref<12x128xi32, #tpu.memory_space<vmem>> -> memref<1x128xi32, #tpu.memory_space<vmem>>
      %dma_start3A_64 = tpu.memref_squeeze %dma_start3A_63 : memref<1x128xi32, #tpu.memory_space<vmem>> -> memref<128xi32, #tpu.memory_space<vmem>>
      %dma_start3A_65 = arith.constant 0 : i32
      %dma_start3A_66 = arith.constant 0 : i32
      %dma_start3A_67 = tpu.memref_slice %arg2[%dma_start3A_65, %dma_start3A_66] : memref<1000000x64xf32, #tpu.memory_space<hbm>> -> memref<1000000x64xf32, #tpu.memory_space<hbm>>
      tpu.enqueue_indirect_dma source(%dma_start3A_67 : memref<1000000x64xf32, #tpu.memory_space<hbm>>) target(%dma_start3A_61 : memref<128x64xf32, #tpu.memory_space<vmem>>) offsets(%dma_start3A_64 : memref<128xi32, #tpu.memory_space<vmem>>) semaphore(%arg8 : memref<!tpu.dma_semaphore, #tpu.memory_space<semaphore_mem>>)
      %dma_start3A_68 = arith.constant 2 : i32
      %dma_start3A_69 = arith.constant 256 : i32
      %dma_start3A_70 = arith.constant 0 : i32
      %dma_start3A_71 = tpu.memref_slice %arg6[%dma_start3A_69, %dma_start3A_70] : memref<768x64xf32, #tpu.memory_space<vmem>> -> memref<128x64xf32, #tpu.memory_space<vmem>>
      %dma_start3A_72 = arith.constant 0 : i32
      %dma_start3A_73 = tpu.memref_slice %arg5[%dma_start3A_68, %dma_start3A_72] : memref<12x128xi32, #tpu.memory_space<vmem>> -> memref<1x128xi32, #tpu.memory_space<vmem>>
      %dma_start3A_74 = tpu.memref_squeeze %dma_start3A_73 : memref<1x128xi32, #tpu.memory_space<vmem>> -> memref<128xi32, #tpu.memory_space<vmem>>
      %dma_start3A_75 = arith.constant 0 : i32
      %dma_start3A_76 = arith.constant 0 : i32
      %dma_start3A_77 = tpu.memref_slice %arg2[%dma_start3A_75, %dma_start3A_76] : memref<1000000x64xf32, #tpu.memory_space<hbm>> -> memref<1000000x64xf32, #tpu.memory_space<hbm>>
      tpu.enqueue_indirect_dma source(%dma_start3A_77 : memref<1000000x64xf32, #tpu.memory_space<hbm>>) target(%dma_start3A_71 : memref<128x64xf32, #tpu.memory_space<vmem>>) offsets(%dma_start3A_74 : memref<128xi32, #tpu.memory_space<vmem>>) semaphore(%arg8 : memref<!tpu.dma_semaphore, #tpu.memory_space<semaphore_mem>>)
      %dma_start3A_78 = arith.constant 3 : i32
      %dma_start3A_79 = arith.constant 384 : i32
      %dma_start3A_80 = arith.constant 0 : i32
      %dma_start3A_81 = tpu.memref_slice %arg6[%dma_start3A_79, %dma_start3A_80] : memref<768x64xf32, #tpu.memory_space<vmem>> -> memref<128x64xf32, #tpu.memory_space<vmem>>
      %dma_start3A_82 = arith.constant 0 : i32
      %dma_start3A_83 = tpu.memref_slice %arg5[%dma_start3A_78, %dma_start3A_82] : memref<12x128xi32, #tpu.memory_space<vmem>> -> memref<1x128xi32, #tpu.memory_space<vmem>>
      %dma_start3A_84 = tpu.memref_squeeze %dma_start3A_83 : memref<1x128xi32, #tpu.memory_space<vmem>> -> memref<128xi32, #tpu.memory_space<vmem>>
      %dma_start3A_85 = arith.constant 0 : i32
      %dma_start3A_86 = arith.constant 0 : i32
      %dma_start3A_87 = tpu.memref_slice %arg2[%dma_start3A_85, %dma_start3A_86] : memref<1000000x64xf32, #tpu.memory_space<hbm>> -> memref<1000000x64xf32, #tpu.memory_space<hbm>>
      tpu.enqueue_indirect_dma source(%dma_start3A_87 : memref<1000000x64xf32, #tpu.memory_space<hbm>>) target(%dma_start3A_81 : memref<128x64xf32, #tpu.memory_space<vmem>>) offsets(%dma_start3A_84 : memref<128xi32, #tpu.memory_space<vmem>>) semaphore(%arg8 : memref<!tpu.dma_semaphore, #tpu.memory_space<semaphore_mem>>)
      %dma_start3A_88 = arith.constant 4 : i32
      %dma_start3A_89 = arith.constant 512 : i32
      %dma_start3A_90 = arith.constant 0 : i32
      %dma_start3A_91 = tpu.memref_slice %arg6[%dma_start3A_89, %dma_start3A_90] : memref<768x64xf32, #tpu.memory_space<vmem>> -> memref<128x64xf32, #tpu.memory_space<vmem>>
      %dma_start3A_92 = arith.constant 0 : i32
      %dma_start3A_93 = tpu.memref_slice %arg5[%dma_start3A_88, %dma_start3A_92] : memref<12x128xi32, #tpu.memory_space<vmem>> -> memref<1x128xi32, #tpu.memory_space<vmem>>
      %dma_start3A_94 = tpu.memref_squeeze %dma_start3A_93 : memref<1x128xi32, #tpu.memory_space<vmem>> -> memref<128xi32, #tpu.memory_space<vmem>>
      %dma_start3A_95 = arith.constant 0 : i32
      %dma_start3A_96 = arith.constant 0 : i32
      %dma_start3A_97 = tpu.memref_slice %arg2[%dma_start3A_95, %dma_start3A_96] : memref<1000000x64xf32, #tpu.memory_space<hbm>> -> memref<1000000x64xf32, #tpu.memory_space<hbm>>
      tpu.enqueue_indirect_dma source(%dma_start3A_97 : memref<1000000x64xf32, #tpu.memory_space<hbm>>) target(%dma_start3A_91 : memref<128x64xf32, #tpu.memory_space<vmem>>) offsets(%dma_start3A_94 : memref<128xi32, #tpu.memory_space<vmem>>) semaphore(%arg8 : memref<!tpu.dma_semaphore, #tpu.memory_space<semaphore_mem>>)
      %dma_wait3A_98 = arith.constant 0 : i32
      %dma_wait3A_99 = arith.constant 0 : i32
      %dma_wait3A_100 = arith.constant 0 : i32
      %dma_wait3A_101 = tpu.memref_slice %arg6[%dma_wait3A_99, %dma_wait3A_100] : memref<768x64xf32, #tpu.memory_space<vmem>> -> memref<128x64xf32, #tpu.memory_space<vmem>>
      %dma_wait3A_102 = arith.constant 0 : i32
      %dma_wait3A_103 = tpu.memref_slice %arg5[%dma_wait3A_98, %dma_wait3A_102] : memref<12x128xi32, #tpu.memory_space<vmem>> -> memref<1x128xi32, #tpu.memory_space<vmem>>
      %dma_wait3A_104 = tpu.memref_squeeze %dma_wait3A_103 : memref<1x128xi32, #tpu.memory_space<vmem>> -> memref<128xi32, #tpu.memory_space<vmem>>
      %dma_wait3A_105 = arith.constant 0 : i32
      %dma_wait3A_106 = arith.constant 0 : i32
      %dma_wait3A_107 = tpu.memref_slice %arg2[%dma_wait3A_105, %dma_wait3A_106] : memref<1000000x64xf32, #tpu.memory_space<hbm>> -> memref<1000000x64xf32, #tpu.memory_space<hbm>>
      tpu.wait_indirect_dma semaphore(%arg8 : memref<!tpu.dma_semaphore, #tpu.memory_space<semaphore_mem>>) src(%dma_wait3A_107 : memref<1000000x64xf32, #tpu.memory_space<hbm>>) dst(%dma_wait3A_101 : memref<128x64xf32, #tpu.memory_space<vmem>>)
      %dma_wait3A_108 = arith.constant 1 : i32
      %dma_wait3A_109 = arith.constant 128 : i32
      %dma_wait3A_110 = arith.constant 0 : i32
      %dma_wait3A_111 = tpu.memref_slice %arg6[%dma_wait3A_109, %dma_wait3A_110] : memref<768x64xf32, #tpu.memory_space<vmem>> -> memref<128x64xf32, #tpu.memory_space<vmem>>
      %dma_wait3A_112 = arith.constant 0 : i32
      %dma_wait3A_113 = tpu.memref_slice %arg5[%dma_wait3A_108, %dma_wait3A_112] : memref<12x128xi32, #tpu.memory_space<vmem>> -> memref<1x128xi32, #tpu.memory_space<vmem>>
      %dma_wait3A_114 = tpu.memref_squeeze %dma_wait3A_113 : memref<1x128xi32, #tpu.memory_space<vmem>> -> memref<128xi32, #tpu.memory_space<vmem>>
      %dma_wait3A_115 = arith.constant 0 : i32
      %dma_wait3A_116 = arith.constant 0 : i32
      %dma_wait3A_117 = tpu.memref_slice %arg2[%dma_wait3A_115, %dma_wait3A_116] : memref<1000000x64xf32, #tpu.memory_space<hbm>> -> memref<1000000x64xf32, #tpu.memory_space<hbm>>
      tpu.wait_indirect_dma semaphore(%arg8 : memref<!tpu.dma_semaphore, #tpu.memory_space<semaphore_mem>>) src(%dma_wait3A_117 : memref<1000000x64xf32, #tpu.memory_space<hbm>>) dst(%dma_wait3A_111 : memref<128x64xf32, #tpu.memory_space<vmem>>)
      %dma_wait3A_118 = arith.constant 2 : i32
      %dma_wait3A_119 = arith.constant 256 : i32
      %dma_wait3A_120 = arith.constant 0 : i32
      %dma_wait3A_121 = tpu.memref_slice %arg6[%dma_wait3A_119, %dma_wait3A_120] : memref<768x64xf32, #tpu.memory_space<vmem>> -> memref<128x64xf32, #tpu.memory_space<vmem>>
      %dma_wait3A_122 = arith.constant 0 : i32
      %dma_wait3A_123 = tpu.memref_slice %arg5[%dma_wait3A_118, %dma_wait3A_122] : memref<12x128xi32, #tpu.memory_space<vmem>> -> memref<1x128xi32, #tpu.memory_space<vmem>>
      %dma_wait3A_124 = tpu.memref_squeeze %dma_wait3A_123 : memref<1x128xi32, #tpu.memory_space<vmem>> -> memref<128xi32, #tpu.memory_space<vmem>>
      %dma_wait3A_125 = arith.constant 0 : i32
      %dma_wait3A_126 = arith.constant 0 : i32
      %dma_wait3A_127 = tpu.memref_slice %arg2[%dma_wait3A_125, %dma_wait3A_126] : memref<1000000x64xf32, #tpu.memory_space<hbm>> -> memref<1000000x64xf32, #tpu.memory_space<hbm>>
      tpu.wait_indirect_dma semaphore(%arg8 : memref<!tpu.dma_semaphore, #tpu.memory_space<semaphore_mem>>) src(%dma_wait3A_127 : memref<1000000x64xf32, #tpu.memory_space<hbm>>) dst(%dma_wait3A_121 : memref<128x64xf32, #tpu.memory_space<vmem>>)
      %dma_wait3A_128 = arith.constant 3 : i32
      %dma_wait3A_129 = arith.constant 384 : i32
      %dma_wait3A_130 = arith.constant 0 : i32
      %dma_wait3A_131 = tpu.memref_slice %arg6[%dma_wait3A_129, %dma_wait3A_130] : memref<768x64xf32, #tpu.memory_space<vmem>> -> memref<128x64xf32, #tpu.memory_space<vmem>>
      %dma_wait3A_132 = arith.constant 0 : i32
      %dma_wait3A_133 = tpu.memref_slice %arg5[%dma_wait3A_128, %dma_wait3A_132] : memref<12x128xi32, #tpu.memory_space<vmem>> -> memref<1x128xi32, #tpu.memory_space<vmem>>
      %dma_wait3A_134 = tpu.memref_squeeze %dma_wait3A_133 : memref<1x128xi32, #tpu.memory_space<vmem>> -> memref<128xi32, #tpu.memory_space<vmem>>
      %dma_wait3A_135 = arith.constant 0 : i32
      %dma_wait3A_136 = arith.constant 0 : i32
      %dma_wait3A_137 = tpu.memref_slice %arg2[%dma_wait3A_135, %dma_wait3A_136] : memref<1000000x64xf32, #tpu.memory_space<hbm>> -> memref<1000000x64xf32, #tpu.memory_space<hbm>>
      tpu.wait_indirect_dma semaphore(%arg8 : memref<!tpu.dma_semaphore, #tpu.memory_space<semaphore_mem>>) src(%dma_wait3A_137 : memref<1000000x64xf32, #tpu.memory_space<hbm>>) dst(%dma_wait3A_131 : memref<128x64xf32, #tpu.memory_space<vmem>>)
      %dma_wait3A_138 = arith.constant 4 : i32
      %dma_wait3A_139 = arith.constant 512 : i32
      %dma_wait3A_140 = arith.constant 0 : i32
      %dma_wait3A_141 = tpu.memref_slice %arg6[%dma_wait3A_139, %dma_wait3A_140] : memref<768x64xf32, #tpu.memory_space<vmem>> -> memref<128x64xf32, #tpu.memory_space<vmem>>
      %dma_wait3A_142 = arith.constant 0 : i32
      %dma_wait3A_143 = tpu.memref_slice %arg5[%dma_wait3A_138, %dma_wait3A_142] : memref<12x128xi32, #tpu.memory_space<vmem>> -> memref<1x128xi32, #tpu.memory_space<vmem>>
      %dma_wait3A_144 = tpu.memref_squeeze %dma_wait3A_143 : memref<1x128xi32, #tpu.memory_space<vmem>> -> memref<128xi32, #tpu.memory_space<vmem>>
      %dma_wait3A_145 = arith.constant 0 : i32
      %dma_wait3A_146 = arith.constant 0 : i32
      %dma_wait3A_147 = tpu.memref_slice %arg2[%dma_wait3A_145, %dma_wait3A_146] : memref<1000000x64xf32, #tpu.memory_space<hbm>> -> memref<1000000x64xf32, #tpu.memory_space<hbm>>
      tpu.wait_indirect_dma semaphore(%arg8 : memref<!tpu.dma_semaphore, #tpu.memory_space<semaphore_mem>>) src(%dma_wait3A_147 : memref<1000000x64xf32, #tpu.memory_space<hbm>>) dst(%dma_wait3A_141 : memref<128x64xf32, #tpu.memory_space<vmem>>)
      %mul3A_148 = arith.constant 128 : i32
      %mul3A_149 = arith.muli %add3A_46, %mul3A_148 : i32
      %dma_start3A_150 = arith.constant 0 : i32
      %dma_start3A_151 = arith.constant 0 : i32
      %dma_start3A_152 = tpu.memref_slice %arg6[%dma_start3A_150, %dma_start3A_151] : memref<768x64xf32, #tpu.memory_space<vmem>> -> memref<640x64xf32, #tpu.memory_space<vmem>>
      %dma_start3A_153 = arith.constant 0 : i32
      %dma_start3A_154 = tpu.memref_slice %arg4[%mul3A_149, %dma_start3A_153] : memref<204800x64xf32, #tpu.memory_space<hbm>> -> memref<640x64xf32, #tpu.memory_space<hbm>>
      %dma_start3A_155 = arith.constant 0 : i32
      %dma_start3A_156 = tpu.memref_slice %arg4[%mul3A_149, %dma_start3A_155] : memref<204800x64xf32, #tpu.memory_space<hbm>> -> memref<640x64xf32, #tpu.memory_space<hbm>>
      %dma_start3A_157 = arith.constant 0 : i32
      %dma_start3A_158 = arith.constant 0 : i32
      %dma_start3A_159 = tpu.memref_slice %arg6[%dma_start3A_157, %dma_start3A_158] : memref<768x64xf32, #tpu.memory_space<vmem>> -> memref<640x64xf32, #tpu.memory_space<vmem>>
      tpu.enqueue_dma source(%dma_start3A_159 : memref<640x64xf32, #tpu.memory_space<vmem>>) target(%dma_start3A_156 : memref<640x64xf32, #tpu.memory_space<hbm>>) target_semaphore(%arg9 : memref<!tpu.dma_semaphore, #tpu.memory_space<semaphore_mem>>)
      %mul3A_160 = arith.constant 2 : i32
      %mul3A_161 = arith.muli %scan3A_34, %mul3A_160 : i32
      %add3A_162 = arith.constant 1 : i32
      %add3A_163 = arith.addi %mul3A_161, %add3A_162 : i32
      %mul3A_164 = arith.constant 5 : i32
      %mul3A_165 = arith.muli %add3A_163, %mul3A_164 : i32
      %add3A_166 = arith.addi %mul3A_2, %mul3A_165 : i32
      %ge3A_167 = arith.constant 1 : i32
      %ge3A_168 = arith.cmpi sge, %scan3A_34, %ge3A_167 : i32
      %convert_element_type3A_169 = arith.extui %ge3A_168 : i1 to i32
      %cond3A_170 = arith.constant 0 : i32
      %cond3A_171 = arith.cmpi ne, %convert_element_type3A_169, %cond3A_170 : i32
      scf.if %cond3A_171 {
        %sub3A = arith.constant 10 : i32
        %sub3A_284 = arith.subi %add3A_166, %sub3A : i32
        %mul3A_285 = arith.constant 128 : i32
        %mul3A_286 = arith.muli %sub3A_284, %mul3A_285 : i32
        %dma_wait3A_287 = arith.constant 0 : i32
        %dma_wait3A_288 = arith.constant 0 : i32
        %dma_wait3A_289 = tpu.memref_slice %arg7[%dma_wait3A_287, %dma_wait3A_288] : memref<768x64xf32, #tpu.memory_space<vmem>> -> memref<640x64xf32, #tpu.memory_space<vmem>>
        %dma_wait3A_290 = arith.constant 0 : i32
        %dma_wait3A_291 = tpu.memref_slice %arg4[%mul3A_286, %dma_wait3A_290] : memref<204800x64xf32, #tpu.memory_space<hbm>> -> memref<640x64xf32, #tpu.memory_space<hbm>>
        %dma_wait3A_292 = arith.constant 0 : i32
        %dma_wait3A_293 = tpu.memref_slice %arg4[%mul3A_286, %dma_wait3A_292] : memref<204800x64xf32, #tpu.memory_space<hbm>> -> memref<640x64xf32, #tpu.memory_space<hbm>>
        %dma_wait3A_294 = arith.constant 0 : i32
        %dma_wait3A_295 = arith.constant 0 : i32
        %dma_wait3A_296 = tpu.memref_slice %arg7[%dma_wait3A_294, %dma_wait3A_295] : memref<768x64xf32, #tpu.memory_space<vmem>> -> memref<640x64xf32, #tpu.memory_space<vmem>>
        tpu.wait_dma2 semaphore(%arg10 : memref<!tpu.dma_semaphore, #tpu.memory_space<semaphore_mem>>) src(%dma_wait3A_296 : memref<640x64xf32, #tpu.memory_space<vmem>>) dst(%dma_wait3A_293 : memref<640x64xf32, #tpu.memory_space<hbm>>)
      } else {
      }
      %dma_start3A_172 = arith.constant 5 : i32
      %dma_start3A_173 = arith.constant 0 : i32
      %dma_start3A_174 = arith.constant 0 : i32
      %dma_start3A_175 = tpu.memref_slice %arg7[%dma_start3A_173, %dma_start3A_174] : memref<768x64xf32, #tpu.memory_space<vmem>> -> memref<128x64xf32, #tpu.memory_space<vmem>>
      %dma_start3A_176 = arith.constant 0 : i32
      %dma_start3A_177 = tpu.memref_slice %arg5[%dma_start3A_172, %dma_start3A_176] : memref<12x128xi32, #tpu.memory_space<vmem>> -> memref<1x128xi32, #tpu.memory_space<vmem>>
      %dma_start3A_178 = tpu.memref_squeeze %dma_start3A_177 : memref<1x128xi32, #tpu.memory_space<vmem>> -> memref<128xi32, #tpu.memory_space<vmem>>
      %dma_start3A_179 = arith.constant 0 : i32
      %dma_start3A_180 = arith.constant 0 : i32
      %dma_start3A_181 = tpu.memref_slice %arg2[%dma_start3A_179, %dma_start3A_180] : memref<1000000x64xf32, #tpu.memory_space<hbm>> -> memref<1000000x64xf32, #tpu.memory_space<hbm>>
      tpu.enqueue_indirect_dma source(%dma_start3A_181 : memref<1000000x64xf32, #tpu.memory_space<hbm>>) target(%dma_start3A_175 : memref<128x64xf32, #tpu.memory_space<vmem>>) offsets(%dma_start3A_178 : memref<128xi32, #tpu.memory_space<vmem>>) semaphore(%arg8 : memref<!tpu.dma_semaphore, #tpu.memory_space<semaphore_mem>>)
      %dma_start3A_182 = arith.constant 6 : i32
      %dma_start3A_183 = arith.constant 128 : i32
      %dma_start3A_184 = arith.constant 0 : i32
      %dma_start3A_185 = tpu.memref_slice %arg7[%dma_start3A_183, %dma_start3A_184] : memref<768x64xf32, #tpu.memory_space<vmem>> -> memref<128x64xf32, #tpu.memory_space<vmem>>
      %dma_start3A_186 = arith.constant 0 : i32
      %dma_start3A_187 = tpu.memref_slice %arg5[%dma_start3A_182, %dma_start3A_186] : memref<12x128xi32, #tpu.memory_space<vmem>> -> memref<1x128xi32, #tpu.memory_space<vmem>>
      %dma_start3A_188 = tpu.memref_squeeze %dma_start3A_187 : memref<1x128xi32, #tpu.memory_space<vmem>> -> memref<128xi32, #tpu.memory_space<vmem>>
      %dma_start3A_189 = arith.constant 0 : i32
      %dma_start3A_190 = arith.constant 0 : i32
      %dma_start3A_191 = tpu.memref_slice %arg2[%dma_start3A_189, %dma_start3A_190] : memref<1000000x64xf32, #tpu.memory_space<hbm>> -> memref<1000000x64xf32, #tpu.memory_space<hbm>>
      tpu.enqueue_indirect_dma source(%dma_start3A_191 : memref<1000000x64xf32, #tpu.memory_space<hbm>>) target(%dma_start3A_185 : memref<128x64xf32, #tpu.memory_space<vmem>>) offsets(%dma_start3A_188 : memref<128xi32, #tpu.memory_space<vmem>>) semaphore(%arg8 : memref<!tpu.dma_semaphore, #tpu.memory_space<semaphore_mem>>)
      %dma_start3A_192 = arith.constant 7 : i32
      %dma_start3A_193 = arith.constant 256 : i32
      %dma_start3A_194 = arith.constant 0 : i32
      %dma_start3A_195 = tpu.memref_slice %arg7[%dma_start3A_193, %dma_start3A_194] : memref<768x64xf32, #tpu.memory_space<vmem>> -> memref<128x64xf32, #tpu.memory_space<vmem>>
      %dma_start3A_196 = arith.constant 0 : i32
      %dma_start3A_197 = tpu.memref_slice %arg5[%dma_start3A_192, %dma_start3A_196] : memref<12x128xi32, #tpu.memory_space<vmem>> -> memref<1x128xi32, #tpu.memory_space<vmem>>
      %dma_start3A_198 = tpu.memref_squeeze %dma_start3A_197 : memref<1x128xi32, #tpu.memory_space<vmem>> -> memref<128xi32, #tpu.memory_space<vmem>>
      %dma_start3A_199 = arith.constant 0 : i32
      %dma_start3A_200 = arith.constant 0 : i32
      %dma_start3A_201 = tpu.memref_slice %arg2[%dma_start3A_199, %dma_start3A_200] : memref<1000000x64xf32, #tpu.memory_space<hbm>> -> memref<1000000x64xf32, #tpu.memory_space<hbm>>
      tpu.enqueue_indirect_dma source(%dma_start3A_201 : memref<1000000x64xf32, #tpu.memory_space<hbm>>) target(%dma_start3A_195 : memref<128x64xf32, #tpu.memory_space<vmem>>) offsets(%dma_start3A_198 : memref<128xi32, #tpu.memory_space<vmem>>) semaphore(%arg8 : memref<!tpu.dma_semaphore, #tpu.memory_space<semaphore_mem>>)
      %dma_start3A_202 = arith.constant 8 : i32
      %dma_start3A_203 = arith.constant 384 : i32
      %dma_start3A_204 = arith.constant 0 : i32
      %dma_start3A_205 = tpu.memref_slice %arg7[%dma_start3A_203, %dma_start3A_204] : memref<768x64xf32, #tpu.memory_space<vmem>> -> memref<128x64xf32, #tpu.memory_space<vmem>>
      %dma_start3A_206 = arith.constant 0 : i32
      %dma_start3A_207 = tpu.memref_slice %arg5[%dma_start3A_202, %dma_start3A_206] : memref<12x128xi32, #tpu.memory_space<vmem>> -> memref<1x128xi32, #tpu.memory_space<vmem>>
      %dma_start3A_208 = tpu.memref_squeeze %dma_start3A_207 : memref<1x128xi32, #tpu.memory_space<vmem>> -> memref<128xi32, #tpu.memory_space<vmem>>
      %dma_start3A_209 = arith.constant 0 : i32
      %dma_start3A_210 = arith.constant 0 : i32
      %dma_start3A_211 = tpu.memref_slice %arg2[%dma_start3A_209, %dma_start3A_210] : memref<1000000x64xf32, #tpu.memory_space<hbm>> -> memref<1000000x64xf32, #tpu.memory_space<hbm>>
      tpu.enqueue_indirect_dma source(%dma_start3A_211 : memref<1000000x64xf32, #tpu.memory_space<hbm>>) target(%dma_start3A_205 : memref<128x64xf32, #tpu.memory_space<vmem>>) offsets(%dma_start3A_208 : memref<128xi32, #tpu.memory_space<vmem>>) semaphore(%arg8 : memref<!tpu.dma_semaphore, #tpu.memory_space<semaphore_mem>>)
      %dma_start3A_212 = arith.constant 9 : i32
      %dma_start3A_213 = arith.constant 512 : i32
      %dma_start3A_214 = arith.constant 0 : i32
      %dma_start3A_215 = tpu.memref_slice %arg7[%dma_start3A_213, %dma_start3A_214] : memref<768x64xf32, #tpu.memory_space<vmem>> -> memref<128x64xf32, #tpu.memory_space<vmem>>
      %dma_start3A_216 = arith.constant 0 : i32
      %dma_start3A_217 = tpu.memref_slice %arg5[%dma_start3A_212, %dma_start3A_216] : memref<12x128xi32, #tpu.memory_space<vmem>> -> memref<1x128xi32, #tpu.memory_space<vmem>>
      %dma_start3A_218 = tpu.memref_squeeze %dma_start3A_217 : memref<1x128xi32, #tpu.memory_space<vmem>> -> memref<128xi32, #tpu.memory_space<vmem>>
      %dma_start3A_219 = arith.constant 0 : i32
      %dma_start3A_220 = arith.constant 0 : i32
      %dma_start3A_221 = tpu.memref_slice %arg2[%dma_start3A_219, %dma_start3A_220] : memref<1000000x64xf32, #tpu.memory_space<hbm>> -> memref<1000000x64xf32, #tpu.memory_space<hbm>>
      tpu.enqueue_indirect_dma source(%dma_start3A_221 : memref<1000000x64xf32, #tpu.memory_space<hbm>>) target(%dma_start3A_215 : memref<128x64xf32, #tpu.memory_space<vmem>>) offsets(%dma_start3A_218 : memref<128xi32, #tpu.memory_space<vmem>>) semaphore(%arg8 : memref<!tpu.dma_semaphore, #tpu.memory_space<semaphore_mem>>)
      %dma_wait3A_222 = arith.constant 5 : i32
      %dma_wait3A_223 = arith.constant 0 : i32
      %dma_wait3A_224 = arith.constant 0 : i32
      %dma_wait3A_225 = tpu.memref_slice %arg7[%dma_wait3A_223, %dma_wait3A_224] : memref<768x64xf32, #tpu.memory_space<vmem>> -> memref<128x64xf32, #tpu.memory_space<vmem>>
      %dma_wait3A_226 = arith.constant 0 : i32
      %dma_wait3A_227 = tpu.memref_slice %arg5[%dma_wait3A_222, %dma_wait3A_226] : memref<12x128xi32, #tpu.memory_space<vmem>> -> memref<1x128xi32, #tpu.memory_space<vmem>>
      %dma_wait3A_228 = tpu.memref_squeeze %dma_wait3A_227 : memref<1x128xi32, #tpu.memory_space<vmem>> -> memref<128xi32, #tpu.memory_space<vmem>>
      %dma_wait3A_229 = arith.constant 0 : i32
      %dma_wait3A_230 = arith.constant 0 : i32
      %dma_wait3A_231 = tpu.memref_slice %arg2[%dma_wait3A_229, %dma_wait3A_230] : memref<1000000x64xf32, #tpu.memory_space<hbm>> -> memref<1000000x64xf32, #tpu.memory_space<hbm>>
      tpu.wait_indirect_dma semaphore(%arg8 : memref<!tpu.dma_semaphore, #tpu.memory_space<semaphore_mem>>) src(%dma_wait3A_231 : memref<1000000x64xf32, #tpu.memory_space<hbm>>) dst(%dma_wait3A_225 : memref<128x64xf32, #tpu.memory_space<vmem>>)
      %dma_wait3A_232 = arith.constant 6 : i32
      %dma_wait3A_233 = arith.constant 128 : i32
      %dma_wait3A_234 = arith.constant 0 : i32
      %dma_wait3A_235 = tpu.memref_slice %arg7[%dma_wait3A_233, %dma_wait3A_234] : memref<768x64xf32, #tpu.memory_space<vmem>> -> memref<128x64xf32, #tpu.memory_space<vmem>>
      %dma_wait3A_236 = arith.constant 0 : i32
      %dma_wait3A_237 = tpu.memref_slice %arg5[%dma_wait3A_232, %dma_wait3A_236] : memref<12x128xi32, #tpu.memory_space<vmem>> -> memref<1x128xi32, #tpu.memory_space<vmem>>
      %dma_wait3A_238 = tpu.memref_squeeze %dma_wait3A_237 : memref<1x128xi32, #tpu.memory_space<vmem>> -> memref<128xi32, #tpu.memory_space<vmem>>
      %dma_wait3A_239 = arith.constant 0 : i32
      %dma_wait3A_240 = arith.constant 0 : i32
      %dma_wait3A_241 = tpu.memref_slice %arg2[%dma_wait3A_239, %dma_wait3A_240] : memref<1000000x64xf32, #tpu.memory_space<hbm>> -> memref<1000000x64xf32, #tpu.memory_space<hbm>>
      tpu.wait_indirect_dma semaphore(%arg8 : memref<!tpu.dma_semaphore, #tpu.memory_space<semaphore_mem>>) src(%dma_wait3A_241 : memref<1000000x64xf32, #tpu.memory_space<hbm>>) dst(%dma_wait3A_235 : memref<128x64xf32, #tpu.memory_space<vmem>>)
      %dma_wait3A_242 = arith.constant 7 : i32
      %dma_wait3A_243 = arith.constant 256 : i32
      %dma_wait3A_244 = arith.constant 0 : i32
      %dma_wait3A_245 = tpu.memref_slice %arg7[%dma_wait3A_243, %dma_wait3A_244] : memref<768x64xf32, #tpu.memory_space<vmem>> -> memref<128x64xf32, #tpu.memory_space<vmem>>
      %dma_wait3A_246 = arith.constant 0 : i32
      %dma_wait3A_247 = tpu.memref_slice %arg5[%dma_wait3A_242, %dma_wait3A_246] : memref<12x128xi32, #tpu.memory_space<vmem>> -> memref<1x128xi32, #tpu.memory_space<vmem>>
      %dma_wait3A_248 = tpu.memref_squeeze %dma_wait3A_247 : memref<1x128xi32, #tpu.memory_space<vmem>> -> memref<128xi32, #tpu.memory_space<vmem>>
      %dma_wait3A_249 = arith.constant 0 : i32
      %dma_wait3A_250 = arith.constant 0 : i32
      %dma_wait3A_251 = tpu.memref_slice %arg2[%dma_wait3A_249, %dma_wait3A_250] : memref<1000000x64xf32, #tpu.memory_space<hbm>> -> memref<1000000x64xf32, #tpu.memory_space<hbm>>
      tpu.wait_indirect_dma semaphore(%arg8 : memref<!tpu.dma_semaphore, #tpu.memory_space<semaphore_mem>>) src(%dma_wait3A_251 : memref<1000000x64xf32, #tpu.memory_space<hbm>>) dst(%dma_wait3A_245 : memref<128x64xf32, #tpu.memory_space<vmem>>)
      %dma_wait3A_252 = arith.constant 8 : i32
      %dma_wait3A_253 = arith.constant 384 : i32
      %dma_wait3A_254 = arith.constant 0 : i32
      %dma_wait3A_255 = tpu.memref_slice %arg7[%dma_wait3A_253, %dma_wait3A_254] : memref<768x64xf32, #tpu.memory_space<vmem>> -> memref<128x64xf32, #tpu.memory_space<vmem>>
      %dma_wait3A_256 = arith.constant 0 : i32
      %dma_wait3A_257 = tpu.memref_slice %arg5[%dma_wait3A_252, %dma_wait3A_256] : memref<12x128xi32, #tpu.memory_space<vmem>> -> memref<1x128xi32, #tpu.memory_space<vmem>>
      %dma_wait3A_258 = tpu.memref_squeeze %dma_wait3A_257 : memref<1x128xi32, #tpu.memory_space<vmem>> -> memref<128xi32, #tpu.memory_space<vmem>>
      %dma_wait3A_259 = arith.constant 0 : i32
      %dma_wait3A_260 = arith.constant 0 : i32
      %dma_wait3A_261 = tpu.memref_slice %arg2[%dma_wait3A_259, %dma_wait3A_260] : memref<1000000x64xf32, #tpu.memory_space<hbm>> -> memref<1000000x64xf32, #tpu.memory_space<hbm>>
      tpu.wait_indirect_dma semaphore(%arg8 : memref<!tpu.dma_semaphore, #tpu.memory_space<semaphore_mem>>) src(%dma_wait3A_261 : memref<1000000x64xf32, #tpu.memory_space<hbm>>) dst(%dma_wait3A_255 : memref<128x64xf32, #tpu.memory_space<vmem>>)
      %dma_wait3A_262 = arith.constant 9 : i32
      %dma_wait3A_263 = arith.constant 512 : i32
      %dma_wait3A_264 = arith.constant 0 : i32
      %dma_wait3A_265 = tpu.memref_slice %arg7[%dma_wait3A_263, %dma_wait3A_264] : memref<768x64xf32, #tpu.memory_space<vmem>> -> memref<128x64xf32, #tpu.memory_space<vmem>>
      %dma_wait3A_266 = arith.constant 0 : i32
      %dma_wait3A_267 = tpu.memref_slice %arg5[%dma_wait3A_262, %dma_wait3A_266] : memref<12x128xi32, #tpu.memory_space<vmem>> -> memref<1x128xi32, #tpu.memory_space<vmem>>
      %dma_wait3A_268 = tpu.memref_squeeze %dma_wait3A_267 : memref<1x128xi32, #tpu.memory_space<vmem>> -> memref<128xi32, #tpu.memory_space<vmem>>
      %dma_wait3A_269 = arith.constant 0 : i32
      %dma_wait3A_270 = arith.constant 0 : i32
      %dma_wait3A_271 = tpu.memref_slice %arg2[%dma_wait3A_269, %dma_wait3A_270] : memref<1000000x64xf32, #tpu.memory_space<hbm>> -> memref<1000000x64xf32, #tpu.memory_space<hbm>>
      tpu.wait_indirect_dma semaphore(%arg8 : memref<!tpu.dma_semaphore, #tpu.memory_space<semaphore_mem>>) src(%dma_wait3A_271 : memref<1000000x64xf32, #tpu.memory_space<hbm>>) dst(%dma_wait3A_265 : memref<128x64xf32, #tpu.memory_space<vmem>>)
      %mul3A_272 = arith.constant 128 : i32
      %mul3A_273 = arith.muli %add3A_166, %mul3A_272 : i32
      %dma_start3A_274 = arith.constant 0 : i32
      %dma_start3A_275 = arith.constant 0 : i32
      %dma_start3A_276 = tpu.memref_slice %arg7[%dma_start3A_274, %dma_start3A_275] : memref<768x64xf32, #tpu.memory_space<vmem>> -> memref<640x64xf32, #tpu.memory_space<vmem>>
      %dma_start3A_277 = arith.constant 0 : i32
      %dma_start3A_278 = tpu.memref_slice %arg4[%mul3A_273, %dma_start3A_277] : memref<204800x64xf32, #tpu.memory_space<hbm>> -> memref<640x64xf32, #tpu.memory_space<hbm>>
      %dma_start3A_279 = arith.constant 0 : i32
      %dma_start3A_280 = tpu.memref_slice %arg4[%mul3A_273, %dma_start3A_279] : memref<204800x64xf32, #tpu.memory_space<hbm>> -> memref<640x64xf32, #tpu.memory_space<hbm>>
      %dma_start3A_281 = arith.constant 0 : i32
      %dma_start3A_282 = arith.constant 0 : i32
      %dma_start3A_283 = tpu.memref_slice %arg7[%dma_start3A_281, %dma_start3A_282] : memref<768x64xf32, #tpu.memory_space<vmem>> -> memref<640x64xf32, #tpu.memory_space<vmem>>
      tpu.enqueue_dma source(%dma_start3A_283 : memref<640x64xf32, #tpu.memory_space<vmem>>) target(%dma_start3A_280 : memref<640x64xf32, #tpu.memory_space<hbm>>) target_semaphore(%arg10 : memref<!tpu.dma_semaphore, #tpu.memory_space<semaphore_mem>>)
    }
    %scan3A_6 = arith.constant 5 : i32
    %add3A_7 = arith.constant 40 : i32
    %add3A_8 = arith.addi %mul3A_2, %add3A_7 : i32
    %mul3A_9 = arith.constant 128 : i32
    %mul3A_10 = arith.muli %add3A_8, %mul3A_9 : i32
    %dma_wait3A = arith.constant 0 : i32
    %dma_wait3A_11 = arith.constant 0 : i32
    %dma_wait3A_12 = tpu.memref_slice %arg6[%dma_wait3A, %dma_wait3A_11] : memref<768x64xf32, #tpu.memory_space<vmem>> -> memref<640x64xf32, #tpu.memory_space<vmem>>
    %dma_wait3A_13 = arith.constant 0 : i32
    %dma_wait3A_14 = tpu.memref_slice %arg4[%mul3A_10, %dma_wait3A_13] : memref<204800x64xf32, #tpu.memory_space<hbm>> -> memref<640x64xf32, #tpu.memory_space<hbm>>
    %dma_wait3A_15 = arith.constant 0 : i32
    %dma_wait3A_16 = tpu.memref_slice %arg4[%mul3A_10, %dma_wait3A_15] : memref<204800x64xf32, #tpu.memory_space<hbm>> -> memref<640x64xf32, #tpu.memory_space<hbm>>
    %dma_wait3A_17 = arith.constant 0 : i32
    %dma_wait3A_18 = arith.constant 0 : i32
    %dma_wait3A_19 = tpu.memref_slice %arg6[%dma_wait3A_17, %dma_wait3A_18] : memref<768x64xf32, #tpu.memory_space<vmem>> -> memref<640x64xf32, #tpu.memory_space<vmem>>
    tpu.wait_dma2 semaphore(%arg9 : memref<!tpu.dma_semaphore, #tpu.memory_space<semaphore_mem>>) src(%dma_wait3A_19 : memref<640x64xf32, #tpu.memory_space<vmem>>) dst(%dma_wait3A_16 : memref<640x64xf32, #tpu.memory_space<hbm>>)
    %add3A_20 = arith.constant 45 : i32
    %add3A_21 = arith.addi %mul3A_2, %add3A_20 : i32
    %mul3A_22 = arith.constant 128 : i32
    %mul3A_23 = arith.muli %add3A_21, %mul3A_22 : i32
    %dma_wait3A_24 = arith.constant 0 : i32
    %dma_wait3A_25 = arith.constant 0 : i32
    %dma_wait3A_26 = tpu.memref_slice %arg7[%dma_wait3A_24, %dma_wait3A_25] : memref<768x64xf32, #tpu.memory_space<vmem>> -> memref<640x64xf32, #tpu.memory_space<vmem>>
    %dma_wait3A_27 = arith.constant 0 : i32
    %dma_wait3A_28 = tpu.memref_slice %arg4[%mul3A_23, %dma_wait3A_27] : memref<204800x64xf32, #tpu.memory_space<hbm>> -> memref<640x64xf32, #tpu.memory_space<hbm>>
    %dma_wait3A_29 = arith.constant 0 : i32
    %dma_wait3A_30 = tpu.memref_slice %arg4[%mul3A_23, %dma_wait3A_29] : memref<204800x64xf32, #tpu.memory_space<hbm>> -> memref<640x64xf32, #tpu.memory_space<hbm>>
    %dma_wait3A_31 = arith.constant 0 : i32
    %dma_wait3A_32 = arith.constant 0 : i32
    %dma_wait3A_33 = tpu.memref_slice %arg7[%dma_wait3A_31, %dma_wait3A_32] : memref<768x64xf32, #tpu.memory_space<vmem>> -> memref<640x64xf32, #tpu.memory_space<vmem>>
    tpu.wait_dma2 semaphore(%arg10 : memref<!tpu.dma_semaphore, #tpu.memory_space<semaphore_mem>>) src(%dma_wait3A_33 : memref<640x64xf32, #tpu.memory_space<vmem>>) dst(%dma_wait3A_30 : memref<640x64xf32, #tpu.memory_space<hbm>>)
    return
  }
}

#map = affine_map<(d0, d1) -> (0, 0)>
module attributes {stable_mosaic.version = 14 : i64} {
  func.func @body(%arg0: i32, %arg1: i32, %arg2: memref<100000x64xf32, #tpu.memory_space<hbm>>, %arg3: memref<512x128xi32, #tpu.memory_space<hbm>>, %arg4: memref<65536x64xf32, #tpu.memory_space<hbm>>, %arg5: memref<12x128xi32, #tpu.memory_space<vmem>>, %arg6: memref<768x64xf32, #tpu.memory_space<vmem>>, %arg7: memref<768x64xf32, #tpu.memory_space<vmem>>, %arg8: memref<!tpu.dma_semaphore, #tpu.memory_space<semaphore_mem>>, %arg9: memref<!tpu.dma_semaphore, #tpu.memory_space<semaphore_mem>>, %arg10: memref<!tpu.dma_semaphore, #tpu.memory_space<semaphore_mem>>) attributes {dimension_semantics = [#tpu.dimension_semantics<core_parallel>, #tpu.dimension_semantics<subcore_parallel>], iteration_bounds = array<i64: 2, 16>, scalar_prefetch = 0 : i64, scratch_operands = 6 : i64, tpu.core_type = #tpu.core_type<sc_vector_subcore>, window_params = [{transform_indices = #map}, {transform_indices = #map}, {transform_indices = #map}]} {
    %mul3A = arith.constant 2 : i32
    %mul3A_0 = arith.muli %arg1, %mul3A : i32
    %add3A = arith.addi %mul3A_0, %arg0 : i32
    %mul3A_1 = arith.constant 16 : i32
    %mul3A_2 = arith.muli %add3A, %mul3A_1 : i32
    %scan3A = arith.constant 0 : i32
    %scan3A_3 = arith.constant 2 : i32
    %scan3A_4 = arith.addi %scan3A, %scan3A_3 : i32
    %scan3A_5 = arith.constant 1 : i32
    scf.for %scan3A_34 = %scan3A to %scan3A_4 step %scan3A_5  : i32 {
      %mul3A_35 = arith.constant 2 : i32
      %mul3A_36 = arith.muli %scan3A_34, %mul3A_35 : i32
      %mul3A_37 = arith.constant 4 : i32
      %mul3A_38 = arith.muli %mul3A_36, %mul3A_37 : i32
      %add3A_39 = arith.addi %mul3A_2, %mul3A_38 : i32
      "tpu.region"() ({
        %run_scoped3A = tpu.sem_alloc : memref<!tpu.dma_semaphore, #tpu.memory_space<semaphore_mem>>
        %dma_start3A_244 = arith.constant 0 : i32
        %dma_start3A_245 = arith.constant 0 : i32
        %dma_start3A_246 = tpu.memref_slice %arg5[%dma_start3A_244, %dma_start3A_245] : memref<12x128xi32, #tpu.memory_space<vmem>> -> memref<8x128xi32, #tpu.memory_space<vmem>>
        %dma_start3A_247 = arith.constant 0 : i32
        %dma_start3A_248 = tpu.memref_slice %arg3[%add3A_39, %dma_start3A_247] : memref<512x128xi32, #tpu.memory_space<hbm>> -> memref<8x128xi32, #tpu.memory_space<hbm>>
        %dma_start3A_249 = arith.constant 0 : i32
        %dma_start3A_250 = arith.constant 0 : i32
        %dma_start3A_251 = tpu.memref_slice %arg5[%dma_start3A_249, %dma_start3A_250] : memref<12x128xi32, #tpu.memory_space<vmem>> -> memref<8x128xi32, #tpu.memory_space<vmem>>
        %dma_start3A_252 = arith.constant 0 : i32
        %dma_start3A_253 = tpu.memref_slice %arg3[%add3A_39, %dma_start3A_252] : memref<512x128xi32, #tpu.memory_space<hbm>> -> memref<8x128xi32, #tpu.memory_space<hbm>>
        tpu.enqueue_dma source(%dma_start3A_253 : memref<8x128xi32, #tpu.memory_space<hbm>>) target(%dma_start3A_251 : memref<8x128xi32, #tpu.memory_space<vmem>>) target_semaphore(%run_scoped3A : memref<!tpu.dma_semaphore, #tpu.memory_space<semaphore_mem>>)
        %dma_wait3A_254 = arith.constant 0 : i32
        %dma_wait3A_255 = arith.constant 0 : i32
        %dma_wait3A_256 = tpu.memref_slice %arg5[%dma_wait3A_254, %dma_wait3A_255] : memref<12x128xi32, #tpu.memory_space<vmem>> -> memref<8x128xi32, #tpu.memory_space<vmem>>
        %dma_wait3A_257 = arith.constant 0 : i32
        %dma_wait3A_258 = tpu.memref_slice %arg3[%add3A_39, %dma_wait3A_257] : memref<512x128xi32, #tpu.memory_space<hbm>> -> memref<8x128xi32, #tpu.memory_space<hbm>>
        %dma_wait3A_259 = arith.constant 0 : i32
        %dma_wait3A_260 = arith.constant 0 : i32
        %dma_wait3A_261 = tpu.memref_slice %arg5[%dma_wait3A_259, %dma_wait3A_260] : memref<12x128xi32, #tpu.memory_space<vmem>> -> memref<8x128xi32, #tpu.memory_space<vmem>>
        %dma_wait3A_262 = arith.constant 0 : i32
        %dma_wait3A_263 = tpu.memref_slice %arg3[%add3A_39, %dma_wait3A_262] : memref<512x128xi32, #tpu.memory_space<hbm>> -> memref<8x128xi32, #tpu.memory_space<hbm>>
        tpu.wait_dma2 semaphore(%run_scoped3A : memref<!tpu.dma_semaphore, #tpu.memory_space<semaphore_mem>>) src(%dma_wait3A_263 : memref<8x128xi32, #tpu.memory_space<hbm>>) dst(%dma_wait3A_261 : memref<8x128xi32, #tpu.memory_space<vmem>>)
        tpu.yield
      }) : () -> ()
      %mul3A_40 = arith.constant 2 : i32
      %mul3A_41 = arith.muli %scan3A_34, %mul3A_40 : i32
      %add3A_42 = arith.constant 0 : i32
      %add3A_43 = arith.addi %mul3A_41, %add3A_42 : i32
      %mul3A_44 = arith.constant 4 : i32
      %mul3A_45 = arith.muli %add3A_43, %mul3A_44 : i32
      %add3A_46 = arith.addi %mul3A_2, %mul3A_45 : i32
      %ge3A = arith.constant 1 : i32
      %ge3A_47 = arith.cmpi sge, %scan3A_34, %ge3A : i32
      %convert_element_type3A = arith.extui %ge3A_47 : i1 to i32
      %cond3A = arith.constant 0 : i32
      %cond3A_48 = arith.cmpi ne, %convert_element_type3A, %cond3A : i32
      scf.if %cond3A_48 {
        %sub3A = arith.constant 8 : i32
        %sub3A_244 = arith.subi %add3A_46, %sub3A : i32
        %mul3A_245 = arith.constant 128 : i32
        %mul3A_246 = arith.muli %sub3A_244, %mul3A_245 : i32
        %dma_wait3A_247 = arith.constant 0 : i32
        %dma_wait3A_248 = arith.constant 0 : i32
        %dma_wait3A_249 = tpu.memref_slice %arg6[%dma_wait3A_247, %dma_wait3A_248] : memref<768x64xf32, #tpu.memory_space<vmem>> -> memref<512x64xf32, #tpu.memory_space<vmem>>
        %dma_wait3A_250 = arith.constant 0 : i32
        %dma_wait3A_251 = tpu.memref_slice %arg4[%mul3A_246, %dma_wait3A_250] : memref<65536x64xf32, #tpu.memory_space<hbm>> -> memref<512x64xf32, #tpu.memory_space<hbm>>
        %dma_wait3A_252 = arith.constant 0 : i32
        %dma_wait3A_253 = tpu.memref_slice %arg4[%mul3A_246, %dma_wait3A_252] : memref<65536x64xf32, #tpu.memory_space<hbm>> -> memref<512x64xf32, #tpu.memory_space<hbm>>
        %dma_wait3A_254 = arith.constant 0 : i32
        %dma_wait3A_255 = arith.constant 0 : i32
        %dma_wait3A_256 = tpu.memref_slice %arg6[%dma_wait3A_254, %dma_wait3A_255] : memref<768x64xf32, #tpu.memory_space<vmem>> -> memref<512x64xf32, #tpu.memory_space<vmem>>
        tpu.wait_dma2 semaphore(%arg9 : memref<!tpu.dma_semaphore, #tpu.memory_space<semaphore_mem>>) src(%dma_wait3A_256 : memref<512x64xf32, #tpu.memory_space<vmem>>) dst(%dma_wait3A_253 : memref<512x64xf32, #tpu.memory_space<hbm>>)
      } else {
      }
      %dma_start3A = arith.constant 0 : i32
      %dma_start3A_49 = arith.constant 0 : i32
      %dma_start3A_50 = arith.constant 0 : i32
      %dma_start3A_51 = tpu.memref_slice %arg6[%dma_start3A_49, %dma_start3A_50] : memref<768x64xf32, #tpu.memory_space<vmem>> -> memref<128x64xf32, #tpu.memory_space<vmem>>
      %dma_start3A_52 = arith.constant 0 : i32
      %dma_start3A_53 = tpu.memref_slice %arg5[%dma_start3A, %dma_start3A_52] : memref<12x128xi32, #tpu.memory_space<vmem>> -> memref<1x128xi32, #tpu.memory_space<vmem>>
      %dma_start3A_54 = tpu.memref_squeeze %dma_start3A_53 : memref<1x128xi32, #tpu.memory_space<vmem>> -> memref<128xi32, #tpu.memory_space<vmem>>
      %dma_start3A_55 = arith.constant 0 : i32
      %dma_start3A_56 = arith.constant 0 : i32
      %dma_start3A_57 = tpu.memref_slice %arg2[%dma_start3A_55, %dma_start3A_56] : memref<100000x64xf32, #tpu.memory_space<hbm>> -> memref<100000x64xf32, #tpu.memory_space<hbm>>
      tpu.enqueue_indirect_dma source(%dma_start3A_57 : memref<100000x64xf32, #tpu.memory_space<hbm>>) target(%dma_start3A_51 : memref<128x64xf32, #tpu.memory_space<vmem>>) offsets(%dma_start3A_54 : memref<128xi32, #tpu.memory_space<vmem>>) semaphore(%arg8 : memref<!tpu.dma_semaphore, #tpu.memory_space<semaphore_mem>>)
      %dma_start3A_58 = arith.constant 1 : i32
      %dma_start3A_59 = arith.constant 128 : i32
      %dma_start3A_60 = arith.constant 0 : i32
      %dma_start3A_61 = tpu.memref_slice %arg6[%dma_start3A_59, %dma_start3A_60] : memref<768x64xf32, #tpu.memory_space<vmem>> -> memref<128x64xf32, #tpu.memory_space<vmem>>
      %dma_start3A_62 = arith.constant 0 : i32
      %dma_start3A_63 = tpu.memref_slice %arg5[%dma_start3A_58, %dma_start3A_62] : memref<12x128xi32, #tpu.memory_space<vmem>> -> memref<1x128xi32, #tpu.memory_space<vmem>>
      %dma_start3A_64 = tpu.memref_squeeze %dma_start3A_63 : memref<1x128xi32, #tpu.memory_space<vmem>> -> memref<128xi32, #tpu.memory_space<vmem>>
      %dma_start3A_65 = arith.constant 0 : i32
      %dma_start3A_66 = arith.constant 0 : i32
      %dma_start3A_67 = tpu.memref_slice %arg2[%dma_start3A_65, %dma_start3A_66] : memref<100000x64xf32, #tpu.memory_space<hbm>> -> memref<100000x64xf32, #tpu.memory_space<hbm>>
      tpu.enqueue_indirect_dma source(%dma_start3A_67 : memref<100000x64xf32, #tpu.memory_space<hbm>>) target(%dma_start3A_61 : memref<128x64xf32, #tpu.memory_space<vmem>>) offsets(%dma_start3A_64 : memref<128xi32, #tpu.memory_space<vmem>>) semaphore(%arg8 : memref<!tpu.dma_semaphore, #tpu.memory_space<semaphore_mem>>)
      %dma_start3A_68 = arith.constant 2 : i32
      %dma_start3A_69 = arith.constant 256 : i32
      %dma_start3A_70 = arith.constant 0 : i32
      %dma_start3A_71 = tpu.memref_slice %arg6[%dma_start3A_69, %dma_start3A_70] : memref<768x64xf32, #tpu.memory_space<vmem>> -> memref<128x64xf32, #tpu.memory_space<vmem>>
      %dma_start3A_72 = arith.constant 0 : i32
      %dma_start3A_73 = tpu.memref_slice %arg5[%dma_start3A_68, %dma_start3A_72] : memref<12x128xi32, #tpu.memory_space<vmem>> -> memref<1x128xi32, #tpu.memory_space<vmem>>
      %dma_start3A_74 = tpu.memref_squeeze %dma_start3A_73 : memref<1x128xi32, #tpu.memory_space<vmem>> -> memref<128xi32, #tpu.memory_space<vmem>>
      %dma_start3A_75 = arith.constant 0 : i32
      %dma_start3A_76 = arith.constant 0 : i32
      %dma_start3A_77 = tpu.memref_slice %arg2[%dma_start3A_75, %dma_start3A_76] : memref<100000x64xf32, #tpu.memory_space<hbm>> -> memref<100000x64xf32, #tpu.memory_space<hbm>>
      tpu.enqueue_indirect_dma source(%dma_start3A_77 : memref<100000x64xf32, #tpu.memory_space<hbm>>) target(%dma_start3A_71 : memref<128x64xf32, #tpu.memory_space<vmem>>) offsets(%dma_start3A_74 : memref<128xi32, #tpu.memory_space<vmem>>) semaphore(%arg8 : memref<!tpu.dma_semaphore, #tpu.memory_space<semaphore_mem>>)
      %dma_start3A_78 = arith.constant 3 : i32
      %dma_start3A_79 = arith.constant 384 : i32
      %dma_start3A_80 = arith.constant 0 : i32
      %dma_start3A_81 = tpu.memref_slice %arg6[%dma_start3A_79, %dma_start3A_80] : memref<768x64xf32, #tpu.memory_space<vmem>> -> memref<128x64xf32, #tpu.memory_space<vmem>>
      %dma_start3A_82 = arith.constant 0 : i32
      %dma_start3A_83 = tpu.memref_slice %arg5[%dma_start3A_78, %dma_start3A_82] : memref<12x128xi32, #tpu.memory_space<vmem>> -> memref<1x128xi32, #tpu.memory_space<vmem>>
      %dma_start3A_84 = tpu.memref_squeeze %dma_start3A_83 : memref<1x128xi32, #tpu.memory_space<vmem>> -> memref<128xi32, #tpu.memory_space<vmem>>
      %dma_start3A_85 = arith.constant 0 : i32
      %dma_start3A_86 = arith.constant 0 : i32
      %dma_start3A_87 = tpu.memref_slice %arg2[%dma_start3A_85, %dma_start3A_86] : memref<100000x64xf32, #tpu.memory_space<hbm>> -> memref<100000x64xf32, #tpu.memory_space<hbm>>
      tpu.enqueue_indirect_dma source(%dma_start3A_87 : memref<100000x64xf32, #tpu.memory_space<hbm>>) target(%dma_start3A_81 : memref<128x64xf32, #tpu.memory_space<vmem>>) offsets(%dma_start3A_84 : memref<128xi32, #tpu.memory_space<vmem>>) semaphore(%arg8 : memref<!tpu.dma_semaphore, #tpu.memory_space<semaphore_mem>>)
      %dma_wait3A_88 = arith.constant 0 : i32
      %dma_wait3A_89 = arith.constant 0 : i32
      %dma_wait3A_90 = arith.constant 0 : i32
      %dma_wait3A_91 = tpu.memref_slice %arg6[%dma_wait3A_89, %dma_wait3A_90] : memref<768x64xf32, #tpu.memory_space<vmem>> -> memref<128x64xf32, #tpu.memory_space<vmem>>
      %dma_wait3A_92 = arith.constant 0 : i32
      %dma_wait3A_93 = tpu.memref_slice %arg5[%dma_wait3A_88, %dma_wait3A_92] : memref<12x128xi32, #tpu.memory_space<vmem>> -> memref<1x128xi32, #tpu.memory_space<vmem>>
      %dma_wait3A_94 = tpu.memref_squeeze %dma_wait3A_93 : memref<1x128xi32, #tpu.memory_space<vmem>> -> memref<128xi32, #tpu.memory_space<vmem>>
      %dma_wait3A_95 = arith.constant 0 : i32
      %dma_wait3A_96 = arith.constant 0 : i32
      %dma_wait3A_97 = tpu.memref_slice %arg2[%dma_wait3A_95, %dma_wait3A_96] : memref<100000x64xf32, #tpu.memory_space<hbm>> -> memref<100000x64xf32, #tpu.memory_space<hbm>>
      tpu.wait_indirect_dma semaphore(%arg8 : memref<!tpu.dma_semaphore, #tpu.memory_space<semaphore_mem>>) src(%dma_wait3A_97 : memref<100000x64xf32, #tpu.memory_space<hbm>>) dst(%dma_wait3A_91 : memref<128x64xf32, #tpu.memory_space<vmem>>)
      %dma_wait3A_98 = arith.constant 1 : i32
      %dma_wait3A_99 = arith.constant 128 : i32
      %dma_wait3A_100 = arith.constant 0 : i32
      %dma_wait3A_101 = tpu.memref_slice %arg6[%dma_wait3A_99, %dma_wait3A_100] : memref<768x64xf32, #tpu.memory_space<vmem>> -> memref<128x64xf32, #tpu.memory_space<vmem>>
      %dma_wait3A_102 = arith.constant 0 : i32
      %dma_wait3A_103 = tpu.memref_slice %arg5[%dma_wait3A_98, %dma_wait3A_102] : memref<12x128xi32, #tpu.memory_space<vmem>> -> memref<1x128xi32, #tpu.memory_space<vmem>>
      %dma_wait3A_104 = tpu.memref_squeeze %dma_wait3A_103 : memref<1x128xi32, #tpu.memory_space<vmem>> -> memref<128xi32, #tpu.memory_space<vmem>>
      %dma_wait3A_105 = arith.constant 0 : i32
      %dma_wait3A_106 = arith.constant 0 : i32
      %dma_wait3A_107 = tpu.memref_slice %arg2[%dma_wait3A_105, %dma_wait3A_106] : memref<100000x64xf32, #tpu.memory_space<hbm>> -> memref<100000x64xf32, #tpu.memory_space<hbm>>
      tpu.wait_indirect_dma semaphore(%arg8 : memref<!tpu.dma_semaphore, #tpu.memory_space<semaphore_mem>>) src(%dma_wait3A_107 : memref<100000x64xf32, #tpu.memory_space<hbm>>) dst(%dma_wait3A_101 : memref<128x64xf32, #tpu.memory_space<vmem>>)
      %dma_wait3A_108 = arith.constant 2 : i32
      %dma_wait3A_109 = arith.constant 256 : i32
      %dma_wait3A_110 = arith.constant 0 : i32
      %dma_wait3A_111 = tpu.memref_slice %arg6[%dma_wait3A_109, %dma_wait3A_110] : memref<768x64xf32, #tpu.memory_space<vmem>> -> memref<128x64xf32, #tpu.memory_space<vmem>>
      %dma_wait3A_112 = arith.constant 0 : i32
      %dma_wait3A_113 = tpu.memref_slice %arg5[%dma_wait3A_108, %dma_wait3A_112] : memref<12x128xi32, #tpu.memory_space<vmem>> -> memref<1x128xi32, #tpu.memory_space<vmem>>
      %dma_wait3A_114 = tpu.memref_squeeze %dma_wait3A_113 : memref<1x128xi32, #tpu.memory_space<vmem>> -> memref<128xi32, #tpu.memory_space<vmem>>
      %dma_wait3A_115 = arith.constant 0 : i32
      %dma_wait3A_116 = arith.constant 0 : i32
      %dma_wait3A_117 = tpu.memref_slice %arg2[%dma_wait3A_115, %dma_wait3A_116] : memref<100000x64xf32, #tpu.memory_space<hbm>> -> memref<100000x64xf32, #tpu.memory_space<hbm>>
      tpu.wait_indirect_dma semaphore(%arg8 : memref<!tpu.dma_semaphore, #tpu.memory_space<semaphore_mem>>) src(%dma_wait3A_117 : memref<100000x64xf32, #tpu.memory_space<hbm>>) dst(%dma_wait3A_111 : memref<128x64xf32, #tpu.memory_space<vmem>>)
      %dma_wait3A_118 = arith.constant 3 : i32
      %dma_wait3A_119 = arith.constant 384 : i32
      %dma_wait3A_120 = arith.constant 0 : i32
      %dma_wait3A_121 = tpu.memref_slice %arg6[%dma_wait3A_119, %dma_wait3A_120] : memref<768x64xf32, #tpu.memory_space<vmem>> -> memref<128x64xf32, #tpu.memory_space<vmem>>
      %dma_wait3A_122 = arith.constant 0 : i32
      %dma_wait3A_123 = tpu.memref_slice %arg5[%dma_wait3A_118, %dma_wait3A_122] : memref<12x128xi32, #tpu.memory_space<vmem>> -> memref<1x128xi32, #tpu.memory_space<vmem>>
      %dma_wait3A_124 = tpu.memref_squeeze %dma_wait3A_123 : memref<1x128xi32, #tpu.memory_space<vmem>> -> memref<128xi32, #tpu.memory_space<vmem>>
      %dma_wait3A_125 = arith.constant 0 : i32
      %dma_wait3A_126 = arith.constant 0 : i32
      %dma_wait3A_127 = tpu.memref_slice %arg2[%dma_wait3A_125, %dma_wait3A_126] : memref<100000x64xf32, #tpu.memory_space<hbm>> -> memref<100000x64xf32, #tpu.memory_space<hbm>>
      tpu.wait_indirect_dma semaphore(%arg8 : memref<!tpu.dma_semaphore, #tpu.memory_space<semaphore_mem>>) src(%dma_wait3A_127 : memref<100000x64xf32, #tpu.memory_space<hbm>>) dst(%dma_wait3A_121 : memref<128x64xf32, #tpu.memory_space<vmem>>)
      %mul3A_128 = arith.constant 128 : i32
      %mul3A_129 = arith.muli %add3A_46, %mul3A_128 : i32
      %dma_start3A_130 = arith.constant 0 : i32
      %dma_start3A_131 = arith.constant 0 : i32
      %dma_start3A_132 = tpu.memref_slice %arg6[%dma_start3A_130, %dma_start3A_131] : memref<768x64xf32, #tpu.memory_space<vmem>> -> memref<512x64xf32, #tpu.memory_space<vmem>>
      %dma_start3A_133 = arith.constant 0 : i32
      %dma_start3A_134 = tpu.memref_slice %arg4[%mul3A_129, %dma_start3A_133] : memref<65536x64xf32, #tpu.memory_space<hbm>> -> memref<512x64xf32, #tpu.memory_space<hbm>>
      %dma_start3A_135 = arith.constant 0 : i32
      %dma_start3A_136 = tpu.memref_slice %arg4[%mul3A_129, %dma_start3A_135] : memref<65536x64xf32, #tpu.memory_space<hbm>> -> memref<512x64xf32, #tpu.memory_space<hbm>>
      %dma_start3A_137 = arith.constant 0 : i32
      %dma_start3A_138 = arith.constant 0 : i32
      %dma_start3A_139 = tpu.memref_slice %arg6[%dma_start3A_137, %dma_start3A_138] : memref<768x64xf32, #tpu.memory_space<vmem>> -> memref<512x64xf32, #tpu.memory_space<vmem>>
      tpu.enqueue_dma source(%dma_start3A_139 : memref<512x64xf32, #tpu.memory_space<vmem>>) target(%dma_start3A_136 : memref<512x64xf32, #tpu.memory_space<hbm>>) target_semaphore(%arg9 : memref<!tpu.dma_semaphore, #tpu.memory_space<semaphore_mem>>)
      %mul3A_140 = arith.constant 2 : i32
      %mul3A_141 = arith.muli %scan3A_34, %mul3A_140 : i32
      %add3A_142 = arith.constant 1 : i32
      %add3A_143 = arith.addi %mul3A_141, %add3A_142 : i32
      %mul3A_144 = arith.constant 4 : i32
      %mul3A_145 = arith.muli %add3A_143, %mul3A_144 : i32
      %add3A_146 = arith.addi %mul3A_2, %mul3A_145 : i32
      %ge3A_147 = arith.constant 1 : i32
      %ge3A_148 = arith.cmpi sge, %scan3A_34, %ge3A_147 : i32
      %convert_element_type3A_149 = arith.extui %ge3A_148 : i1 to i32
      %cond3A_150 = arith.constant 0 : i32
      %cond3A_151 = arith.cmpi ne, %convert_element_type3A_149, %cond3A_150 : i32
      scf.if %cond3A_151 {
        %sub3A = arith.constant 8 : i32
        %sub3A_244 = arith.subi %add3A_146, %sub3A : i32
        %mul3A_245 = arith.constant 128 : i32
        %mul3A_246 = arith.muli %sub3A_244, %mul3A_245 : i32
        %dma_wait3A_247 = arith.constant 0 : i32
        %dma_wait3A_248 = arith.constant 0 : i32
        %dma_wait3A_249 = tpu.memref_slice %arg7[%dma_wait3A_247, %dma_wait3A_248] : memref<768x64xf32, #tpu.memory_space<vmem>> -> memref<512x64xf32, #tpu.memory_space<vmem>>
        %dma_wait3A_250 = arith.constant 0 : i32
        %dma_wait3A_251 = tpu.memref_slice %arg4[%mul3A_246, %dma_wait3A_250] : memref<65536x64xf32, #tpu.memory_space<hbm>> -> memref<512x64xf32, #tpu.memory_space<hbm>>
        %dma_wait3A_252 = arith.constant 0 : i32
        %dma_wait3A_253 = tpu.memref_slice %arg4[%mul3A_246, %dma_wait3A_252] : memref<65536x64xf32, #tpu.memory_space<hbm>> -> memref<512x64xf32, #tpu.memory_space<hbm>>
        %dma_wait3A_254 = arith.constant 0 : i32
        %dma_wait3A_255 = arith.constant 0 : i32
        %dma_wait3A_256 = tpu.memref_slice %arg7[%dma_wait3A_254, %dma_wait3A_255] : memref<768x64xf32, #tpu.memory_space<vmem>> -> memref<512x64xf32, #tpu.memory_space<vmem>>
        tpu.wait_dma2 semaphore(%arg10 : memref<!tpu.dma_semaphore, #tpu.memory_space<semaphore_mem>>) src(%dma_wait3A_256 : memref<512x64xf32, #tpu.memory_space<vmem>>) dst(%dma_wait3A_253 : memref<512x64xf32, #tpu.memory_space<hbm>>)
      } else {
      }
      %dma_start3A_152 = arith.constant 4 : i32
      %dma_start3A_153 = arith.constant 0 : i32
      %dma_start3A_154 = arith.constant 0 : i32
      %dma_start3A_155 = tpu.memref_slice %arg7[%dma_start3A_153, %dma_start3A_154] : memref<768x64xf32, #tpu.memory_space<vmem>> -> memref<128x64xf32, #tpu.memory_space<vmem>>
      %dma_start3A_156 = arith.constant 0 : i32
      %dma_start3A_157 = tpu.memref_slice %arg5[%dma_start3A_152, %dma_start3A_156] : memref<12x128xi32, #tpu.memory_space<vmem>> -> memref<1x128xi32, #tpu.memory_space<vmem>>
      %dma_start3A_158 = tpu.memref_squeeze %dma_start3A_157 : memref<1x128xi32, #tpu.memory_space<vmem>> -> memref<128xi32, #tpu.memory_space<vmem>>
      %dma_start3A_159 = arith.constant 0 : i32
      %dma_start3A_160 = arith.constant 0 : i32
      %dma_start3A_161 = tpu.memref_slice %arg2[%dma_start3A_159, %dma_start3A_160] : memref<100000x64xf32, #tpu.memory_space<hbm>> -> memref<100000x64xf32, #tpu.memory_space<hbm>>
      tpu.enqueue_indirect_dma source(%dma_start3A_161 : memref<100000x64xf32, #tpu.memory_space<hbm>>) target(%dma_start3A_155 : memref<128x64xf32, #tpu.memory_space<vmem>>) offsets(%dma_start3A_158 : memref<128xi32, #tpu.memory_space<vmem>>) semaphore(%arg8 : memref<!tpu.dma_semaphore, #tpu.memory_space<semaphore_mem>>)
      %dma_start3A_162 = arith.constant 5 : i32
      %dma_start3A_163 = arith.constant 128 : i32
      %dma_start3A_164 = arith.constant 0 : i32
      %dma_start3A_165 = tpu.memref_slice %arg7[%dma_start3A_163, %dma_start3A_164] : memref<768x64xf32, #tpu.memory_space<vmem>> -> memref<128x64xf32, #tpu.memory_space<vmem>>
      %dma_start3A_166 = arith.constant 0 : i32
      %dma_start3A_167 = tpu.memref_slice %arg5[%dma_start3A_162, %dma_start3A_166] : memref<12x128xi32, #tpu.memory_space<vmem>> -> memref<1x128xi32, #tpu.memory_space<vmem>>
      %dma_start3A_168 = tpu.memref_squeeze %dma_start3A_167 : memref<1x128xi32, #tpu.memory_space<vmem>> -> memref<128xi32, #tpu.memory_space<vmem>>
      %dma_start3A_169 = arith.constant 0 : i32
      %dma_start3A_170 = arith.constant 0 : i32
      %dma_start3A_171 = tpu.memref_slice %arg2[%dma_start3A_169, %dma_start3A_170] : memref<100000x64xf32, #tpu.memory_space<hbm>> -> memref<100000x64xf32, #tpu.memory_space<hbm>>
      tpu.enqueue_indirect_dma source(%dma_start3A_171 : memref<100000x64xf32, #tpu.memory_space<hbm>>) target(%dma_start3A_165 : memref<128x64xf32, #tpu.memory_space<vmem>>) offsets(%dma_start3A_168 : memref<128xi32, #tpu.memory_space<vmem>>) semaphore(%arg8 : memref<!tpu.dma_semaphore, #tpu.memory_space<semaphore_mem>>)
      %dma_start3A_172 = arith.constant 6 : i32
      %dma_start3A_173 = arith.constant 256 : i32
      %dma_start3A_174 = arith.constant 0 : i32
      %dma_start3A_175 = tpu.memref_slice %arg7[%dma_start3A_173, %dma_start3A_174] : memref<768x64xf32, #tpu.memory_space<vmem>> -> memref<128x64xf32, #tpu.memory_space<vmem>>
      %dma_start3A_176 = arith.constant 0 : i32
      %dma_start3A_177 = tpu.memref_slice %arg5[%dma_start3A_172, %dma_start3A_176] : memref<12x128xi32, #tpu.memory_space<vmem>> -> memref<1x128xi32, #tpu.memory_space<vmem>>
      %dma_start3A_178 = tpu.memref_squeeze %dma_start3A_177 : memref<1x128xi32, #tpu.memory_space<vmem>> -> memref<128xi32, #tpu.memory_space<vmem>>
      %dma_start3A_179 = arith.constant 0 : i32
      %dma_start3A_180 = arith.constant 0 : i32
      %dma_start3A_181 = tpu.memref_slice %arg2[%dma_start3A_179, %dma_start3A_180] : memref<100000x64xf32, #tpu.memory_space<hbm>> -> memref<100000x64xf32, #tpu.memory_space<hbm>>
      tpu.enqueue_indirect_dma source(%dma_start3A_181 : memref<100000x64xf32, #tpu.memory_space<hbm>>) target(%dma_start3A_175 : memref<128x64xf32, #tpu.memory_space<vmem>>) offsets(%dma_start3A_178 : memref<128xi32, #tpu.memory_space<vmem>>) semaphore(%arg8 : memref<!tpu.dma_semaphore, #tpu.memory_space<semaphore_mem>>)
      %dma_start3A_182 = arith.constant 7 : i32
      %dma_start3A_183 = arith.constant 384 : i32
      %dma_start3A_184 = arith.constant 0 : i32
      %dma_start3A_185 = tpu.memref_slice %arg7[%dma_start3A_183, %dma_start3A_184] : memref<768x64xf32, #tpu.memory_space<vmem>> -> memref<128x64xf32, #tpu.memory_space<vmem>>
      %dma_start3A_186 = arith.constant 0 : i32
      %dma_start3A_187 = tpu.memref_slice %arg5[%dma_start3A_182, %dma_start3A_186] : memref<12x128xi32, #tpu.memory_space<vmem>> -> memref<1x128xi32, #tpu.memory_space<vmem>>
      %dma_start3A_188 = tpu.memref_squeeze %dma_start3A_187 : memref<1x128xi32, #tpu.memory_space<vmem>> -> memref<128xi32, #tpu.memory_space<vmem>>
      %dma_start3A_189 = arith.constant 0 : i32
      %dma_start3A_190 = arith.constant 0 : i32
      %dma_start3A_191 = tpu.memref_slice %arg2[%dma_start3A_189, %dma_start3A_190] : memref<100000x64xf32, #tpu.memory_space<hbm>> -> memref<100000x64xf32, #tpu.memory_space<hbm>>
      tpu.enqueue_indirect_dma source(%dma_start3A_191 : memref<100000x64xf32, #tpu.memory_space<hbm>>) target(%dma_start3A_185 : memref<128x64xf32, #tpu.memory_space<vmem>>) offsets(%dma_start3A_188 : memref<128xi32, #tpu.memory_space<vmem>>) semaphore(%arg8 : memref<!tpu.dma_semaphore, #tpu.memory_space<semaphore_mem>>)
      %dma_wait3A_192 = arith.constant 4 : i32
      %dma_wait3A_193 = arith.constant 0 : i32
      %dma_wait3A_194 = arith.constant 0 : i32
      %dma_wait3A_195 = tpu.memref_slice %arg7[%dma_wait3A_193, %dma_wait3A_194] : memref<768x64xf32, #tpu.memory_space<vmem>> -> memref<128x64xf32, #tpu.memory_space<vmem>>
      %dma_wait3A_196 = arith.constant 0 : i32
      %dma_wait3A_197 = tpu.memref_slice %arg5[%dma_wait3A_192, %dma_wait3A_196] : memref<12x128xi32, #tpu.memory_space<vmem>> -> memref<1x128xi32, #tpu.memory_space<vmem>>
      %dma_wait3A_198 = tpu.memref_squeeze %dma_wait3A_197 : memref<1x128xi32, #tpu.memory_space<vmem>> -> memref<128xi32, #tpu.memory_space<vmem>>
      %dma_wait3A_199 = arith.constant 0 : i32
      %dma_wait3A_200 = arith.constant 0 : i32
      %dma_wait3A_201 = tpu.memref_slice %arg2[%dma_wait3A_199, %dma_wait3A_200] : memref<100000x64xf32, #tpu.memory_space<hbm>> -> memref<100000x64xf32, #tpu.memory_space<hbm>>
      tpu.wait_indirect_dma semaphore(%arg8 : memref<!tpu.dma_semaphore, #tpu.memory_space<semaphore_mem>>) src(%dma_wait3A_201 : memref<100000x64xf32, #tpu.memory_space<hbm>>) dst(%dma_wait3A_195 : memref<128x64xf32, #tpu.memory_space<vmem>>)
      %dma_wait3A_202 = arith.constant 5 : i32
      %dma_wait3A_203 = arith.constant 128 : i32
      %dma_wait3A_204 = arith.constant 0 : i32
      %dma_wait3A_205 = tpu.memref_slice %arg7[%dma_wait3A_203, %dma_wait3A_204] : memref<768x64xf32, #tpu.memory_space<vmem>> -> memref<128x64xf32, #tpu.memory_space<vmem>>
      %dma_wait3A_206 = arith.constant 0 : i32
      %dma_wait3A_207 = tpu.memref_slice %arg5[%dma_wait3A_202, %dma_wait3A_206] : memref<12x128xi32, #tpu.memory_space<vmem>> -> memref<1x128xi32, #tpu.memory_space<vmem>>
      %dma_wait3A_208 = tpu.memref_squeeze %dma_wait3A_207 : memref<1x128xi32, #tpu.memory_space<vmem>> -> memref<128xi32, #tpu.memory_space<vmem>>
      %dma_wait3A_209 = arith.constant 0 : i32
      %dma_wait3A_210 = arith.constant 0 : i32
      %dma_wait3A_211 = tpu.memref_slice %arg2[%dma_wait3A_209, %dma_wait3A_210] : memref<100000x64xf32, #tpu.memory_space<hbm>> -> memref<100000x64xf32, #tpu.memory_space<hbm>>
      tpu.wait_indirect_dma semaphore(%arg8 : memref<!tpu.dma_semaphore, #tpu.memory_space<semaphore_mem>>) src(%dma_wait3A_211 : memref<100000x64xf32, #tpu.memory_space<hbm>>) dst(%dma_wait3A_205 : memref<128x64xf32, #tpu.memory_space<vmem>>)
      %dma_wait3A_212 = arith.constant 6 : i32
      %dma_wait3A_213 = arith.constant 256 : i32
      %dma_wait3A_214 = arith.constant 0 : i32
      %dma_wait3A_215 = tpu.memref_slice %arg7[%dma_wait3A_213, %dma_wait3A_214] : memref<768x64xf32, #tpu.memory_space<vmem>> -> memref<128x64xf32, #tpu.memory_space<vmem>>
      %dma_wait3A_216 = arith.constant 0 : i32
      %dma_wait3A_217 = tpu.memref_slice %arg5[%dma_wait3A_212, %dma_wait3A_216] : memref<12x128xi32, #tpu.memory_space<vmem>> -> memref<1x128xi32, #tpu.memory_space<vmem>>
      %dma_wait3A_218 = tpu.memref_squeeze %dma_wait3A_217 : memref<1x128xi32, #tpu.memory_space<vmem>> -> memref<128xi32, #tpu.memory_space<vmem>>
      %dma_wait3A_219 = arith.constant 0 : i32
      %dma_wait3A_220 = arith.constant 0 : i32
      %dma_wait3A_221 = tpu.memref_slice %arg2[%dma_wait3A_219, %dma_wait3A_220] : memref<100000x64xf32, #tpu.memory_space<hbm>> -> memref<100000x64xf32, #tpu.memory_space<hbm>>
      tpu.wait_indirect_dma semaphore(%arg8 : memref<!tpu.dma_semaphore, #tpu.memory_space<semaphore_mem>>) src(%dma_wait3A_221 : memref<100000x64xf32, #tpu.memory_space<hbm>>) dst(%dma_wait3A_215 : memref<128x64xf32, #tpu.memory_space<vmem>>)
      %dma_wait3A_222 = arith.constant 7 : i32
      %dma_wait3A_223 = arith.constant 384 : i32
      %dma_wait3A_224 = arith.constant 0 : i32
      %dma_wait3A_225 = tpu.memref_slice %arg7[%dma_wait3A_223, %dma_wait3A_224] : memref<768x64xf32, #tpu.memory_space<vmem>> -> memref<128x64xf32, #tpu.memory_space<vmem>>
      %dma_wait3A_226 = arith.constant 0 : i32
      %dma_wait3A_227 = tpu.memref_slice %arg5[%dma_wait3A_222, %dma_wait3A_226] : memref<12x128xi32, #tpu.memory_space<vmem>> -> memref<1x128xi32, #tpu.memory_space<vmem>>
      %dma_wait3A_228 = tpu.memref_squeeze %dma_wait3A_227 : memref<1x128xi32, #tpu.memory_space<vmem>> -> memref<128xi32, #tpu.memory_space<vmem>>
      %dma_wait3A_229 = arith.constant 0 : i32
      %dma_wait3A_230 = arith.constant 0 : i32
      %dma_wait3A_231 = tpu.memref_slice %arg2[%dma_wait3A_229, %dma_wait3A_230] : memref<100000x64xf32, #tpu.memory_space<hbm>> -> memref<100000x64xf32, #tpu.memory_space<hbm>>
      tpu.wait_indirect_dma semaphore(%arg8 : memref<!tpu.dma_semaphore, #tpu.memory_space<semaphore_mem>>) src(%dma_wait3A_231 : memref<100000x64xf32, #tpu.memory_space<hbm>>) dst(%dma_wait3A_225 : memref<128x64xf32, #tpu.memory_space<vmem>>)
      %mul3A_232 = arith.constant 128 : i32
      %mul3A_233 = arith.muli %add3A_146, %mul3A_232 : i32
      %dma_start3A_234 = arith.constant 0 : i32
      %dma_start3A_235 = arith.constant 0 : i32
      %dma_start3A_236 = tpu.memref_slice %arg7[%dma_start3A_234, %dma_start3A_235] : memref<768x64xf32, #tpu.memory_space<vmem>> -> memref<512x64xf32, #tpu.memory_space<vmem>>
      %dma_start3A_237 = arith.constant 0 : i32
      %dma_start3A_238 = tpu.memref_slice %arg4[%mul3A_233, %dma_start3A_237] : memref<65536x64xf32, #tpu.memory_space<hbm>> -> memref<512x64xf32, #tpu.memory_space<hbm>>
      %dma_start3A_239 = arith.constant 0 : i32
      %dma_start3A_240 = tpu.memref_slice %arg4[%mul3A_233, %dma_start3A_239] : memref<65536x64xf32, #tpu.memory_space<hbm>> -> memref<512x64xf32, #tpu.memory_space<hbm>>
      %dma_start3A_241 = arith.constant 0 : i32
      %dma_start3A_242 = arith.constant 0 : i32
      %dma_start3A_243 = tpu.memref_slice %arg7[%dma_start3A_241, %dma_start3A_242] : memref<768x64xf32, #tpu.memory_space<vmem>> -> memref<512x64xf32, #tpu.memory_space<vmem>>
      tpu.enqueue_dma source(%dma_start3A_243 : memref<512x64xf32, #tpu.memory_space<vmem>>) target(%dma_start3A_240 : memref<512x64xf32, #tpu.memory_space<hbm>>) target_semaphore(%arg10 : memref<!tpu.dma_semaphore, #tpu.memory_space<semaphore_mem>>)
    }
    %scan3A_6 = arith.constant 2 : i32
    %add3A_7 = arith.constant 8 : i32
    %add3A_8 = arith.addi %mul3A_2, %add3A_7 : i32
    %mul3A_9 = arith.constant 128 : i32
    %mul3A_10 = arith.muli %add3A_8, %mul3A_9 : i32
    %dma_wait3A = arith.constant 0 : i32
    %dma_wait3A_11 = arith.constant 0 : i32
    %dma_wait3A_12 = tpu.memref_slice %arg6[%dma_wait3A, %dma_wait3A_11] : memref<768x64xf32, #tpu.memory_space<vmem>> -> memref<512x64xf32, #tpu.memory_space<vmem>>
    %dma_wait3A_13 = arith.constant 0 : i32
    %dma_wait3A_14 = tpu.memref_slice %arg4[%mul3A_10, %dma_wait3A_13] : memref<65536x64xf32, #tpu.memory_space<hbm>> -> memref<512x64xf32, #tpu.memory_space<hbm>>
    %dma_wait3A_15 = arith.constant 0 : i32
    %dma_wait3A_16 = tpu.memref_slice %arg4[%mul3A_10, %dma_wait3A_15] : memref<65536x64xf32, #tpu.memory_space<hbm>> -> memref<512x64xf32, #tpu.memory_space<hbm>>
    %dma_wait3A_17 = arith.constant 0 : i32
    %dma_wait3A_18 = arith.constant 0 : i32
    %dma_wait3A_19 = tpu.memref_slice %arg6[%dma_wait3A_17, %dma_wait3A_18] : memref<768x64xf32, #tpu.memory_space<vmem>> -> memref<512x64xf32, #tpu.memory_space<vmem>>
    tpu.wait_dma2 semaphore(%arg9 : memref<!tpu.dma_semaphore, #tpu.memory_space<semaphore_mem>>) src(%dma_wait3A_19 : memref<512x64xf32, #tpu.memory_space<vmem>>) dst(%dma_wait3A_16 : memref<512x64xf32, #tpu.memory_space<hbm>>)
    %add3A_20 = arith.constant 12 : i32
    %add3A_21 = arith.addi %mul3A_2, %add3A_20 : i32
    %mul3A_22 = arith.constant 128 : i32
    %mul3A_23 = arith.muli %add3A_21, %mul3A_22 : i32
    %dma_wait3A_24 = arith.constant 0 : i32
    %dma_wait3A_25 = arith.constant 0 : i32
    %dma_wait3A_26 = tpu.memref_slice %arg7[%dma_wait3A_24, %dma_wait3A_25] : memref<768x64xf32, #tpu.memory_space<vmem>> -> memref<512x64xf32, #tpu.memory_space<vmem>>
    %dma_wait3A_27 = arith.constant 0 : i32
    %dma_wait3A_28 = tpu.memref_slice %arg4[%mul3A_23, %dma_wait3A_27] : memref<65536x64xf32, #tpu.memory_space<hbm>> -> memref<512x64xf32, #tpu.memory_space<hbm>>
    %dma_wait3A_29 = arith.constant 0 : i32
    %dma_wait3A_30 = tpu.memref_slice %arg4[%mul3A_23, %dma_wait3A_29] : memref<65536x64xf32, #tpu.memory_space<hbm>> -> memref<512x64xf32, #tpu.memory_space<hbm>>
    %dma_wait3A_31 = arith.constant 0 : i32
    %dma_wait3A_32 = arith.constant 0 : i32
    %dma_wait3A_33 = tpu.memref_slice %arg7[%dma_wait3A_31, %dma_wait3A_32] : memref<768x64xf32, #tpu.memory_space<vmem>> -> memref<512x64xf32, #tpu.memory_space<vmem>>
    tpu.wait_dma2 semaphore(%arg10 : memref<!tpu.dma_semaphore, #tpu.memory_space<semaphore_mem>>) src(%dma_wait3A_33 : memref<512x64xf32, #tpu.memory_space<vmem>>) dst(%dma_wait3A_30 : memref<512x64xf32, #tpu.memory_space<hbm>>)
    return
  }
}

#map = affine_map<(d0, d1) -> (0, 0)>
module attributes {stable_mosaic.version = 14 : i64} {
  func.func @body(%arg0: i32, %arg1: i32, %arg2: memref<1000000x64xf32, #tpu.memory_space<hbm>>, %arg3: memref<960x128xi32, #tpu.memory_space<hbm>>, %arg4: memref<122880x64xf32, #tpu.memory_space<hbm>>, %arg5: memref<12x128xi32, #tpu.memory_space<vmem>>, %arg6: memref<768x64xf32, #tpu.memory_space<vmem>>, %arg7: memref<768x64xf32, #tpu.memory_space<vmem>>, %arg8: memref<!tpu.dma_semaphore, #tpu.memory_space<semaphore_mem>>, %arg9: memref<!tpu.dma_semaphore, #tpu.memory_space<semaphore_mem>>, %arg10: memref<!tpu.dma_semaphore, #tpu.memory_space<semaphore_mem>>) attributes {dimension_semantics = [#tpu.dimension_semantics<core_parallel>, #tpu.dimension_semantics<subcore_parallel>], iteration_bounds = array<i64: 2, 16>, scalar_prefetch = 0 : i64, scratch_operands = 6 : i64, tpu.core_type = #tpu.core_type<sc_vector_subcore>, window_params = [{transform_indices = #map}, {transform_indices = #map}, {transform_indices = #map}]} {
    %mul3A = arith.constant 2 : i32
    %mul3A_0 = arith.muli %arg1, %mul3A : i32
    %add3A = arith.addi %mul3A_0, %arg0 : i32
    %mul3A_1 = arith.constant 30 : i32
    %mul3A_2 = arith.muli %add3A, %mul3A_1 : i32
    %scan3A = arith.constant 0 : i32
    %scan3A_3 = arith.constant 3 : i32
    %scan3A_4 = arith.addi %scan3A, %scan3A_3 : i32
    %scan3A_5 = arith.constant 1 : i32
    scf.for %scan3A_34 = %scan3A to %scan3A_4 step %scan3A_5  : i32 {
      %mul3A_35 = arith.constant 2 : i32
      %mul3A_36 = arith.muli %scan3A_34, %mul3A_35 : i32
      %mul3A_37 = arith.constant 5 : i32
      %mul3A_38 = arith.muli %mul3A_36, %mul3A_37 : i32
      %add3A_39 = arith.addi %mul3A_2, %mul3A_38 : i32
      "tpu.region"() ({
        %run_scoped3A = tpu.sem_alloc : memref<!tpu.dma_semaphore, #tpu.memory_space<semaphore_mem>>
        %dma_start3A_284 = arith.constant 0 : i32
        %dma_start3A_285 = arith.constant 0 : i32
        %dma_start3A_286 = tpu.memref_slice %arg5[%dma_start3A_284, %dma_start3A_285] : memref<12x128xi32, #tpu.memory_space<vmem>> -> memref<10x128xi32, #tpu.memory_space<vmem>>
        %dma_start3A_287 = arith.constant 0 : i32
        %dma_start3A_288 = tpu.memref_slice %arg3[%add3A_39, %dma_start3A_287] : memref<960x128xi32, #tpu.memory_space<hbm>> -> memref<10x128xi32, #tpu.memory_space<hbm>>
        %dma_start3A_289 = arith.constant 0 : i32
        %dma_start3A_290 = arith.constant 0 : i32
        %dma_start3A_291 = tpu.memref_slice %arg5[%dma_start3A_289, %dma_start3A_290] : memref<12x128xi32, #tpu.memory_space<vmem>> -> memref<10x128xi32, #tpu.memory_space<vmem>>
        %dma_start3A_292 = arith.constant 0 : i32
        %dma_start3A_293 = tpu.memref_slice %arg3[%add3A_39, %dma_start3A_292] : memref<960x128xi32, #tpu.memory_space<hbm>> -> memref<10x128xi32, #tpu.memory_space<hbm>>
        tpu.enqueue_dma source(%dma_start3A_293 : memref<10x128xi32, #tpu.memory_space<hbm>>) target(%dma_start3A_291 : memref<10x128xi32, #tpu.memory_space<vmem>>) target_semaphore(%run_scoped3A : memref<!tpu.dma_semaphore, #tpu.memory_space<semaphore_mem>>)
        %dma_wait3A_294 = arith.constant 0 : i32
        %dma_wait3A_295 = arith.constant 0 : i32
        %dma_wait3A_296 = tpu.memref_slice %arg5[%dma_wait3A_294, %dma_wait3A_295] : memref<12x128xi32, #tpu.memory_space<vmem>> -> memref<10x128xi32, #tpu.memory_space<vmem>>
        %dma_wait3A_297 = arith.constant 0 : i32
        %dma_wait3A_298 = tpu.memref_slice %arg3[%add3A_39, %dma_wait3A_297] : memref<960x128xi32, #tpu.memory_space<hbm>> -> memref<10x128xi32, #tpu.memory_space<hbm>>
        %dma_wait3A_299 = arith.constant 0 : i32
        %dma_wait3A_300 = arith.constant 0 : i32
        %dma_wait3A_301 = tpu.memref_slice %arg5[%dma_wait3A_299, %dma_wait3A_300] : memref<12x128xi32, #tpu.memory_space<vmem>> -> memref<10x128xi32, #tpu.memory_space<vmem>>
        %dma_wait3A_302 = arith.constant 0 : i32
        %dma_wait3A_303 = tpu.memref_slice %arg3[%add3A_39, %dma_wait3A_302] : memref<960x128xi32, #tpu.memory_space<hbm>> -> memref<10x128xi32, #tpu.memory_space<hbm>>
        tpu.wait_dma2 semaphore(%run_scoped3A : memref<!tpu.dma_semaphore, #tpu.memory_space<semaphore_mem>>) src(%dma_wait3A_303 : memref<10x128xi32, #tpu.memory_space<hbm>>) dst(%dma_wait3A_301 : memref<10x128xi32, #tpu.memory_space<vmem>>)
        tpu.yield
      }) : () -> ()
      %mul3A_40 = arith.constant 2 : i32
      %mul3A_41 = arith.muli %scan3A_34, %mul3A_40 : i32
      %add3A_42 = arith.constant 0 : i32
      %add3A_43 = arith.addi %mul3A_41, %add3A_42 : i32
      %mul3A_44 = arith.constant 5 : i32
      %mul3A_45 = arith.muli %add3A_43, %mul3A_44 : i32
      %add3A_46 = arith.addi %mul3A_2, %mul3A_45 : i32
      %ge3A = arith.constant 1 : i32
      %ge3A_47 = arith.cmpi sge, %scan3A_34, %ge3A : i32
      %convert_element_type3A = arith.extui %ge3A_47 : i1 to i32
      %cond3A = arith.constant 0 : i32
      %cond3A_48 = arith.cmpi ne, %convert_element_type3A, %cond3A : i32
      scf.if %cond3A_48 {
        %sub3A = arith.constant 10 : i32
        %sub3A_284 = arith.subi %add3A_46, %sub3A : i32
        %mul3A_285 = arith.constant 128 : i32
        %mul3A_286 = arith.muli %sub3A_284, %mul3A_285 : i32
        %dma_wait3A_287 = arith.constant 0 : i32
        %dma_wait3A_288 = arith.constant 0 : i32
        %dma_wait3A_289 = tpu.memref_slice %arg6[%dma_wait3A_287, %dma_wait3A_288] : memref<768x64xf32, #tpu.memory_space<vmem>> -> memref<640x64xf32, #tpu.memory_space<vmem>>
        %dma_wait3A_290 = arith.constant 0 : i32
        %dma_wait3A_291 = tpu.memref_slice %arg4[%mul3A_286, %dma_wait3A_290] : memref<122880x64xf32, #tpu.memory_space<hbm>> -> memref<640x64xf32, #tpu.memory_space<hbm>>
        %dma_wait3A_292 = arith.constant 0 : i32
        %dma_wait3A_293 = tpu.memref_slice %arg4[%mul3A_286, %dma_wait3A_292] : memref<122880x64xf32, #tpu.memory_space<hbm>> -> memref<640x64xf32, #tpu.memory_space<hbm>>
        %dma_wait3A_294 = arith.constant 0 : i32
        %dma_wait3A_295 = arith.constant 0 : i32
        %dma_wait3A_296 = tpu.memref_slice %arg6[%dma_wait3A_294, %dma_wait3A_295] : memref<768x64xf32, #tpu.memory_space<vmem>> -> memref<640x64xf32, #tpu.memory_space<vmem>>
        tpu.wait_dma2 semaphore(%arg9 : memref<!tpu.dma_semaphore, #tpu.memory_space<semaphore_mem>>) src(%dma_wait3A_296 : memref<640x64xf32, #tpu.memory_space<vmem>>) dst(%dma_wait3A_293 : memref<640x64xf32, #tpu.memory_space<hbm>>)
      } else {
      }
      %dma_start3A = arith.constant 0 : i32
      %dma_start3A_49 = arith.constant 0 : i32
      %dma_start3A_50 = arith.constant 0 : i32
      %dma_start3A_51 = tpu.memref_slice %arg6[%dma_start3A_49, %dma_start3A_50] : memref<768x64xf32, #tpu.memory_space<vmem>> -> memref<128x64xf32, #tpu.memory_space<vmem>>
      %dma_start3A_52 = arith.constant 0 : i32
      %dma_start3A_53 = tpu.memref_slice %arg5[%dma_start3A, %dma_start3A_52] : memref<12x128xi32, #tpu.memory_space<vmem>> -> memref<1x128xi32, #tpu.memory_space<vmem>>
      %dma_start3A_54 = tpu.memref_squeeze %dma_start3A_53 : memref<1x128xi32, #tpu.memory_space<vmem>> -> memref<128xi32, #tpu.memory_space<vmem>>
      %dma_start3A_55 = arith.constant 0 : i32
      %dma_start3A_56 = arith.constant 0 : i32
      %dma_start3A_57 = tpu.memref_slice %arg2[%dma_start3A_55, %dma_start3A_56] : memref<1000000x64xf32, #tpu.memory_space<hbm>> -> memref<1000000x64xf32, #tpu.memory_space<hbm>>
      tpu.enqueue_indirect_dma source(%dma_start3A_57 : memref<1000000x64xf32, #tpu.memory_space<hbm>>) target(%dma_start3A_51 : memref<128x64xf32, #tpu.memory_space<vmem>>) offsets(%dma_start3A_54 : memref<128xi32, #tpu.memory_space<vmem>>) semaphore(%arg8 : memref<!tpu.dma_semaphore, #tpu.memory_space<semaphore_mem>>)
      %dma_start3A_58 = arith.constant 1 : i32
      %dma_start3A_59 = arith.constant 128 : i32
      %dma_start3A_60 = arith.constant 0 : i32
      %dma_start3A_61 = tpu.memref_slice %arg6[%dma_start3A_59, %dma_start3A_60] : memref<768x64xf32, #tpu.memory_space<vmem>> -> memref<128x64xf32, #tpu.memory_space<vmem>>
      %dma_start3A_62 = arith.constant 0 : i32
      %dma_start3A_63 = tpu.memref_slice %arg5[%dma_start3A_58, %dma_start3A_62] : memref<12x128xi32, #tpu.memory_space<vmem>> -> memref<1x128xi32, #tpu.memory_space<vmem>>
      %dma_start3A_64 = tpu.memref_squeeze %dma_start3A_63 : memref<1x128xi32, #tpu.memory_space<vmem>> -> memref<128xi32, #tpu.memory_space<vmem>>
      %dma_start3A_65 = arith.constant 0 : i32
      %dma_start3A_66 = arith.constant 0 : i32
      %dma_start3A_67 = tpu.memref_slice %arg2[%dma_start3A_65, %dma_start3A_66] : memref<1000000x64xf32, #tpu.memory_space<hbm>> -> memref<1000000x64xf32, #tpu.memory_space<hbm>>
      tpu.enqueue_indirect_dma source(%dma_start3A_67 : memref<1000000x64xf32, #tpu.memory_space<hbm>>) target(%dma_start3A_61 : memref<128x64xf32, #tpu.memory_space<vmem>>) offsets(%dma_start3A_64 : memref<128xi32, #tpu.memory_space<vmem>>) semaphore(%arg8 : memref<!tpu.dma_semaphore, #tpu.memory_space<semaphore_mem>>)
      %dma_start3A_68 = arith.constant 2 : i32
      %dma_start3A_69 = arith.constant 256 : i32
      %dma_start3A_70 = arith.constant 0 : i32
      %dma_start3A_71 = tpu.memref_slice %arg6[%dma_start3A_69, %dma_start3A_70] : memref<768x64xf32, #tpu.memory_space<vmem>> -> memref<128x64xf32, #tpu.memory_space<vmem>>
      %dma_start3A_72 = arith.constant 0 : i32
      %dma_start3A_73 = tpu.memref_slice %arg5[%dma_start3A_68, %dma_start3A_72] : memref<12x128xi32, #tpu.memory_space<vmem>> -> memref<1x128xi32, #tpu.memory_space<vmem>>
      %dma_start3A_74 = tpu.memref_squeeze %dma_start3A_73 : memref<1x128xi32, #tpu.memory_space<vmem>> -> memref<128xi32, #tpu.memory_space<vmem>>
      %dma_start3A_75 = arith.constant 0 : i32
      %dma_start3A_76 = arith.constant 0 : i32
      %dma_start3A_77 = tpu.memref_slice %arg2[%dma_start3A_75, %dma_start3A_76] : memref<1000000x64xf32, #tpu.memory_space<hbm>> -> memref<1000000x64xf32, #tpu.memory_space<hbm>>
      tpu.enqueue_indirect_dma source(%dma_start3A_77 : memref<1000000x64xf32, #tpu.memory_space<hbm>>) target(%dma_start3A_71 : memref<128x64xf32, #tpu.memory_space<vmem>>) offsets(%dma_start3A_74 : memref<128xi32, #tpu.memory_space<vmem>>) semaphore(%arg8 : memref<!tpu.dma_semaphore, #tpu.memory_space<semaphore_mem>>)
      %dma_start3A_78 = arith.constant 3 : i32
      %dma_start3A_79 = arith.constant 384 : i32
      %dma_start3A_80 = arith.constant 0 : i32
      %dma_start3A_81 = tpu.memref_slice %arg6[%dma_start3A_79, %dma_start3A_80] : memref<768x64xf32, #tpu.memory_space<vmem>> -> memref<128x64xf32, #tpu.memory_space<vmem>>
      %dma_start3A_82 = arith.constant 0 : i32
      %dma_start3A_83 = tpu.memref_slice %arg5[%dma_start3A_78, %dma_start3A_82] : memref<12x128xi32, #tpu.memory_space<vmem>> -> memref<1x128xi32, #tpu.memory_space<vmem>>
      %dma_start3A_84 = tpu.memref_squeeze %dma_start3A_83 : memref<1x128xi32, #tpu.memory_space<vmem>> -> memref<128xi32, #tpu.memory_space<vmem>>
      %dma_start3A_85 = arith.constant 0 : i32
      %dma_start3A_86 = arith.constant 0 : i32
      %dma_start3A_87 = tpu.memref_slice %arg2[%dma_start3A_85, %dma_start3A_86] : memref<1000000x64xf32, #tpu.memory_space<hbm>> -> memref<1000000x64xf32, #tpu.memory_space<hbm>>
      tpu.enqueue_indirect_dma source(%dma_start3A_87 : memref<1000000x64xf32, #tpu.memory_space<hbm>>) target(%dma_start3A_81 : memref<128x64xf32, #tpu.memory_space<vmem>>) offsets(%dma_start3A_84 : memref<128xi32, #tpu.memory_space<vmem>>) semaphore(%arg8 : memref<!tpu.dma_semaphore, #tpu.memory_space<semaphore_mem>>)
      %dma_start3A_88 = arith.constant 4 : i32
      %dma_start3A_89 = arith.constant 512 : i32
      %dma_start3A_90 = arith.constant 0 : i32
      %dma_start3A_91 = tpu.memref_slice %arg6[%dma_start3A_89, %dma_start3A_90] : memref<768x64xf32, #tpu.memory_space<vmem>> -> memref<128x64xf32, #tpu.memory_space<vmem>>
      %dma_start3A_92 = arith.constant 0 : i32
      %dma_start3A_93 = tpu.memref_slice %arg5[%dma_start3A_88, %dma_start3A_92] : memref<12x128xi32, #tpu.memory_space<vmem>> -> memref<1x128xi32, #tpu.memory_space<vmem>>
      %dma_start3A_94 = tpu.memref_squeeze %dma_start3A_93 : memref<1x128xi32, #tpu.memory_space<vmem>> -> memref<128xi32, #tpu.memory_space<vmem>>
      %dma_start3A_95 = arith.constant 0 : i32
      %dma_start3A_96 = arith.constant 0 : i32
      %dma_start3A_97 = tpu.memref_slice %arg2[%dma_start3A_95, %dma_start3A_96] : memref<1000000x64xf32, #tpu.memory_space<hbm>> -> memref<1000000x64xf32, #tpu.memory_space<hbm>>
      tpu.enqueue_indirect_dma source(%dma_start3A_97 : memref<1000000x64xf32, #tpu.memory_space<hbm>>) target(%dma_start3A_91 : memref<128x64xf32, #tpu.memory_space<vmem>>) offsets(%dma_start3A_94 : memref<128xi32, #tpu.memory_space<vmem>>) semaphore(%arg8 : memref<!tpu.dma_semaphore, #tpu.memory_space<semaphore_mem>>)
      %dma_wait3A_98 = arith.constant 0 : i32
      %dma_wait3A_99 = arith.constant 0 : i32
      %dma_wait3A_100 = arith.constant 0 : i32
      %dma_wait3A_101 = tpu.memref_slice %arg6[%dma_wait3A_99, %dma_wait3A_100] : memref<768x64xf32, #tpu.memory_space<vmem>> -> memref<128x64xf32, #tpu.memory_space<vmem>>
      %dma_wait3A_102 = arith.constant 0 : i32
      %dma_wait3A_103 = tpu.memref_slice %arg5[%dma_wait3A_98, %dma_wait3A_102] : memref<12x128xi32, #tpu.memory_space<vmem>> -> memref<1x128xi32, #tpu.memory_space<vmem>>
      %dma_wait3A_104 = tpu.memref_squeeze %dma_wait3A_103 : memref<1x128xi32, #tpu.memory_space<vmem>> -> memref<128xi32, #tpu.memory_space<vmem>>
      %dma_wait3A_105 = arith.constant 0 : i32
      %dma_wait3A_106 = arith.constant 0 : i32
      %dma_wait3A_107 = tpu.memref_slice %arg2[%dma_wait3A_105, %dma_wait3A_106] : memref<1000000x64xf32, #tpu.memory_space<hbm>> -> memref<1000000x64xf32, #tpu.memory_space<hbm>>
      tpu.wait_indirect_dma semaphore(%arg8 : memref<!tpu.dma_semaphore, #tpu.memory_space<semaphore_mem>>) src(%dma_wait3A_107 : memref<1000000x64xf32, #tpu.memory_space<hbm>>) dst(%dma_wait3A_101 : memref<128x64xf32, #tpu.memory_space<vmem>>)
      %dma_wait3A_108 = arith.constant 1 : i32
      %dma_wait3A_109 = arith.constant 128 : i32
      %dma_wait3A_110 = arith.constant 0 : i32
      %dma_wait3A_111 = tpu.memref_slice %arg6[%dma_wait3A_109, %dma_wait3A_110] : memref<768x64xf32, #tpu.memory_space<vmem>> -> memref<128x64xf32, #tpu.memory_space<vmem>>
      %dma_wait3A_112 = arith.constant 0 : i32
      %dma_wait3A_113 = tpu.memref_slice %arg5[%dma_wait3A_108, %dma_wait3A_112] : memref<12x128xi32, #tpu.memory_space<vmem>> -> memref<1x128xi32, #tpu.memory_space<vmem>>
      %dma_wait3A_114 = tpu.memref_squeeze %dma_wait3A_113 : memref<1x128xi32, #tpu.memory_space<vmem>> -> memref<128xi32, #tpu.memory_space<vmem>>
      %dma_wait3A_115 = arith.constant 0 : i32
      %dma_wait3A_116 = arith.constant 0 : i32
      %dma_wait3A_117 = tpu.memref_slice %arg2[%dma_wait3A_115, %dma_wait3A_116] : memref<1000000x64xf32, #tpu.memory_space<hbm>> -> memref<1000000x64xf32, #tpu.memory_space<hbm>>
      tpu.wait_indirect_dma semaphore(%arg8 : memref<!tpu.dma_semaphore, #tpu.memory_space<semaphore_mem>>) src(%dma_wait3A_117 : memref<1000000x64xf32, #tpu.memory_space<hbm>>) dst(%dma_wait3A_111 : memref<128x64xf32, #tpu.memory_space<vmem>>)
      %dma_wait3A_118 = arith.constant 2 : i32
      %dma_wait3A_119 = arith.constant 256 : i32
      %dma_wait3A_120 = arith.constant 0 : i32
      %dma_wait3A_121 = tpu.memref_slice %arg6[%dma_wait3A_119, %dma_wait3A_120] : memref<768x64xf32, #tpu.memory_space<vmem>> -> memref<128x64xf32, #tpu.memory_space<vmem>>
      %dma_wait3A_122 = arith.constant 0 : i32
      %dma_wait3A_123 = tpu.memref_slice %arg5[%dma_wait3A_118, %dma_wait3A_122] : memref<12x128xi32, #tpu.memory_space<vmem>> -> memref<1x128xi32, #tpu.memory_space<vmem>>
      %dma_wait3A_124 = tpu.memref_squeeze %dma_wait3A_123 : memref<1x128xi32, #tpu.memory_space<vmem>> -> memref<128xi32, #tpu.memory_space<vmem>>
      %dma_wait3A_125 = arith.constant 0 : i32
      %dma_wait3A_126 = arith.constant 0 : i32
      %dma_wait3A_127 = tpu.memref_slice %arg2[%dma_wait3A_125, %dma_wait3A_126] : memref<1000000x64xf32, #tpu.memory_space<hbm>> -> memref<1000000x64xf32, #tpu.memory_space<hbm>>
      tpu.wait_indirect_dma semaphore(%arg8 : memref<!tpu.dma_semaphore, #tpu.memory_space<semaphore_mem>>) src(%dma_wait3A_127 : memref<1000000x64xf32, #tpu.memory_space<hbm>>) dst(%dma_wait3A_121 : memref<128x64xf32, #tpu.memory_space<vmem>>)
      %dma_wait3A_128 = arith.constant 3 : i32
      %dma_wait3A_129 = arith.constant 384 : i32
      %dma_wait3A_130 = arith.constant 0 : i32
      %dma_wait3A_131 = tpu.memref_slice %arg6[%dma_wait3A_129, %dma_wait3A_130] : memref<768x64xf32, #tpu.memory_space<vmem>> -> memref<128x64xf32, #tpu.memory_space<vmem>>
      %dma_wait3A_132 = arith.constant 0 : i32
      %dma_wait3A_133 = tpu.memref_slice %arg5[%dma_wait3A_128, %dma_wait3A_132] : memref<12x128xi32, #tpu.memory_space<vmem>> -> memref<1x128xi32, #tpu.memory_space<vmem>>
      %dma_wait3A_134 = tpu.memref_squeeze %dma_wait3A_133 : memref<1x128xi32, #tpu.memory_space<vmem>> -> memref<128xi32, #tpu.memory_space<vmem>>
      %dma_wait3A_135 = arith.constant 0 : i32
      %dma_wait3A_136 = arith.constant 0 : i32
      %dma_wait3A_137 = tpu.memref_slice %arg2[%dma_wait3A_135, %dma_wait3A_136] : memref<1000000x64xf32, #tpu.memory_space<hbm>> -> memref<1000000x64xf32, #tpu.memory_space<hbm>>
      tpu.wait_indirect_dma semaphore(%arg8 : memref<!tpu.dma_semaphore, #tpu.memory_space<semaphore_mem>>) src(%dma_wait3A_137 : memref<1000000x64xf32, #tpu.memory_space<hbm>>) dst(%dma_wait3A_131 : memref<128x64xf32, #tpu.memory_space<vmem>>)
      %dma_wait3A_138 = arith.constant 4 : i32
      %dma_wait3A_139 = arith.constant 512 : i32
      %dma_wait3A_140 = arith.constant 0 : i32
      %dma_wait3A_141 = tpu.memref_slice %arg6[%dma_wait3A_139, %dma_wait3A_140] : memref<768x64xf32, #tpu.memory_space<vmem>> -> memref<128x64xf32, #tpu.memory_space<vmem>>
      %dma_wait3A_142 = arith.constant 0 : i32
      %dma_wait3A_143 = tpu.memref_slice %arg5[%dma_wait3A_138, %dma_wait3A_142] : memref<12x128xi32, #tpu.memory_space<vmem>> -> memref<1x128xi32, #tpu.memory_space<vmem>>
      %dma_wait3A_144 = tpu.memref_squeeze %dma_wait3A_143 : memref<1x128xi32, #tpu.memory_space<vmem>> -> memref<128xi32, #tpu.memory_space<vmem>>
      %dma_wait3A_145 = arith.constant 0 : i32
      %dma_wait3A_146 = arith.constant 0 : i32
      %dma_wait3A_147 = tpu.memref_slice %arg2[%dma_wait3A_145, %dma_wait3A_146] : memref<1000000x64xf32, #tpu.memory_space<hbm>> -> memref<1000000x64xf32, #tpu.memory_space<hbm>>
      tpu.wait_indirect_dma semaphore(%arg8 : memref<!tpu.dma_semaphore, #tpu.memory_space<semaphore_mem>>) src(%dma_wait3A_147 : memref<1000000x64xf32, #tpu.memory_space<hbm>>) dst(%dma_wait3A_141 : memref<128x64xf32, #tpu.memory_space<vmem>>)
      %mul3A_148 = arith.constant 128 : i32
      %mul3A_149 = arith.muli %add3A_46, %mul3A_148 : i32
      %dma_start3A_150 = arith.constant 0 : i32
      %dma_start3A_151 = arith.constant 0 : i32
      %dma_start3A_152 = tpu.memref_slice %arg6[%dma_start3A_150, %dma_start3A_151] : memref<768x64xf32, #tpu.memory_space<vmem>> -> memref<640x64xf32, #tpu.memory_space<vmem>>
      %dma_start3A_153 = arith.constant 0 : i32
      %dma_start3A_154 = tpu.memref_slice %arg4[%mul3A_149, %dma_start3A_153] : memref<122880x64xf32, #tpu.memory_space<hbm>> -> memref<640x64xf32, #tpu.memory_space<hbm>>
      %dma_start3A_155 = arith.constant 0 : i32
      %dma_start3A_156 = tpu.memref_slice %arg4[%mul3A_149, %dma_start3A_155] : memref<122880x64xf32, #tpu.memory_space<hbm>> -> memref<640x64xf32, #tpu.memory_space<hbm>>
      %dma_start3A_157 = arith.constant 0 : i32
      %dma_start3A_158 = arith.constant 0 : i32
      %dma_start3A_159 = tpu.memref_slice %arg6[%dma_start3A_157, %dma_start3A_158] : memref<768x64xf32, #tpu.memory_space<vmem>> -> memref<640x64xf32, #tpu.memory_space<vmem>>
      tpu.enqueue_dma source(%dma_start3A_159 : memref<640x64xf32, #tpu.memory_space<vmem>>) target(%dma_start3A_156 : memref<640x64xf32, #tpu.memory_space<hbm>>) target_semaphore(%arg9 : memref<!tpu.dma_semaphore, #tpu.memory_space<semaphore_mem>>)
      %mul3A_160 = arith.constant 2 : i32
      %mul3A_161 = arith.muli %scan3A_34, %mul3A_160 : i32
      %add3A_162 = arith.constant 1 : i32
      %add3A_163 = arith.addi %mul3A_161, %add3A_162 : i32
      %mul3A_164 = arith.constant 5 : i32
      %mul3A_165 = arith.muli %add3A_163, %mul3A_164 : i32
      %add3A_166 = arith.addi %mul3A_2, %mul3A_165 : i32
      %ge3A_167 = arith.constant 1 : i32
      %ge3A_168 = arith.cmpi sge, %scan3A_34, %ge3A_167 : i32
      %convert_element_type3A_169 = arith.extui %ge3A_168 : i1 to i32
      %cond3A_170 = arith.constant 0 : i32
      %cond3A_171 = arith.cmpi ne, %convert_element_type3A_169, %cond3A_170 : i32
      scf.if %cond3A_171 {
        %sub3A = arith.constant 10 : i32
        %sub3A_284 = arith.subi %add3A_166, %sub3A : i32
        %mul3A_285 = arith.constant 128 : i32
        %mul3A_286 = arith.muli %sub3A_284, %mul3A_285 : i32
        %dma_wait3A_287 = arith.constant 0 : i32
        %dma_wait3A_288 = arith.constant 0 : i32
        %dma_wait3A_289 = tpu.memref_slice %arg7[%dma_wait3A_287, %dma_wait3A_288] : memref<768x64xf32, #tpu.memory_space<vmem>> -> memref<640x64xf32, #tpu.memory_space<vmem>>
        %dma_wait3A_290 = arith.constant 0 : i32
        %dma_wait3A_291 = tpu.memref_slice %arg4[%mul3A_286, %dma_wait3A_290] : memref<122880x64xf32, #tpu.memory_space<hbm>> -> memref<640x64xf32, #tpu.memory_space<hbm>>
        %dma_wait3A_292 = arith.constant 0 : i32
        %dma_wait3A_293 = tpu.memref_slice %arg4[%mul3A_286, %dma_wait3A_292] : memref<122880x64xf32, #tpu.memory_space<hbm>> -> memref<640x64xf32, #tpu.memory_space<hbm>>
        %dma_wait3A_294 = arith.constant 0 : i32
        %dma_wait3A_295 = arith.constant 0 : i32
        %dma_wait3A_296 = tpu.memref_slice %arg7[%dma_wait3A_294, %dma_wait3A_295] : memref<768x64xf32, #tpu.memory_space<vmem>> -> memref<640x64xf32, #tpu.memory_space<vmem>>
        tpu.wait_dma2 semaphore(%arg10 : memref<!tpu.dma_semaphore, #tpu.memory_space<semaphore_mem>>) src(%dma_wait3A_296 : memref<640x64xf32, #tpu.memory_space<vmem>>) dst(%dma_wait3A_293 : memref<640x64xf32, #tpu.memory_space<hbm>>)
      } else {
      }
      %dma_start3A_172 = arith.constant 5 : i32
      %dma_start3A_173 = arith.constant 0 : i32
      %dma_start3A_174 = arith.constant 0 : i32
      %dma_start3A_175 = tpu.memref_slice %arg7[%dma_start3A_173, %dma_start3A_174] : memref<768x64xf32, #tpu.memory_space<vmem>> -> memref<128x64xf32, #tpu.memory_space<vmem>>
      %dma_start3A_176 = arith.constant 0 : i32
      %dma_start3A_177 = tpu.memref_slice %arg5[%dma_start3A_172, %dma_start3A_176] : memref<12x128xi32, #tpu.memory_space<vmem>> -> memref<1x128xi32, #tpu.memory_space<vmem>>
      %dma_start3A_178 = tpu.memref_squeeze %dma_start3A_177 : memref<1x128xi32, #tpu.memory_space<vmem>> -> memref<128xi32, #tpu.memory_space<vmem>>
      %dma_start3A_179 = arith.constant 0 : i32
      %dma_start3A_180 = arith.constant 0 : i32
      %dma_start3A_181 = tpu.memref_slice %arg2[%dma_start3A_179, %dma_start3A_180] : memref<1000000x64xf32, #tpu.memory_space<hbm>> -> memref<1000000x64xf32, #tpu.memory_space<hbm>>
      tpu.enqueue_indirect_dma source(%dma_start3A_181 : memref<1000000x64xf32, #tpu.memory_space<hbm>>) target(%dma_start3A_175 : memref<128x64xf32, #tpu.memory_space<vmem>>) offsets(%dma_start3A_178 : memref<128xi32, #tpu.memory_space<vmem>>) semaphore(%arg8 : memref<!tpu.dma_semaphore, #tpu.memory_space<semaphore_mem>>)
      %dma_start3A_182 = arith.constant 6 : i32
      %dma_start3A_183 = arith.constant 128 : i32
      %dma_start3A_184 = arith.constant 0 : i32
      %dma_start3A_185 = tpu.memref_slice %arg7[%dma_start3A_183, %dma_start3A_184] : memref<768x64xf32, #tpu.memory_space<vmem>> -> memref<128x64xf32, #tpu.memory_space<vmem>>
      %dma_start3A_186 = arith.constant 0 : i32
      %dma_start3A_187 = tpu.memref_slice %arg5[%dma_start3A_182, %dma_start3A_186] : memref<12x128xi32, #tpu.memory_space<vmem>> -> memref<1x128xi32, #tpu.memory_space<vmem>>
      %dma_start3A_188 = tpu.memref_squeeze %dma_start3A_187 : memref<1x128xi32, #tpu.memory_space<vmem>> -> memref<128xi32, #tpu.memory_space<vmem>>
      %dma_start3A_189 = arith.constant 0 : i32
      %dma_start3A_190 = arith.constant 0 : i32
      %dma_start3A_191 = tpu.memref_slice %arg2[%dma_start3A_189, %dma_start3A_190] : memref<1000000x64xf32, #tpu.memory_space<hbm>> -> memref<1000000x64xf32, #tpu.memory_space<hbm>>
      tpu.enqueue_indirect_dma source(%dma_start3A_191 : memref<1000000x64xf32, #tpu.memory_space<hbm>>) target(%dma_start3A_185 : memref<128x64xf32, #tpu.memory_space<vmem>>) offsets(%dma_start3A_188 : memref<128xi32, #tpu.memory_space<vmem>>) semaphore(%arg8 : memref<!tpu.dma_semaphore, #tpu.memory_space<semaphore_mem>>)
      %dma_start3A_192 = arith.constant 7 : i32
      %dma_start3A_193 = arith.constant 256 : i32
      %dma_start3A_194 = arith.constant 0 : i32
      %dma_start3A_195 = tpu.memref_slice %arg7[%dma_start3A_193, %dma_start3A_194] : memref<768x64xf32, #tpu.memory_space<vmem>> -> memref<128x64xf32, #tpu.memory_space<vmem>>
      %dma_start3A_196 = arith.constant 0 : i32
      %dma_start3A_197 = tpu.memref_slice %arg5[%dma_start3A_192, %dma_start3A_196] : memref<12x128xi32, #tpu.memory_space<vmem>> -> memref<1x128xi32, #tpu.memory_space<vmem>>
      %dma_start3A_198 = tpu.memref_squeeze %dma_start3A_197 : memref<1x128xi32, #tpu.memory_space<vmem>> -> memref<128xi32, #tpu.memory_space<vmem>>
      %dma_start3A_199 = arith.constant 0 : i32
      %dma_start3A_200 = arith.constant 0 : i32
      %dma_start3A_201 = tpu.memref_slice %arg2[%dma_start3A_199, %dma_start3A_200] : memref<1000000x64xf32, #tpu.memory_space<hbm>> -> memref<1000000x64xf32, #tpu.memory_space<hbm>>
      tpu.enqueue_indirect_dma source(%dma_start3A_201 : memref<1000000x64xf32, #tpu.memory_space<hbm>>) target(%dma_start3A_195 : memref<128x64xf32, #tpu.memory_space<vmem>>) offsets(%dma_start3A_198 : memref<128xi32, #tpu.memory_space<vmem>>) semaphore(%arg8 : memref<!tpu.dma_semaphore, #tpu.memory_space<semaphore_mem>>)
      %dma_start3A_202 = arith.constant 8 : i32
      %dma_start3A_203 = arith.constant 384 : i32
      %dma_start3A_204 = arith.constant 0 : i32
      %dma_start3A_205 = tpu.memref_slice %arg7[%dma_start3A_203, %dma_start3A_204] : memref<768x64xf32, #tpu.memory_space<vmem>> -> memref<128x64xf32, #tpu.memory_space<vmem>>
      %dma_start3A_206 = arith.constant 0 : i32
      %dma_start3A_207 = tpu.memref_slice %arg5[%dma_start3A_202, %dma_start3A_206] : memref<12x128xi32, #tpu.memory_space<vmem>> -> memref<1x128xi32, #tpu.memory_space<vmem>>
      %dma_start3A_208 = tpu.memref_squeeze %dma_start3A_207 : memref<1x128xi32, #tpu.memory_space<vmem>> -> memref<128xi32, #tpu.memory_space<vmem>>
      %dma_start3A_209 = arith.constant 0 : i32
      %dma_start3A_210 = arith.constant 0 : i32
      %dma_start3A_211 = tpu.memref_slice %arg2[%dma_start3A_209, %dma_start3A_210] : memref<1000000x64xf32, #tpu.memory_space<hbm>> -> memref<1000000x64xf32, #tpu.memory_space<hbm>>
      tpu.enqueue_indirect_dma source(%dma_start3A_211 : memref<1000000x64xf32, #tpu.memory_space<hbm>>) target(%dma_start3A_205 : memref<128x64xf32, #tpu.memory_space<vmem>>) offsets(%dma_start3A_208 : memref<128xi32, #tpu.memory_space<vmem>>) semaphore(%arg8 : memref<!tpu.dma_semaphore, #tpu.memory_space<semaphore_mem>>)
      %dma_start3A_212 = arith.constant 9 : i32
      %dma_start3A_213 = arith.constant 512 : i32
      %dma_start3A_214 = arith.constant 0 : i32
      %dma_start3A_215 = tpu.memref_slice %arg7[%dma_start3A_213, %dma_start3A_214] : memref<768x64xf32, #tpu.memory_space<vmem>> -> memref<128x64xf32, #tpu.memory_space<vmem>>
      %dma_start3A_216 = arith.constant 0 : i32
      %dma_start3A_217 = tpu.memref_slice %arg5[%dma_start3A_212, %dma_start3A_216] : memref<12x128xi32, #tpu.memory_space<vmem>> -> memref<1x128xi32, #tpu.memory_space<vmem>>
      %dma_start3A_218 = tpu.memref_squeeze %dma_start3A_217 : memref<1x128xi32, #tpu.memory_space<vmem>> -> memref<128xi32, #tpu.memory_space<vmem>>
      %dma_start3A_219 = arith.constant 0 : i32
      %dma_start3A_220 = arith.constant 0 : i32
      %dma_start3A_221 = tpu.memref_slice %arg2[%dma_start3A_219, %dma_start3A_220] : memref<1000000x64xf32, #tpu.memory_space<hbm>> -> memref<1000000x64xf32, #tpu.memory_space<hbm>>
      tpu.enqueue_indirect_dma source(%dma_start3A_221 : memref<1000000x64xf32, #tpu.memory_space<hbm>>) target(%dma_start3A_215 : memref<128x64xf32, #tpu.memory_space<vmem>>) offsets(%dma_start3A_218 : memref<128xi32, #tpu.memory_space<vmem>>) semaphore(%arg8 : memref<!tpu.dma_semaphore, #tpu.memory_space<semaphore_mem>>)
      %dma_wait3A_222 = arith.constant 5 : i32
      %dma_wait3A_223 = arith.constant 0 : i32
      %dma_wait3A_224 = arith.constant 0 : i32
      %dma_wait3A_225 = tpu.memref_slice %arg7[%dma_wait3A_223, %dma_wait3A_224] : memref<768x64xf32, #tpu.memory_space<vmem>> -> memref<128x64xf32, #tpu.memory_space<vmem>>
      %dma_wait3A_226 = arith.constant 0 : i32
      %dma_wait3A_227 = tpu.memref_slice %arg5[%dma_wait3A_222, %dma_wait3A_226] : memref<12x128xi32, #tpu.memory_space<vmem>> -> memref<1x128xi32, #tpu.memory_space<vmem>>
      %dma_wait3A_228 = tpu.memref_squeeze %dma_wait3A_227 : memref<1x128xi32, #tpu.memory_space<vmem>> -> memref<128xi32, #tpu.memory_space<vmem>>
      %dma_wait3A_229 = arith.constant 0 : i32
      %dma_wait3A_230 = arith.constant 0 : i32
      %dma_wait3A_231 = tpu.memref_slice %arg2[%dma_wait3A_229, %dma_wait3A_230] : memref<1000000x64xf32, #tpu.memory_space<hbm>> -> memref<1000000x64xf32, #tpu.memory_space<hbm>>
      tpu.wait_indirect_dma semaphore(%arg8 : memref<!tpu.dma_semaphore, #tpu.memory_space<semaphore_mem>>) src(%dma_wait3A_231 : memref<1000000x64xf32, #tpu.memory_space<hbm>>) dst(%dma_wait3A_225 : memref<128x64xf32, #tpu.memory_space<vmem>>)
      %dma_wait3A_232 = arith.constant 6 : i32
      %dma_wait3A_233 = arith.constant 128 : i32
      %dma_wait3A_234 = arith.constant 0 : i32
      %dma_wait3A_235 = tpu.memref_slice %arg7[%dma_wait3A_233, %dma_wait3A_234] : memref<768x64xf32, #tpu.memory_space<vmem>> -> memref<128x64xf32, #tpu.memory_space<vmem>>
      %dma_wait3A_236 = arith.constant 0 : i32
      %dma_wait3A_237 = tpu.memref_slice %arg5[%dma_wait3A_232, %dma_wait3A_236] : memref<12x128xi32, #tpu.memory_space<vmem>> -> memref<1x128xi32, #tpu.memory_space<vmem>>
      %dma_wait3A_238 = tpu.memref_squeeze %dma_wait3A_237 : memref<1x128xi32, #tpu.memory_space<vmem>> -> memref<128xi32, #tpu.memory_space<vmem>>
      %dma_wait3A_239 = arith.constant 0 : i32
      %dma_wait3A_240 = arith.constant 0 : i32
      %dma_wait3A_241 = tpu.memref_slice %arg2[%dma_wait3A_239, %dma_wait3A_240] : memref<1000000x64xf32, #tpu.memory_space<hbm>> -> memref<1000000x64xf32, #tpu.memory_space<hbm>>
      tpu.wait_indirect_dma semaphore(%arg8 : memref<!tpu.dma_semaphore, #tpu.memory_space<semaphore_mem>>) src(%dma_wait3A_241 : memref<1000000x64xf32, #tpu.memory_space<hbm>>) dst(%dma_wait3A_235 : memref<128x64xf32, #tpu.memory_space<vmem>>)
      %dma_wait3A_242 = arith.constant 7 : i32
      %dma_wait3A_243 = arith.constant 256 : i32
      %dma_wait3A_244 = arith.constant 0 : i32
      %dma_wait3A_245 = tpu.memref_slice %arg7[%dma_wait3A_243, %dma_wait3A_244] : memref<768x64xf32, #tpu.memory_space<vmem>> -> memref<128x64xf32, #tpu.memory_space<vmem>>
      %dma_wait3A_246 = arith.constant 0 : i32
      %dma_wait3A_247 = tpu.memref_slice %arg5[%dma_wait3A_242, %dma_wait3A_246] : memref<12x128xi32, #tpu.memory_space<vmem>> -> memref<1x128xi32, #tpu.memory_space<vmem>>
      %dma_wait3A_248 = tpu.memref_squeeze %dma_wait3A_247 : memref<1x128xi32, #tpu.memory_space<vmem>> -> memref<128xi32, #tpu.memory_space<vmem>>
      %dma_wait3A_249 = arith.constant 0 : i32
      %dma_wait3A_250 = arith.constant 0 : i32
      %dma_wait3A_251 = tpu.memref_slice %arg2[%dma_wait3A_249, %dma_wait3A_250] : memref<1000000x64xf32, #tpu.memory_space<hbm>> -> memref<1000000x64xf32, #tpu.memory_space<hbm>>
      tpu.wait_indirect_dma semaphore(%arg8 : memref<!tpu.dma_semaphore, #tpu.memory_space<semaphore_mem>>) src(%dma_wait3A_251 : memref<1000000x64xf32, #tpu.memory_space<hbm>>) dst(%dma_wait3A_245 : memref<128x64xf32, #tpu.memory_space<vmem>>)
      %dma_wait3A_252 = arith.constant 8 : i32
      %dma_wait3A_253 = arith.constant 384 : i32
      %dma_wait3A_254 = arith.constant 0 : i32
      %dma_wait3A_255 = tpu.memref_slice %arg7[%dma_wait3A_253, %dma_wait3A_254] : memref<768x64xf32, #tpu.memory_space<vmem>> -> memref<128x64xf32, #tpu.memory_space<vmem>>
      %dma_wait3A_256 = arith.constant 0 : i32
      %dma_wait3A_257 = tpu.memref_slice %arg5[%dma_wait3A_252, %dma_wait3A_256] : memref<12x128xi32, #tpu.memory_space<vmem>> -> memref<1x128xi32, #tpu.memory_space<vmem>>
      %dma_wait3A_258 = tpu.memref_squeeze %dma_wait3A_257 : memref<1x128xi32, #tpu.memory_space<vmem>> -> memref<128xi32, #tpu.memory_space<vmem>>
      %dma_wait3A_259 = arith.constant 0 : i32
      %dma_wait3A_260 = arith.constant 0 : i32
      %dma_wait3A_261 = tpu.memref_slice %arg2[%dma_wait3A_259, %dma_wait3A_260] : memref<1000000x64xf32, #tpu.memory_space<hbm>> -> memref<1000000x64xf32, #tpu.memory_space<hbm>>
      tpu.wait_indirect_dma semaphore(%arg8 : memref<!tpu.dma_semaphore, #tpu.memory_space<semaphore_mem>>) src(%dma_wait3A_261 : memref<1000000x64xf32, #tpu.memory_space<hbm>>) dst(%dma_wait3A_255 : memref<128x64xf32, #tpu.memory_space<vmem>>)
      %dma_wait3A_262 = arith.constant 9 : i32
      %dma_wait3A_263 = arith.constant 512 : i32
      %dma_wait3A_264 = arith.constant 0 : i32
      %dma_wait3A_265 = tpu.memref_slice %arg7[%dma_wait3A_263, %dma_wait3A_264] : memref<768x64xf32, #tpu.memory_space<vmem>> -> memref<128x64xf32, #tpu.memory_space<vmem>>
      %dma_wait3A_266 = arith.constant 0 : i32
      %dma_wait3A_267 = tpu.memref_slice %arg5[%dma_wait3A_262, %dma_wait3A_266] : memref<12x128xi32, #tpu.memory_space<vmem>> -> memref<1x128xi32, #tpu.memory_space<vmem>>
      %dma_wait3A_268 = tpu.memref_squeeze %dma_wait3A_267 : memref<1x128xi32, #tpu.memory_space<vmem>> -> memref<128xi32, #tpu.memory_space<vmem>>
      %dma_wait3A_269 = arith.constant 0 : i32
      %dma_wait3A_270 = arith.constant 0 : i32
      %dma_wait3A_271 = tpu.memref_slice %arg2[%dma_wait3A_269, %dma_wait3A_270] : memref<1000000x64xf32, #tpu.memory_space<hbm>> -> memref<1000000x64xf32, #tpu.memory_space<hbm>>
      tpu.wait_indirect_dma semaphore(%arg8 : memref<!tpu.dma_semaphore, #tpu.memory_space<semaphore_mem>>) src(%dma_wait3A_271 : memref<1000000x64xf32, #tpu.memory_space<hbm>>) dst(%dma_wait3A_265 : memref<128x64xf32, #tpu.memory_space<vmem>>)
      %mul3A_272 = arith.constant 128 : i32
      %mul3A_273 = arith.muli %add3A_166, %mul3A_272 : i32
      %dma_start3A_274 = arith.constant 0 : i32
      %dma_start3A_275 = arith.constant 0 : i32
      %dma_start3A_276 = tpu.memref_slice %arg7[%dma_start3A_274, %dma_start3A_275] : memref<768x64xf32, #tpu.memory_space<vmem>> -> memref<640x64xf32, #tpu.memory_space<vmem>>
      %dma_start3A_277 = arith.constant 0 : i32
      %dma_start3A_278 = tpu.memref_slice %arg4[%mul3A_273, %dma_start3A_277] : memref<122880x64xf32, #tpu.memory_space<hbm>> -> memref<640x64xf32, #tpu.memory_space<hbm>>
      %dma_start3A_279 = arith.constant 0 : i32
      %dma_start3A_280 = tpu.memref_slice %arg4[%mul3A_273, %dma_start3A_279] : memref<122880x64xf32, #tpu.memory_space<hbm>> -> memref<640x64xf32, #tpu.memory_space<hbm>>
      %dma_start3A_281 = arith.constant 0 : i32
      %dma_start3A_282 = arith.constant 0 : i32
      %dma_start3A_283 = tpu.memref_slice %arg7[%dma_start3A_281, %dma_start3A_282] : memref<768x64xf32, #tpu.memory_space<vmem>> -> memref<640x64xf32, #tpu.memory_space<vmem>>
      tpu.enqueue_dma source(%dma_start3A_283 : memref<640x64xf32, #tpu.memory_space<vmem>>) target(%dma_start3A_280 : memref<640x64xf32, #tpu.memory_space<hbm>>) target_semaphore(%arg10 : memref<!tpu.dma_semaphore, #tpu.memory_space<semaphore_mem>>)
    }
    %scan3A_6 = arith.constant 3 : i32
    %add3A_7 = arith.constant 20 : i32
    %add3A_8 = arith.addi %mul3A_2, %add3A_7 : i32
    %mul3A_9 = arith.constant 128 : i32
    %mul3A_10 = arith.muli %add3A_8, %mul3A_9 : i32
    %dma_wait3A = arith.constant 0 : i32
    %dma_wait3A_11 = arith.constant 0 : i32
    %dma_wait3A_12 = tpu.memref_slice %arg6[%dma_wait3A, %dma_wait3A_11] : memref<768x64xf32, #tpu.memory_space<vmem>> -> memref<640x64xf32, #tpu.memory_space<vmem>>
    %dma_wait3A_13 = arith.constant 0 : i32
    %dma_wait3A_14 = tpu.memref_slice %arg4[%mul3A_10, %dma_wait3A_13] : memref<122880x64xf32, #tpu.memory_space<hbm>> -> memref<640x64xf32, #tpu.memory_space<hbm>>
    %dma_wait3A_15 = arith.constant 0 : i32
    %dma_wait3A_16 = tpu.memref_slice %arg4[%mul3A_10, %dma_wait3A_15] : memref<122880x64xf32, #tpu.memory_space<hbm>> -> memref<640x64xf32, #tpu.memory_space<hbm>>
    %dma_wait3A_17 = arith.constant 0 : i32
    %dma_wait3A_18 = arith.constant 0 : i32
    %dma_wait3A_19 = tpu.memref_slice %arg6[%dma_wait3A_17, %dma_wait3A_18] : memref<768x64xf32, #tpu.memory_space<vmem>> -> memref<640x64xf32, #tpu.memory_space<vmem>>
    tpu.wait_dma2 semaphore(%arg9 : memref<!tpu.dma_semaphore, #tpu.memory_space<semaphore_mem>>) src(%dma_wait3A_19 : memref<640x64xf32, #tpu.memory_space<vmem>>) dst(%dma_wait3A_16 : memref<640x64xf32, #tpu.memory_space<hbm>>)
    %add3A_20 = arith.constant 25 : i32
    %add3A_21 = arith.addi %mul3A_2, %add3A_20 : i32
    %mul3A_22 = arith.constant 128 : i32
    %mul3A_23 = arith.muli %add3A_21, %mul3A_22 : i32
    %dma_wait3A_24 = arith.constant 0 : i32
    %dma_wait3A_25 = arith.constant 0 : i32
    %dma_wait3A_26 = tpu.memref_slice %arg7[%dma_wait3A_24, %dma_wait3A_25] : memref<768x64xf32, #tpu.memory_space<vmem>> -> memref<640x64xf32, #tpu.memory_space<vmem>>
    %dma_wait3A_27 = arith.constant 0 : i32
    %dma_wait3A_28 = tpu.memref_slice %arg4[%mul3A_23, %dma_wait3A_27] : memref<122880x64xf32, #tpu.memory_space<hbm>> -> memref<640x64xf32, #tpu.memory_space<hbm>>
    %dma_wait3A_29 = arith.constant 0 : i32
    %dma_wait3A_30 = tpu.memref_slice %arg4[%mul3A_23, %dma_wait3A_29] : memref<122880x64xf32, #tpu.memory_space<hbm>> -> memref<640x64xf32, #tpu.memory_space<hbm>>
    %dma_wait3A_31 = arith.constant 0 : i32
    %dma_wait3A_32 = arith.constant 0 : i32
    %dma_wait3A_33 = tpu.memref_slice %arg7[%dma_wait3A_31, %dma_wait3A_32] : memref<768x64xf32, #tpu.memory_space<vmem>> -> memref<640x64xf32, #tpu.memory_space<vmem>>
    tpu.wait_dma2 semaphore(%arg10 : memref<!tpu.dma_semaphore, #tpu.memory_space<semaphore_mem>>) src(%dma_wait3A_33 : memref<640x64xf32, #tpu.memory_space<vmem>>) dst(%dma_wait3A_30 : memref<640x64xf32, #tpu.memory_space<hbm>>)
    return
  }
}

</mosaic_0001>

<sc_bundles>
// kernel: kernel.11.cloned.1.call-start
scs
__scs_entry_jumppad:
0x0: {  	(pc) =	sbr.rel $0x88, $3  }
0x1: {  	(tag) =	ssettag $0x0;
	lr =	simm.s32 $0x1  }
0x2: {  	[smem:$0x3F98] =	sst lr;
	_ =	strace $0xD0000000  }
0x3: {  	_ = 	snop  }
0x4: {  	_ = 	snop  }
0x5: {  	_ = 	snop  }
0x6: {  	_ = 	snop  }
0x7: {  	_ = 	snop  }
__scs_overlays_trampoline_lowered:
0x8: {  	[smem:$0x3FA7] =	sst s0  }
0x9: {  	[smem:$0x3FA8] =	sst s1  }
0xa: {  	[smem:$0x3FA9] =	sst s2  }
0xb: {  	[smem:$0x3FAA] =	sst s3  }
0xc: {  	[smem:$0x3FAB] =	sst s4  }
0xd: {  	[smem:$0x3FAC] =	sst s5  }
0xe: {  	[smem:$0x3FAD] =	sst s6  }
0xf: {  	[smem:$0x3FAE] =	sst s7  }
0x10: {  	[smem:$0x3FAF] =	sst s8  }
0x11: {  	[smem:$0x3FB0] =	sst s9;
	s0 =	simm.s32 @!p0 $0x0  }
0x12: {  	s1 =	sld [smem:$0x3F96];
	s0 =	simm.s32 @p0 $0x1  }
0x13: {  	[smem:$0x3FB1] =	sst s0;
	s0 =	simm.s32 @!p1 $0x0  }
0x14: {  	s2 =	sld [smem:$0x3F95];
	s0 =	simm.s32 @p1 $0x1  }
0x15: {  	[smem:$0x3FB2] =	sst s0;
	s0 =	simm.s32 @!p2 $0x0  }
0x16: {  	s3 =	sld [smem:$0x3FDB];
	s0 =	simm.s32 @p2 $0x1  }
0x17: {  	s4 =	simm.s32 $0x1BF5;
	[smem:$0x3FB4] =	sst s0  }
0x18: {  	s0 =	sld [smem:$0x3F97];
	_ =	swait.ge [sflag:s4], $0x0  }
0x19: {  	s7 =	sld [smem:$0x3F98]  }
0x1a: {  	s8 =	sadd.s32 $0xFFFFE003, lr  }
0x1b: {  	s9 =	sadd.s32 $0xFFFFFEF7, lr;
	s5 =	simm.s32 $0xFFFFFFFF;
	p2 =	slt.u32 s8, $0xFFFFF086  }
0x1c: {  	p1 =	slt.u32 s9, $0xF7A;
	s5 =	simm.s32 @!p2 $0x0  }
0x1d: {  	s5 =	simm.s32 @p1 $0x1;
	p0 =	seq.s32 s7, s2  }
0x1e: {  	s7 =	smul.u32 @!p0 $0xF7A, s2;
	p2 =	seq.s32 @!p0 s5, $0x0  }
0x1f: {  	s9 =	smul.u32 $0xF7A, s1;
	s8 =	simm.s32 @!p0 $0x1BF5;
	p2 =	por !p2, p0  }
0x20: {  	[sflag:s8] =	ssyncset.s32 @!p0 $0xFFFFF086;
	s6 =	sadd.s32 @!p0 s3, s7;
	s7 =	simm.s32 @!p0 $0x108  }
0x21: {  	s3 =	sadd.s32 s3, s9;
	s6 =	sadd.s32 @!p0 $0x88, s6;
	s7 =	simm.s32 @p2 $0x1082  }
0x22: {  	[simem:s7], [sflag:s8] =	dma.local @!p0 [hbm:s6], $0xF7A  }
0x23: {  	s9 =	sor.u32 $0xD0000000, s2;
	s6 =	simm.s32 $0x108;
	_ =	swait.ge @!p0 [sflag:s8], $0x0  }
0x24: {  	s3 =	sadd.s32 $0x88, s3;
	s6 =	simm.s32 @!p1 $0x1082;
	[sflag:s4] =	ssyncset.s32 $0xFFFFF086  }
0x25: {  	[simem:s6], [sflag:s4] =	dma.local [hbm:s3], $0xF7A  }
0x26: {  	[smem:$0x3F98] =	sst s1;
	(tag) =	ssettag s2;
	_ =	strace s9  }
0x27: {  	s1 =	sld [smem:$0x3FA8]  }
0x28: {  	s2 =	sld [smem:$0x3FA9]  }
0x29: {  	s4 =	sld [smem:$0x3FAB]  }
0x2a: {  	p0 =	seq.s32 s5, $0x0;
	s5 =	sld [smem:$0x3FAC]  }
0x2b: {  	s6 =	sld [smem:$0x3FAD]  }
0x2c: {  	s7 =	sld [smem:$0x3FAE]  }
0x2d: {  	s3 =	simm.s32 $0x108;
	s8 =	sld [smem:$0x3FAF]  }
0x2e: {  	s3 =	simm.s32 @!p0 $0x1082;
	s9 =	sld [smem:$0x3FB0]  }
0x2f: {  	lr =	sadd.s32 s0, s3;
	s0 =	sld [smem:$0x3FA7]  }
0x30: {  	s3 =	sld [smem:$0x3FAA]  }
0x31: {  	[smem:$0x3FB3] =	sst s10  }
0x32: {  	s10 =	sld [smem:$0x3FB1];
	_ =	sdelay $0x3  }
0x33: {  	p0 =	seq.s32 s10, $0x1;
	s10 =	sld [smem:$0x3FB3];
	_ =	sdelay $0x3  }
0x34: {  	[smem:$0x3FB3] =	sst s10  }
0x35: {  	s10 =	sld [smem:$0x3FB2];
	_ =	sdelay $0x3  }
0x36: {  	p1 =	seq.s32 s10, $0x1;
	s10 =	sld [smem:$0x3FB3];
	_ =	sdelay $0x3  }
0x37: {  	[smem:$0x3FB3] =	sst s10  }
0x38: {  	s10 =	sld [smem:$0x3FB4]  }
0x39: {  	_ = 	snop;
	(pc) =	sbr.ind lr, $3  }
0x3a: {  	_ = 	snop  }
0x3b: {  	_ = 	snop  }
0x3c: {  	p2 =	seq.s32 s10, $0x1;
	s10 =	sld [smem:$0x3FB3]  }
0x3d: {  	_ =	shalt  }
0x3e: {  	_ =	shalt  }
0x3f: {  	_ =	shalt  }
0x40: {  	_ =	shalt  }
0x41: {  	_ =	shalt  }
0x42: {  	_ =	shalt  }
0x43: {  	_ =	shalt  }
0x44: {  	_ =	shalt  }
0x45: {  	_ =	shalt  }
0x46: {  	_ =	shalt  }
0x47: {  	_ =	shalt  }
0x48: {  	_ =	shalt  }
0x49: {  	_ =	shalt  }
0x4a: {  	_ =	shalt  }
0x4b: {  	_ =	shalt  }
0x4c: {  	_ =	shalt  }
0x4d: {  	_ =	shalt  }
0x4e: {  	_ =	shalt  }
0x4f: {  	_ =	shalt  }
0x50: {  	_ =	shalt  }
0x51: {  	_ =	shalt  }
0x52: {  	_ =	shalt  }
0x53: {  	_ =	shalt  }
0x54: {  	_ =	shalt  }
0x55: {  	_ =	shalt  }
0x56: {  	_ =	shalt  }
0x57: {  	_ =	shalt  }
0x58: {  	_ =	shalt  }
0x59: {  	_ =	shalt  }
0x5a: {  	_ =	shalt  }
0x5b: {  	_ =	shalt  }
0x5c: {  	_ =	shalt  }
0x5d: {  	_ =	shalt  }
0x5e: {  	_ =	shalt  }
0x5f: {  	_ =	shalt  }
0x60: {  	_ =	shalt  }
0x61: {  	_ =	shalt  }
0x62: {  	_ =	shalt  }
0x63: {  	_ =	shalt  }
0x64: {  	_ =	shalt  }
0x65: {  	_ =	shalt  }
0x66: {  	_ =	shalt  }
0x67: {  	_ =	shalt  }
0x68: {  	_ =	shalt  }
0x69: {  	_ =	shalt  }
0x6a: {  	_ =	shalt  }
0x6b: {  	_ =	shalt  }
0x6c: {  	_ =	shalt  }
0x6d: {  	_ =	shalt  }
0x6e: {  	_ =	shalt  }
0x6f: {  	_ =	shalt  }
0x70: {  	_ =	shalt  }
0x71: {  	_ =	shalt  }
0x72: {  	_ =	shalt  }
0x73: {  	_ =	shalt  }
0x74: {  	_ =	shalt  }
0x75: {  	_ =	shalt  }
0x76: {  	_ =	shalt  }
0x77: {  	_ =	shalt  }
0x78: {  	_ =	shalt  }
0x79: {  	_ =	shalt  }
0x7a: {  	_ =	shalt  }
0x7b: {  	_ =	shalt  }
0x7c: {  	_ =	shalt  }
0x7d: {  	_ =	shalt  }
0x7e: {  	_ =	shalt  }
0x7f: {  	_ =	shalt  }
0x80: {  	_ =	shalt  }
0x81: {  	_ =	shalt  }
0x82: {  	_ =	shalt  }
0x83: {  	_ =	shalt  }
0x84: {  	_ =	shalt  }
0x85: {  	_ =	shalt  }
0x86: {  	_ =	shalt  }
0x87: {  	_ =	shalt  }
.Lfunc_end0:
.L_simem_size_0:
called_computation.4_lowered:
.L_overlay_start_0:
0x88: {  	s2 =	sld [smem:$0x3FD9]  }
0x89: {  	s3 =	sld [smem:$0x3FFE];
	_ =	sdelay $0x1  }
0x8a: {  	s1 =	srdreg.scid  }
0x8b: {  	s0 =	sand.u32 $0x1, s1  }
0x8c: {  	s14 =	sshll.u32 s0, $0xA;
	s2 =	sadd.s32 s3, s2  }
0x8d: {  	s2 =	sadd.s32 s2, s14  }
0x8e: {  	[smem:$0x3FBF] =	sst s2  }
0x8f: {  	_ = 	snop  }
0x90: {  	s2 =	sld [smem:$0x3FD0];
	_ =	sdelay $0x2  }
0x91: {  	s15 =	simm.s32 $0xF;
	s4 =	simm.s32 $0x10  }
0x92: {  	[smem:s4], [sflag:s15] =	dma.local [hbm:s2], $0x1  }
0x93: {  	_ =	swait.eq [sflag:s15], $0x1  }
0x94: {  	[sflag:s15] =	ssyncset.done $0x0  }
0x95: {  	[sflag:s15] =	ssyncadd.s32 $0xFFFFFFFF  }
0x96: {  	s16 =	sld [smem:$0x12];
	(tm) =	ssettm $0x1  }
0x97: {  	s17 =	sld [smem:$0x3FFB];
	_ =	sdelay $0x3  }
0x98: {  	_ =	strace s17  }
0x99: {  	s3 =	sld [smem:$0x3FFC];
	_ =	sdelay $0x3  }
0x9a: {  	_ =	strace s3  }
0x9b: {  	s3 =	sld [smem:$0x3FFD];
	_ =	sdelay $0x3  }
0x9c: {  	_ =	strace s3  }
0x9d: {  	_ =	strace $0x8FFFFFFF  }
0x9e: {  	s18 =	sld [smem:$0x3FDB];
	_ =	sdelay $0x1  }
0x9f: {  	s19 =	simm.s32 $_scs_section_size  }
0xa0: {  	s5 =	simm.s32 $_size__tile_overlayer_lowered;
	s6 =	simm.s32 $_tile_overlayer_lowered  }
0xa1: {  	s22 =	simm.s32 $0x1BFF;
	s21 =	sshll.u32 s6, $0x1;
	s3 =	sadd.s32 s19, s18  }
0xa2: {  	s7 =	simm.s32 $0x0;
	s20 =	sshll.u32 s5, $0x1;
	s5 =	sadd.s32 s21, s3  }
0xa3: {  	[timem:s7], [sflag:s22] =	dma.local [hbm:s5], s20  }
0xa4: {  	_ =	swait.ge [sflag:s22], s20  }
0xa5: {  	s4 =	ssub.s32 $0x0, s20;
	[sflag:s22] =	ssyncset.done $0x0  }
0xa6: {  	[sflag:s22] =	ssyncadd.s32 s4;
	_ =	sdelay $0x1  }
0xa7: {  	s23 =	simm.s32 $0x1B8B  }
0xa8: {  	_ =	swait.ge [sflag:s23], $0x1  }
0xa9: {  	[sflag:s23] =	ssyncset.done $0x0  }
0xaa: {  	s25 =	simm.s32 $0x1B8E;
	s24 =	sld [smem:$0x3FFE];
	[sflag:s23] =	ssyncadd.s32 $0xFFFFFFFF  }
0xab: {  	s26 =	simm.s32 $execute0_lowered;
	[smem:$0x3FD2] =	sst s25  }
0xac: {  	s5 =	sshll.u32 s26, $0x1;
	_ =	strace $0x80000046;
	[dreg:$0x1] =	wrdreg $0xFFFFFFFF  }
0xad: {  	s28 =	simm.s32 $_size_execute0_lowered;
	s3 =	sadd.s32 s3, s5;
	[dreg:$0x0] =	wrdreg $0x0  }
0xae: {  	s5 =	sshll.u32 s28, $0x1;
	[dreg:$0x2] =	wrdreg s3  }
0xaf: {  	[dreg:$0x3] =	wrdreg s5  }
0xb0: {  	[dreg:$0x4] =	wrdreg $0xC0  }
0xb1: {  	_ =	task [dreg:s7], $0x5FFFF  }
0xb2: {  	[dreg:$0x1] =	wrdreg $0xFFFFFFFF  }
0xb3: {  	[dreg:$0x0] =	wrdreg $0x60  }
0xb4: {  	[dreg:$0x2] =	wrdreg s24  }
0xb5: {  	[dreg:$0x3] =	wrdreg s16  }
0xb6: {  	[dreg:$0x4] =	wrdreg $0xC  }
0xb7: {  	_ =	task.clear_ibuf [dreg:s7], $0x5FFFF;
	_ =	strace $0x90000046  }
0xb8: {  	s29 =	simm.s32 $0xC;
	_ =	strace $0x80000048  }
0xb9: {  	_ =	swait.ge [sflag:s29], $0x1  }
0xba: {  	[sflag:s29] =	ssyncadd.s32 $0xFFFFFFFF  }
0xbb: {  	_ =	strace $0x90000048  }
0xbc: {  	_ =	sfence  }
0xbd: {  	s30 =	sld [smem:$0x0];
	_ =	sdelay $0x2  }
0xbe: {  	s31 =	sshll.u32 s1, $0xD;
	s1 =	sshrl.u32 s1, $0x2  }
0xbf: {  	s3 =	sand.u32 $0x4000, s31;
	s1 =	sadd.s32 s1, s30  }
0xc0: {  	s0 =	sor.u32 s3, s0;
	s1 =	sshll.u32 s1, $0x11  }
0xc1: {  	s0 =	sor.u32 s1, s0  }
0xc2: {  	s0 =	sadd.s32 $0x8F2B, s0  }
0xc3: {  	[sflag:s0] =	ssyncadd.remote.s32 $0x1  }
0xc4: {  	_ =	sfence.sel $0xFFFF  }
0xc5: {  	[dreg:$0x0] =	wrdreg $0xFFFFFFFF;
	(pc) =	sbr.abs _section_cstart, $3  }
0xc6: {  	[dreg:$0x1] =	wrdreg $0xFFFFFFFF  }
0xc7: {  	_ =	task.clear_ibuf [dreg:s7], $0x2FFFF;
	_ =	strace $0x9FFFFFFF  }
0xc8: {  	(tm) =	ssettm $0x7FFFFFFF  }
0xc9: {  	_ =	shalt  }
tec
execute0_lowered:
.L_overlay_start_1:
0x0: {  	(tag) =	ssettag $0x1  }
0x1: {  	s0 =	rddreg [dreg:$0x0]  }
0x2: {  	s1 =	rddreg [dreg:$0x1];
	s9 =	stileid.u32;
	s2 =	simm.s32 $0x0  }
0x3: {  	s3 =	srdreg.scid;
	s10 =	simm.s32 $0x2600;
	s11 =	simm.s32 $0x100  }
0x4: {  	s12 =	simm.s32 $0x4600;
	s13 =	simm.s32 $0x180;
	s14 =	simm.s32 $0x6600  }
0x5: {  	s15 =	simm.s32 $0x200;
	s16 =	simm.s32 $0x8600;
	s17 =	simm.s32 $0x1  }
0x6: {  	s18 =	simm.s32 $0x280;
	s19 =	simm.s32 $0xC600;
	s20 =	simm.s32 $0x300  }
0x7: {  	s21 =	simm.s32 $0xE600;
	s22 =	simm.s32 $0x380;
	s4 =	smul.u32 $0x640, s9  }
0x8: {  	s23 =	simm.s32 $0x10600;
	s24 =	simm.s32 $0x400;
	s6 =	smul.u32 $0x64, s9  }
0x9: {  	s28 =	simm.s32 $0x14600;
	s5 =	sand.u32 $0x1, s3;
	s26 =	smul.u32 $0x19000, s9  }
0xa: {  	s31 =	simm.s32 $0x0;
	[smem:$0x7FF] =	sst s2;
	s7 =	smul.u32 $0x32, s5  }
0xb: {  	s3 =	sadd.s32 $0x9400, s0;
	s9 =	simm.s32 $0x600;
	s29 =	smul.u32 $0x320, s5  }
0xc: {  	_ =	strace $0x80000047;
	s25 =	ssub.s32 $0x2, s5;
	s5 =	smul.u32 $0xC800, s5  }
0xd: {  	s0 =	sadd.s32 s4, s0;
	s8 =	sshrl.u32 s25, $0x1;
	s6 =	sadd.s32 s7, s6  }
0xe: {  	s4 =	ssub.s32 s25, s8;
	s0 =	sadd.s32 s29, s0;
	s7 =	simm.s32 $0x4  }
0xf: {  	s8 =	simm.s32 $0x80;
	s6 =	sshll.u32 s6, $0xA;
	s4 =	smax.u32 s4, $0x1  }
0x10: {  	s25 =	simm.s32 $0x12600;
	[dreg:$0x4] =	wrdreg s4;
	s30 =	sadd.s32 s1, s6  }
0x11: {  	s1 =	sadd.s32 s26, s1;
	s6 =	sadd.s32 $0x3000, s0;
	s4 =	sadd.s32 $0x1400, s30  }
0x12: {  	s26 =	simm.s32 $0x480;
	s5 =	sadd.s32 s5, s1;
	[dreg:$0x3] =	wrdreg s4  }
.LBB2_1:
0x13: {  	[tilespmem:s2], [sflag:$0x4] =	stream.linear.gather [hbm4b:s6+s2], $0x500, $0x38;
	[tilespmem:$0x18600] =	vst v63  }
0x14: {  	_ =	swait.ge [sflag:s7], $0x500  }
0x15: {  	p0 =	por $0x1, $0x1;
	[sflag:s7] =	ssyncset.done $0x0  }
0x16: {  	s0 =	simm.s32 @!p0 $0x2;
	[sflag:s7] =	ssyncadd.s32 $0xFFFFFB00  }
0x17: {  	_ =	swait.ge @!p0 [sflag:s0], $0xA000  }
0x18: {  	[sflag:s0] =	ssyncset.done @!p0 $0x0  }
0x19: {  	[sflag:s0] =	ssyncadd.s32 @!p0 $0xFFFF6000  }
0x1a: {  	[tilespmem:s9], [sflag:$0x1] =	stream.indirect.gather [hbm4b:s3+s8], $0x40, s2, s8, $0xb8;
	[tilespmem:$0x18600] =	vst v63  }
0x1b: {  	_ = 	snop  }
0x1c: {  	[tilespmem:s10], [sflag:$0x1] =	stream.indirect.gather [hbm4b:s3+s8], $0x40, s8, s8, $0xb8;
	[tilespmem:$0x18600] =	vst v63  }
0x1d: {  	_ = 	snop  }
0x1e: {  	[tilespmem:s12], [sflag:$0x1] =	stream.indirect.gather [hbm4b:s3+s8], $0x40, s11, s8, $0xb8;
	[tilespmem:$0x18600] =	vst v63  }
0x1f: {  	_ = 	snop  }
0x20: {  	[tilespmem:s14], [sflag:$0x1] =	stream.indirect.gather [hbm4b:s3+s8], $0x40, s13, s8, $0xb8;
	[tilespmem:$0x18600] =	vst v63  }
0x21: {  	_ = 	snop  }
0x22: {  	[tilespmem:s16], [sflag:$0x1] =	stream.indirect.gather [hbm4b:s3+s8], $0x40, s15, s8, $0xb8;
	[tilespmem:$0x18600] =	vst v63  }
0x23: {  	_ =	swait.ge [sflag:s17], $0x2000  }
0x24: {  	[sflag:s17] =	ssyncset.done $0x0  }
0x25: {  	[sflag:s17] =	ssyncadd.s32 $0xFFFFE000  }
0x26: {  	_ =	swait.ge [sflag:s17], $0x2000  }
0x27: {  	[sflag:s17] =	ssyncset.done $0x0  }
0x28: {  	[sflag:s17] =	ssyncadd.s32 $0xFFFFE000  }
0x29: {  	_ =	swait.ge [sflag:s17], $0x2000  }
0x2a: {  	[sflag:s17] =	ssyncset.done $0x0  }
0x2b: {  	[sflag:s17] =	ssyncadd.s32 $0xFFFFE000  }
0x2c: {  	_ =	swait.ge [sflag:s17], $0x2000  }
0x2d: {  	[sflag:s17] =	ssyncset.done $0x0  }
0x2e: {  	[sflag:s17] =	ssyncadd.s32 $0xFFFFE000  }
0x2f: {  	_ =	swait.ge [sflag:s17], $0x2000  }
0x30: {  	[sflag:s17] =	ssyncset.done $0x0  }
0x31: {  	s29 =	sadd.s32 $0x0, s5;
	s1 =	simm.s32 @!p0 $0x3;
	[sflag:s17] =	ssyncadd.s32 $0xFFFFE000  }
0x32: {  	[hbm4b:s29+s2] =	stream.linear.scatter [tilespmem:s9], [sflag:$0x2], $0xA000, $0x38;
	[tilespmem:$0x18600] =	vst v63  }
0x33: {  	_ =	swait.ge @!p0 [sflag:s1], $0xA000  }
0x34: {  	[sflag:s1] =	ssyncset.done @!p0 $0x0  }
0x35: {  	[sflag:s1] =	ssyncadd.s32 @!p0 $0xFFFF6000  }
0x36: {  	[tilespmem:s19], [sflag:$0x1] =	stream.indirect.gather [hbm4b:s3+s8], $0x40, s18, s8, $0xb8;
	[tilespmem:$0x18600] =	vst v63  }
0x37: {  	_ = 	snop  }
0x38: {  	[tilespmem:s21], [sflag:$0x1] =	stream.indirect.gather [hbm4b:s3+s8], $0x40, s20, s8, $0xb8;
	[tilespmem:$0x18600] =	vst v63  }
0x39: {  	_ = 	snop  }
0x3a: {  	[tilespmem:s23], [sflag:$0x1] =	stream.indirect.gather [hbm4b:s3+s8], $0x40, s22, s8, $0xb8;
	[tilespmem:$0x18600] =	vst v63  }
0x3b: {  	_ = 	snop  }
0x3c: {  	[tilespmem:s25], [sflag:$0x1] =	stream.indirect.gather [hbm4b:s3+s8], $0x40, s24, s8, $0xb8;
	[tilespmem:$0x18600] =	vst v63  }
0x3d: {  	_ = 	snop  }
0x3e: {  	[tilespmem:s28], [sflag:$0x1] =	stream.indirect.gather [hbm4b:s3+s8], $0x40, s26, s8, $0xb8;
	[tilespmem:$0x18600] =	vst v63  }
0x3f: {  	_ =	swait.ge [sflag:s17], $0x2000  }
0x40: {  	[sflag:s17] =	ssyncset.done $0x0  }
0x41: {  	[sflag:s17] =	ssyncadd.s32 $0xFFFFE000  }
0x42: {  	_ =	swait.ge [sflag:s17], $0x2000  }
0x43: {  	[sflag:s17] =	ssyncset.done $0x0  }
0x44: {  	[sflag:s17] =	ssyncadd.s32 $0xFFFFE000  }
0x45: {  	_ =	swait.ge [sflag:s17], $0x2000  }
0x46: {  	[sflag:s17] =	ssyncset.done $0x0  }
0x47: {  	[sflag:s17] =	ssyncadd.s32 $0xFFFFE000  }
0x48: {  	_ =	swait.ge [sflag:s17], $0x2000  }
0x49: {  	[sflag:s17] =	ssyncset.done $0x0  }
0x4a: {  	[sflag:s17] =	ssyncadd.s32 $0xFFFFE000  }
0x4b: {  	_ =	swait.ge [sflag:s17], $0x2000  }
0x4c: {  	s0 =	simm.s32 $0x2800;
	s30 =	rddreg [dreg:$0x3];
	[sflag:s17] =	ssyncset.done $0x0  }
0x4d: {  	s1 =	sadd.s32 $0xA0, s6;
	[sflag:s17] =	ssyncadd.s32 $0xFFFFE000;
	s4 =	sadd.s32 $0x0, s30  }
.LBB2_2:
0x4e: {  	[hbm4b:s4+s2] =	stream.linear.scatter [tilespmem:s19], [sflag:$0x3], $0xA000, $0x38;
	[tilespmem:$0x18600] =	vst v63  }
0x4f: {  	_ = 	snop  }
0x50: {  	[tilespmem:s2], [sflag:$0x4] =	stream.linear.gather [hbm4b:s1+s2], $0x500, $0x38;
	[tilespmem:$0x18600] =	vst v63  }
0x51: {  	s4 =	smov.u32 s0;
	_ =	swait.ge [sflag:s7], $0x500  }
0x52: {  	p1 =	seq.s32 s4, $0x0;
	[sflag:s7] =	ssyncset.done $0x0  }
0x53: {  	s29 =	simm.s32 @!p1 $0x2;
	[sflag:s7] =	ssyncadd.s32 $0xFFFFFB00  }
0x54: {  	_ =	swait.ge @!p1 [sflag:s29], $0xA000  }
0x55: {  	[sflag:s29] =	ssyncset.done @!p1 $0x0  }
0x56: {  	[sflag:s29] =	ssyncadd.s32 @!p1 $0xFFFF6000  }
0x57: {  	[tilespmem:s9], [sflag:$0x1] =	stream.indirect.gather [hbm4b:s3+s8], $0x40, s2, s8, $0xb8;
	[tilespmem:$0x18600] =	vst v63  }
0x58: {  	_ = 	snop  }
0x59: {  	[tilespmem:s10], [sflag:$0x1] =	stream.indirect.gather [hbm4b:s3+s8], $0x40, s8, s8, $0xb8;
	[tilespmem:$0x18600] =	vst v63  }
0x5a: {  	_ = 	snop  }
0x5b: {  	[tilespmem:s12], [sflag:$0x1] =	stream.indirect.gather [hbm4b:s3+s8], $0x40, s11, s8, $0xb8;
	[tilespmem:$0x18600] =	vst v63  }
0x5c: {  	_ = 	snop  }
0x5d: {  	[tilespmem:s14], [sflag:$0x1] =	stream.indirect.gather [hbm4b:s3+s8], $0x40, s13, s8, $0xb8;
	[tilespmem:$0x18600] =	vst v63  }
0x5e: {  	_ = 	snop  }
0x5f: {  	[tilespmem:s16], [sflag:$0x1] =	stream.indirect.gather [hbm4b:s3+s8], $0x40, s15, s8, $0xb8;
	[tilespmem:$0x18600] =	vst v63  }
0x60: {  	_ =	swait.ge [sflag:s17], $0x2000  }
0x61: {  	[sflag:s17] =	ssyncset.done $0x0  }
0x62: {  	[sflag:s17] =	ssyncadd.s32 $0xFFFFE000  }
0x63: {  	_ =	swait.ge [sflag:s17], $0x2000  }
0x64: {  	[sflag:s17] =	ssyncset.done $0x0  }
0x65: {  	[sflag:s17] =	ssyncadd.s32 $0xFFFFE000  }
0x66: {  	_ =	swait.ge [sflag:s17], $0x2000  }
0x67: {  	[sflag:s17] =	ssyncset.done $0x0  }
0x68: {  	[sflag:s17] =	ssyncadd.s32 $0xFFFFE000  }
0x69: {  	_ =	swait.ge [sflag:s17], $0x2000  }
0x6a: {  	[sflag:s17] =	ssyncset.done $0x0  }
0x6b: {  	[sflag:s17] =	ssyncadd.s32 $0xFFFFE000  }
0x6c: {  	_ =	swait.ge [sflag:s17], $0x2000  }
0x6d: {  	[sflag:s17] =	ssyncset.done $0x0  }
0x6e: {  	s30 =	simm.s32 @!p1 $0x3;
	s29 =	sadd.s32 s4, s5;
	[sflag:s17] =	ssyncadd.s32 $0xFFFFE000  }
0x6f: {  	[hbm4b:s29+s2] =	stream.linear.scatter [tilespmem:s9], [sflag:$0x2], $0xA000, $0x38;
	[tilespmem:$0x18600] =	vst v63  }
0x70: {  	_ =	swait.ge @!p1 [sflag:s30], $0xA000  }
0x71: {  	[sflag:s30] =	ssyncset.done @!p1 $0x0  }
0x72: {  	[sflag:s30] =	ssyncadd.s32 @!p1 $0xFFFF6000  }
0x73: {  	[tilespmem:s19], [sflag:$0x1] =	stream.indirect.gather [hbm4b:s3+s8], $0x40, s18, s8, $0xb8;
	[tilespmem:$0x18600] =	vst v63  }
0x74: {  	_ = 	snop  }
0x75: {  	[tilespmem:s21], [sflag:$0x1] =	stream.indirect.gather [hbm4b:s3+s8], $0x40, s20, s8, $0xb8;
	[tilespmem:$0x18600] =	vst v63  }
0x76: {  	_ = 	snop  }
0x77: {  	[tilespmem:s23], [sflag:$0x1] =	stream.indirect.gather [hbm4b:s3+s8], $0x40, s22, s8, $0xb8;
	[tilespmem:$0x18600] =	vst v63  }
0x78: {  	_ = 	snop  }
0x79: {  	[tilespmem:s25], [sflag:$0x1] =	stream.indirect.gather [hbm4b:s3+s8], $0x40, s24, s8, $0xb8;
	[tilespmem:$0x18600] =	vst v63  }
0x7a: {  	_ = 	snop  }
0x7b: {  	[tilespmem:s28], [sflag:$0x1] =	stream.indirect.gather [hbm4b:s3+s8], $0x40, s26, s8, $0xb8;
	[tilespmem:$0x18600] =	vst v63  }
0x7c: {  	_ =	swait.ge [sflag:s17], $0x2000  }
0x7d: {  	[sflag:s17] =	ssyncset.done $0x0  }
0x7e: {  	[sflag:s17] =	ssyncadd.s32 $0xFFFFE000  }
0x7f: {  	_ =	swait.ge [sflag:s17], $0x2000  }
0x80: {  	[sflag:s17] =	ssyncset.done $0x0  }
0x81: {  	[sflag:s17] =	ssyncadd.s32 $0xFFFFE000  }
0x82: {  	_ =	swait.ge [sflag:s17], $0x2000  }
0x83: {  	[sflag:s17] =	ssyncset.done $0x0  }
0x84: {  	s0 =	sadd.s32 $0x2800, s0;
	[sflag:s17] =	ssyncadd.s32 $0xFFFFE000  }
0x85: {  	p0 =	sne.s32 s0, $0xC800;
	_ =	swait.ge [sflag:s17], $0x2000  }
.Ltmp0:
0x86: {  	[sflag:s17] =	ssyncset.done $0x0;
	(pc) =	sbr.rel @p0 .LBB2_2-.Ltmp0, $4  }
0x87: {  	[sflag:s17] =	ssyncadd.s32 $0xFFFFE000  }
0x88: {  	_ =	swait.ge [sflag:s17], $0x2000  }
0x89: {  	[sflag:s17] =	ssyncset.done $0x0;
	s30 =	rddreg [dreg:$0x3]  }
0x8a: {  	s1 =	sadd.s32 $0xA0, s1;
	[sflag:s17] =	ssyncadd.s32 $0xFFFFE000;
	s4 =	sadd.s32 s4, s30  }
0x8b: {  	[hbm4b:s4+s2] =	stream.linear.scatter [tilespmem:s19], [sflag:$0x3], $0xA000, $0x38;
	[tilespmem:$0x18600] =	vst v63  }
0x8c: {  	s0 =	simm.s32 $0x2  }
0x8d: {  	_ =	swait.ge [sflag:s0], $0xA000  }
0x8e: {  	[sflag:s0] =	ssyncset.done $0x0  }
0x8f: {  	s1 =	simm.s32 $0x3;
	[sflag:s0] =	ssyncadd.s32 $0xFFFF6000  }
0x90: {  	_ =	swait.ge [sflag:s1], $0xA000  }
0x91: {  	s31 =	sadd.s32 $0x1, s31;
	s30 =	rddreg [dreg:$0x4]  }
0x92: {  	p0 =	sne.s32 s31, s30  }
.Ltmp1:
0x93: {  	_ = 	snop;
	(pc) =	sbr.rel @p0 .LBB2_1-.Ltmp1, $3  }
0x94: {  	_ =	sdelay $0x1  }
0x95: {  	[sflag:s1] =	ssyncset.done $0x0  }
0x96: {  	[sflag:s1] =	ssyncadd.s32 $0xFFFF6000  }
0x97: {  	_ =	sfence.sel $0x180000  }
0x98: {  	[bflag:$0x0] =	sbarrier.arrive $0xFFFF  }
0x99: {  	_ =	strace $0x90000047  }
0x9a: {  	s0 =	stileid.u32;
	[bflag:$0x2] =	sbarrier.arrive $0xFFFF  }
0x9b: {  	p0 =	sne.s32 s0, $0x0;
	s0 =	rddreg [dreg:$0x2]  }
0x9c: {  	s0 =	sadd.s32 @!p0 $0x100000, s0  }
0x9d: {  	[sflag:s0] =	ssyncadd.tile.s32 @!p0 $0x1;
	_ =	shalt  }
.Lfunc_end2:
_tile_overlayer_lowered:
.L_overlay_start_2:
0x9e: {  	(tag) =	ssettag $0x2  }
0x9f: {  	s0 =	rddreg [dreg:$0x0];
	s2 =	stileid.u32  }
0xa0: {  	s1 =	rddreg [dreg:$0x1];
	p0 =	sne.s32 s2, $0x0  }
0xa1: {  	s3 =	rddreg [dreg:$0x2];
	[bflag:$0x3] =	sbarrier.arrive $0xFFFF;
	s2 =	simm.s32 @!p0 $0x1C04  }
0xa2: {  	[timem:s3], [sflag:s2] =	dma.local @!p0 [hbm:s0], s1  }
0xa3: {  	s0 =	simm.s32 @!p0 $0x4  }
0xa4: {  	_ =	swait.ge @!p0 [sflag:s0], s1  }
0xa5: {  	s1 =	ssub.s32 @!p0 $0x0, s1;
	[sflag:s0] =	ssyncset.done @!p0 $0x0  }
0xa6: {  	[sflag:s0] =	ssyncadd.s32 @!p0 s1  }
0xa7: {  	[bflag:$0x3] =	sbarrier.arrive $0xFFFF  }
0xa8: {  	_ =	shalt  }

// kernel: kernel.14.cloned.1.call-start
scs
__scs_entry_jumppad:
0x0: {  	(pc) =	sbr.rel $0x88, $3  }
0x1: {  	(tag) =	ssettag $0x0;
	lr =	simm.s32 $0x1  }
0x2: {  	[smem:$0x3F98] =	sst lr;
	_ =	strace $0xD0000000  }
0x3: {  	_ = 	snop  }
0x4: {  	_ = 	snop  }
0x5: {  	_ = 	snop  }
0x6: {  	_ = 	snop  }
0x7: {  	_ = 	snop  }
__scs_overlays_trampoline_lowered:
0x8: {  	[smem:$0x3FA7] =	sst s0  }
0x9: {  	[smem:$0x3FA8] =	sst s1  }
0xa: {  	[smem:$0x3FA9] =	sst s2  }
0xb: {  	[smem:$0x3FAA] =	sst s3  }
0xc: {  	[smem:$0x3FAB] =	sst s4  }
0xd: {  	[smem:$0x3FAC] =	sst s5  }
0xe: {  	[smem:$0x3FAD] =	sst s6  }
0xf: {  	[smem:$0x3FAE] =	sst s7  }
0x10: {  	[smem:$0x3FAF] =	sst s8  }
0x11: {  	[smem:$0x3FB0] =	sst s9;
	s0 =	simm.s32 @!p0 $0x0  }
0x12: {  	s1 =	sld [smem:$0x3F96];
	s0 =	simm.s32 @p0 $0x1  }
0x13: {  	[smem:$0x3FB1] =	sst s0;
	s0 =	simm.s32 @!p1 $0x0  }
0x14: {  	s2 =	sld [smem:$0x3F95];
	s0 =	simm.s32 @p1 $0x1  }
0x15: {  	[smem:$0x3FB2] =	sst s0;
	s0 =	simm.s32 @!p2 $0x0  }
0x16: {  	s3 =	sld [smem:$0x3FDB];
	s0 =	simm.s32 @p2 $0x1  }
0x17: {  	s4 =	simm.s32 $0x1BF5;
	[smem:$0x3FB4] =	sst s0  }
0x18: {  	s0 =	sld [smem:$0x3F97];
	_ =	swait.ge [sflag:s4], $0x0  }
0x19: {  	s7 =	sld [smem:$0x3F98]  }
0x1a: {  	s8 =	sadd.s32 $0xFFFFE003, lr  }
0x1b: {  	s9 =	sadd.s32 $0xFFFFFEF7, lr;
	s5 =	simm.s32 $0xFFFFFFFF;
	p2 =	slt.u32 s8, $0xFFFFF086  }
0x1c: {  	p1 =	slt.u32 s9, $0xF7A;
	s5 =	simm.s32 @!p2 $0x0  }
0x1d: {  	s5 =	simm.s32 @p1 $0x1;
	p0 =	seq.s32 s7, s2  }
0x1e: {  	s7 =	smul.u32 @!p0 $0xF7A, s2;
	p2 =	seq.s32 @!p0 s5, $0x0  }
0x1f: {  	s9 =	smul.u32 $0xF7A, s1;
	s8 =	simm.s32 @!p0 $0x1BF5;
	p2 =	por !p2, p0  }
0x20: {  	[sflag:s8] =	ssyncset.s32 @!p0 $0xFFFFF086;
	s6 =	sadd.s32 @!p0 s3, s7;
	s7 =	simm.s32 @!p0 $0x108  }
0x21: {  	s3 =	sadd.s32 s3, s9;
	s6 =	sadd.s32 @!p0 $0x88, s6;
	s7 =	simm.s32 @p2 $0x1082  }
0x22: {  	[simem:s7], [sflag:s8] =	dma.local @!p0 [hbm:s6], $0xF7A  }
0x23: {  	s9 =	sor.u32 $0xD0000000, s2;
	s6 =	simm.s32 $0x108;
	_ =	swait.ge @!p0 [sflag:s8], $0x0  }
0x24: {  	s3 =	sadd.s32 $0x88, s3;
	s6 =	simm.s32 @!p1 $0x1082;
	[sflag:s4] =	ssyncset.s32 $0xFFFFF086  }
0x25: {  	[simem:s6], [sflag:s4] =	dma.local [hbm:s3], $0xF7A  }
0x26: {  	[smem:$0x3F98] =	sst s1;
	(tag) =	ssettag s2;
	_ =	strace s9  }
0x27: {  	s1 =	sld [smem:$0x3FA8]  }
0x28: {  	s2 =	sld [smem:$0x3FA9]  }
0x29: {  	s4 =	sld [smem:$0x3FAB]  }
0x2a: {  	p0 =	seq.s32 s5, $0x0;
	s5 =	sld [smem:$0x3FAC]  }
0x2b: {  	s6 =	sld [smem:$0x3FAD]  }
0x2c: {  	s7 =	sld [smem:$0x3FAE]  }
0x2d: {  	s3 =	simm.s32 $0x108;
	s8 =	sld [smem:$0x3FAF]  }
0x2e: {  	s3 =	simm.s32 @!p0 $0x1082;
	s9 =	sld [smem:$0x3FB0]  }
0x2f: {  	lr =	sadd.s32 s0, s3;
	s0 =	sld [smem:$0x3FA7]  }
0x30: {  	s3 =	sld [smem:$0x3FAA]  }
0x31: {  	[smem:$0x3FB3] =	sst s10  }
0x32: {  	s10 =	sld [smem:$0x3FB1];
	_ =	sdelay $0x3  }
0x33: {  	p0 =	seq.s32 s10, $0x1;
	s10 =	sld [smem:$0x3FB3];
	_ =	sdelay $0x3  }
0x34: {  	[smem:$0x3FB3] =	sst s10  }
0x35: {  	s10 =	sld [smem:$0x3FB2];
	_ =	sdelay $0x3  }
0x36: {  	p1 =	seq.s32 s10, $0x1;
	s10 =	sld [smem:$0x3FB3];
	_ =	sdelay $0x3  }
0x37: {  	[smem:$0x3FB3] =	sst s10  }
0x38: {  	s10 =	sld [smem:$0x3FB4]  }
0x39: {  	_ = 	snop;
	(pc) =	sbr.ind lr, $3  }
0x3a: {  	_ = 	snop  }
0x3b: {  	_ = 	snop  }
0x3c: {  	p2 =	seq.s32 s10, $0x1;
	s10 =	sld [smem:$0x3FB3]  }
0x3d: {  	_ =	shalt  }
0x3e: {  	_ =	shalt  }
0x3f: {  	_ =	shalt  }
0x40: {  	_ =	shalt  }
0x41: {  	_ =	shalt  }
0x42: {  	_ =	shalt  }
0x43: {  	_ =	shalt  }
0x44: {  	_ =	shalt  }
0x45: {  	_ =	shalt  }
0x46: {  	_ =	shalt  }
0x47: {  	_ =	shalt  }
0x48: {  	_ =	shalt  }
0x49: {  	_ =	shalt  }
0x4a: {  	_ =	shalt  }
0x4b: {  	_ =	shalt  }
0x4c: {  	_ =	shalt  }
0x4d: {  	_ =	shalt  }
0x4e: {  	_ =	shalt  }
0x4f: {  	_ =	shalt  }
0x50: {  	_ =	shalt  }
0x51: {  	_ =	shalt  }
0x52: {  	_ =	shalt  }
0x53: {  	_ =	shalt  }
0x54: {  	_ =	shalt  }
0x55: {  	_ =	shalt  }
0x56: {  	_ =	shalt  }
0x57: {  	_ =	shalt  }
0x58: {  	_ =	shalt  }
0x59: {  	_ =	shalt  }
0x5a: {  	_ =	shalt  }
0x5b: {  	_ =	shalt  }
0x5c: {  	_ =	shalt  }
0x5d: {  	_ =	shalt  }
0x5e: {  	_ =	shalt  }
0x5f: {  	_ =	shalt  }
0x60: {  	_ =	shalt  }
0x61: {  	_ =	shalt  }
0x62: {  	_ =	shalt  }
0x63: {  	_ =	shalt  }
0x64: {  	_ =	shalt  }
0x65: {  	_ =	shalt  }
0x66: {  	_ =	shalt  }
0x67: {  	_ =	shalt  }
0x68: {  	_ =	shalt  }
0x69: {  	_ =	shalt  }
0x6a: {  	_ =	shalt  }
0x6b: {  	_ =	shalt  }
0x6c: {  	_ =	shalt  }
0x6d: {  	_ =	shalt  }
0x6e: {  	_ =	shalt  }
0x6f: {  	_ =	shalt  }
0x70: {  	_ =	shalt  }
0x71: {  	_ =	shalt  }
0x72: {  	_ =	shalt  }
0x73: {  	_ =	shalt  }
0x74: {  	_ =	shalt  }
0x75: {  	_ =	shalt  }
0x76: {  	_ =	shalt  }
0x77: {  	_ =	shalt  }
0x78: {  	_ =	shalt  }
0x79: {  	_ =	shalt  }
0x7a: {  	_ =	shalt  }
0x7b: {  	_ =	shalt  }
0x7c: {  	_ =	shalt  }
0x7d: {  	_ =	shalt  }
0x7e: {  	_ =	shalt  }
0x7f: {  	_ =	shalt  }
0x80: {  	_ =	shalt  }
0x81: {  	_ =	shalt  }
0x82: {  	_ =	shalt  }
0x83: {  	_ =	shalt  }
0x84: {  	_ =	shalt  }
0x85: {  	_ =	shalt  }
0x86: {  	_ =	shalt  }
0x87: {  	_ =	shalt  }
.Lfunc_end0:
.L_simem_size_0:
called_computation.5_lowered:
.L_overlay_start_0:
0x88: {  	s2 =	sld [smem:$0x3FD9]  }
0x89: {  	s3 =	sld [smem:$0x3FFE];
	_ =	sdelay $0x1  }
0x8a: {  	s1 =	srdreg.scid  }
0x8b: {  	s0 =	sand.u32 $0x1, s1  }
0x8c: {  	s17 =	sshll.u32 s0, $0xA;
	s2 =	sadd.s32 s3, s2  }
0x8d: {  	s2 =	sadd.s32 s2, s17  }
0x8e: {  	[smem:$0x3FBF] =	sst s2  }
0x8f: {  	_ = 	snop  }
0x90: {  	(tm) =	ssettm $0x1  }
0x91: {  	s18 =	sld [smem:$0x3FFB];
	_ =	sdelay $0x3  }
0x92: {  	_ =	strace s18  }
0x93: {  	s2 =	sld [smem:$0x3FFC];
	_ =	sdelay $0x3  }
0x94: {  	_ =	strace s2  }
0x95: {  	s2 =	sld [smem:$0x3FFD];
	_ =	sdelay $0x3  }
0x96: {  	_ =	strace s2  }
0x97: {  	_ =	strace $0x8FFFFFFF  }
0x98: {  	s19 =	sld [smem:$0x3FDB];
	_ =	sdelay $0x1  }
0x99: {  	s20 =	simm.s32 $_scs_section_size  }
0x9a: {  	s4 =	simm.s32 $_size__tile_overlayer_lowered;
	s5 =	simm.s32 $_tile_overlayer_lowered  }
0x9b: {  	s6 =	simm.s32 $0x1BFF;
	s21 =	sshll.u32 s5, $0x1;
	s3 =	sadd.s32 s20, s19  }
0x9c: {  	s22 =	simm.s32 $0x0;
	s4 =	sshll.u32 s4, $0x1;
	s5 =	sadd.s32 s21, s3  }
0x9d: {  	[timem:s22], [sflag:s6] =	dma.local [hbm:s5], s4  }
0x9e: {  	_ =	swait.ge [sflag:s6], s4  }
0x9f: {  	s4 =	ssub.s32 $0x0, s4;
	[sflag:s6] =	ssyncset.done $0x0  }
0xa0: {  	[sflag:s6] =	ssyncadd.s32 s4;
	_ =	sdelay $0x1  }
0xa1: {  	s23 =	simm.s32 $0x1B8B  }
0xa2: {  	_ =	swait.ge [sflag:s23], $0x1  }
0xa3: {  	[sflag:s23] =	ssyncset.done $0x0  }
0xa4: {  	[sflag:s23] =	ssyncadd.s32 $0xFFFFFFFF  }
0xa5: {  	s4 =	sld [smem:$0x0]  }
0xa6: {  	s5 =	sand.u32 $0xFFFFFFFE, s1  }
0xa7: {  	p0 =	sne.s32 s1, s5  }
0xa8: {  	s5 =	sshll.u32 @p0 s5, $0xE  }
0xa9: {  	s5 =	sadd.s32 @p0 $0x11B8D, s5;
	s6 =	sshll.u32 @p0 s4, $0x11  }
0xaa: {  	s5 =	sor.u32 @p0 s6, s5  }
0xab: {  	[sflag:s5] =	ssyncadd.remote.s32 @p0 $0x1;
	_ =	sdelay $0x1  }
0xac: {  	s5 =	simm.s32 @p0 $0x1B8D  }
0xad: {  	_ =	swait.eq @p0 [sflag:s5], $0x1  }
0xae: {  	[sflag:s5] =	ssyncadd.s32 @p0 $0xFFFFFFFF  }
0xaf: {  	s6 =	sshll.u32 @!p0 s1, $0xE  }
0xb0: {  	s6 =	sor.u32 @!p0 $0x4000, s6;
	s5 =	simm.s32 @!p0 $0x1B8D  }
0xb1: {  	s4 =	sshll.u32 @!p0 s4, $0x11;
	s6 =	sadd.s32 @!p0 $0x11B8D, s6;
	_ =	swait.eq @!p0 [sflag:s5], $0x1  }
0xb2: {  	s4 =	sor.u32 @!p0 s4, s6;
	[sflag:s5] =	ssyncadd.s32 @!p0 $0xFFFFFFFF  }
0xb3: {  	s25 =	simm.s32 $0x1B8E;
	s24 =	sld [smem:$0x3FFE];
	[sflag:s4] =	ssyncadd.remote.s32 @!p0 $0x1  }
0xb4: {  	s26 =	simm.s32 $execute0_lowered;
	[smem:$0x3FD2] =	sst s25  }
0xb5: {  	s5 =	sshll.u32 s26, $0x1;
	_ =	strace $0x80000052;
	[dreg:$0x1] =	wrdreg $0xFFFFFFFF  }
0xb6: {  	s28 =	simm.s32 $_size_execute0_lowered;
	s3 =	sadd.s32 s3, s5;
	[dreg:$0x0] =	wrdreg $0x0  }
0xb7: {  	s5 =	sshll.u32 s28, $0x1;
	[dreg:$0x2] =	wrdreg s3  }
0xb8: {  	[dreg:$0x3] =	wrdreg s5  }
0xb9: {  	[dreg:$0x4] =	wrdreg $0xC0  }
0xba: {  	_ =	task [dreg:s22], $0x5FFFF  }
0xbb: {  	[dreg:$0x1] =	wrdreg $0xFFFFFFFF  }
0xbc: {  	[dreg:$0x0] =	wrdreg $0x60  }
0xbd: {  	[dreg:$0x2] =	wrdreg s24  }
0xbe: {  	[dreg:$0x3] =	wrdreg $0xA  }
0xbf: {  	_ =	task.clear_ibuf [dreg:s22], $0x4FFFF;
	_ =	strace $0x90000052  }
0xc0: {  	s29 =	simm.s32 $0xA;
	_ =	strace $0x80000054  }
0xc1: {  	_ =	swait.ge [sflag:s29], $0x1  }
0xc2: {  	[sflag:s29] =	ssyncadd.s32 $0xFFFFFFFF  }
0xc3: {  	_ =	strace $0x90000054  }
0xc4: {  	_ =	sfence  }
0xc5: {  	s30 =	sld [smem:$0x0];
	_ =	sdelay $0x2  }
0xc6: {  	s31 =	sshll.u32 s1, $0xD;
	s1 =	sshrl.u32 s1, $0x2  }
0xc7: {  	s4 =	sand.u32 $0x4000, s31;
	s1 =	sadd.s32 s1, s30  }
0xc8: {  	s0 =	sor.u32 s4, s0;
	s1 =	sshll.u32 s1, $0x11  }
0xc9: {  	s0 =	sor.u32 s1, s0  }
0xca: {  	s0 =	sadd.s32 $0x8F2B, s0  }
0xcb: {  	[sflag:s0] =	ssyncadd.remote.s32 $0x1  }
0xcc: {  	_ =	sfence.sel $0xFFFF  }
0xcd: {  	[dreg:$0x0] =	wrdreg $0xFFFFFFFF;
	(pc) =	sbr.abs _section_cstart, $3  }
0xce: {  	[dreg:$0x1] =	wrdreg $0xFFFFFFFF  }
0xcf: {  	_ =	task.clear_ibuf [dreg:s22], $0x2FFFF;
	_ =	strace $0x9FFFFFFF  }
0xd0: {  	(tm) =	ssettm $0x7FFFFFFF  }
0xd1: {  	_ =	shalt  }
tec
execute0_lowered:
.L_overlay_start_1:
0x0: {  	(tag) =	ssettag $0x1  }
0x1: {  	s1 =	srdreg.scid  }
0x2: {  	s0 =	stileid.u32;
	s29 =	sand.u32 $0x1, s1  }
0x3: {  	s14 =	rddreg [dreg:$0x0];
	s3 =	sshll.u32 s0, $0x5;
	s4 =	sshll.u32 s29, $0x4  }
0x4: {  	s2 =	simm.s32 $0x0;
	s1 =	rddreg [dreg:$0x1];
	s23 =	sor.u32 s4, s3  }
0x5: {  	[smem:$0x7FF] =	sst s2;
	s24 =	sadd.s32 $0x73CE00, s14;
	s3 =	sshll.u32 s23, $0x4  }
0x6: {  	_ =	strace $0x80000053;
	s4 =	simm.s32 $0x4;
	s3 =	sadd.s32 s24, s3  }
0x7: {  	[tilespmem:s2], [sflag:$0x4] =	stream.linear.gather [hbm4b:s3+s2], $0x400, $0x38;
	[tilespmem:$0x18600] =	vst v63  }
0x8: {  	_ =	swait.ge [sflag:s4], $0x400  }
0x9: {  	s6 =	simm.s32 $0x80;
	[sflag:s4] =	ssyncset.done $0x0  }
0xa: {  	s7 =	simm.s32 $0x600;
	s5 =	sadd.s32 $0x9400, s14;
	[sflag:s4] =	ssyncadd.s32 $0xFFFFFC00  }
0xb: {  	[tilespmem:s7], [sflag:$0x1] =	stream.indirect.gather [hbm4b:s5+s6], $0x40, s2, s6, $0xb8;
	[tilespmem:$0x18600] =	vst v63  }
0xc: {  	s8 =	simm.s32 $0x2600  }
0xd: {  	[tilespmem:s8], [sflag:$0x1] =	stream.indirect.gather [hbm4b:s5+s6], $0x40, s6, s6, $0xb8;
	[tilespmem:$0x18600] =	vst v63  }
0xe: {  	s9 =	simm.s32 $0x100;
	s10 =	simm.s32 $0x4600  }
0xf: {  	[tilespmem:s10], [sflag:$0x1] =	stream.indirect.gather [hbm4b:s5+s6], $0x40, s9, s6, $0xb8;
	[tilespmem:$0x18600] =	vst v63  }
0x10: {  	s11 =	simm.s32 $0x180;
	s12 =	simm.s32 $0x6600;
	s13 =	simm.s32 $0x1  }
0x11: {  	[tilespmem:s12], [sflag:$0x1] =	stream.indirect.gather [hbm4b:s5+s6], $0x40, s11, s6, $0xb8;
	[tilespmem:$0x18600] =	vst v63  }
0x12: {  	_ =	swait.ge [sflag:s13], $0x2000  }
0x13: {  	[sflag:s13] =	ssyncset.done $0x0  }
0x14: {  	[sflag:s13] =	ssyncadd.s32 $0xFFFFE000  }
0x15: {  	_ =	swait.ge [sflag:s13], $0x2000  }
0x16: {  	[sflag:s13] =	ssyncset.done $0x0  }
0x17: {  	[sflag:s13] =	ssyncadd.s32 $0xFFFFE000  }
0x18: {  	_ =	swait.ge [sflag:s13], $0x2000  }
0x19: {  	[sflag:s13] =	ssyncset.done $0x0  }
0x1a: {  	[sflag:s13] =	ssyncadd.s32 $0xFFFFE000  }
0x1b: {  	_ =	swait.ge [sflag:s13], $0x2000  }
0x1c: {  	s26 =	sadd.s32 $0x73EE00, s14;
	s31 =	sshll.u32 s23, $0xA;
	[sflag:s13] =	ssyncset.done $0x0  }
0x1d: {  	s14 =	sadd.s32 s26, s31;
	[sflag:s13] =	ssyncadd.s32 $0xFFFFE000  }
0x1e: {  	[hbm4b:s14+s2] =	stream.linear.scatter [tilespmem:s7], [sflag:$0x2], $0x8000, $0x38;
	[tilespmem:$0x18600] =	vst v63  }
0x1f: {  	s15 =	simm.s32 $0x200;
	s16 =	simm.s32 $0xC600  }
0x20: {  	[tilespmem:s16], [sflag:$0x1] =	stream.indirect.gather [hbm4b:s5+s6], $0x40, s15, s6, $0xb8;
	[tilespmem:$0x18600] =	vst v63  }
0x21: {  	s17 =	simm.s32 $0x280;
	s18 =	simm.s32 $0xE600  }
0x22: {  	[tilespmem:s18], [sflag:$0x1] =	stream.indirect.gather [hbm4b:s5+s6], $0x40, s17, s6, $0xb8;
	[tilespmem:$0x18600] =	vst v63  }
0x23: {  	s19 =	simm.s32 $0x300;
	s20 =	simm.s32 $0x10600  }
0x24: {  	[tilespmem:s20], [sflag:$0x1] =	stream.indirect.gather [hbm4b:s5+s6], $0x40, s19, s6, $0xb8;
	[tilespmem:$0x18600] =	vst v63  }
0x25: {  	s21 =	simm.s32 $0x380;
	s22 =	simm.s32 $0x12600  }
0x26: {  	[tilespmem:s22], [sflag:$0x1] =	stream.indirect.gather [hbm4b:s5+s6], $0x40, s21, s6, $0xb8;
	[tilespmem:$0x18600] =	vst v63  }
0x27: {  	_ =	swait.ge [sflag:s13], $0x2000  }
0x28: {  	[sflag:s13] =	ssyncset.done $0x0  }
0x29: {  	[sflag:s13] =	ssyncadd.s32 $0xFFFFE000  }
0x2a: {  	_ =	swait.ge [sflag:s13], $0x2000  }
0x2b: {  	[sflag:s13] =	ssyncset.done $0x0  }
0x2c: {  	[sflag:s13] =	ssyncadd.s32 $0xFFFFE000  }
0x2d: {  	_ =	swait.ge [sflag:s13], $0x2000  }
0x2e: {  	[sflag:s13] =	ssyncset.done $0x0  }
0x2f: {  	[sflag:s13] =	ssyncadd.s32 $0xFFFFE000  }
0x30: {  	s23 =	sshll.u32 s23, $0x7;
	_ =	swait.ge [sflag:s13], $0x2000  }
0x31: {  	s28 =	sor.u32 $0x400, s23;
	[sflag:s13] =	ssyncset.done $0x0  }
0x32: {  	s23 =	sadd.s32 $0x1000, s14;
	s25 =	sshrl.u32 s28, $0x3;
	[sflag:s13] =	ssyncadd.s32 $0xFFFFE000  }
0x33: {  	[hbm4b:s23+s2] =	stream.linear.scatter [tilespmem:s16], [sflag:$0x3], $0x8000, $0x38;
	[tilespmem:$0x18600] =	vst v63  }
0x34: {  	s24 =	sadd.s32 s24, s25  }
0x35: {  	[tilespmem:s2], [sflag:$0x4] =	stream.linear.gather [hbm4b:s24+s2], $0x400, $0x38;
	[tilespmem:$0x18600] =	vst v63  }
0x36: {  	_ =	swait.ge [sflag:s4], $0x400  }
0x37: {  	[sflag:s4] =	ssyncset.done $0x0  }
0x38: {  	s25 =	simm.s32 $0x2;
	[sflag:s4] =	ssyncadd.s32 $0xFFFFFC00  }
0x39: {  	_ =	swait.ge [sflag:s25], $0x8000  }
0x3a: {  	[sflag:s25] =	ssyncset.done $0x0  }
0x3b: {  	[sflag:s25] =	ssyncadd.s32 $0xFFFF8000  }
0x3c: {  	[tilespmem:s7], [sflag:$0x1] =	stream.indirect.gather [hbm4b:s5+s6], $0x40, s2, s6, $0xb8;
	[tilespmem:$0x18600] =	vst v63  }
0x3d: {  	_ = 	snop  }
0x3e: {  	[tilespmem:s8], [sflag:$0x1] =	stream.indirect.gather [hbm4b:s5+s6], $0x40, s6, s6, $0xb8;
	[tilespmem:$0x18600] =	vst v63  }
0x3f: {  	_ = 	snop  }
0x40: {  	[tilespmem:s10], [sflag:$0x1] =	stream.indirect.gather [hbm4b:s5+s6], $0x40, s9, s6, $0xb8;
	[tilespmem:$0x18600] =	vst v63  }
0x41: {  	_ = 	snop  }
0x42: {  	[tilespmem:s12], [sflag:$0x1] =	stream.indirect.gather [hbm4b:s5+s6], $0x40, s11, s6, $0xb8;
	[tilespmem:$0x18600] =	vst v63  }
0x43: {  	_ =	swait.ge [sflag:s13], $0x2000  }
0x44: {  	[sflag:s13] =	ssyncset.done $0x0  }
0x45: {  	[sflag:s13] =	ssyncadd.s32 $0xFFFFE000  }
0x46: {  	_ =	swait.ge [sflag:s13], $0x2000  }
0x47: {  	[sflag:s13] =	ssyncset.done $0x0  }
0x48: {  	[sflag:s13] =	ssyncadd.s32 $0xFFFFE000  }
0x49: {  	_ =	swait.ge [sflag:s13], $0x2000  }
0x4a: {  	[sflag:s13] =	ssyncset.done $0x0  }
0x4b: {  	[sflag:s13] =	ssyncadd.s32 $0xFFFFE000  }
0x4c: {  	_ =	swait.ge [sflag:s13], $0x2000  }
0x4d: {  	s28 =	sshll.u32 s28, $0x3;
	[sflag:s13] =	ssyncset.done $0x0  }
0x4e: {  	s26 =	sadd.s32 s26, s28;
	s28 =	simm.s32 $0x3;
	[sflag:s13] =	ssyncadd.s32 $0xFFFFE000  }
0x4f: {  	[hbm4b:s26+s2] =	stream.linear.scatter [tilespmem:s7], [sflag:$0x2], $0x8000, $0x38;
	[tilespmem:$0x18600] =	vst v63  }
0x50: {  	_ =	swait.ge [sflag:s28], $0x8000  }
0x51: {  	[sflag:s28] =	ssyncset.done $0x0  }
0x52: {  	[sflag:s28] =	ssyncadd.s32 $0xFFFF8000  }
0x53: {  	[tilespmem:s16], [sflag:$0x1] =	stream.indirect.gather [hbm4b:s5+s6], $0x40, s15, s6, $0xb8;
	[tilespmem:$0x18600] =	vst v63  }
0x54: {  	_ = 	snop  }
0x55: {  	[tilespmem:s18], [sflag:$0x1] =	stream.indirect.gather [hbm4b:s5+s6], $0x40, s17, s6, $0xb8;
	[tilespmem:$0x18600] =	vst v63  }
0x56: {  	_ = 	snop  }
0x57: {  	[tilespmem:s20], [sflag:$0x1] =	stream.indirect.gather [hbm4b:s5+s6], $0x40, s19, s6, $0xb8;
	[tilespmem:$0x18600] =	vst v63  }
0x58: {  	_ = 	snop  }
0x59: {  	[tilespmem:s22], [sflag:$0x1] =	stream.indirect.gather [hbm4b:s5+s6], $0x40, s21, s6, $0xb8;
	[tilespmem:$0x18600] =	vst v63  }
0x5a: {  	_ =	swait.ge [sflag:s13], $0x2000  }
0x5b: {  	[sflag:s13] =	ssyncset.done $0x0  }
0x5c: {  	[sflag:s13] =	ssyncadd.s32 $0xFFFFE000  }
0x5d: {  	_ =	swait.ge [sflag:s13], $0x2000  }
0x5e: {  	[sflag:s13] =	ssyncset.done $0x0  }
0x5f: {  	[sflag:s13] =	ssyncadd.s32 $0xFFFFE000  }
0x60: {  	_ =	swait.ge [sflag:s13], $0x2000  }
0x61: {  	s30 =	ssub.s32 $0x2, s29;
	[sflag:s13] =	ssyncset.done $0x0  }
0x62: {  	s31 =	sshrl.u32 s30, $0x1;
	[sflag:s13] =	ssyncadd.s32 $0xFFFFE000  }
0x63: {  	s30 =	ssub.s32 s30, s31;
	_ =	swait.ge [sflag:s13], $0x2000  }
0x64: {  	s30 =	smax.u32 s30, $0x1;
	[sflag:s13] =	ssyncset.done $0x0  }
0x65: {  	s29 =	sadd.s32 $0x3000, s14;
	p0 =	sne.s32 s30, $0x1;
	[sflag:s13] =	ssyncadd.s32 $0xFFFFE000  }
0x66: {  	[hbm4b:s29+s2] =	stream.linear.scatter [tilespmem:s16], [sflag:$0x3], $0x8000, $0x38;
	[tilespmem:$0x18600] =	vst v63  }
.Ltmp0:
0x67: {  	_ =	swait.ge [sflag:s25], $0x8000;
	(pc) =	sbr.rel @!p0 .LBB2_2-.Ltmp0, $4  }
0x68: {  	[sflag:s25] =	ssyncset.done $0x0  }
0x69: {  	[sflag:s25] =	ssyncadd.s32 $0xFFFF8000  }
0x6a: {  	_ =	swait.ge [sflag:s28], $0x8000  }
0x6b: {  	s30 =	sadd.s32 $0xFFFFFFFF, s30;
	[sflag:s28] =	ssyncset.done $0x0  }
.LBB2_1:
0x6c: {  	p0 =	sne.s32 s30, $0x1;
	s30 =	sadd.s32 $0xFFFFFFFF, s30;
	[sflag:s28] =	ssyncadd.s32 $0xFFFF8000  }
0x6d: {  	[tilespmem:s2], [sflag:$0x4] =	stream.linear.gather [hbm4b:s3+s2], $0x400, $0x38;
	[tilespmem:$0x18600] =	vst v63  }
0x6e: {  	_ =	swait.ge [sflag:s4], $0x400  }
0x6f: {  	[sflag:s4] =	ssyncset.done $0x0  }
0x70: {  	[sflag:s4] =	ssyncadd.s32 $0xFFFFFC00  }
0x71: {  	[tilespmem:s7], [sflag:$0x1] =	stream.indirect.gather [hbm4b:s5+s6], $0x40, s2, s6, $0xb8;
	[tilespmem:$0x18600] =	vst v63  }
0x72: {  	_ = 	snop  }
0x73: {  	[tilespmem:s8], [sflag:$0x1] =	stream.indirect.gather [hbm4b:s5+s6], $0x40, s6, s6, $0xb8;
	[tilespmem:$0x18600] =	vst v63  }
0x74: {  	_ = 	snop  }
0x75: {  	[tilespmem:s10], [sflag:$0x1] =	stream.indirect.gather [hbm4b:s5+s6], $0x40, s9, s6, $0xb8;
	[tilespmem:$0x18600] =	vst v63  }
0x76: {  	_ = 	snop  }
0x77: {  	[tilespmem:s12], [sflag:$0x1] =	stream.indirect.gather [hbm4b:s5+s6], $0x40, s11, s6, $0xb8;
	[tilespmem:$0x18600] =	vst v63  }
0x78: {  	_ =	swait.ge [sflag:s13], $0x2000  }
0x79: {  	[sflag:s13] =	ssyncset.done $0x0  }
0x7a: {  	[sflag:s13] =	ssyncadd.s32 $0xFFFFE000  }
0x7b: {  	_ =	swait.ge [sflag:s13], $0x2000  }
0x7c: {  	[sflag:s13] =	ssyncset.done $0x0  }
0x7d: {  	[sflag:s13] =	ssyncadd.s32 $0xFFFFE000  }
0x7e: {  	_ =	swait.ge [sflag:s13], $0x2000  }
0x7f: {  	[sflag:s13] =	ssyncset.done $0x0  }
0x80: {  	[sflag:s13] =	ssyncadd.s32 $0xFFFFE000  }
0x81: {  	_ =	swait.ge [sflag:s13], $0x2000  }
0x82: {  	[sflag:s13] =	ssyncset.done $0x0  }
0x83: {  	[sflag:s13] =	ssyncadd.s32 $0xFFFFE000  }
0x84: {  	[hbm4b:s14+s2] =	stream.linear.scatter [tilespmem:s7], [sflag:$0x2], $0x8000, $0x38;
	[tilespmem:$0x18600] =	vst v63  }
0x85: {  	_ = 	snop  }
0x86: {  	[tilespmem:s16], [sflag:$0x1] =	stream.indirect.gather [hbm4b:s5+s6], $0x40, s15, s6, $0xb8;
	[tilespmem:$0x18600] =	vst v63  }
0x87: {  	_ = 	snop  }
0x88: {  	[tilespmem:s18], [sflag:$0x1] =	stream.indirect.gather [hbm4b:s5+s6], $0x40, s17, s6, $0xb8;
	[tilespmem:$0x18600] =	vst v63  }
0x89: {  	_ = 	snop  }
0x8a: {  	[tilespmem:s20], [sflag:$0x1] =	stream.indirect.gather [hbm4b:s5+s6], $0x40, s19, s6, $0xb8;
	[tilespmem:$0x18600] =	vst v63  }
0x8b: {  	_ = 	snop  }
0x8c: {  	[tilespmem:s22], [sflag:$0x1] =	stream.indirect.gather [hbm4b:s5+s6], $0x40, s21, s6, $0xb8;
	[tilespmem:$0x18600] =	vst v63  }
0x8d: {  	_ =	swait.ge [sflag:s13], $0x2000  }
0x8e: {  	[sflag:s13] =	ssyncset.done $0x0  }
0x8f: {  	[sflag:s13] =	ssyncadd.s32 $0xFFFFE000  }
0x90: {  	_ =	swait.ge [sflag:s13], $0x2000  }
0x91: {  	[sflag:s13] =	ssyncset.done $0x0  }
0x92: {  	[sflag:s13] =	ssyncadd.s32 $0xFFFFE000  }
0x93: {  	_ =	swait.ge [sflag:s13], $0x2000  }
0x94: {  	[sflag:s13] =	ssyncset.done $0x0  }
0x95: {  	[sflag:s13] =	ssyncadd.s32 $0xFFFFE000  }
0x96: {  	_ =	swait.ge [sflag:s13], $0x2000  }
0x97: {  	[sflag:s13] =	ssyncset.done $0x0  }
0x98: {  	[sflag:s13] =	ssyncadd.s32 $0xFFFFE000  }
0x99: {  	[hbm4b:s23+s2] =	stream.linear.scatter [tilespmem:s16], [sflag:$0x3], $0x8000, $0x38;
	[tilespmem:$0x18600] =	vst v63  }
0x9a: {  	_ = 	snop  }
0x9b: {  	[tilespmem:s2], [sflag:$0x4] =	stream.linear.gather [hbm4b:s24+s2], $0x400, $0x38;
	[tilespmem:$0x18600] =	vst v63  }
0x9c: {  	_ =	swait.ge [sflag:s4], $0x400  }
0x9d: {  	[sflag:s4] =	ssyncset.done $0x0  }
0x9e: {  	[sflag:s4] =	ssyncadd.s32 $0xFFFFFC00  }
0x9f: {  	_ =	swait.ge [sflag:s25], $0x8000  }
0xa0: {  	[sflag:s25] =	ssyncset.done $0x0  }
0xa1: {  	[sflag:s25] =	ssyncadd.s32 $0xFFFF8000  }
0xa2: {  	[tilespmem:s7], [sflag:$0x1] =	stream.indirect.gather [hbm4b:s5+s6], $0x40, s2, s6, $0xb8;
	[tilespmem:$0x18600] =	vst v63  }
0xa3: {  	_ = 	snop  }
0xa4: {  	[tilespmem:s8], [sflag:$0x1] =	stream.indirect.gather [hbm4b:s5+s6], $0x40, s6, s6, $0xb8;
	[tilespmem:$0x18600] =	vst v63  }
0xa5: {  	_ = 	snop  }
0xa6: {  	[tilespmem:s10], [sflag:$0x1] =	stream.indirect.gather [hbm4b:s5+s6], $0x40, s9, s6, $0xb8;
	[tilespmem:$0x18600] =	vst v63  }
0xa7: {  	_ = 	snop  }
0xa8: {  	[tilespmem:s12], [sflag:$0x1] =	stream.indirect.gather [hbm4b:s5+s6], $0x40, s11, s6, $0xb8;
	[tilespmem:$0x18600] =	vst v63  }
0xa9: {  	_ =	swait.ge [sflag:s13], $0x2000  }
0xaa: {  	[sflag:s13] =	ssyncset.done $0x0  }
0xab: {  	[sflag:s13] =	ssyncadd.s32 $0xFFFFE000  }
0xac: {  	_ =	swait.ge [sflag:s13], $0x2000  }
0xad: {  	[sflag:s13] =	ssyncset.done $0x0  }
0xae: {  	[sflag:s13] =	ssyncadd.s32 $0xFFFFE000  }
0xaf: {  	_ =	swait.ge [sflag:s13], $0x2000  }
0xb0: {  	[sflag:s13] =	ssyncset.done $0x0  }
0xb1: {  	[sflag:s13] =	ssyncadd.s32 $0xFFFFE000  }
0xb2: {  	_ =	swait.ge [sflag:s13], $0x2000  }
0xb3: {  	[sflag:s13] =	ssyncset.done $0x0  }
0xb4: {  	[sflag:s13] =	ssyncadd.s32 $0xFFFFE000  }
0xb5: {  	[hbm4b:s26+s2] =	stream.linear.scatter [tilespmem:s7], [sflag:$0x2], $0x8000, $0x38;
	[tilespmem:$0x18600] =	vst v63  }
0xb6: {  	_ =	swait.ge [sflag:s28], $0x8000  }
0xb7: {  	[sflag:s28] =	ssyncset.done $0x0  }
0xb8: {  	[sflag:s28] =	ssyncadd.s32 $0xFFFF8000  }
0xb9: {  	[tilespmem:s16], [sflag:$0x1] =	stream.indirect.gather [hbm4b:s5+s6], $0x40, s15, s6, $0xb8;
	[tilespmem:$0x18600] =	vst v63  }
0xba: {  	_ = 	snop  }
0xbb: {  	[tilespmem:s18], [sflag:$0x1] =	stream.indirect.gather [hbm4b:s5+s6], $0x40, s17, s6, $0xb8;
	[tilespmem:$0x18600] =	vst v63  }
0xbc: {  	_ = 	snop  }
0xbd: {  	[tilespmem:s20], [sflag:$0x1] =	stream.indirect.gather [hbm4b:s5+s6], $0x40, s19, s6, $0xb8;
	[tilespmem:$0x18600] =	vst v63  }
0xbe: {  	_ = 	snop  }
0xbf: {  	[tilespmem:s22], [sflag:$0x1] =	stream.indirect.gather [hbm4b:s5+s6], $0x40, s21, s6, $0xb8;
	[tilespmem:$0x18600] =	vst v63  }
0xc0: {  	_ =	swait.ge [sflag:s13], $0x2000  }
0xc1: {  	[sflag:s13] =	ssyncset.done $0x0  }
0xc2: {  	[sflag:s13] =	ssyncadd.s32 $0xFFFFE000  }
0xc3: {  	_ =	swait.ge [sflag:s13], $0x2000  }
0xc4: {  	[sflag:s13] =	ssyncset.done $0x0  }
0xc5: {  	[sflag:s13] =	ssyncadd.s32 $0xFFFFE000  }
0xc6: {  	_ =	swait.ge [sflag:s13], $0x2000  }
0xc7: {  	[sflag:s13] =	ssyncset.done $0x0  }
0xc8: {  	[sflag:s13] =	ssyncadd.s32 $0xFFFFE000  }
0xc9: {  	_ =	swait.ge [sflag:s13], $0x2000  }
0xca: {  	[sflag:s13] =	ssyncset.done $0x0  }
0xcb: {  	[sflag:s13] =	ssyncadd.s32 $0xFFFFE000  }
0xcc: {  	[hbm4b:s29+s2] =	stream.linear.scatter [tilespmem:s16], [sflag:$0x3], $0x8000, $0x38;
	[tilespmem:$0x18600] =	vst v63  }
.Ltmp1:
0xcd: {  	_ =	swait.ge [sflag:s25], $0x8000;
	(pc) =	sbr.rel @p0 .LBB2_1-.Ltmp1, $4  }
0xce: {  	[sflag:s25] =	ssyncset.done $0x0  }
0xcf: {  	[sflag:s25] =	ssyncadd.s32 $0xFFFF8000  }
0xd0: {  	_ =	swait.ge [sflag:s28], $0x8000  }
0xd1: {  	[sflag:s28] =	ssyncset.done $0x0  }
.LBB2_2:
0xd2: {  	[sflag:s28] =	ssyncadd.s32 $0xFFFF8000  }
0xd3: {  	_ =	sfence.sel $0x180000  }
0xd4: {  	[bflag:$0x0] =	sbarrier.arrive $0xFFFF  }
0xd5: {  	p0 =	sne.s32 s0, $0x0;
	_ =	strace $0x90000053  }
0xd6: {  	s0 =	sadd.s32 @!p0 $0x100000, s1;
	[bflag:$0x2] =	sbarrier.arrive $0xFFFF  }
0xd7: {  	[sflag:s0] =	ssyncadd.tile.s32 @!p0 $0x1;
	_ =	shalt  }
.Lfunc_end2:
_tile_overlayer_lowered:
.L_overlay_start_2:
0xd8: {  	(tag) =	ssettag $0x2  }
0xd9: {  	s0 =	rddreg [dreg:$0x0];
	s2 =	stileid.u32  }
0xda: {  	s1 =	rddreg [dreg:$0x1];
	p0 =	sne.s32 s2, $0x0  }
0xdb: {  	s3 =	rddreg [dreg:$0x2];
	[bflag:$0x3] =	sbarrier.arrive $0xFFFF;
	s2 =	simm.s32 @!p0 $0x1C04  }
0xdc: {  	[timem:s3], [sflag:s2] =	dma.local @!p0 [hbm:s0], s1  }
0xdd: {  	s0 =	simm.s32 @!p0 $0x4  }
0xde: {  	_ =	swait.ge @!p0 [sflag:s0], s1  }
0xdf: {  	s1 =	ssub.s32 @!p0 $0x0, s1;
	[sflag:s0] =	ssyncset.done @!p0 $0x0  }
0xe0: {  	[sflag:s0] =	ssyncadd.s32 @!p0 s1  }
0xe1: {  	[bflag:$0x3] =	sbarrier.arrive $0xFFFF  }
0xe2: {  	_ =	shalt  }

// kernel: kernel.17.cloned.1.call-start
scs
__scs_entry_jumppad:
0x0: {  	(pc) =	sbr.rel $0x88, $3  }
0x1: {  	(tag) =	ssettag $0x0;
	lr =	simm.s32 $0x1  }
0x2: {  	[smem:$0x3F98] =	sst lr;
	_ =	strace $0xD0000000  }
0x3: {  	_ = 	snop  }
0x4: {  	_ = 	snop  }
0x5: {  	_ = 	snop  }
0x6: {  	_ = 	snop  }
0x7: {  	_ = 	snop  }
__scs_overlays_trampoline_lowered:
0x8: {  	[smem:$0x3FA7] =	sst s0  }
0x9: {  	[smem:$0x3FA8] =	sst s1  }
0xa: {  	[smem:$0x3FA9] =	sst s2  }
0xb: {  	[smem:$0x3FAA] =	sst s3  }
0xc: {  	[smem:$0x3FAB] =	sst s4  }
0xd: {  	[smem:$0x3FAC] =	sst s5  }
0xe: {  	[smem:$0x3FAD] =	sst s6  }
0xf: {  	[smem:$0x3FAE] =	sst s7  }
0x10: {  	[smem:$0x3FAF] =	sst s8  }
0x11: {  	[smem:$0x3FB0] =	sst s9;
	s0 =	simm.s32 @!p0 $0x0  }
0x12: {  	s1 =	sld [smem:$0x3F96];
	s0 =	simm.s32 @p0 $0x1  }
0x13: {  	[smem:$0x3FB1] =	sst s0;
	s0 =	simm.s32 @!p1 $0x0  }
0x14: {  	s2 =	sld [smem:$0x3F95];
	s0 =	simm.s32 @p1 $0x1  }
0x15: {  	[smem:$0x3FB2] =	sst s0;
	s0 =	simm.s32 @!p2 $0x0  }
0x16: {  	s3 =	sld [smem:$0x3FDB];
	s0 =	simm.s32 @p2 $0x1  }
0x17: {  	s4 =	simm.s32 $0x1BF5;
	[smem:$0x3FB4] =	sst s0  }
0x18: {  	s0 =	sld [smem:$0x3F97];
	_ =	swait.ge [sflag:s4], $0x0  }
0x19: {  	s7 =	sld [smem:$0x3F98]  }
0x1a: {  	s8 =	sadd.s32 $0xFFFFE003, lr  }
0x1b: {  	s9 =	sadd.s32 $0xFFFFFEF7, lr;
	s5 =	simm.s32 $0xFFFFFFFF;
	p2 =	slt.u32 s8, $0xFFFFF086  }
0x1c: {  	p1 =	slt.u32 s9, $0xF7A;
	s5 =	simm.s32 @!p2 $0x0  }
0x1d: {  	s5 =	simm.s32 @p1 $0x1;
	p0 =	seq.s32 s7, s2  }
0x1e: {  	s7 =	smul.u32 @!p0 $0xF7A, s2;
	p2 =	seq.s32 @!p0 s5, $0x0  }
0x1f: {  	s9 =	smul.u32 $0xF7A, s1;
	s8 =	simm.s32 @!p0 $0x1BF5;
	p2 =	por !p2, p0  }
0x20: {  	[sflag:s8] =	ssyncset.s32 @!p0 $0xFFFFF086;
	s6 =	sadd.s32 @!p0 s3, s7;
	s7 =	simm.s32 @!p0 $0x108  }
0x21: {  	s3 =	sadd.s32 s3, s9;
	s6 =	sadd.s32 @!p0 $0x88, s6;
	s7 =	simm.s32 @p2 $0x1082  }
0x22: {  	[simem:s7], [sflag:s8] =	dma.local @!p0 [hbm:s6], $0xF7A  }
0x23: {  	s9 =	sor.u32 $0xD0000000, s2;
	s6 =	simm.s32 $0x108;
	_ =	swait.ge @!p0 [sflag:s8], $0x0  }
0x24: {  	s3 =	sadd.s32 $0x88, s3;
	s6 =	simm.s32 @!p1 $0x1082;
	[sflag:s4] =	ssyncset.s32 $0xFFFFF086  }
0x25: {  	[simem:s6], [sflag:s4] =	dma.local [hbm:s3], $0xF7A  }
0x26: {  	[smem:$0x3F98] =	sst s1;
	(tag) =	ssettag s2;
	_ =	strace s9  }
0x27: {  	s1 =	sld [smem:$0x3FA8]  }
0x28: {  	s2 =	sld [smem:$0x3FA9]  }
0x29: {  	s4 =	sld [smem:$0x3FAB]  }
0x2a: {  	p0 =	seq.s32 s5, $0x0;
	s5 =	sld [smem:$0x3FAC]  }
0x2b: {  	s6 =	sld [smem:$0x3FAD]  }
0x2c: {  	s7 =	sld [smem:$0x3FAE]  }
0x2d: {  	s3 =	simm.s32 $0x108;
	s8 =	sld [smem:$0x3FAF]  }
0x2e: {  	s3 =	simm.s32 @!p0 $0x1082;
	s9 =	sld [smem:$0x3FB0]  }
0x2f: {  	lr =	sadd.s32 s0, s3;
	s0 =	sld [smem:$0x3FA7]  }
0x30: {  	s3 =	sld [smem:$0x3FAA]  }
0x31: {  	[smem:$0x3FB3] =	sst s10  }
0x32: {  	s10 =	sld [smem:$0x3FB1];
	_ =	sdelay $0x3  }
0x33: {  	p0 =	seq.s32 s10, $0x1;
	s10 =	sld [smem:$0x3FB3];
	_ =	sdelay $0x3  }
0x34: {  	[smem:$0x3FB3] =	sst s10  }
0x35: {  	s10 =	sld [smem:$0x3FB2];
	_ =	sdelay $0x3  }
0x36: {  	p1 =	seq.s32 s10, $0x1;
	s10 =	sld [smem:$0x3FB3];
	_ =	sdelay $0x3  }
0x37: {  	[smem:$0x3FB3] =	sst s10  }
0x38: {  	s10 =	sld [smem:$0x3FB4]  }
0x39: {  	_ = 	snop;
	(pc) =	sbr.ind lr, $3  }
0x3a: {  	_ = 	snop  }
0x3b: {  	_ = 	snop  }
0x3c: {  	p2 =	seq.s32 s10, $0x1;
	s10 =	sld [smem:$0x3FB3]  }
0x3d: {  	_ =	shalt  }
0x3e: {  	_ =	shalt  }
0x3f: {  	_ =	shalt  }
0x40: {  	_ =	shalt  }
0x41: {  	_ =	shalt  }
0x42: {  	_ =	shalt  }
0x43: {  	_ =	shalt  }
0x44: {  	_ =	shalt  }
0x45: {  	_ =	shalt  }
0x46: {  	_ =	shalt  }
0x47: {  	_ =	shalt  }
0x48: {  	_ =	shalt  }
0x49: {  	_ =	shalt  }
0x4a: {  	_ =	shalt  }
0x4b: {  	_ =	shalt  }
0x4c: {  	_ =	shalt  }
0x4d: {  	_ =	shalt  }
0x4e: {  	_ =	shalt  }
0x4f: {  	_ =	shalt  }
0x50: {  	_ =	shalt  }
0x51: {  	_ =	shalt  }
0x52: {  	_ =	shalt  }
0x53: {  	_ =	shalt  }
0x54: {  	_ =	shalt  }
0x55: {  	_ =	shalt  }
0x56: {  	_ =	shalt  }
0x57: {  	_ =	shalt  }
0x58: {  	_ =	shalt  }
0x59: {  	_ =	shalt  }
0x5a: {  	_ =	shalt  }
0x5b: {  	_ =	shalt  }
0x5c: {  	_ =	shalt  }
0x5d: {  	_ =	shalt  }
0x5e: {  	_ =	shalt  }
0x5f: {  	_ =	shalt  }
0x60: {  	_ =	shalt  }
0x61: {  	_ =	shalt  }
0x62: {  	_ =	shalt  }
0x63: {  	_ =	shalt  }
0x64: {  	_ =	shalt  }
0x65: {  	_ =	shalt  }
0x66: {  	_ =	shalt  }
0x67: {  	_ =	shalt  }
0x68: {  	_ =	shalt  }
0x69: {  	_ =	shalt  }
0x6a: {  	_ =	shalt  }
0x6b: {  	_ =	shalt  }
0x6c: {  	_ =	shalt  }
0x6d: {  	_ =	shalt  }
0x6e: {  	_ =	shalt  }
0x6f: {  	_ =	shalt  }
0x70: {  	_ =	shalt  }
0x71: {  	_ =	shalt  }
0x72: {  	_ =	shalt  }
0x73: {  	_ =	shalt  }
0x74: {  	_ =	shalt  }
0x75: {  	_ =	shalt  }
0x76: {  	_ =	shalt  }
0x77: {  	_ =	shalt  }
0x78: {  	_ =	shalt  }
0x79: {  	_ =	shalt  }
0x7a: {  	_ =	shalt  }
0x7b: {  	_ =	shalt  }
0x7c: {  	_ =	shalt  }
0x7d: {  	_ =	shalt  }
0x7e: {  	_ =	shalt  }
0x7f: {  	_ =	shalt  }
0x80: {  	_ =	shalt  }
0x81: {  	_ =	shalt  }
0x82: {  	_ =	shalt  }
0x83: {  	_ =	shalt  }
0x84: {  	_ =	shalt  }
0x85: {  	_ =	shalt  }
0x86: {  	_ =	shalt  }
0x87: {  	_ =	shalt  }
.Lfunc_end0:
.L_simem_size_0:
called_computation.6_lowered:
.L_overlay_start_0:
0x88: {  	s2 =	sld [smem:$0x3FD9]  }
0x89: {  	s3 =	sld [smem:$0x3FFE];
	_ =	sdelay $0x1  }
0x8a: {  	s1 =	srdreg.scid  }
0x8b: {  	s0 =	sand.u32 $0x1, s1  }
0x8c: {  	s15 =	sshll.u32 s0, $0xA;
	s2 =	sadd.s32 s3, s2  }
0x8d: {  	s2 =	sadd.s32 s2, s15  }
0x8e: {  	[smem:$0x3FBF] =	sst s2  }
0x8f: {  	_ = 	snop  }
0x90: {  	s2 =	sld [smem:$0x3FD0];
	_ =	sdelay $0x2  }
0x91: {  	s4 =	simm.s32 $0xF;
	s16 =	simm.s32 $0x10  }
0x92: {  	[smem:s16], [sflag:s4] =	dma.local [hbm:s2], $0x1  }
0x93: {  	_ =	swait.eq [sflag:s4], $0x1  }
0x94: {  	[sflag:s4] =	ssyncset.done $0x0  }
0x95: {  	s17 =	sld [smem:$0x10];
	[sflag:s4] =	ssyncadd.s32 $0xFFFFFFFF  }
0x96: {  	s18 =	sld [smem:$0x11];
	(tm) =	ssettm $0x1  }
0x97: {  	s19 =	sld [smem:$0x3FFB];
	_ =	sdelay $0x3  }
0x98: {  	_ =	strace s19  }
0x99: {  	s2 =	sld [smem:$0x3FFC];
	_ =	sdelay $0x3  }
0x9a: {  	_ =	strace s2  }
0x9b: {  	s2 =	sld [smem:$0x3FFD];
	_ =	sdelay $0x3  }
0x9c: {  	_ =	strace s2  }
0x9d: {  	_ =	strace $0x8FFFFFFF  }
0x9e: {  	s20 =	sld [smem:$0x3FDB];
	_ =	sdelay $0x1  }
0x9f: {  	s5 =	simm.s32 $_scs_section_size  }
0xa0: {  	s6 =	simm.s32 $_size__tile_overlayer_lowered;
	s7 =	simm.s32 $_tile_overlayer_lowered  }
0xa1: {  	s8 =	simm.s32 $0x1BFF;
	s21 =	sshll.u32 s7, $0x1;
	s5 =	sadd.s32 s5, s20  }
0xa2: {  	s22 =	simm.s32 $0x0;
	s6 =	sshll.u32 s6, $0x1;
	s7 =	sadd.s32 s21, s5  }
0xa3: {  	[timem:s22], [sflag:s8] =	dma.local [hbm:s7], s6  }
0xa4: {  	_ =	swait.ge [sflag:s8], s6  }
0xa5: {  	s6 =	ssub.s32 $0x0, s6;
	[sflag:s8] =	ssyncset.done $0x0  }
0xa6: {  	[sflag:s8] =	ssyncadd.s32 s6;
	_ =	sdelay $0x1  }
0xa7: {  	s23 =	simm.s32 $0x1B8B  }
0xa8: {  	_ =	swait.ge [sflag:s23], $0x1  }
0xa9: {  	[sflag:s23] =	ssyncset.done $0x0  }
0xaa: {  	[sflag:s23] =	ssyncadd.s32 $0xFFFFFFFF  }
0xab: {  	s6 =	sld [smem:$0x0]  }
0xac: {  	s7 =	sand.u32 $0xFFFFFFFE, s1  }
0xad: {  	p0 =	sne.s32 s1, s7  }
0xae: {  	s7 =	sshll.u32 @p0 s7, $0xE  }
0xaf: {  	s7 =	sadd.s32 @p0 $0x11B8D, s7;
	s8 =	sshll.u32 @p0 s6, $0x11  }
0xb0: {  	s7 =	sor.u32 @p0 s8, s7  }
0xb1: {  	[sflag:s7] =	ssyncadd.remote.s32 @p0 $0x1;
	_ =	sdelay $0x1  }
0xb2: {  	s7 =	simm.s32 @p0 $0x1B8D  }
0xb3: {  	_ =	swait.eq @p0 [sflag:s7], $0x1  }
0xb4: {  	[sflag:s7] =	ssyncadd.s32 @p0 $0xFFFFFFFF  }
0xb5: {  	s8 =	sshll.u32 @!p0 s1, $0xE  }
0xb6: {  	s8 =	sor.u32 @!p0 $0x4000, s8;
	s7 =	simm.s32 @!p0 $0x1B8D  }
0xb7: {  	s6 =	sshll.u32 @!p0 s6, $0x11;
	s8 =	sadd.s32 @!p0 $0x11B8D, s8;
	_ =	swait.eq @!p0 [sflag:s7], $0x1  }
0xb8: {  	s6 =	sor.u32 @!p0 s6, s8;
	[sflag:s7] =	ssyncadd.s32 @!p0 $0xFFFFFFFF  }
0xb9: {  	s25 =	simm.s32 $0x1B8E;
	s24 =	sld [smem:$0x3FFE];
	[sflag:s6] =	ssyncadd.remote.s32 @!p0 $0x1  }
0xba: {  	s26 =	simm.s32 $execute0_lowered;
	[smem:$0x3FD2] =	sst s25  }
0xbb: {  	s7 =	sshll.u32 s26, $0x1;
	_ =	strace $0x80000049;
	[dreg:$0x1] =	wrdreg $0xFFFFFFFF  }
0xbc: {  	s28 =	simm.s32 $_size_execute0_lowered;
	s5 =	sadd.s32 s5, s7;
	[dreg:$0x0] =	wrdreg $0x0  }
0xbd: {  	s7 =	sshll.u32 s28, $0x1;
	[dreg:$0x2] =	wrdreg s5  }
0xbe: {  	[dreg:$0x3] =	wrdreg s7  }
0xbf: {  	[dreg:$0x4] =	wrdreg $0xC0  }
0xc0: {  	_ =	task [dreg:s22], $0x5FFFF  }
0xc1: {  	[dreg:$0x1] =	wrdreg $0xFFFFFFFF  }
0xc2: {  	[dreg:$0x0] =	wrdreg $0x60  }
0xc3: {  	[dreg:$0x2] =	wrdreg s24  }
0xc4: {  	[dreg:$0x3] =	wrdreg s17  }
0xc5: {  	[dreg:$0x4] =	wrdreg s18  }
0xc6: {  	[dreg:$0x5] =	wrdreg $0xE  }
0xc7: {  	_ =	task.clear_ibuf [dreg:s22], $0x6FFFF;
	_ =	strace $0x90000049  }
0xc8: {  	s29 =	simm.s32 $0xE;
	_ =	strace $0x8000004B  }
0xc9: {  	_ =	swait.ge [sflag:s29], $0x1  }
0xca: {  	[sflag:s29] =	ssyncadd.s32 $0xFFFFFFFF  }
0xcb: {  	_ =	strace $0x9000004B  }
0xcc: {  	_ =	sfence  }
0xcd: {  	s30 =	sld [smem:$0x0];
	_ =	sdelay $0x2  }
0xce: {  	s31 =	sshll.u32 s1, $0xD;
	s1 =	sshrl.u32 s1, $0x2  }
0xcf: {  	s4 =	sand.u32 $0x4000, s31;
	s1 =	sadd.s32 s1, s30  }
0xd0: {  	s0 =	sor.u32 s4, s0;
	s1 =	sshll.u32 s1, $0x11  }
0xd1: {  	s0 =	sor.u32 s1, s0  }
0xd2: {  	s0 =	sadd.s32 $0x8F2B, s0  }
0xd3: {  	[sflag:s0] =	ssyncadd.remote.s32 $0x1  }
0xd4: {  	_ =	sfence.sel $0xFFFF  }
0xd5: {  	[dreg:$0x0] =	wrdreg $0xFFFFFFFF;
	(pc) =	sbr.abs _section_cstart, $3  }
0xd6: {  	[dreg:$0x1] =	wrdreg $0xFFFFFFFF  }
0xd7: {  	_ =	task.clear_ibuf [dreg:s22], $0x2FFFF;
	_ =	strace $0x9FFFFFFF  }
0xd8: {  	(tm) =	ssettm $0x7FFFFFFF  }
0xd9: {  	_ =	shalt  }
tec
execute0_lowered:
.L_overlay_start_1:
0x0: {  	(tag) =	ssettag $0x1  }
0x1: {  	s0 =	rddreg [dreg:$0x0]  }
0x2: {  	s1 =	rddreg [dreg:$0x1]  }
0x3: {  	s4 =	rddreg [dreg:$0x2];
	s2 =	simm.s32 $0x0  }
0x4: {  	s3 =	srdreg.scid;
	s10 =	stileid.u32;
	s11 =	simm.s32 $0x100  }
0x5: {  	s12 =	simm.s32 $0x4600;
	s13 =	simm.s32 $0x180;
	s14 =	simm.s32 $0x6600  }
0x6: {  	s15 =	simm.s32 $0x200;
	s16 =	simm.s32 $0x8600;
	s17 =	simm.s32 $0x1  }
0x7: {  	s18 =	simm.s32 $0x280;
	s19 =	simm.s32 $0xC600;
	s20 =	simm.s32 $0x300  }
0x8: {  	s21 =	simm.s32 $0xE600;
	s22 =	simm.s32 $0x380;
	s6 =	smul.u32 $0x64, s10  }
0x9: {  	s23 =	simm.s32 $0x10600;
	s28 =	simm.s32 $0x14600;
	s8 =	smul.u32 $0x19000, s10  }
0xa: {  	s31 =	simm.s32 $0x0;
	s5 =	sand.u32 $0x1, s3;
	s26 =	smul.u32 $0x640, s10  }
0xb: {  	[smem:$0x7FF] =	sst s2;
	s3 =	sadd.s32 $0x100EE00, s0;
	s7 =	smul.u32 $0x32, s5  }
0xc: {  	s10 =	simm.s32 $0x2600;
	s24 =	ssub.s32 $0x2, s5;
	s25 =	smul.u32 $0xC800, s5  }
0xd: {  	_ =	strace $0x8000004A;
	s30 =	smul.u32 $0x320, s5;
	s9 =	sshrl.u32 s24, $0x1  }
0xe: {  	s1 =	sadd.s32 s26, s1;
	s26 =	simm.s32 $0x480;
	s6 =	sadd.s32 s7, s6  }
0xf: {  	s0 =	ssub.s32 s24, s9;
	s7 =	simm.s32 $0x4;
	s9 =	simm.s32 $0x600  }
0x10: {  	s24 =	simm.s32 $0x400;
	s6 =	sshll.u32 s6, $0xA;
	s0 =	smax.u32 s0, $0x1  }
0x11: {  	[dreg:$0x5] =	wrdreg s0;
	s29 =	sadd.s32 s4, s6;
	s4 =	sadd.s32 s8, s4  }
0x12: {  	s6 =	sadd.s32 s30, s1;
	s8 =	simm.s32 $0x80;
	s0 =	sadd.s32 $0x1400, s29  }
0x13: {  	s5 =	sadd.s32 s25, s4;
	s25 =	simm.s32 $0x12600;
	[dreg:$0x4] =	wrdreg s0  }
.LBB2_1:
0x14: {  	[tilespmem:s2], [sflag:$0x4] =	stream.linear.gather [hbm4b:s6+s2], $0x500, $0x38;
	[tilespmem:$0x18600] =	vst v63  }
0x15: {  	_ =	swait.ge [sflag:s7], $0x500  }
0x16: {  	p0 =	por $0x1, $0x1;
	[sflag:s7] =	ssyncset.done $0x0  }
0x17: {  	s0 =	simm.s32 @!p0 $0x2;
	[sflag:s7] =	ssyncadd.s32 $0xFFFFFB00  }
0x18: {  	_ =	swait.ge @!p0 [sflag:s0], $0xA000  }
0x19: {  	[sflag:s0] =	ssyncset.done @!p0 $0x0  }
0x1a: {  	[sflag:s0] =	ssyncadd.s32 @!p0 $0xFFFF6000  }
0x1b: {  	[tilespmem:s9], [sflag:$0x1] =	stream.indirect.gather [hbm4b:s3+s8], $0x40, s2, s8, $0xb8;
	[tilespmem:$0x18600] =	vst v63  }
0x1c: {  	_ = 	snop  }
0x1d: {  	[tilespmem:s10], [sflag:$0x1] =	stream.indirect.gather [hbm4b:s3+s8], $0x40, s8, s8, $0xb8;
	[tilespmem:$0x18600] =	vst v63  }
0x1e: {  	_ = 	snop  }
0x1f: {  	[tilespmem:s12], [sflag:$0x1] =	stream.indirect.gather [hbm4b:s3+s8], $0x40, s11, s8, $0xb8;
	[tilespmem:$0x18600] =	vst v63  }
0x20: {  	_ = 	snop  }
0x21: {  	[tilespmem:s14], [sflag:$0x1] =	stream.indirect.gather [hbm4b:s3+s8], $0x40, s13, s8, $0xb8;
	[tilespmem:$0x18600] =	vst v63  }
0x22: {  	_ = 	snop  }
0x23: {  	[tilespmem:s16], [sflag:$0x1] =	stream.indirect.gather [hbm4b:s3+s8], $0x40, s15, s8, $0xb8;
	[tilespmem:$0x18600] =	vst v63  }
0x24: {  	_ =	swait.ge [sflag:s17], $0x2000  }
0x25: {  	[sflag:s17] =	ssyncset.done $0x0  }
0x26: {  	[sflag:s17] =	ssyncadd.s32 $0xFFFFE000  }
0x27: {  	_ =	swait.ge [sflag:s17], $0x2000  }
0x28: {  	[sflag:s17] =	ssyncset.done $0x0  }
0x29: {  	[sflag:s17] =	ssyncadd.s32 $0xFFFFE000  }
0x2a: {  	_ =	swait.ge [sflag:s17], $0x2000  }
0x2b: {  	[sflag:s17] =	ssyncset.done $0x0  }
0x2c: {  	[sflag:s17] =	ssyncadd.s32 $0xFFFFE000  }
0x2d: {  	_ =	swait.ge [sflag:s17], $0x2000  }
0x2e: {  	[sflag:s17] =	ssyncset.done $0x0  }
0x2f: {  	[sflag:s17] =	ssyncadd.s32 $0xFFFFE000  }
0x30: {  	_ =	swait.ge [sflag:s17], $0x2000  }
0x31: {  	[sflag:s17] =	ssyncset.done $0x0  }
0x32: {  	s29 =	sadd.s32 $0x0, s5;
	s1 =	simm.s32 @!p0 $0x3;
	[sflag:s17] =	ssyncadd.s32 $0xFFFFE000  }
0x33: {  	[hbm4b:s29+s2] =	stream.linear.scatter [tilespmem:s9], [sflag:$0x2], $0xA000, $0x38;
	[tilespmem:$0x18600] =	vst v63  }
0x34: {  	_ =	swait.ge @!p0 [sflag:s1], $0xA000  }
0x35: {  	[sflag:s1] =	ssyncset.done @!p0 $0x0  }
0x36: {  	[sflag:s1] =	ssyncadd.s32 @!p0 $0xFFFF6000  }
0x37: {  	[tilespmem:s19], [sflag:$0x1] =	stream.indirect.gather [hbm4b:s3+s8], $0x40, s18, s8, $0xb8;
	[tilespmem:$0x18600] =	vst v63  }
0x38: {  	_ = 	snop  }
0x39: {  	[tilespmem:s21], [sflag:$0x1] =	stream.indirect.gather [hbm4b:s3+s8], $0x40, s20, s8, $0xb8;
	[tilespmem:$0x18600] =	vst v63  }
0x3a: {  	_ = 	snop  }
0x3b: {  	[tilespmem:s23], [sflag:$0x1] =	stream.indirect.gather [hbm4b:s3+s8], $0x40, s22, s8, $0xb8;
	[tilespmem:$0x18600] =	vst v63  }
0x3c: {  	_ = 	snop  }
0x3d: {  	[tilespmem:s25], [sflag:$0x1] =	stream.indirect.gather [hbm4b:s3+s8], $0x40, s24, s8, $0xb8;
	[tilespmem:$0x18600] =	vst v63  }
0x3e: {  	_ = 	snop  }
0x3f: {  	[tilespmem:s28], [sflag:$0x1] =	stream.indirect.gather [hbm4b:s3+s8], $0x40, s26, s8, $0xb8;
	[tilespmem:$0x18600] =	vst v63  }
0x40: {  	_ =	swait.ge [sflag:s17], $0x2000  }
0x41: {  	[sflag:s17] =	ssyncset.done $0x0  }
0x42: {  	[sflag:s17] =	ssyncadd.s32 $0xFFFFE000  }
0x43: {  	_ =	swait.ge [sflag:s17], $0x2000  }
0x44: {  	[sflag:s17] =	ssyncset.done $0x0  }
0x45: {  	[sflag:s17] =	ssyncadd.s32 $0xFFFFE000  }
0x46: {  	_ =	swait.ge [sflag:s17], $0x2000  }
0x47: {  	[sflag:s17] =	ssyncset.done $0x0  }
0x48: {  	[sflag:s17] =	ssyncadd.s32 $0xFFFFE000  }
0x49: {  	_ =	swait.ge [sflag:s17], $0x2000  }
0x4a: {  	[sflag:s17] =	ssyncset.done $0x0  }
0x4b: {  	[sflag:s17] =	ssyncadd.s32 $0xFFFFE000  }
0x4c: {  	_ =	swait.ge [sflag:s17], $0x2000  }
0x4d: {  	s0 =	simm.s32 $0x2800;
	s30 =	rddreg [dreg:$0x4];
	[sflag:s17] =	ssyncset.done $0x0  }
0x4e: {  	s1 =	sadd.s32 $0xA0, s6;
	[sflag:s17] =	ssyncadd.s32 $0xFFFFE000;
	s4 =	sadd.s32 $0x0, s30  }
.LBB2_2:
0x4f: {  	[hbm4b:s4+s2] =	stream.linear.scatter [tilespmem:s19], [sflag:$0x3], $0xA000, $0x38;
	[tilespmem:$0x18600] =	vst v63  }
0x50: {  	_ = 	snop  }
0x51: {  	[tilespmem:s2], [sflag:$0x4] =	stream.linear.gather [hbm4b:s1+s2], $0x500, $0x38;
	[tilespmem:$0x18600] =	vst v63  }
0x52: {  	s4 =	smov.u32 s0;
	_ =	swait.ge [sflag:s7], $0x500  }
0x53: {  	p1 =	seq.s32 s4, $0x0;
	[sflag:s7] =	ssyncset.done $0x0  }
0x54: {  	s29 =	simm.s32 @!p1 $0x2;
	[sflag:s7] =	ssyncadd.s32 $0xFFFFFB00  }
0x55: {  	_ =	swait.ge @!p1 [sflag:s29], $0xA000  }
0x56: {  	[sflag:s29] =	ssyncset.done @!p1 $0x0  }
0x57: {  	[sflag:s29] =	ssyncadd.s32 @!p1 $0xFFFF6000  }
0x58: {  	[tilespmem:s9], [sflag:$0x1] =	stream.indirect.gather [hbm4b:s3+s8], $0x40, s2, s8, $0xb8;
	[tilespmem:$0x18600] =	vst v63  }
0x59: {  	_ = 	snop  }
0x5a: {  	[tilespmem:s10], [sflag:$0x1] =	stream.indirect.gather [hbm4b:s3+s8], $0x40, s8, s8, $0xb8;
	[tilespmem:$0x18600] =	vst v63  }
0x5b: {  	_ = 	snop  }
0x5c: {  	[tilespmem:s12], [sflag:$0x1] =	stream.indirect.gather [hbm4b:s3+s8], $0x40, s11, s8, $0xb8;
	[tilespmem:$0x18600] =	vst v63  }
0x5d: {  	_ = 	snop  }
0x5e: {  	[tilespmem:s14], [sflag:$0x1] =	stream.indirect.gather [hbm4b:s3+s8], $0x40, s13, s8, $0xb8;
	[tilespmem:$0x18600] =	vst v63  }
0x5f: {  	_ = 	snop  }
0x60: {  	[tilespmem:s16], [sflag:$0x1] =	stream.indirect.gather [hbm4b:s3+s8], $0x40, s15, s8, $0xb8;
	[tilespmem:$0x18600] =	vst v63  }
0x61: {  	_ =	swait.ge [sflag:s17], $0x2000  }
0x62: {  	[sflag:s17] =	ssyncset.done $0x0  }
0x63: {  	[sflag:s17] =	ssyncadd.s32 $0xFFFFE000  }
0x64: {  	_ =	swait.ge [sflag:s17], $0x2000  }
0x65: {  	[sflag:s17] =	ssyncset.done $0x0  }
0x66: {  	[sflag:s17] =	ssyncadd.s32 $0xFFFFE000  }
0x67: {  	_ =	swait.ge [sflag:s17], $0x2000  }
0x68: {  	[sflag:s17] =	ssyncset.done $0x0  }
0x69: {  	[sflag:s17] =	ssyncadd.s32 $0xFFFFE000  }
0x6a: {  	_ =	swait.ge [sflag:s17], $0x2000  }
0x6b: {  	[sflag:s17] =	ssyncset.done $0x0  }
0x6c: {  	[sflag:s17] =	ssyncadd.s32 $0xFFFFE000  }
0x6d: {  	_ =	swait.ge [sflag:s17], $0x2000  }
0x6e: {  	[sflag:s17] =	ssyncset.done $0x0  }
0x6f: {  	s30 =	simm.s32 @!p1 $0x3;
	s29 =	sadd.s32 s4, s5;
	[sflag:s17] =	ssyncadd.s32 $0xFFFFE000  }
0x70: {  	[hbm4b:s29+s2] =	stream.linear.scatter [tilespmem:s9], [sflag:$0x2], $0xA000, $0x38;
	[tilespmem:$0x18600] =	vst v63  }
0x71: {  	_ =	swait.ge @!p1 [sflag:s30], $0xA000  }
0x72: {  	[sflag:s30] =	ssyncset.done @!p1 $0x0  }
0x73: {  	[sflag:s30] =	ssyncadd.s32 @!p1 $0xFFFF6000  }
0x74: {  	[tilespmem:s19], [sflag:$0x1] =	stream.indirect.gather [hbm4b:s3+s8], $0x40, s18, s8, $0xb8;
	[tilespmem:$0x18600] =	vst v63  }
0x75: {  	_ = 	snop  }
0x76: {  	[tilespmem:s21], [sflag:$0x1] =	stream.indirect.gather [hbm4b:s3+s8], $0x40, s20, s8, $0xb8;
	[tilespmem:$0x18600] =	vst v63  }
0x77: {  	_ = 	snop  }
0x78: {  	[tilespmem:s23], [sflag:$0x1] =	stream.indirect.gather [hbm4b:s3+s8], $0x40, s22, s8, $0xb8;
	[tilespmem:$0x18600] =	vst v63  }
0x79: {  	_ = 	snop  }
0x7a: {  	[tilespmem:s25], [sflag:$0x1] =	stream.indirect.gather [hbm4b:s3+s8], $0x40, s24, s8, $0xb8;
	[tilespmem:$0x18600] =	vst v63  }
0x7b: {  	_ = 	snop  }
0x7c: {  	[tilespmem:s28], [sflag:$0x1] =	stream.indirect.gather [hbm4b:s3+s8], $0x40, s26, s8, $0xb8;
	[tilespmem:$0x18600] =	vst v63  }
0x7d: {  	_ =	swait.ge [sflag:s17], $0x2000  }
0x7e: {  	[sflag:s17] =	ssyncset.done $0x0  }
0x7f: {  	[sflag:s17] =	ssyncadd.s32 $0xFFFFE000  }
0x80: {  	_ =	swait.ge [sflag:s17], $0x2000  }
0x81: {  	[sflag:s17] =	ssyncset.done $0x0  }
0x82: {  	[sflag:s17] =	ssyncadd.s32 $0xFFFFE000  }
0x83: {  	_ =	swait.ge [sflag:s17], $0x2000  }
0x84: {  	[sflag:s17] =	ssyncset.done $0x0  }
0x85: {  	s0 =	sadd.s32 $0x2800, s0;
	[sflag:s17] =	ssyncadd.s32 $0xFFFFE000  }
0x86: {  	p0 =	sne.s32 s0, $0xC800;
	_ =	swait.ge [sflag:s17], $0x2000  }
.Ltmp0:
0x87: {  	[sflag:s17] =	ssyncset.done $0x0;
	(pc) =	sbr.rel @p0 .LBB2_2-.Ltmp0, $4  }
0x88: {  	[sflag:s17] =	ssyncadd.s32 $0xFFFFE000  }
0x89: {  	_ =	swait.ge [sflag:s17], $0x2000  }
0x8a: {  	[sflag:s17] =	ssyncset.done $0x0;
	s30 =	rddreg [dreg:$0x4]  }
0x8b: {  	s1 =	sadd.s32 $0xA0, s1;
	[sflag:s17] =	ssyncadd.s32 $0xFFFFE000;
	s4 =	sadd.s32 s4, s30  }
0x8c: {  	[hbm4b:s4+s2] =	stream.linear.scatter [tilespmem:s19], [sflag:$0x3], $0xA000, $0x38;
	[tilespmem:$0x18600] =	vst v63  }
0x8d: {  	s0 =	simm.s32 $0x2  }
0x8e: {  	_ =	swait.ge [sflag:s0], $0xA000  }
0x8f: {  	[sflag:s0] =	ssyncset.done $0x0  }
0x90: {  	s1 =	simm.s32 $0x3;
	[sflag:s0] =	ssyncadd.s32 $0xFFFF6000  }
0x91: {  	_ =	swait.ge [sflag:s1], $0xA000  }
0x92: {  	s31 =	sadd.s32 $0x1, s31;
	s30 =	rddreg [dreg:$0x5]  }
0x93: {  	p0 =	sne.s32 s31, s30  }
.Ltmp1:
0x94: {  	_ = 	snop;
	(pc) =	sbr.rel @p0 .LBB2_1-.Ltmp1, $3  }
0x95: {  	_ =	sdelay $0x1  }
0x96: {  	[sflag:s1] =	ssyncset.done $0x0  }
0x97: {  	[sflag:s1] =	ssyncadd.s32 $0xFFFF6000  }
0x98: {  	_ =	sfence.sel $0x180000  }
0x99: {  	[bflag:$0x0] =	sbarrier.arrive $0xFFFF  }
0x9a: {  	_ =	strace $0x9000004A  }
0x9b: {  	s0 =	stileid.u32;
	[bflag:$0x2] =	sbarrier.arrive $0xFFFF  }
0x9c: {  	p0 =	sne.s32 s0, $0x0;
	s0 =	rddreg [dreg:$0x3]  }
0x9d: {  	s0 =	sadd.s32 @!p0 $0x100000, s0  }
0x9e: {  	[sflag:s0] =	ssyncadd.tile.s32 @!p0 $0x1;
	_ =	shalt  }
.Lfunc_end2:
_tile_overlayer_lowered:
.L_overlay_start_2:
0x9f: {  	(tag) =	ssettag $0x2  }
0xa0: {  	s0 =	rddreg [dreg:$0x0];
	s2 =	stileid.u32  }
0xa1: {  	s1 =	rddreg [dreg:$0x1];
	p0 =	sne.s32 s2, $0x0  }
0xa2: {  	s3 =	rddreg [dreg:$0x2];
	[bflag:$0x3] =	sbarrier.arrive $0xFFFF;
	s2 =	simm.s32 @!p0 $0x1C04  }
0xa3: {  	[timem:s3], [sflag:s2] =	dma.local @!p0 [hbm:s0], s1  }
0xa4: {  	s0 =	simm.s32 @!p0 $0x4  }
0xa5: {  	_ =	swait.ge @!p0 [sflag:s0], s1  }
0xa6: {  	s1 =	ssub.s32 @!p0 $0x0, s1;
	[sflag:s0] =	ssyncset.done @!p0 $0x0  }
0xa7: {  	[sflag:s0] =	ssyncadd.s32 @!p0 s1  }
0xa8: {  	[bflag:$0x3] =	sbarrier.arrive $0xFFFF  }
0xa9: {  	_ =	shalt  }

// kernel: kernel.20.cloned.1.call-start
scs
__scs_entry_jumppad:
0x0: {  	(pc) =	sbr.rel $0x88, $3  }
0x1: {  	(tag) =	ssettag $0x0;
	lr =	simm.s32 $0x1  }
0x2: {  	[smem:$0x3F98] =	sst lr;
	_ =	strace $0xD0000000  }
0x3: {  	_ = 	snop  }
0x4: {  	_ = 	snop  }
0x5: {  	_ = 	snop  }
0x6: {  	_ = 	snop  }
0x7: {  	_ = 	snop  }
__scs_overlays_trampoline_lowered:
0x8: {  	[smem:$0x3FA7] =	sst s0  }
0x9: {  	[smem:$0x3FA8] =	sst s1  }
0xa: {  	[smem:$0x3FA9] =	sst s2  }
0xb: {  	[smem:$0x3FAA] =	sst s3  }
0xc: {  	[smem:$0x3FAB] =	sst s4  }
0xd: {  	[smem:$0x3FAC] =	sst s5  }
0xe: {  	[smem:$0x3FAD] =	sst s6  }
0xf: {  	[smem:$0x3FAE] =	sst s7  }
0x10: {  	[smem:$0x3FAF] =	sst s8  }
0x11: {  	[smem:$0x3FB0] =	sst s9;
	s0 =	simm.s32 @!p0 $0x0  }
0x12: {  	s1 =	sld [smem:$0x3F96];
	s0 =	simm.s32 @p0 $0x1  }
0x13: {  	[smem:$0x3FB1] =	sst s0;
	s0 =	simm.s32 @!p1 $0x0  }
0x14: {  	s2 =	sld [smem:$0x3F95];
	s0 =	simm.s32 @p1 $0x1  }
0x15: {  	[smem:$0x3FB2] =	sst s0;
	s0 =	simm.s32 @!p2 $0x0  }
0x16: {  	s3 =	sld [smem:$0x3FDB];
	s0 =	simm.s32 @p2 $0x1  }
0x17: {  	s4 =	simm.s32 $0x1BF5;
	[smem:$0x3FB4] =	sst s0  }
0x18: {  	s0 =	sld [smem:$0x3F97];
	_ =	swait.ge [sflag:s4], $0x0  }
0x19: {  	s7 =	sld [smem:$0x3F98]  }
0x1a: {  	s8 =	sadd.s32 $0xFFFFE003, lr  }
0x1b: {  	s9 =	sadd.s32 $0xFFFFFEF7, lr;
	s5 =	simm.s32 $0xFFFFFFFF;
	p2 =	slt.u32 s8, $0xFFFFF086  }
0x1c: {  	p1 =	slt.u32 s9, $0xF7A;
	s5 =	simm.s32 @!p2 $0x0  }
0x1d: {  	s5 =	simm.s32 @p1 $0x1;
	p0 =	seq.s32 s7, s2  }
0x1e: {  	s7 =	smul.u32 @!p0 $0xF7A, s2;
	p2 =	seq.s32 @!p0 s5, $0x0  }
0x1f: {  	s9 =	smul.u32 $0xF7A, s1;
	s8 =	simm.s32 @!p0 $0x1BF5;
	p2 =	por !p2, p0  }
0x20: {  	[sflag:s8] =	ssyncset.s32 @!p0 $0xFFFFF086;
	s6 =	sadd.s32 @!p0 s3, s7;
	s7 =	simm.s32 @!p0 $0x108  }
0x21: {  	s3 =	sadd.s32 s3, s9;
	s6 =	sadd.s32 @!p0 $0x88, s6;
	s7 =	simm.s32 @p2 $0x1082  }
0x22: {  	[simem:s7], [sflag:s8] =	dma.local @!p0 [hbm:s6], $0xF7A  }
0x23: {  	s9 =	sor.u32 $0xD0000000, s2;
	s6 =	simm.s32 $0x108;
	_ =	swait.ge @!p0 [sflag:s8], $0x0  }
0x24: {  	s3 =	sadd.s32 $0x88, s3;
	s6 =	simm.s32 @!p1 $0x1082;
	[sflag:s4] =	ssyncset.s32 $0xFFFFF086  }
0x25: {  	[simem:s6], [sflag:s4] =	dma.local [hbm:s3], $0xF7A  }
0x26: {  	[smem:$0x3F98] =	sst s1;
	(tag) =	ssettag s2;
	_ =	strace s9  }
0x27: {  	s1 =	sld [smem:$0x3FA8]  }
0x28: {  	s2 =	sld [smem:$0x3FA9]  }
0x29: {  	s4 =	sld [smem:$0x3FAB]  }
0x2a: {  	p0 =	seq.s32 s5, $0x0;
	s5 =	sld [smem:$0x3FAC]  }
0x2b: {  	s6 =	sld [smem:$0x3FAD]  }
0x2c: {  	s7 =	sld [smem:$0x3FAE]  }
0x2d: {  	s3 =	simm.s32 $0x108;
	s8 =	sld [smem:$0x3FAF]  }
0x2e: {  	s3 =	simm.s32 @!p0 $0x1082;
	s9 =	sld [smem:$0x3FB0]  }
0x2f: {  	lr =	sadd.s32 s0, s3;
	s0 =	sld [smem:$0x3FA7]  }
0x30: {  	s3 =	sld [smem:$0x3FAA]  }
0x31: {  	[smem:$0x3FB3] =	sst s10  }
0x32: {  	s10 =	sld [smem:$0x3FB1];
	_ =	sdelay $0x3  }
0x33: {  	p0 =	seq.s32 s10, $0x1;
	s10 =	sld [smem:$0x3FB3];
	_ =	sdelay $0x3  }
0x34: {  	[smem:$0x3FB3] =	sst s10  }
0x35: {  	s10 =	sld [smem:$0x3FB2];
	_ =	sdelay $0x3  }
0x36: {  	p1 =	seq.s32 s10, $0x1;
	s10 =	sld [smem:$0x3FB3];
	_ =	sdelay $0x3  }
0x37: {  	[smem:$0x3FB3] =	sst s10  }
0x38: {  	s10 =	sld [smem:$0x3FB4]  }
0x39: {  	_ = 	snop;
	(pc) =	sbr.ind lr, $3  }
0x3a: {  	_ = 	snop  }
0x3b: {  	_ = 	snop  }
0x3c: {  	p2 =	seq.s32 s10, $0x1;
	s10 =	sld [smem:$0x3FB3]  }
0x3d: {  	_ =	shalt  }
0x3e: {  	_ =	shalt  }
0x3f: {  	_ =	shalt  }
0x40: {  	_ =	shalt  }
0x41: {  	_ =	shalt  }
0x42: {  	_ =	shalt  }
0x43: {  	_ =	shalt  }
0x44: {  	_ =	shalt  }
0x45: {  	_ =	shalt  }
0x46: {  	_ =	shalt  }
0x47: {  	_ =	shalt  }
0x48: {  	_ =	shalt  }
0x49: {  	_ =	shalt  }
0x4a: {  	_ =	shalt  }
0x4b: {  	_ =	shalt  }
0x4c: {  	_ =	shalt  }
0x4d: {  	_ =	shalt  }
0x4e: {  	_ =	shalt  }
0x4f: {  	_ =	shalt  }
0x50: {  	_ =	shalt  }
0x51: {  	_ =	shalt  }
0x52: {  	_ =	shalt  }
0x53: {  	_ =	shalt  }
0x54: {  	_ =	shalt  }
0x55: {  	_ =	shalt  }
0x56: {  	_ =	shalt  }
0x57: {  	_ =	shalt  }
0x58: {  	_ =	shalt  }
0x59: {  	_ =	shalt  }
0x5a: {  	_ =	shalt  }
0x5b: {  	_ =	shalt  }
0x5c: {  	_ =	shalt  }
0x5d: {  	_ =	shalt  }
0x5e: {  	_ =	shalt  }
0x5f: {  	_ =	shalt  }
0x60: {  	_ =	shalt  }
0x61: {  	_ =	shalt  }
0x62: {  	_ =	shalt  }
0x63: {  	_ =	shalt  }
0x64: {  	_ =	shalt  }
0x65: {  	_ =	shalt  }
0x66: {  	_ =	shalt  }
0x67: {  	_ =	shalt  }
0x68: {  	_ =	shalt  }
0x69: {  	_ =	shalt  }
0x6a: {  	_ =	shalt  }
0x6b: {  	_ =	shalt  }
0x6c: {  	_ =	shalt  }
0x6d: {  	_ =	shalt  }
0x6e: {  	_ =	shalt  }
0x6f: {  	_ =	shalt  }
0x70: {  	_ =	shalt  }
0x71: {  	_ =	shalt  }
0x72: {  	_ =	shalt  }
0x73: {  	_ =	shalt  }
0x74: {  	_ =	shalt  }
0x75: {  	_ =	shalt  }
0x76: {  	_ =	shalt  }
0x77: {  	_ =	shalt  }
0x78: {  	_ =	shalt  }
0x79: {  	_ =	shalt  }
0x7a: {  	_ =	shalt  }
0x7b: {  	_ =	shalt  }
0x7c: {  	_ =	shalt  }
0x7d: {  	_ =	shalt  }
0x7e: {  	_ =	shalt  }
0x7f: {  	_ =	shalt  }
0x80: {  	_ =	shalt  }
0x81: {  	_ =	shalt  }
0x82: {  	_ =	shalt  }
0x83: {  	_ =	shalt  }
0x84: {  	_ =	shalt  }
0x85: {  	_ =	shalt  }
0x86: {  	_ =	shalt  }
0x87: {  	_ =	shalt  }
.Lfunc_end0:
.L_simem_size_0:
called_computation.7_lowered:
.L_overlay_start_0:
0x88: {  	s2 =	sld [smem:$0x3FD9]  }
0x89: {  	s3 =	sld [smem:$0x3FFE];
	_ =	sdelay $0x1  }
0x8a: {  	s1 =	srdreg.scid  }
0x8b: {  	s0 =	sand.u32 $0x1, s1  }
0x8c: {  	s15 =	sshll.u32 s0, $0xA;
	s2 =	sadd.s32 s3, s2  }
0x8d: {  	s2 =	sadd.s32 s2, s15  }
0x8e: {  	[smem:$0x3FBF] =	sst s2  }
0x8f: {  	_ = 	snop  }
0x90: {  	s2 =	sld [smem:$0x3FD0];
	_ =	sdelay $0x2  }
0x91: {  	s16 =	simm.s32 $0xF;
	s4 =	simm.s32 $0x10  }
0x92: {  	[smem:s4], [sflag:s16] =	dma.local [hbm:s2], $0x1  }
0x93: {  	_ =	swait.eq [sflag:s16], $0x1  }
0x94: {  	[sflag:s16] =	ssyncset.done $0x0  }
0x95: {  	[sflag:s16] =	ssyncadd.s32 $0xFFFFFFFF  }
0x96: {  	s17 =	sld [smem:$0x15];
	(tm) =	ssettm $0x1  }
0x97: {  	s18 =	sld [smem:$0x3FFB];
	_ =	sdelay $0x3  }
0x98: {  	_ =	strace s18  }
0x99: {  	s2 =	sld [smem:$0x3FFC];
	_ =	sdelay $0x3  }
0x9a: {  	_ =	strace s2  }
0x9b: {  	s2 =	sld [smem:$0x3FFD];
	_ =	sdelay $0x3  }
0x9c: {  	_ =	strace s2  }
0x9d: {  	_ =	strace $0x8FFFFFFF  }
0x9e: {  	s19 =	sld [smem:$0x3FDB];
	_ =	sdelay $0x1  }
0x9f: {  	s20 =	simm.s32 $_scs_section_size  }
0xa0: {  	s5 =	simm.s32 $_size__tile_overlayer_lowered;
	s6 =	simm.s32 $_tile_overlayer_lowered  }
0xa1: {  	s7 =	simm.s32 $0x1BFF;
	s21 =	sshll.u32 s6, $0x1;
	s4 =	sadd.s32 s20, s19  }
0xa2: {  	s22 =	simm.s32 $0x0;
	s5 =	sshll.u32 s5, $0x1;
	s6 =	sadd.s32 s21, s4  }
0xa3: {  	[timem:s22], [sflag:s7] =	dma.local [hbm:s6], s5  }
0xa4: {  	_ =	swait.ge [sflag:s7], s5  }
0xa5: {  	s5 =	ssub.s32 $0x0, s5;
	[sflag:s7] =	ssyncset.done $0x0  }
0xa6: {  	[sflag:s7] =	ssyncadd.s32 s5;
	_ =	sdelay $0x1  }
0xa7: {  	s23 =	simm.s32 $0x1B8B  }
0xa8: {  	_ =	swait.ge [sflag:s23], $0x1  }
0xa9: {  	[sflag:s23] =	ssyncset.done $0x0  }
0xaa: {  	[sflag:s23] =	ssyncadd.s32 $0xFFFFFFFF  }
0xab: {  	s5 =	sld [smem:$0x0]  }
0xac: {  	s6 =	sand.u32 $0xFFFFFFFE, s1  }
0xad: {  	p0 =	sne.s32 s1, s6  }
0xae: {  	s6 =	sshll.u32 @p0 s6, $0xE  }
0xaf: {  	s6 =	sadd.s32 @p0 $0x11B8D, s6;
	s7 =	sshll.u32 @p0 s5, $0x11  }
0xb0: {  	s6 =	sor.u32 @p0 s7, s6  }
0xb1: {  	[sflag:s6] =	ssyncadd.remote.s32 @p0 $0x1;
	_ =	sdelay $0x1  }
0xb2: {  	s6 =	simm.s32 @p0 $0x1B8D  }
0xb3: {  	_ =	swait.eq @p0 [sflag:s6], $0x1  }
0xb4: {  	[sflag:s6] =	ssyncadd.s32 @p0 $0xFFFFFFFF  }
0xb5: {  	s7 =	sshll.u32 @!p0 s1, $0xE  }
0xb6: {  	s7 =	sor.u32 @!p0 $0x4000, s7;
	s6 =	simm.s32 @!p0 $0x1B8D  }
0xb7: {  	s5 =	sshll.u32 @!p0 s5, $0x11;
	s7 =	sadd.s32 @!p0 $0x11B8D, s7;
	_ =	swait.eq @!p0 [sflag:s6], $0x1  }
0xb8: {  	s5 =	sor.u32 @!p0 s5, s7;
	[sflag:s6] =	ssyncadd.s32 @!p0 $0xFFFFFFFF  }
0xb9: {  	s25 =	simm.s32 $0x1B8E;
	s24 =	sld [smem:$0x3FFE];
	[sflag:s5] =	ssyncadd.remote.s32 @!p0 $0x1  }
0xba: {  	s26 =	simm.s32 $execute0_lowered;
	[smem:$0x3FD2] =	sst s25  }
0xbb: {  	s6 =	sshll.u32 s26, $0x1;
	_ =	strace $0x8000004C;
	[dreg:$0x1] =	wrdreg $0xFFFFFFFF  }
0xbc: {  	s28 =	simm.s32 $_size_execute0_lowered;
	s4 =	sadd.s32 s4, s6;
	[dreg:$0x0] =	wrdreg $0x0  }
0xbd: {  	s6 =	sshll.u32 s28, $0x1;
	[dreg:$0x2] =	wrdreg s4  }
0xbe: {  	[dreg:$0x3] =	wrdreg s6  }
0xbf: {  	[dreg:$0x4] =	wrdreg $0xC0  }
0xc0: {  	_ =	task [dreg:s22], $0x5FFFF  }
0xc1: {  	[dreg:$0x1] =	wrdreg $0xFFFFFFFF  }
0xc2: {  	[dreg:$0x0] =	wrdreg $0x60  }
0xc3: {  	[dreg:$0x2] =	wrdreg s24  }
0xc4: {  	[dreg:$0x3] =	wrdreg s17  }
0xc5: {  	[dreg:$0x4] =	wrdreg $0xD  }
0xc6: {  	_ =	task.clear_ibuf [dreg:s22], $0x5FFFF;
	_ =	strace $0x9000004C  }
0xc7: {  	s29 =	simm.s32 $0xD;
	_ =	strace $0x8000004E  }
0xc8: {  	_ =	swait.ge [sflag:s29], $0x1  }
0xc9: {  	[sflag:s29] =	ssyncadd.s32 $0xFFFFFFFF  }
0xca: {  	_ =	strace $0x9000004E  }
0xcb: {  	_ =	sfence  }
0xcc: {  	s30 =	sld [smem:$0x0];
	_ =	sdelay $0x2  }
0xcd: {  	s31 =	sshll.u32 s1, $0xD;
	s1 =	sshrl.u32 s1, $0x2  }
0xce: {  	s4 =	sand.u32 $0x4000, s31;
	s1 =	sadd.s32 s1, s30  }
0xcf: {  	s0 =	sor.u32 s4, s0;
	s1 =	sshll.u32 s1, $0x11  }
0xd0: {  	s0 =	sor.u32 s1, s0  }
0xd1: {  	s0 =	sadd.s32 $0x8F2B, s0  }
0xd2: {  	[sflag:s0] =	ssyncadd.remote.s32 $0x1  }
0xd3: {  	_ =	sfence.sel $0xFFFF  }
0xd4: {  	[dreg:$0x0] =	wrdreg $0xFFFFFFFF;
	(pc) =	sbr.abs _section_cstart, $3  }
0xd5: {  	[dreg:$0x1] =	wrdreg $0xFFFFFFFF  }
0xd6: {  	_ =	task.clear_ibuf [dreg:s22], $0x2FFFF;
	_ =	strace $0x9FFFFFFF  }
0xd7: {  	(tm) =	ssettm $0x7FFFFFFF  }
tec
execute0_lowered:
.L_overlay_start_1:
0x0: {  	(tag) =	ssettag $0x1  }
0x1: {  	s0 =	rddreg [dreg:$0x0]  }
0x2: {  	s1 =	rddreg [dreg:$0x1];
	s2 =	simm.s32 $0x0;
	s3 =	srdreg.scid  }
0x3: {  	s9 =	stileid.u32;
	s26 =	simm.s32 $0x2600;
	s29 =	simm.s32 $0x100  }
0x4: {  	s30 =	simm.s32 $0x4600;
	s10 =	simm.s32 $0x6600;
	s11 =	simm.s32 $0x200  }
0x5: {  	s12 =	simm.s32 $0x8600;
	s13 =	simm.s32 $0x280;
	s14 =	simm.s32 $0xA600  }
0x6: {  	s15 =	simm.s32 $0x1;
	s16 =	simm.s32 $0x300;
	s17 =	simm.s32 $0xC600  }
0x7: {  	s18 =	simm.s32 $0x380;
	s19 =	simm.s32 $0xE600;
	s20 =	simm.s32 $0x400  }
0x8: {  	s21 =	simm.s32 $0x10600;
	s28 =	simm.s32 $0x16600;
	s5 =	smul.u32 $0x198, s9  }
0x9: {  	s31 =	simm.s32 $0x0;
	[smem:$0x7FF] =	sst s2;
	s22 =	smul.u32 $0x66000, s9  }
0xa: {  	s4 =	sand.u32 $0x1, s3;
	s3 =	sadd.s32 $0x100EE00, s0;
	s24 =	smul.u32 $0x1980, s9  }
0xb: {  	s0 =	sadd.s32 $0xCCA00, s0;
	s9 =	simm.s32 $0x180;
	s6 =	smul.u32 $0xCC, s4  }
0xc: {  	_ =	strace $0x8000004D;
	s23 =	smul.u32 $0x33000, s4;
	[dreg:$0x5] =	wrdreg s26  }
0xd: {  	s7 =	ssub.s32 $0x2, s4;
	s4 =	smul.u32 $0xCC0, s4;
	[dreg:$0x6] =	wrdreg s29  }
0xe: {  	[dreg:$0x7] =	wrdreg s30;
	s26 =	simm.s32 $0x580;
	s8 =	sshrl.u32 s7, $0x1  }
0xf: {  	s1 =	sadd.s32 s24, s1;
	s24 =	simm.s32 $0x500;
	s5 =	sadd.s32 s6, s5  }
0x10: {  	s7 =	ssub.s32 s7, s8;
	s25 =	sadd.s32 s4, s1;
	s6 =	simm.s32 $0x4  }
0x11: {  	s8 =	simm.s32 $0x600;
	s5 =	sshll.u32 s5, $0xA;
	s7 =	smax.u32 s7, $0x1  }
0x12: {  	[dreg:$0x9] =	wrdreg s25;
	s25 =	simm.s32 $0x14600;
	s5 =	sadd.s32 s0, s5  }
0x13: {  	[dreg:$0x8] =	wrdreg s7;
	s0 =	sadd.s32 s22, s0;
	s5 =	sadd.s32 $0x1800, s5  }
0x14: {  	s7 =	simm.s32 $0x80;
	s0 =	sadd.s32 s23, s0;
	[dreg:$0x3] =	wrdreg s5  }
0x15: {  	s22 =	simm.s32 $0x480;
	s23 =	simm.s32 $0x12600;
	[dreg:$0x4] =	wrdreg s0  }
.LBB2_1:
0x16: {  	s5 =	rddreg [dreg:$0x9]  }
0x17: {  	[tilespmem:s2], [sflag:$0x4] =	stream.linear.gather [hbm4b:s5+s2], $0x600, $0x38;
	[tilespmem:$0x18600] =	vst v63  }
0x18: {  	_ =	swait.ge [sflag:s6], $0x600  }
0x19: {  	p0 =	por $0x1, $0x1;
	[sflag:s6] =	ssyncset.done $0x0  }
0x1a: {  	s0 =	simm.s32 @!p0 $0x2;
	[sflag:s6] =	ssyncadd.s32 $0xFFFFFA00  }
0x1b: {  	_ =	swait.ge @!p0 [sflag:s0], $0xC000  }
0x1c: {  	[sflag:s0] =	ssyncset.done @!p0 $0x0  }
0x1d: {  	s1 =	rddreg [dreg:$0x7];
	[sflag:s0] =	ssyncadd.s32 @!p0 $0xFFFF4000  }
0x1e: {  	[tilespmem:s8], [sflag:$0x1] =	stream.indirect.gather [hbm4b:s3+s7], $0x40, s2, s7, $0xb8;
	[tilespmem:$0x18600] =	vst v63  }
0x1f: {  	s30 =	rddreg [dreg:$0x5]  }
0x20: {  	[tilespmem:s30], [sflag:$0x1] =	stream.indirect.gather [hbm4b:s3+s7], $0x40, s7, s7, $0xb8;
	[tilespmem:$0x18600] =	vst v63  }
0x21: {  	s4 =	rddreg [dreg:$0x6]  }
0x22: {  	[tilespmem:s1], [sflag:$0x1] =	stream.indirect.gather [hbm4b:s3+s7], $0x40, s4, s7, $0xb8;
	[tilespmem:$0x18600] =	vst v63  }
0x23: {  	_ = 	snop  }
0x24: {  	[tilespmem:s10], [sflag:$0x1] =	stream.indirect.gather [hbm4b:s3+s7], $0x40, s9, s7, $0xb8;
	[tilespmem:$0x18600] =	vst v63  }
0x25: {  	_ = 	snop  }
0x26: {  	[tilespmem:s12], [sflag:$0x1] =	stream.indirect.gather [hbm4b:s3+s7], $0x40, s11, s7, $0xb8;
	[tilespmem:$0x18600] =	vst v63  }
0x27: {  	_ = 	snop  }
0x28: {  	[tilespmem:s14], [sflag:$0x1] =	stream.indirect.gather [hbm4b:s3+s7], $0x40, s13, s7, $0xb8;
	[tilespmem:$0x18600] =	vst v63  }
0x29: {  	_ =	swait.ge [sflag:s15], $0x2000  }
0x2a: {  	[sflag:s15] =	ssyncset.done $0x0  }
0x2b: {  	[sflag:s15] =	ssyncadd.s32 $0xFFFFE000  }
0x2c: {  	_ =	swait.ge [sflag:s15], $0x2000  }
0x2d: {  	[sflag:s15] =	ssyncset.done $0x0  }
0x2e: {  	[sflag:s15] =	ssyncadd.s32 $0xFFFFE000  }
0x2f: {  	_ =	swait.ge [sflag:s15], $0x2000  }
0x30: {  	[sflag:s15] =	ssyncset.done $0x0  }
0x31: {  	[sflag:s15] =	ssyncadd.s32 $0xFFFFE000  }
0x32: {  	_ =	swait.ge [sflag:s15], $0x2000  }
0x33: {  	[sflag:s15] =	ssyncset.done $0x0  }
0x34: {  	[sflag:s15] =	ssyncadd.s32 $0xFFFFE000  }
0x35: {  	_ =	swait.ge [sflag:s15], $0x2000  }
0x36: {  	[sflag:s15] =	ssyncset.done $0x0  }
0x37: {  	[sflag:s15] =	ssyncadd.s32 $0xFFFFE000  }
0x38: {  	_ =	swait.ge [sflag:s15], $0x2000  }
0x39: {  	s29 =	rddreg [dreg:$0x4];
	[sflag:s15] =	ssyncset.done $0x0  }
0x3a: {  	s1 =	simm.s32 @!p0 $0x3;
	[sflag:s15] =	ssyncadd.s32 $0xFFFFE000;
	s0 =	sadd.s32 $0x0, s29  }
0x3b: {  	[hbm4b:s0+s2] =	stream.linear.scatter [tilespmem:s8], [sflag:$0x2], $0xC000, $0x38;
	[tilespmem:$0x18600] =	vst v63  }
0x3c: {  	_ =	swait.ge @!p0 [sflag:s1], $0xC000  }
0x3d: {  	[sflag:s1] =	ssyncset.done @!p0 $0x0  }
0x3e: {  	[sflag:s1] =	ssyncadd.s32 @!p0 $0xFFFF4000  }
0x3f: {  	[tilespmem:s17], [sflag:$0x1] =	stream.indirect.gather [hbm4b:s3+s7], $0x40, s16, s7, $0xb8;
	[tilespmem:$0x18600] =	vst v63  }
0x40: {  	_ = 	snop  }
0x41: {  	[tilespmem:s19], [sflag:$0x1] =	stream.indirect.gather [hbm4b:s3+s7], $0x40, s18, s7, $0xb8;
	[tilespmem:$0x18600] =	vst v63  }
0x42: {  	_ = 	snop  }
0x43: {  	[tilespmem:s21], [sflag:$0x1] =	stream.indirect.gather [hbm4b:s3+s7], $0x40, s20, s7, $0xb8;
	[tilespmem:$0x18600] =	vst v63  }
0x44: {  	_ = 	snop  }
0x45: {  	[tilespmem:s23], [sflag:$0x1] =	stream.indirect.gather [hbm4b:s3+s7], $0x40, s22, s7, $0xb8;
	[tilespmem:$0x18600] =	vst v63  }
0x46: {  	_ = 	snop  }
0x47: {  	[tilespmem:s25], [sflag:$0x1] =	stream.indirect.gather [hbm4b:s3+s7], $0x40, s24, s7, $0xb8;
	[tilespmem:$0x18600] =	vst v63  }
0x48: {  	_ = 	snop  }
0x49: {  	[tilespmem:s28], [sflag:$0x1] =	stream.indirect.gather [hbm4b:s3+s7], $0x40, s26, s7, $0xb8;
	[tilespmem:$0x18600] =	vst v63  }
0x4a: {  	_ =	swait.ge [sflag:s15], $0x2000  }
0x4b: {  	[sflag:s15] =	ssyncset.done $0x0  }
0x4c: {  	[sflag:s15] =	ssyncadd.s32 $0xFFFFE000  }
0x4d: {  	_ =	swait.ge [sflag:s15], $0x2000  }
0x4e: {  	[sflag:s15] =	ssyncset.done $0x0  }
0x4f: {  	[sflag:s15] =	ssyncadd.s32 $0xFFFFE000  }
0x50: {  	_ =	swait.ge [sflag:s15], $0x2000  }
0x51: {  	[sflag:s15] =	ssyncset.done $0x0  }
0x52: {  	[sflag:s15] =	ssyncadd.s32 $0xFFFFE000  }
0x53: {  	_ =	swait.ge [sflag:s15], $0x2000  }
0x54: {  	[sflag:s15] =	ssyncset.done $0x0  }
0x55: {  	[sflag:s15] =	ssyncadd.s32 $0xFFFFE000  }
0x56: {  	_ =	swait.ge [sflag:s15], $0x2000  }
0x57: {  	[sflag:s15] =	ssyncset.done $0x0  }
0x58: {  	[sflag:s15] =	ssyncadd.s32 $0xFFFFE000  }
0x59: {  	_ =	swait.ge [sflag:s15], $0x2000  }
0x5a: {  	s0 =	simm.s32 $0x3000;
	s30 =	rddreg [dreg:$0x3];
	[sflag:s15] =	ssyncset.done $0x0  }
0x5b: {  	s1 =	sadd.s32 $0xC0, s5;
	[sflag:s15] =	ssyncadd.s32 $0xFFFFE000;
	s4 =	sadd.s32 $0x0, s30  }
.LBB2_2:
0x5c: {  	[hbm4b:s4+s2] =	stream.linear.scatter [tilespmem:s17], [sflag:$0x3], $0xC000, $0x38;
	[tilespmem:$0x18600] =	vst v63  }
0x5d: {  	_ = 	snop  }
0x5e: {  	[tilespmem:s2], [sflag:$0x4] =	stream.linear.gather [hbm4b:s1+s2], $0x600, $0x38;
	[tilespmem:$0x18600] =	vst v63  }
0x5f: {  	s4 =	smov.u32 s0;
	_ =	swait.ge [sflag:s6], $0x600  }
0x60: {  	p1 =	seq.s32 s4, $0x0;
	[sflag:s6] =	ssyncset.done $0x0  }
0x61: {  	s29 =	simm.s32 @!p1 $0x2;
	[sflag:s6] =	ssyncadd.s32 $0xFFFFFA00  }
0x62: {  	_ =	swait.ge @!p1 [sflag:s29], $0xC000  }
0x63: {  	[sflag:s29] =	ssyncset.done @!p1 $0x0  }
0x64: {  	s30 =	rddreg [dreg:$0x7];
	[sflag:s29] =	ssyncadd.s32 @!p1 $0xFFFF4000  }
0x65: {  	[tilespmem:s8], [sflag:$0x1] =	stream.indirect.gather [hbm4b:s3+s7], $0x40, s2, s7, $0xb8;
	[tilespmem:$0x18600] =	vst v63  }
0x66: {  	s29 =	rddreg [dreg:$0x5]  }
0x67: {  	[tilespmem:s29], [sflag:$0x1] =	stream.indirect.gather [hbm4b:s3+s7], $0x40, s7, s7, $0xb8;
	[tilespmem:$0x18600] =	vst v63  }
0x68: {  	s5 =	rddreg [dreg:$0x6]  }
0x69: {  	[tilespmem:s30], [sflag:$0x1] =	stream.indirect.gather [hbm4b:s3+s7], $0x40, s5, s7, $0xb8;
	[tilespmem:$0x18600] =	vst v63  }
0x6a: {  	_ = 	snop  }
0x6b: {  	[tilespmem:s10], [sflag:$0x1] =	stream.indirect.gather [hbm4b:s3+s7], $0x40, s9, s7, $0xb8;
	[tilespmem:$0x18600] =	vst v63  }
0x6c: {  	_ = 	snop  }
0x6d: {  	[tilespmem:s12], [sflag:$0x1] =	stream.indirect.gather [hbm4b:s3+s7], $0x40, s11, s7, $0xb8;
	[tilespmem:$0x18600] =	vst v63  }
0x6e: {  	_ = 	snop  }
0x6f: {  	[tilespmem:s14], [sflag:$0x1] =	stream.indirect.gather [hbm4b:s3+s7], $0x40, s13, s7, $0xb8;
	[tilespmem:$0x18600] =	vst v63  }
0x70: {  	_ =	swait.ge [sflag:s15], $0x2000  }
0x71: {  	[sflag:s15] =	ssyncset.done $0x0  }
0x72: {  	[sflag:s15] =	ssyncadd.s32 $0xFFFFE000  }
0x73: {  	_ =	swait.ge [sflag:s15], $0x2000  }
0x74: {  	[sflag:s15] =	ssyncset.done $0x0  }
0x75: {  	[sflag:s15] =	ssyncadd.s32 $0xFFFFE000  }
0x76: {  	_ =	swait.ge [sflag:s15], $0x2000  }
0x77: {  	[sflag:s15] =	ssyncset.done $0x0  }
0x78: {  	[sflag:s15] =	ssyncadd.s32 $0xFFFFE000  }
0x79: {  	_ =	swait.ge [sflag:s15], $0x2000  }
0x7a: {  	[sflag:s15] =	ssyncset.done $0x0  }
0x7b: {  	[sflag:s15] =	ssyncadd.s32 $0xFFFFE000  }
0x7c: {  	_ =	swait.ge [sflag:s15], $0x2000  }
0x7d: {  	[sflag:s15] =	ssyncset.done $0x0  }
0x7e: {  	[sflag:s15] =	ssyncadd.s32 $0xFFFFE000  }
0x7f: {  	_ =	swait.ge [sflag:s15], $0x2000  }
0x80: {  	s29 =	rddreg [dreg:$0x4];
	[sflag:s15] =	ssyncset.done $0x0  }
0x81: {  	[sflag:s15] =	ssyncadd.s32 $0xFFFFE000;
	s5 =	sadd.s32 s4, s29;
	s29 =	simm.s32 @!p1 $0x3  }
0x82: {  	[hbm4b:s5+s2] =	stream.linear.scatter [tilespmem:s8], [sflag:$0x2], $0xC000, $0x38;
	[tilespmem:$0x18600] =	vst v63  }
0x83: {  	_ =	swait.ge @!p1 [sflag:s29], $0xC000  }
0x84: {  	[sflag:s29] =	ssyncset.done @!p1 $0x0  }
0x85: {  	[sflag:s29] =	ssyncadd.s32 @!p1 $0xFFFF4000  }
0x86: {  	[tilespmem:s17], [sflag:$0x1] =	stream.indirect.gather [hbm4b:s3+s7], $0x40, s16, s7, $0xb8;
	[tilespmem:$0x18600] =	vst v63  }
0x87: {  	_ = 	snop  }
0x88: {  	[tilespmem:s19], [sflag:$0x1] =	stream.indirect.gather [hbm4b:s3+s7], $0x40, s18, s7, $0xb8;
	[tilespmem:$0x18600] =	vst v63  }
0x89: {  	_ = 	snop  }
0x8a: {  	[tilespmem:s21], [sflag:$0x1] =	stream.indirect.gather [hbm4b:s3+s7], $0x40, s20, s7, $0xb8;
	[tilespmem:$0x18600] =	vst v63  }
0x8b: {  	_ = 	snop  }
0x8c: {  	[tilespmem:s23], [sflag:$0x1] =	stream.indirect.gather [hbm4b:s3+s7], $0x40, s22, s7, $0xb8;
	[tilespmem:$0x18600] =	vst v63  }
0x8d: {  	_ = 	snop  }
0x8e: {  	[tilespmem:s25], [sflag:$0x1] =	stream.indirect.gather [hbm4b:s3+s7], $0x40, s24, s7, $0xb8;
	[tilespmem:$0x18600] =	vst v63  }
0x8f: {  	_ = 	snop  }
0x90: {  	[tilespmem:s28], [sflag:$0x1] =	stream.indirect.gather [hbm4b:s3+s7], $0x40, s26, s7, $0xb8;
	[tilespmem:$0x18600] =	vst v63  }
0x91: {  	_ =	swait.ge [sflag:s15], $0x2000  }
0x92: {  	[sflag:s15] =	ssyncset.done $0x0  }
0x93: {  	[sflag:s15] =	ssyncadd.s32 $0xFFFFE000  }
0x94: {  	_ =	swait.ge [sflag:s15], $0x2000  }
0x95: {  	[sflag:s15] =	ssyncset.done $0x0  }
0x96: {  	[sflag:s15] =	ssyncadd.s32 $0xFFFFE000  }
0x97: {  	_ =	swait.ge [sflag:s15], $0x2000  }
0x98: {  	[sflag:s15] =	ssyncset.done $0x0  }
0x99: {  	[sflag:s15] =	ssyncadd.s32 $0xFFFFE000  }
0x9a: {  	_ =	swait.ge [sflag:s15], $0x2000  }
0x9b: {  	[sflag:s15] =	ssyncset.done $0x0  }
0x9c: {  	s0 =	sadd.s32 $0x3000, s0;
	[sflag:s15] =	ssyncadd.s32 $0xFFFFE000  }
0x9d: {  	p0 =	sne.s32 s0, $0x33000;
	_ =	swait.ge [sflag:s15], $0x2000  }
.Ltmp0:
0x9e: {  	[sflag:s15] =	ssyncset.done $0x0;
	(pc) =	sbr.rel @p0 .LBB2_2-.Ltmp0, $4  }
0x9f: {  	[sflag:s15] =	ssyncadd.s32 $0xFFFFE000  }
0xa0: {  	_ =	swait.ge [sflag:s15], $0x2000  }
0xa1: {  	[sflag:s15] =	ssyncset.done $0x0;
	s30 =	rddreg [dreg:$0x3]  }
0xa2: {  	s1 =	sadd.s32 $0xC0, s1;
	[sflag:s15] =	ssyncadd.s32 $0xFFFFE000;
	s4 =	sadd.s32 s4, s30  }
0xa3: {  	[hbm4b:s4+s2] =	stream.linear.scatter [tilespmem:s17], [sflag:$0x3], $0xC000, $0x38;
	[tilespmem:$0x18600] =	vst v63  }
0xa4: {  	s0 =	simm.s32 $0x2  }
0xa5: {  	_ =	swait.ge [sflag:s0], $0xC000  }
0xa6: {  	[sflag:s0] =	ssyncset.done $0x0  }
0xa7: {  	s1 =	simm.s32 $0x3;
	[sflag:s0] =	ssyncadd.s32 $0xFFFF4000  }
0xa8: {  	_ =	swait.ge [sflag:s1], $0xC000  }
0xa9: {  	s31 =	sadd.s32 $0x1, s31;
	s30 =	rddreg [dreg:$0x8]  }
0xaa: {  	p0 =	sne.s32 s31, s30  }
.Ltmp1:
0xab: {  	_ = 	snop;
	(pc) =	sbr.rel @p0 .LBB2_1-.Ltmp1, $3  }
0xac: {  	_ =	sdelay $0x1  }
0xad: {  	[sflag:s1] =	ssyncset.done $0x0  }
0xae: {  	[sflag:s1] =	ssyncadd.s32 $0xFFFF4000  }
0xaf: {  	_ =	sfence.sel $0x180000  }
0xb0: {  	[bflag:$0x0] =	sbarrier.arrive $0xFFFF  }
0xb1: {  	_ =	strace $0x9000004D  }
0xb2: {  	s0 =	stileid.u32;
	[bflag:$0x2] =	sbarrier.arrive $0xFFFF  }
0xb3: {  	p0 =	sne.s32 s0, $0x0;
	s0 =	rddreg [dreg:$0x2]  }
0xb4: {  	s0 =	sadd.s32 @!p0 $0x100000, s0  }
0xb5: {  	[sflag:s0] =	ssyncadd.tile.s32 @!p0 $0x1;
	_ =	shalt  }
.Lfunc_end2:
_tile_overlayer_lowered:
.L_overlay_start_2:
0xb6: {  	(tag) =	ssettag $0x2  }
0xb7: {  	s0 =	rddreg [dreg:$0x0];
	s2 =	stileid.u32  }
0xb8: {  	s1 =	rddreg [dreg:$0x1];
	p0 =	sne.s32 s2, $0x0  }
0xb9: {  	s3 =	rddreg [dreg:$0x2];
	[bflag:$0x3] =	sbarrier.arrive $0xFFFF;
	s2 =	simm.s32 @!p0 $0x1C04  }
0xba: {  	[timem:s3], [sflag:s2] =	dma.local @!p0 [hbm:s0], s1  }
0xbb: {  	s0 =	simm.s32 @!p0 $0x4  }
0xbc: {  	_ =	swait.ge @!p0 [sflag:s0], s1  }
0xbd: {  	s1 =	ssub.s32 @!p0 $0x0, s1;
	[sflag:s0] =	ssyncset.done @!p0 $0x0  }
0xbe: {  	[sflag:s0] =	ssyncadd.s32 @!p0 s1  }
0xbf: {  	[bflag:$0x3] =	sbarrier.arrive $0xFFFF  }
0xc0: {  	_ =	shalt  }

// kernel: kernel.23.cloned.1.call-start
scs
__scs_entry_jumppad:
0x0: {  	(pc) =	sbr.rel $0x88, $3  }
0x1: {  	(tag) =	ssettag $0x0;
	lr =	simm.s32 $0x1  }
0x2: {  	[smem:$0x3F98] =	sst lr;
	_ =	strace $0xD0000000  }
0x3: {  	_ = 	snop  }
0x4: {  	_ = 	snop  }
0x5: {  	_ = 	snop  }
0x6: {  	_ = 	snop  }
0x7: {  	_ = 	snop  }
__scs_overlays_trampoline_lowered:
0x8: {  	[smem:$0x3FA7] =	sst s0  }
0x9: {  	[smem:$0x3FA8] =	sst s1  }
0xa: {  	[smem:$0x3FA9] =	sst s2  }
0xb: {  	[smem:$0x3FAA] =	sst s3  }
0xc: {  	[smem:$0x3FAB] =	sst s4  }
0xd: {  	[smem:$0x3FAC] =	sst s5  }
0xe: {  	[smem:$0x3FAD] =	sst s6  }
0xf: {  	[smem:$0x3FAE] =	sst s7  }
0x10: {  	[smem:$0x3FAF] =	sst s8  }
0x11: {  	[smem:$0x3FB0] =	sst s9;
	s0 =	simm.s32 @!p0 $0x0  }
0x12: {  	s1 =	sld [smem:$0x3F96];
	s0 =	simm.s32 @p0 $0x1  }
0x13: {  	[smem:$0x3FB1] =	sst s0;
	s0 =	simm.s32 @!p1 $0x0  }
0x14: {  	s2 =	sld [smem:$0x3F95];
	s0 =	simm.s32 @p1 $0x1  }
0x15: {  	[smem:$0x3FB2] =	sst s0;
	s0 =	simm.s32 @!p2 $0x0  }
0x16: {  	s3 =	sld [smem:$0x3FDB];
	s0 =	simm.s32 @p2 $0x1  }
0x17: {  	s4 =	simm.s32 $0x1BF5;
	[smem:$0x3FB4] =	sst s0  }
0x18: {  	s0 =	sld [smem:$0x3F97];
	_ =	swait.ge [sflag:s4], $0x0  }
0x19: {  	s7 =	sld [smem:$0x3F98]  }
0x1a: {  	s8 =	sadd.s32 $0xFFFFE003, lr  }
0x1b: {  	s9 =	sadd.s32 $0xFFFFFEF7, lr;
	s5 =	simm.s32 $0xFFFFFFFF;
	p2 =	slt.u32 s8, $0xFFFFF086  }
0x1c: {  	p1 =	slt.u32 s9, $0xF7A;
	s5 =	simm.s32 @!p2 $0x0  }
0x1d: {  	s5 =	simm.s32 @p1 $0x1;
	p0 =	seq.s32 s7, s2  }
0x1e: {  	s7 =	smul.u32 @!p0 $0xF7A, s2;
	p2 =	seq.s32 @!p0 s5, $0x0  }
0x1f: {  	s9 =	smul.u32 $0xF7A, s1;
	s8 =	simm.s32 @!p0 $0x1BF5;
	p2 =	por !p2, p0  }
0x20: {  	[sflag:s8] =	ssyncset.s32 @!p0 $0xFFFFF086;
	s6 =	sadd.s32 @!p0 s3, s7;
	s7 =	simm.s32 @!p0 $0x108  }
0x21: {  	s3 =	sadd.s32 s3, s9;
	s6 =	sadd.s32 @!p0 $0x88, s6;
	s7 =	simm.s32 @p2 $0x1082  }
0x22: {  	[simem:s7], [sflag:s8] =	dma.local @!p0 [hbm:s6], $0xF7A  }
0x23: {  	s9 =	sor.u32 $0xD0000000, s2;
	s6 =	simm.s32 $0x108;
	_ =	swait.ge @!p0 [sflag:s8], $0x0  }
0x24: {  	s3 =	sadd.s32 $0x88, s3;
	s6 =	simm.s32 @!p1 $0x1082;
	[sflag:s4] =	ssyncset.s32 $0xFFFFF086  }
0x25: {  	[simem:s6], [sflag:s4] =	dma.local [hbm:s3], $0xF7A  }
0x26: {  	[smem:$0x3F98] =	sst s1;
	(tag) =	ssettag s2;
	_ =	strace s9  }
0x27: {  	s1 =	sld [smem:$0x3FA8]  }
0x28: {  	s2 =	sld [smem:$0x3FA9]  }
0x29: {  	s4 =	sld [smem:$0x3FAB]  }
0x2a: {  	p0 =	seq.s32 s5, $0x0;
	s5 =	sld [smem:$0x3FAC]  }
0x2b: {  	s6 =	sld [smem:$0x3FAD]  }
0x2c: {  	s7 =	sld [smem:$0x3FAE]  }
0x2d: {  	s3 =	simm.s32 $0x108;
	s8 =	sld [smem:$0x3FAF]  }
0x2e: {  	s3 =	simm.s32 @!p0 $0x1082;
	s9 =	sld [smem:$0x3FB0]  }
0x2f: {  	lr =	sadd.s32 s0, s3;
	s0 =	sld [smem:$0x3FA7]  }
0x30: {  	s3 =	sld [smem:$0x3FAA]  }
0x31: {  	[smem:$0x3FB3] =	sst s10  }
0x32: {  	s10 =	sld [smem:$0x3FB1];
	_ =	sdelay $0x3  }
0x33: {  	p0 =	seq.s32 s10, $0x1;
	s10 =	sld [smem:$0x3FB3];
	_ =	sdelay $0x3  }
0x34: {  	[smem:$0x3FB3] =	sst s10  }
0x35: {  	s10 =	sld [smem:$0x3FB2];
	_ =	sdelay $0x3  }
0x36: {  	p1 =	seq.s32 s10, $0x1;
	s10 =	sld [smem:$0x3FB3];
	_ =	sdelay $0x3  }
0x37: {  	[smem:$0x3FB3] =	sst s10  }
0x38: {  	s10 =	sld [smem:$0x3FB4]  }
0x39: {  	_ = 	snop;
	(pc) =	sbr.ind lr, $3  }
0x3a: {  	_ = 	snop  }
0x3b: {  	_ = 	snop  }
0x3c: {  	p2 =	seq.s32 s10, $0x1;
	s10 =	sld [smem:$0x3FB3]  }
0x3d: {  	_ =	shalt  }
0x3e: {  	_ =	shalt  }
0x3f: {  	_ =	shalt  }
0x40: {  	_ =	shalt  }
0x41: {  	_ =	shalt  }
0x42: {  	_ =	shalt  }
0x43: {  	_ =	shalt  }
0x44: {  	_ =	shalt  }
0x45: {  	_ =	shalt  }
0x46: {  	_ =	shalt  }
0x47: {  	_ =	shalt  }
0x48: {  	_ =	shalt  }
0x49: {  	_ =	shalt  }
0x4a: {  	_ =	shalt  }
0x4b: {  	_ =	shalt  }
0x4c: {  	_ =	shalt  }
0x4d: {  	_ =	shalt  }
0x4e: {  	_ =	shalt  }
0x4f: {  	_ =	shalt  }
0x50: {  	_ =	shalt  }
0x51: {  	_ =	shalt  }
0x52: {  	_ =	shalt  }
0x53: {  	_ =	shalt  }
0x54: {  	_ =	shalt  }
0x55: {  	_ =	shalt  }
0x56: {  	_ =	shalt  }
0x57: {  	_ =	shalt  }
0x58: {  	_ =	shalt  }
0x59: {  	_ =	shalt  }
0x5a: {  	_ =	shalt  }
0x5b: {  	_ =	shalt  }
0x5c: {  	_ =	shalt  }
0x5d: {  	_ =	shalt  }
0x5e: {  	_ =	shalt  }
0x5f: {  	_ =	shalt  }
0x60: {  	_ =	shalt  }
0x61: {  	_ =	shalt  }
0x62: {  	_ =	shalt  }
0x63: {  	_ =	shalt  }
0x64: {  	_ =	shalt  }
0x65: {  	_ =	shalt  }
0x66: {  	_ =	shalt  }
0x67: {  	_ =	shalt  }
0x68: {  	_ =	shalt  }
0x69: {  	_ =	shalt  }
0x6a: {  	_ =	shalt  }
0x6b: {  	_ =	shalt  }
0x6c: {  	_ =	shalt  }
0x6d: {  	_ =	shalt  }
0x6e: {  	_ =	shalt  }
0x6f: {  	_ =	shalt  }
0x70: {  	_ =	shalt  }
0x71: {  	_ =	shalt  }
0x72: {  	_ =	shalt  }
0x73: {  	_ =	shalt  }
0x74: {  	_ =	shalt  }
0x75: {  	_ =	shalt  }
0x76: {  	_ =	shalt  }
0x77: {  	_ =	shalt  }
0x78: {  	_ =	shalt  }
0x79: {  	_ =	shalt  }
0x7a: {  	_ =	shalt  }
0x7b: {  	_ =	shalt  }
0x7c: {  	_ =	shalt  }
0x7d: {  	_ =	shalt  }
0x7e: {  	_ =	shalt  }
0x7f: {  	_ =	shalt  }
0x80: {  	_ =	shalt  }
0x81: {  	_ =	shalt  }
0x82: {  	_ =	shalt  }
0x83: {  	_ =	shalt  }
0x84: {  	_ =	shalt  }
0x85: {  	_ =	shalt  }
0x86: {  	_ =	shalt  }
0x87: {  	_ =	shalt  }
.Lfunc_end0:
.L_simem_size_0:
called_computation.8_lowered:
.L_overlay_start_0:
0x88: {  	s2 =	sld [smem:$0x3FD9]  }
0x89: {  	s3 =	sld [smem:$0x3FFE];
	_ =	sdelay $0x1  }
0x8a: {  	s1 =	srdreg.scid  }
0x8b: {  	s0 =	sand.u32 $0x1, s1  }
0x8c: {  	s17 =	sshll.u32 s0, $0xA;
	s2 =	sadd.s32 s3, s2  }
0x8d: {  	s2 =	sadd.s32 s2, s17  }
0x8e: {  	[smem:$0x3FBF] =	sst s2  }
0x8f: {  	_ = 	snop  }
0x90: {  	(tm) =	ssettm $0x1  }
0x91: {  	s18 =	sld [smem:$0x3FFB];
	_ =	sdelay $0x3  }
0x92: {  	_ =	strace s18  }
0x93: {  	s2 =	sld [smem:$0x3FFC];
	_ =	sdelay $0x3  }
0x94: {  	_ =	strace s2  }
0x95: {  	s2 =	sld [smem:$0x3FFD];
	_ =	sdelay $0x3  }
0x96: {  	_ =	strace s2  }
0x97: {  	_ =	strace $0x8FFFFFFF  }
0x98: {  	s19 =	sld [smem:$0x3FDB];
	_ =	sdelay $0x1  }
0x99: {  	s20 =	simm.s32 $_scs_section_size  }
0x9a: {  	s4 =	simm.s32 $_size__tile_overlayer_lowered;
	s5 =	simm.s32 $_tile_overlayer_lowered  }
0x9b: {  	s6 =	simm.s32 $0x1BFF;
	s21 =	sshll.u32 s5, $0x1;
	s3 =	sadd.s32 s20, s19  }
0x9c: {  	s22 =	simm.s32 $0x0;
	s4 =	sshll.u32 s4, $0x1;
	s5 =	sadd.s32 s21, s3  }
0x9d: {  	[timem:s22], [sflag:s6] =	dma.local [hbm:s5], s4  }
0x9e: {  	_ =	swait.ge [sflag:s6], s4  }
0x9f: {  	s4 =	ssub.s32 $0x0, s4;
	[sflag:s6] =	ssyncset.done $0x0  }
0xa0: {  	[sflag:s6] =	ssyncadd.s32 s4;
	_ =	sdelay $0x1  }
0xa1: {  	s23 =	simm.s32 $0x1B8B  }
0xa2: {  	_ =	swait.ge [sflag:s23], $0x1  }
0xa3: {  	[sflag:s23] =	ssyncset.done $0x0  }
0xa4: {  	[sflag:s23] =	ssyncadd.s32 $0xFFFFFFFF  }
0xa5: {  	s4 =	sld [smem:$0x0]  }
0xa6: {  	s5 =	sand.u32 $0xFFFFFFFE, s1  }
0xa7: {  	p0 =	sne.s32 s1, s5  }
0xa8: {  	s5 =	sshll.u32 @p0 s5, $0xE  }
0xa9: {  	s5 =	sadd.s32 @p0 $0x11B8D, s5;
	s6 =	sshll.u32 @p0 s4, $0x11  }
0xaa: {  	s5 =	sor.u32 @p0 s6, s5  }
0xab: {  	[sflag:s5] =	ssyncadd.remote.s32 @p0 $0x1;
	_ =	sdelay $0x1  }
0xac: {  	s5 =	simm.s32 @p0 $0x1B8D  }
0xad: {  	_ =	swait.eq @p0 [sflag:s5], $0x1  }
0xae: {  	[sflag:s5] =	ssyncadd.s32 @p0 $0xFFFFFFFF  }
0xaf: {  	s6 =	sshll.u32 @!p0 s1, $0xE  }
0xb0: {  	s6 =	sor.u32 @!p0 $0x4000, s6;
	s5 =	simm.s32 @!p0 $0x1B8D  }
0xb1: {  	s4 =	sshll.u32 @!p0 s4, $0x11;
	s6 =	sadd.s32 @!p0 $0x11B8D, s6;
	_ =	swait.eq @!p0 [sflag:s5], $0x1  }
0xb2: {  	s4 =	sor.u32 @!p0 s4, s6;
	[sflag:s5] =	ssyncadd.s32 @!p0 $0xFFFFFFFF  }
0xb3: {  	s25 =	simm.s32 $0x1B8E;
	s24 =	sld [smem:$0x3FFE];
	[sflag:s4] =	ssyncadd.remote.s32 @!p0 $0x1  }
0xb4: {  	s26 =	simm.s32 $execute0_lowered;
	[smem:$0x3FD2] =	sst s25  }
0xb5: {  	s5 =	sshll.u32 s26, $0x1;
	_ =	strace $0x80000055;
	[dreg:$0x1] =	wrdreg $0xFFFFFFFF  }
0xb6: {  	s28 =	simm.s32 $_size_execute0_lowered;
	s3 =	sadd.s32 s3, s5;
	[dreg:$0x0] =	wrdreg $0x0  }
0xb7: {  	s5 =	sshll.u32 s28, $0x1;
	[dreg:$0x2] =	wrdreg s3  }
0xb8: {  	[dreg:$0x3] =	wrdreg s5  }
0xb9: {  	[dreg:$0x4] =	wrdreg $0xC0  }
0xba: {  	_ =	task [dreg:s22], $0x5FFFF  }
0xbb: {  	[dreg:$0x1] =	wrdreg $0xFFFFFFFF  }
0xbc: {  	[dreg:$0x0] =	wrdreg $0x60  }
0xbd: {  	[dreg:$0x2] =	wrdreg s24  }
0xbe: {  	[dreg:$0x3] =	wrdreg $0xB  }
0xbf: {  	_ =	task.clear_ibuf [dreg:s22], $0x4FFFF;
	_ =	strace $0x90000055  }
0xc0: {  	s29 =	simm.s32 $0xB;
	_ =	strace $0x80000057  }
0xc1: {  	_ =	swait.ge [sflag:s29], $0x1  }
0xc2: {  	[sflag:s29] =	ssyncadd.s32 $0xFFFFFFFF  }
0xc3: {  	_ =	strace $0x90000057  }
0xc4: {  	_ =	sfence  }
0xc5: {  	s30 =	sld [smem:$0x0];
	_ =	sdelay $0x2  }
0xc6: {  	s31 =	sshll.u32 s1, $0xD;
	s1 =	sshrl.u32 s1, $0x2  }
0xc7: {  	s4 =	sand.u32 $0x4000, s31;
	s1 =	sadd.s32 s1, s30  }
0xc8: {  	s0 =	sor.u32 s4, s0;
	s1 =	sshll.u32 s1, $0x11  }
0xc9: {  	s0 =	sor.u32 s1, s0  }
0xca: {  	s0 =	sadd.s32 $0x8F2B, s0  }
0xcb: {  	[sflag:s0] =	ssyncadd.remote.s32 $0x1  }
0xcc: {  	_ =	sfence.sel $0xFFFF  }
0xcd: {  	[dreg:$0x0] =	wrdreg $0xFFFFFFFF;
	(pc) =	sbr.abs _section_cstart, $3  }
0xce: {  	[dreg:$0x1] =	wrdreg $0xFFFFFFFF  }
0xcf: {  	_ =	task.clear_ibuf [dreg:s22], $0x2FFFF;
	_ =	strace $0x9FFFFFFF  }
0xd0: {  	(tm) =	ssettm $0x7FFFFFFF  }
0xd1: {  	_ =	shalt  }
tec
execute0_lowered:
.L_overlay_start_1:
0x0: {  	(tag) =	ssettag $0x1  }
0x1: {  	s0 =	rddreg [dreg:$0x0]  }
0x2: {  	s2 =	simm.s32 $0x0;
	s9 =	stileid.u32;
	s3 =	srdreg.scid  }
0x3: {  	s10 =	simm.s32 $0x2600;
	s11 =	simm.s32 $0x100;
	s12 =	simm.s32 $0x4600  }
0x4: {  	s13 =	simm.s32 $0x180;
	s14 =	simm.s32 $0x6600;
	s15 =	simm.s32 $0x200  }
0x5: {  	s16 =	simm.s32 $0x8600;
	s17 =	simm.s32 $0x1;
	s18 =	simm.s32 $0x280  }
0x6: {  	s19 =	simm.s32 $0xC600;
	s20 =	simm.s32 $0x300;
	s21 =	simm.s32 $0xE600  }
0x7: {  	s22 =	simm.s32 $0x380;
	s23 =	simm.s32 $0x10600;
	s24 =	simm.s32 $0x400  }
0x8: {  	s25 =	simm.s32 $0x12600;
	s26 =	simm.s32 $0x480;
	s1 =	smul.u32 $0x3C0, s9  }
0x9: {  	s28 =	simm.s32 $0x14600;
	s31 =	simm.s32 $0x0;
	s5 =	smul.u32 $0x3C, s9  }
0xa: {  	[smem:$0x7FF] =	sst s2;
	s4 =	sand.u32 $0x1, s3;
	s29 =	smul.u32 $0xF000, s9  }
0xb: {  	s3 =	sadd.s32 $0x100EE00, s0;
	s9 =	simm.s32 $0x600;
	s6 =	smul.u32 $0x1E, s4  }
0xc: {  	_ =	strace $0x80000056;
	s7 =	ssub.s32 $0x2, s4;
	s30 =	smul.u32 $0x1E0, s4  }
0xd: {  	s4 =	smul.u32 $0x7800, s4;
	s1 =	sadd.s32 s1, s0;
	s8 =	sshrl.u32 s7, $0x1  }
0xe: {  	s0 =	sadd.s32 $0x7C2A00, s0;
	s5 =	sadd.s32 s6, s5;
	s7 =	ssub.s32 s7, s8  }
0xf: {  	s1 =	sadd.s32 s30, s1;
	s8 =	simm.s32 $0x80;
	s5 =	sshll.u32 s5, $0xA  }
0x10: {  	s7 =	smax.u32 s7, $0x1;
	s6 =	sadd.s32 $0x7BEE00, s1;
	s5 =	sadd.s32 s0, s5  }
0x11: {  	[dreg:$0x3] =	wrdreg s7;
	s0 =	sadd.s32 s29, s0;
	s5 =	sadd.s32 $0x1400, s5  }
0x12: {  	s7 =	simm.s32 $0x4;
	[dreg:$0x2] =	wrdreg s5;
	s5 =	sadd.s32 s4, s0  }
.LBB2_1:
0x13: {  	[tilespmem:s2], [sflag:$0x4] =	stream.linear.gather [hbm4b:s6+s2], $0x500, $0x38;
	[tilespmem:$0x18600] =	vst v63  }
0x14: {  	_ =	swait.ge [sflag:s7], $0x500  }
0x15: {  	p0 =	por $0x1, $0x1;
	[sflag:s7] =	ssyncset.done $0x0  }
0x16: {  	s0 =	simm.s32 @!p0 $0x2;
	[sflag:s7] =	ssyncadd.s32 $0xFFFFFB00  }
0x17: {  	_ =	swait.ge @!p0 [sflag:s0], $0xA000  }
0x18: {  	[sflag:s0] =	ssyncset.done @!p0 $0x0  }
0x19: {  	[sflag:s0] =	ssyncadd.s32 @!p0 $0xFFFF6000  }
0x1a: {  	[tilespmem:s9], [sflag:$0x1] =	stream.indirect.gather [hbm4b:s3+s8], $0x40, s2, s8, $0xb8;
	[tilespmem:$0x18600] =	vst v63  }
0x1b: {  	_ = 	snop  }
0x1c: {  	[tilespmem:s10], [sflag:$0x1] =	stream.indirect.gather [hbm4b:s3+s8], $0x40, s8, s8, $0xb8;
	[tilespmem:$0x18600] =	vst v63  }
0x1d: {  	_ = 	snop  }
0x1e: {  	[tilespmem:s12], [sflag:$0x1] =	stream.indirect.gather [hbm4b:s3+s8], $0x40, s11, s8, $0xb8;
	[tilespmem:$0x18600] =	vst v63  }
0x1f: {  	_ = 	snop  }
0x20: {  	[tilespmem:s14], [sflag:$0x1] =	stream.indirect.gather [hbm4b:s3+s8], $0x40, s13, s8, $0xb8;
	[tilespmem:$0x18600] =	vst v63  }
0x21: {  	_ = 	snop  }
0x22: {  	[tilespmem:s16], [sflag:$0x1] =	stream.indirect.gather [hbm4b:s3+s8], $0x40, s15, s8, $0xb8;
	[tilespmem:$0x18600] =	vst v63  }
0x23: {  	_ =	swait.ge [sflag:s17], $0x2000  }
0x24: {  	[sflag:s17] =	ssyncset.done $0x0  }
0x25: {  	[sflag:s17] =	ssyncadd.s32 $0xFFFFE000  }
0x26: {  	_ =	swait.ge [sflag:s17], $0x2000  }
0x27: {  	[sflag:s17] =	ssyncset.done $0x0  }
0x28: {  	[sflag:s17] =	ssyncadd.s32 $0xFFFFE000  }
0x29: {  	_ =	swait.ge [sflag:s17], $0x2000  }
0x2a: {  	[sflag:s17] =	ssyncset.done $0x0  }
0x2b: {  	[sflag:s17] =	ssyncadd.s32 $0xFFFFE000  }
0x2c: {  	_ =	swait.ge [sflag:s17], $0x2000  }
0x2d: {  	[sflag:s17] =	ssyncset.done $0x0  }
0x2e: {  	[sflag:s17] =	ssyncadd.s32 $0xFFFFE000  }
0x2f: {  	_ =	swait.ge [sflag:s17], $0x2000  }
0x30: {  	[sflag:s17] =	ssyncset.done $0x0  }
0x31: {  	s29 =	sadd.s32 $0x0, s5;
	s1 =	simm.s32 @!p0 $0x3;
	[sflag:s17] =	ssyncadd.s32 $0xFFFFE000  }
0x32: {  	[hbm4b:s29+s2] =	stream.linear.scatter [tilespmem:s9], [sflag:$0x2], $0xA000, $0x38;
	[tilespmem:$0x18600] =	vst v63  }
0x33: {  	_ =	swait.ge @!p0 [sflag:s1], $0xA000  }
0x34: {  	[sflag:s1] =	ssyncset.done @!p0 $0x0  }
0x35: {  	[sflag:s1] =	ssyncadd.s32 @!p0 $0xFFFF6000  }
0x36: {  	[tilespmem:s19], [sflag:$0x1] =	stream.indirect.gather [hbm4b:s3+s8], $0x40, s18, s8, $0xb8;
	[tilespmem:$0x18600] =	vst v63  }
0x37: {  	_ = 	snop  }
0x38: {  	[tilespmem:s21], [sflag:$0x1] =	stream.indirect.gather [hbm4b:s3+s8], $0x40, s20, s8, $0xb8;
	[tilespmem:$0x18600] =	vst v63  }
0x39: {  	_ = 	snop  }
0x3a: {  	[tilespmem:s23], [sflag:$0x1] =	stream.indirect.gather [hbm4b:s3+s8], $0x40, s22, s8, $0xb8;
	[tilespmem:$0x18600] =	vst v63  }
0x3b: {  	_ = 	snop  }
0x3c: {  	[tilespmem:s25], [sflag:$0x1] =	stream.indirect.gather [hbm4b:s3+s8], $0x40, s24, s8, $0xb8;
	[tilespmem:$0x18600] =	vst v63  }
0x3d: {  	_ = 	snop  }
0x3e: {  	[tilespmem:s28], [sflag:$0x1] =	stream.indirect.gather [hbm4b:s3+s8], $0x40, s26, s8, $0xb8;
	[tilespmem:$0x18600] =	vst v63  }
0x3f: {  	_ =	swait.ge [sflag:s17], $0x2000  }
0x40: {  	[sflag:s17] =	ssyncset.done $0x0  }
0x41: {  	[sflag:s17] =	ssyncadd.s32 $0xFFFFE000  }
0x42: {  	_ =	swait.ge [sflag:s17], $0x2000  }
0x43: {  	[sflag:s17] =	ssyncset.done $0x0  }
0x44: {  	[sflag:s17] =	ssyncadd.s32 $0xFFFFE000  }
0x45: {  	_ =	swait.ge [sflag:s17], $0x2000  }
0x46: {  	[sflag:s17] =	ssyncset.done $0x0  }
0x47: {  	[sflag:s17] =	ssyncadd.s32 $0xFFFFE000  }
0x48: {  	_ =	swait.ge [sflag:s17], $0x2000  }
0x49: {  	[sflag:s17] =	ssyncset.done $0x0  }
0x4a: {  	[sflag:s17] =	ssyncadd.s32 $0xFFFFE000  }
0x4b: {  	_ =	swait.ge [sflag:s17], $0x2000  }
0x4c: {  	s0 =	simm.s32 $0x2800;
	s30 =	rddreg [dreg:$0x2];
	[sflag:s17] =	ssyncset.done $0x0  }
0x4d: {  	s1 =	sadd.s32 $0xA0, s6;
	[sflag:s17] =	ssyncadd.s32 $0xFFFFE000;
	s4 =	sadd.s32 $0x0, s30  }
.LBB2_2:
0x4e: {  	[hbm4b:s4+s2] =	stream.linear.scatter [tilespmem:s19], [sflag:$0x3], $0xA000, $0x38;
	[tilespmem:$0x18600] =	vst v63  }
0x4f: {  	_ = 	snop  }
0x50: {  	[tilespmem:s2], [sflag:$0x4] =	stream.linear.gather [hbm4b:s1+s2], $0x500, $0x38;
	[tilespmem:$0x18600] =	vst v63  }
0x51: {  	s4 =	smov.u32 s0;
	_ =	swait.ge [sflag:s7], $0x500  }
0x52: {  	p1 =	seq.s32 s4, $0x0;
	[sflag:s7] =	ssyncset.done $0x0  }
0x53: {  	s29 =	simm.s32 @!p1 $0x2;
	[sflag:s7] =	ssyncadd.s32 $0xFFFFFB00  }
0x54: {  	_ =	swait.ge @!p1 [sflag:s29], $0xA000  }
0x55: {  	[sflag:s29] =	ssyncset.done @!p1 $0x0  }
0x56: {  	[sflag:s29] =	ssyncadd.s32 @!p1 $0xFFFF6000  }
0x57: {  	[tilespmem:s9], [sflag:$0x1] =	stream.indirect.gather [hbm4b:s3+s8], $0x40, s2, s8, $0xb8;
	[tilespmem:$0x18600] =	vst v63  }
0x58: {  	_ = 	snop  }
0x59: {  	[tilespmem:s10], [sflag:$0x1] =	stream.indirect.gather [hbm4b:s3+s8], $0x40, s8, s8, $0xb8;
	[tilespmem:$0x18600] =	vst v63  }
0x5a: {  	_ = 	snop  }
0x5b: {  	[tilespmem:s12], [sflag:$0x1] =	stream.indirect.gather [hbm4b:s3+s8], $0x40, s11, s8, $0xb8;
	[tilespmem:$0x18600] =	vst v63  }
0x5c: {  	_ = 	snop  }
0x5d: {  	[tilespmem:s14], [sflag:$0x1] =	stream.indirect.gather [hbm4b:s3+s8], $0x40, s13, s8, $0xb8;
	[tilespmem:$0x18600] =	vst v63  }
0x5e: {  	_ = 	snop  }
0x5f: {  	[tilespmem:s16], [sflag:$0x1] =	stream.indirect.gather [hbm4b:s3+s8], $0x40, s15, s8, $0xb8;
	[tilespmem:$0x18600] =	vst v63  }
0x60: {  	_ =	swait.ge [sflag:s17], $0x2000  }
0x61: {  	[sflag:s17] =	ssyncset.done $0x0  }
0x62: {  	[sflag:s17] =	ssyncadd.s32 $0xFFFFE000  }
0x63: {  	_ =	swait.ge [sflag:s17], $0x2000  }
0x64: {  	[sflag:s17] =	ssyncset.done $0x0  }
0x65: {  	[sflag:s17] =	ssyncadd.s32 $0xFFFFE000  }
0x66: {  	_ =	swait.ge [sflag:s17], $0x2000  }
0x67: {  	[sflag:s17] =	ssyncset.done $0x0  }
0x68: {  	[sflag:s17] =	ssyncadd.s32 $0xFFFFE000  }
0x69: {  	_ =	swait.ge [sflag:s17], $0x2000  }
0x6a: {  	[sflag:s17] =	ssyncset.done $0x0  }
0x6b: {  	[sflag:s17] =	ssyncadd.s32 $0xFFFFE000  }
0x6c: {  	_ =	swait.ge [sflag:s17], $0x2000  }
0x6d: {  	[sflag:s17] =	ssyncset.done $0x0  }
0x6e: {  	s30 =	simm.s32 @!p1 $0x3;
	s29 =	sadd.s32 s4, s5;
	[sflag:s17] =	ssyncadd.s32 $0xFFFFE000  }
0x6f: {  	[hbm4b:s29+s2] =	stream.linear.scatter [tilespmem:s9], [sflag:$0x2], $0xA000, $0x38;
	[tilespmem:$0x18600] =	vst v63  }
0x70: {  	_ =	swait.ge @!p1 [sflag:s30], $0xA000  }
0x71: {  	[sflag:s30] =	ssyncset.done @!p1 $0x0  }
0x72: {  	[sflag:s30] =	ssyncadd.s32 @!p1 $0xFFFF6000  }
0x73: {  	[tilespmem:s19], [sflag:$0x1] =	stream.indirect.gather [hbm4b:s3+s8], $0x40, s18, s8, $0xb8;
	[tilespmem:$0x18600] =	vst v63  }
0x74: {  	_ = 	snop  }
0x75: {  	[tilespmem:s21], [sflag:$0x1] =	stream.indirect.gather [hbm4b:s3+s8], $0x40, s20, s8, $0xb8;
	[tilespmem:$0x18600] =	vst v63  }
0x76: {  	_ = 	snop  }
0x77: {  	[tilespmem:s23], [sflag:$0x1] =	stream.indirect.gather [hbm4b:s3+s8], $0x40, s22, s8, $0xb8;
	[tilespmem:$0x18600] =	vst v63  }
0x78: {  	_ = 	snop  }
0x79: {  	[tilespmem:s25], [sflag:$0x1] =	stream.indirect.gather [hbm4b:s3+s8], $0x40, s24, s8, $0xb8;
	[tilespmem:$0x18600] =	vst v63  }
0x7a: {  	_ = 	snop  }
0x7b: {  	[tilespmem:s28], [sflag:$0x1] =	stream.indirect.gather [hbm4b:s3+s8], $0x40, s26, s8, $0xb8;
	[tilespmem:$0x18600] =	vst v63  }
0x7c: {  	_ =	swait.ge [sflag:s17], $0x2000  }
0x7d: {  	[sflag:s17] =	ssyncset.done $0x0  }
0x7e: {  	[sflag:s17] =	ssyncadd.s32 $0xFFFFE000  }
0x7f: {  	_ =	swait.ge [sflag:s17], $0x2000  }
0x80: {  	[sflag:s17] =	ssyncset.done $0x0  }
0x81: {  	[sflag:s17] =	ssyncadd.s32 $0xFFFFE000  }
0x82: {  	_ =	swait.ge [sflag:s17], $0x2000  }
0x83: {  	[sflag:s17] =	ssyncset.done $0x0  }
0x84: {  	s0 =	sadd.s32 $0x2800, s0;
	[sflag:s17] =	ssyncadd.s32 $0xFFFFE000  }
0x85: {  	p0 =	sne.s32 s0, $0x7800;
	_ =	swait.ge [sflag:s17], $0x2000  }
.Ltmp0:
0x86: {  	[sflag:s17] =	ssyncset.done $0x0;
	(pc) =	sbr.rel @p0 .LBB2_2-.Ltmp0, $4  }
0x87: {  	[sflag:s17] =	ssyncadd.s32 $0xFFFFE000  }
0x88: {  	_ =	swait.ge [sflag:s17], $0x2000  }
0x89: {  	[sflag:s17] =	ssyncset.done $0x0;
	s30 =	rddreg [dreg:$0x2]  }
0x8a: {  	s1 =	sadd.s32 $0xA0, s1;
	[sflag:s17] =	ssyncadd.s32 $0xFFFFE000;
	s4 =	sadd.s32 s4, s30  }
0x8b: {  	[hbm4b:s4+s2] =	stream.linear.scatter [tilespmem:s19], [sflag:$0x3], $0xA000, $0x38;
	[tilespmem:$0x18600] =	vst v63  }
0x8c: {  	s0 =	simm.s32 $0x2  }
0x8d: {  	_ =	swait.ge [sflag:s0], $0xA000  }
0x8e: {  	[sflag:s0] =	ssyncset.done $0x0  }
0x8f: {  	s1 =	simm.s32 $0x3;
	[sflag:s0] =	ssyncadd.s32 $0xFFFF6000  }
0x90: {  	_ =	swait.ge [sflag:s1], $0xA000  }
0x91: {  	s31 =	sadd.s32 $0x1, s31;
	s30 =	rddreg [dreg:$0x3]  }
0x92: {  	p0 =	sne.s32 s31, s30  }
.Ltmp1:
0x93: {  	_ = 	snop;
	(pc) =	sbr.rel @p0 .LBB2_1-.Ltmp1, $3  }
0x94: {  	_ =	sdelay $0x1  }
0x95: {  	[sflag:s1] =	ssyncset.done $0x0  }
0x96: {  	[sflag:s1] =	ssyncadd.s32 $0xFFFF6000  }
0x97: {  	_ =	sfence.sel $0x180000  }
0x98: {  	[bflag:$0x0] =	sbarrier.arrive $0xFFFF  }
0x99: {  	_ =	strace $0x90000056  }
0x9a: {  	s0 =	stileid.u32;
	[bflag:$0x2] =	sbarrier.arrive $0xFFFF  }
0x9b: {  	p0 =	sne.s32 s0, $0x0;
	s0 =	rddreg [dreg:$0x1]  }
0x9c: {  	s0 =	sadd.s32 @!p0 $0x100000, s0  }
0x9d: {  	[sflag:s0] =	ssyncadd.tile.s32 @!p0 $0x1;
	_ =	shalt  }
.Lfunc_end2:
_tile_overlayer_lowered:
.L_overlay_start_2:
0x9e: {  	(tag) =	ssettag $0x2  }
0x9f: {  	s0 =	rddreg [dreg:$0x0];
	s2 =	stileid.u32  }
0xa0: {  	s1 =	rddreg [dreg:$0x1];
	p0 =	sne.s32 s2, $0x0  }
0xa1: {  	s3 =	rddreg [dreg:$0x2];
	[bflag:$0x3] =	sbarrier.arrive $0xFFFF;
	s2 =	simm.s32 @!p0 $0x1C04  }
0xa2: {  	[timem:s3], [sflag:s2] =	dma.local @!p0 [hbm:s0], s1  }
0xa3: {  	s0 =	simm.s32 @!p0 $0x4  }
0xa4: {  	_ =	swait.ge @!p0 [sflag:s0], s1  }
0xa5: {  	s1 =	ssub.s32 @!p0 $0x0, s1;
	[sflag:s0] =	ssyncset.done @!p0 $0x0  }
0xa6: {  	[sflag:s0] =	ssyncadd.s32 @!p0 s1  }
0xa7: {  	[bflag:$0x3] =	sbarrier.arrive $0xFFFF  }
0xa8: {  	_ =	shalt  }

// kernel: kernel.8.cloned.1.call-start
scs
__scs_entry_jumppad:
0x0: {  	(pc) =	sbr.rel $0x88, $3  }
0x1: {  	(tag) =	ssettag $0x0;
	lr =	simm.s32 $0x1  }
0x2: {  	[smem:$0x3F98] =	sst lr;
	_ =	strace $0xD0000000  }
0x3: {  	_ = 	snop  }
0x4: {  	_ = 	snop  }
0x5: {  	_ = 	snop  }
0x6: {  	_ = 	snop  }
0x7: {  	_ = 	snop  }
__scs_overlays_trampoline_lowered:
0x8: {  	[smem:$0x3FA7] =	sst s0  }
0x9: {  	[smem:$0x3FA8] =	sst s1  }
0xa: {  	[smem:$0x3FA9] =	sst s2  }
0xb: {  	[smem:$0x3FAA] =	sst s3  }
0xc: {  	[smem:$0x3FAB] =	sst s4  }
0xd: {  	[smem:$0x3FAC] =	sst s5  }
0xe: {  	[smem:$0x3FAD] =	sst s6  }
0xf: {  	[smem:$0x3FAE] =	sst s7  }
0x10: {  	[smem:$0x3FAF] =	sst s8  }
0x11: {  	[smem:$0x3FB0] =	sst s9;
	s0 =	simm.s32 @!p0 $0x0  }
0x12: {  	s1 =	sld [smem:$0x3F96];
	s0 =	simm.s32 @p0 $0x1  }
0x13: {  	[smem:$0x3FB1] =	sst s0;
	s0 =	simm.s32 @!p1 $0x0  }
0x14: {  	s2 =	sld [smem:$0x3F95];
	s0 =	simm.s32 @p1 $0x1  }
0x15: {  	[smem:$0x3FB2] =	sst s0;
	s0 =	simm.s32 @!p2 $0x0  }
0x16: {  	s3 =	sld [smem:$0x3FDB];
	s0 =	simm.s32 @p2 $0x1  }
0x17: {  	s4 =	simm.s32 $0x1BF5;
	[smem:$0x3FB4] =	sst s0  }
0x18: {  	s0 =	sld [smem:$0x3F97];
	_ =	swait.ge [sflag:s4], $0x0  }
0x19: {  	s7 =	sld [smem:$0x3F98]  }
0x1a: {  	s8 =	sadd.s32 $0xFFFFE003, lr  }
0x1b: {  	s9 =	sadd.s32 $0xFFFFFEF7, lr;
	s5 =	simm.s32 $0xFFFFFFFF;
	p2 =	slt.u32 s8, $0xFFFFF086  }
0x1c: {  	p1 =	slt.u32 s9, $0xF7A;
	s5 =	simm.s32 @!p2 $0x0  }
0x1d: {  	s5 =	simm.s32 @p1 $0x1;
	p0 =	seq.s32 s7, s2  }
0x1e: {  	s7 =	smul.u32 @!p0 $0xF7A, s2;
	p2 =	seq.s32 @!p0 s5, $0x0  }
0x1f: {  	s9 =	smul.u32 $0xF7A, s1;
	s8 =	simm.s32 @!p0 $0x1BF5;
	p2 =	por !p2, p0  }
0x20: {  	[sflag:s8] =	ssyncset.s32 @!p0 $0xFFFFF086;
	s6 =	sadd.s32 @!p0 s3, s7;
	s7 =	simm.s32 @!p0 $0x108  }
0x21: {  	s3 =	sadd.s32 s3, s9;
	s6 =	sadd.s32 @!p0 $0x88, s6;
	s7 =	simm.s32 @p2 $0x1082  }
0x22: {  	[simem:s7], [sflag:s8] =	dma.local @!p0 [hbm:s6], $0xF7A  }
0x23: {  	s9 =	sor.u32 $0xD0000000, s2;
	s6 =	simm.s32 $0x108;
	_ =	swait.ge @!p0 [sflag:s8], $0x0  }
0x24: {  	s3 =	sadd.s32 $0x88, s3;
	s6 =	simm.s32 @!p1 $0x1082;
	[sflag:s4] =	ssyncset.s32 $0xFFFFF086  }
0x25: {  	[simem:s6], [sflag:s4] =	dma.local [hbm:s3], $0xF7A  }
0x26: {  	[smem:$0x3F98] =	sst s1;
	(tag) =	ssettag s2;
	_ =	strace s9  }
0x27: {  	s1 =	sld [smem:$0x3FA8]  }
0x28: {  	s2 =	sld [smem:$0x3FA9]  }
0x29: {  	s4 =	sld [smem:$0x3FAB]  }
0x2a: {  	p0 =	seq.s32 s5, $0x0;
	s5 =	sld [smem:$0x3FAC]  }
0x2b: {  	s6 =	sld [smem:$0x3FAD]  }
0x2c: {  	s7 =	sld [smem:$0x3FAE]  }
0x2d: {  	s3 =	simm.s32 $0x108;
	s8 =	sld [smem:$0x3FAF]  }
0x2e: {  	s3 =	simm.s32 @!p0 $0x1082;
	s9 =	sld [smem:$0x3FB0]  }
0x2f: {  	lr =	sadd.s32 s0, s3;
	s0 =	sld [smem:$0x3FA7]  }
0x30: {  	s3 =	sld [smem:$0x3FAA]  }
0x31: {  	[smem:$0x3FB3] =	sst s10  }
0x32: {  	s10 =	sld [smem:$0x3FB1];
	_ =	sdelay $0x3  }
0x33: {  	p0 =	seq.s32 s10, $0x1;
	s10 =	sld [smem:$0x3FB3];
	_ =	sdelay $0x3  }
0x34: {  	[smem:$0x3FB3] =	sst s10  }
0x35: {  	s10 =	sld [smem:$0x3FB2];
	_ =	sdelay $0x3  }
0x36: {  	p1 =	seq.s32 s10, $0x1;
	s10 =	sld [smem:$0x3FB3];
	_ =	sdelay $0x3  }
0x37: {  	[smem:$0x3FB3] =	sst s10  }
0x38: {  	s10 =	sld [smem:$0x3FB4]  }
0x39: {  	_ = 	snop;
	(pc) =	sbr.ind lr, $3  }
0x3a: {  	_ = 	snop  }
0x3b: {  	_ = 	snop  }
0x3c: {  	p2 =	seq.s32 s10, $0x1;
	s10 =	sld [smem:$0x3FB3]  }
0x3d: {  	_ =	shalt  }
0x3e: {  	_ =	shalt  }
0x3f: {  	_ =	shalt  }
0x40: {  	_ =	shalt  }
0x41: {  	_ =	shalt  }
0x42: {  	_ =	shalt  }
0x43: {  	_ =	shalt  }
0x44: {  	_ =	shalt  }
0x45: {  	_ =	shalt  }
0x46: {  	_ =	shalt  }
0x47: {  	_ =	shalt  }
0x48: {  	_ =	shalt  }
0x49: {  	_ =	shalt  }
0x4a: {  	_ =	shalt  }
0x4b: {  	_ =	shalt  }
0x4c: {  	_ =	shalt  }
0x4d: {  	_ =	shalt  }
0x4e: {  	_ =	shalt  }
0x4f: {  	_ =	shalt  }
0x50: {  	_ =	shalt  }
0x51: {  	_ =	shalt  }
0x52: {  	_ =	shalt  }
0x53: {  	_ =	shalt  }
0x54: {  	_ =	shalt  }
0x55: {  	_ =	shalt  }
0x56: {  	_ =	shalt  }
0x57: {  	_ =	shalt  }
0x58: {  	_ =	shalt  }
0x59: {  	_ =	shalt  }
0x5a: {  	_ =	shalt  }
0x5b: {  	_ =	shalt  }
0x5c: {  	_ =	shalt  }
0x5d: {  	_ =	shalt  }
0x5e: {  	_ =	shalt  }
0x5f: {  	_ =	shalt  }
0x60: {  	_ =	shalt  }
0x61: {  	_ =	shalt  }
0x62: {  	_ =	shalt  }
0x63: {  	_ =	shalt  }
0x64: {  	_ =	shalt  }
0x65: {  	_ =	shalt  }
0x66: {  	_ =	shalt  }
0x67: {  	_ =	shalt  }
0x68: {  	_ =	shalt  }
0x69: {  	_ =	shalt  }
0x6a: {  	_ =	shalt  }
0x6b: {  	_ =	shalt  }
0x6c: {  	_ =	shalt  }
0x6d: {  	_ =	shalt  }
0x6e: {  	_ =	shalt  }
0x6f: {  	_ =	shalt  }
0x70: {  	_ =	shalt  }
0x71: {  	_ =	shalt  }
0x72: {  	_ =	shalt  }
0x73: {  	_ =	shalt  }
0x74: {  	_ =	shalt  }
0x75: {  	_ =	shalt  }
0x76: {  	_ =	shalt  }
0x77: {  	_ =	shalt  }
0x78: {  	_ =	shalt  }
0x79: {  	_ =	shalt  }
0x7a: {  	_ =	shalt  }
0x7b: {  	_ =	shalt  }
0x7c: {  	_ =	shalt  }
0x7d: {  	_ =	shalt  }
0x7e: {  	_ =	shalt  }
0x7f: {  	_ =	shalt  }
0x80: {  	_ =	shalt  }
0x81: {  	_ =	shalt  }
0x82: {  	_ =	shalt  }
0x83: {  	_ =	shalt  }
0x84: {  	_ =	shalt  }
0x85: {  	_ =	shalt  }
0x86: {  	_ =	shalt  }
0x87: {  	_ =	shalt  }
.Lfunc_end0:
.L_simem_size_0:
called_computation.3_lowered:
.L_overlay_start_0:
0x88: {  	s2 =	sld [smem:$0x3FD9]  }
0x89: {  	s3 =	sld [smem:$0x3FFE];
	_ =	sdelay $0x1  }
0x8a: {  	s1 =	srdreg.scid  }
0x8b: {  	s0 =	sand.u32 $0x1, s1  }
0x8c: {  	s15 =	sshll.u32 s0, $0xA;
	s2 =	sadd.s32 s3, s2  }
0x8d: {  	s2 =	sadd.s32 s2, s15  }
0x8e: {  	[smem:$0x3FBF] =	sst s2  }
0x8f: {  	_ = 	snop  }
0x90: {  	s2 =	sld [smem:$0x3FD0];
	_ =	sdelay $0x2  }
0x91: {  	s16 =	simm.s32 $0xF;
	s4 =	simm.s32 $0x10  }
0x92: {  	[smem:s4], [sflag:s16] =	dma.local [hbm:s2], $0x1  }
0x93: {  	_ =	swait.eq [sflag:s16], $0x1  }
0x94: {  	[sflag:s16] =	ssyncset.done $0x0  }
0x95: {  	[sflag:s16] =	ssyncadd.s32 $0xFFFFFFFF  }
0x96: {  	s17 =	sld [smem:$0x14];
	(tm) =	ssettm $0x1  }
0x97: {  	s18 =	sld [smem:$0x3FFB];
	_ =	sdelay $0x3  }
0x98: {  	_ =	strace s18  }
0x99: {  	s2 =	sld [smem:$0x3FFC];
	_ =	sdelay $0x3  }
0x9a: {  	_ =	strace s2  }
0x9b: {  	s2 =	sld [smem:$0x3FFD];
	_ =	sdelay $0x3  }
0x9c: {  	_ =	strace s2  }
0x9d: {  	_ =	strace $0x8FFFFFFF  }
0x9e: {  	s19 =	sld [smem:$0x3FDB];
	_ =	sdelay $0x1  }
0x9f: {  	s20 =	simm.s32 $_scs_section_size  }
0xa0: {  	s5 =	simm.s32 $_size__tile_overlayer_lowered;
	s6 =	simm.s32 $_tile_overlayer_lowered  }
0xa1: {  	s7 =	simm.s32 $0x1BFF;
	s21 =	sshll.u32 s6, $0x1;
	s4 =	sadd.s32 s20, s19  }
0xa2: {  	s22 =	simm.s32 $0x0;
	s5 =	sshll.u32 s5, $0x1;
	s6 =	sadd.s32 s21, s4  }
0xa3: {  	[timem:s22], [sflag:s7] =	dma.local [hbm:s6], s5  }
0xa4: {  	_ =	swait.ge [sflag:s7], s5  }
0xa5: {  	s5 =	ssub.s32 $0x0, s5;
	[sflag:s7] =	ssyncset.done $0x0  }
0xa6: {  	[sflag:s7] =	ssyncadd.s32 s5;
	_ =	sdelay $0x1  }
0xa7: {  	s23 =	simm.s32 $0x1B8B  }
0xa8: {  	_ =	swait.ge [sflag:s23], $0x1  }
0xa9: {  	[sflag:s23] =	ssyncset.done $0x0  }
0xaa: {  	[sflag:s23] =	ssyncadd.s32 $0xFFFFFFFF  }
0xab: {  	s5 =	sld [smem:$0x0]  }
0xac: {  	s6 =	sand.u32 $0xFFFFFFFE, s1  }
0xad: {  	p0 =	sne.s32 s1, s6  }
0xae: {  	s6 =	sshll.u32 @p0 s6, $0xE  }
0xaf: {  	s6 =	sadd.s32 @p0 $0x11B8D, s6;
	s7 =	sshll.u32 @p0 s5, $0x11  }
0xb0: {  	s6 =	sor.u32 @p0 s7, s6  }
0xb1: {  	[sflag:s6] =	ssyncadd.remote.s32 @p0 $0x1;
	_ =	sdelay $0x1  }
0xb2: {  	s6 =	simm.s32 @p0 $0x1B8D  }
0xb3: {  	_ =	swait.eq @p0 [sflag:s6], $0x1  }
0xb4: {  	[sflag:s6] =	ssyncadd.s32 @p0 $0xFFFFFFFF  }
0xb5: {  	s7 =	sshll.u32 @!p0 s1, $0xE  }
0xb6: {  	s7 =	sor.u32 @!p0 $0x4000, s7;
	s6 =	simm.s32 @!p0 $0x1B8D  }
0xb7: {  	s5 =	sshll.u32 @!p0 s5, $0x11;
	s7 =	sadd.s32 @!p0 $0x11B8D, s7;
	_ =	swait.eq @!p0 [sflag:s6], $0x1  }
0xb8: {  	s5 =	sor.u32 @!p0 s5, s7;
	[sflag:s6] =	ssyncadd.s32 @!p0 $0xFFFFFFFF  }
0xb9: {  	s25 =	simm.s32 $0x1B8E;
	s24 =	sld [smem:$0x3FFE];
	[sflag:s5] =	ssyncadd.remote.s32 @!p0 $0x1  }
0xba: {  	s26 =	simm.s32 $execute0_lowered;
	[smem:$0x3FD2] =	sst s25  }
0xbb: {  	s6 =	sshll.u32 s26, $0x1;
	_ =	strace $0x8000004F;
	[dreg:$0x1] =	wrdreg $0xFFFFFFFF  }
0xbc: {  	s28 =	simm.s32 $_size_execute0_lowered;
	s4 =	sadd.s32 s4, s6;
	[dreg:$0x0] =	wrdreg $0x0  }
0xbd: {  	s6 =	sshll.u32 s28, $0x1;
	[dreg:$0x2] =	wrdreg s4  }
0xbe: {  	[dreg:$0x3] =	wrdreg s6  }
0xbf: {  	[dreg:$0x4] =	wrdreg $0xC0  }
0xc0: {  	_ =	task [dreg:s22], $0x5FFFF  }
0xc1: {  	[dreg:$0x1] =	wrdreg $0xFFFFFFFF  }
0xc2: {  	[dreg:$0x0] =	wrdreg $0x60  }
0xc3: {  	[dreg:$0x2] =	wrdreg s17  }
0xc4: {  	[dreg:$0x3] =	wrdreg s24  }
0xc5: {  	[dreg:$0x4] =	wrdreg $0x9  }
0xc6: {  	_ =	task.clear_ibuf [dreg:s22], $0x5FFFF;
	_ =	strace $0x9000004F  }
0xc7: {  	s29 =	simm.s32 $0x9;
	_ =	strace $0x80000051  }
0xc8: {  	_ =	swait.ge [sflag:s29], $0x1  }
0xc9: {  	[sflag:s29] =	ssyncadd.s32 $0xFFFFFFFF  }
0xca: {  	_ =	strace $0x90000051  }
0xcb: {  	_ =	sfence  }
0xcc: {  	s30 =	sld [smem:$0x0];
	_ =	sdelay $0x2  }
0xcd: {  	s31 =	sshll.u32 s1, $0xD;
	s1 =	sshrl.u32 s1, $0x2  }
0xce: {  	s4 =	sand.u32 $0x4000, s31;
	s1 =	sadd.s32 s1, s30  }
0xcf: {  	s0 =	sor.u32 s4, s0;
	s1 =	sshll.u32 s1, $0x11  }
0xd0: {  	s0 =	sor.u32 s1, s0  }
0xd1: {  	s0 =	sadd.s32 $0x8F2B, s0  }
0xd2: {  	[sflag:s0] =	ssyncadd.remote.s32 $0x1  }
0xd3: {  	_ =	sfence.sel $0xFFFF  }
0xd4: {  	[dreg:$0x0] =	wrdreg $0xFFFFFFFF;
	(pc) =	sbr.abs _section_cstart, $3  }
0xd5: {  	[dreg:$0x1] =	wrdreg $0xFFFFFFFF  }
0xd6: {  	_ =	task.clear_ibuf [dreg:s22], $0x2FFFF;
	_ =	strace $0x9FFFFFFF  }
0xd7: {  	(tm) =	ssettm $0x7FFFFFFF  }
tec
execute0_lowered:
.L_overlay_start_1:
0x0: {  	(tag) =	ssettag $0x1  }
0x1: {  	s1 =	srdreg.scid;
	s0 =	stileid.u32  }
0x2: {  	s11 =	sand.u32 $0x1, s1;
	s31 =	sshll.u32 s0, $0x1  }
0x3: {  	s2 =	rddreg [dreg:$0x0];
	s10 =	sor.u32 s11, s31  }
0x4: {  	s9 =	rddreg [dreg:$0x1];
	s3 =	simm.s32 $0x0;
	s4 =	sshll.u32 s10, $0x5  }
0x5: {  	s5 =	simm.s32 $0x4;
	[smem:$0x7FF] =	sst s3;
	s4 =	sadd.s32 s4, s9  }
0x6: {  	s1 =	rddreg [dreg:$0x2];
	_ =	strace $0x80000050;
	s4 =	sadd.s32 $0x72CA00, s4  }
0x7: {  	[tilespmem:s3], [sflag:$0x4] =	stream.linear.gather [hbm4b:s4+s3], $0x100, $0x38;
	[tilespmem:$0x18600] =	vst v63  }
0x8: {  	_ =	swait.ge [sflag:s5], $0x100  }
0x9: {  	s6 =	simm.s32 $0x80;
	[sflag:s5] =	ssyncset.done $0x0  }
0xa: {  	s7 =	simm.s32 $0x600;
	s8 =	simm.s32 $0x1;
	[sflag:s5] =	ssyncadd.s32 $0xFFFFFF00  }
0xb: {  	[tilespmem:s7], [sflag:$0x1] =	stream.indirect.gather [hbm4b:s2+s6], $0x40, s3, s6, $0xb8;
	[tilespmem:$0x18600] =	vst v63  }
0xc: {  	s10 =	sshll.u32 s10, $0xB;
	_ =	swait.ge [sflag:s8], $0x2000  }
0xd: {  	s12 =	sadd.s32 s10, s9;
	[sflag:s8] =	ssyncset.done $0x0  }
0xe: {  	s13 =	ssub.s32 $0x2, s11;
	s9 =	sadd.s32 $0x72CE00, s12;
	[sflag:s8] =	ssyncadd.s32 $0xFFFFE000  }
0xf: {  	[hbm4b:s9+s3] =	stream.linear.scatter [tilespmem:s7], [sflag:$0x2], $0x2000, $0x38;
	[tilespmem:$0x18600] =	vst v63  }
0x10: {  	s14 =	sshrl.u32 s13, $0x1;
	s10 =	simm.s32 $0xC600  }
0x11: {  	[tilespmem:s10], [sflag:$0x1] =	stream.indirect.gather [hbm4b:s2+s6], $0x40, s6, s6, $0xb8;
	[tilespmem:$0x18600] =	vst v63  }
0x12: {  	s13 =	ssub.s32 s13, s14;
	_ =	swait.ge [sflag:s8], $0x2000  }
0x13: {  	s11 =	sadd.s32 $0x72D200, s12;
	s14 =	smax.u32 s13, $0x1;
	[sflag:s8] =	ssyncset.done $0x0  }
0x14: {  	s12 =	simm.s32 $0x2;
	p0 =	sne.s32 s14, $0x1;
	[sflag:s8] =	ssyncadd.s32 $0xFFFFE000  }
0x15: {  	[hbm4b:s11+s3] =	stream.linear.scatter [tilespmem:s10], [sflag:$0x3], $0x2000, $0x38;
	[tilespmem:$0x18600] =	vst v63  }
.Ltmp0:
0x16: {  	_ =	swait.ge [sflag:s12], $0x2000;
	(pc) =	sbr.rel @!p0 .LBB2_2-.Ltmp0, $4  }
0x17: {  	[sflag:s12] =	ssyncset.done $0x0  }
0x18: {  	s13 =	simm.s32 $0x3;
	[sflag:s12] =	ssyncadd.s32 $0xFFFFE000  }
0x19: {  	_ =	swait.ge [sflag:s13], $0x2000  }
0x1a: {  	s14 =	sadd.s32 $0xFFFFFFFF, s14;
	[sflag:s13] =	ssyncset.done $0x0  }
.LBB2_1:
0x1b: {  	p0 =	sne.s32 s14, $0x1;
	s14 =	sadd.s32 $0xFFFFFFFF, s14;
	[sflag:s13] =	ssyncadd.s32 $0xFFFFE000  }
0x1c: {  	[tilespmem:s3], [sflag:$0x4] =	stream.linear.gather [hbm4b:s4+s3], $0x100, $0x38;
	[tilespmem:$0x18600] =	vst v63  }
0x1d: {  	_ =	swait.ge [sflag:s5], $0x100  }
0x1e: {  	[sflag:s5] =	ssyncset.done $0x0  }
0x1f: {  	[sflag:s5] =	ssyncadd.s32 $0xFFFFFF00  }
0x20: {  	[tilespmem:s7], [sflag:$0x1] =	stream.indirect.gather [hbm4b:s2+s6], $0x40, s3, s6, $0xb8;
	[tilespmem:$0x18600] =	vst v63  }
0x21: {  	_ =	swait.ge [sflag:s8], $0x2000  }
0x22: {  	[sflag:s8] =	ssyncset.done $0x0  }
0x23: {  	[sflag:s8] =	ssyncadd.s32 $0xFFFFE000  }
0x24: {  	[hbm4b:s9+s3] =	stream.linear.scatter [tilespmem:s7], [sflag:$0x2], $0x2000, $0x38;
	[tilespmem:$0x18600] =	vst v63  }
0x25: {  	_ = 	snop  }
0x26: {  	[tilespmem:s10], [sflag:$0x1] =	stream.indirect.gather [hbm4b:s2+s6], $0x40, s6, s6, $0xb8;
	[tilespmem:$0x18600] =	vst v63  }
0x27: {  	_ =	swait.ge [sflag:s8], $0x2000  }
0x28: {  	[sflag:s8] =	ssyncset.done $0x0  }
0x29: {  	[sflag:s8] =	ssyncadd.s32 $0xFFFFE000  }
0x2a: {  	[hbm4b:s11+s3] =	stream.linear.scatter [tilespmem:s10], [sflag:$0x3], $0x2000, $0x38;
	[tilespmem:$0x18600] =	vst v63  }
.Ltmp1:
0x2b: {  	_ =	swait.ge [sflag:s12], $0x2000;
	(pc) =	sbr.rel @p0 .LBB2_1-.Ltmp1, $4  }
0x2c: {  	[sflag:s12] =	ssyncset.done $0x0  }
0x2d: {  	[sflag:s12] =	ssyncadd.s32 $0xFFFFE000  }
0x2e: {  	_ =	swait.ge [sflag:s13], $0x2000  }
0x2f: {  	[sflag:s13] =	ssyncset.done $0x0  }
.LBB2_2:
0x30: {  	[sflag:s13] =	ssyncadd.s32 $0xFFFFE000  }
0x31: {  	_ =	sfence.sel $0x180000  }
0x32: {  	[bflag:$0x0] =	sbarrier.arrive $0xFFFF  }
0x33: {  	p0 =	sne.s32 s0, $0x0;
	_ =	strace $0x90000050  }
0x34: {  	s0 =	sadd.s32 @!p0 $0x100000, s1;
	[bflag:$0x2] =	sbarrier.arrive $0xFFFF  }
0x35: {  	[sflag:s0] =	ssyncadd.tile.s32 @!p0 $0x1;
	_ =	shalt  }
.Lfunc_end2:
_tile_overlayer_lowered:
.L_overlay_start_2:
0x36: {  	(tag) =	ssettag $0x2  }
0x37: {  	s0 =	rddreg [dreg:$0x0];
	s2 =	stileid.u32  }
0x38: {  	s1 =	rddreg [dreg:$0x1];
	p0 =	sne.s32 s2, $0x0  }
0x39: {  	s3 =	rddreg [dreg:$0x2];
	[bflag:$0x3] =	sbarrier.arrive $0xFFFF;
	s2 =	simm.s32 @!p0 $0x1C04  }
0x3a: {  	[timem:s3], [sflag:s2] =	dma.local @!p0 [hbm:s0], s1  }
0x3b: {  	s0 =	simm.s32 @!p0 $0x4  }
0x3c: {  	_ =	swait.ge @!p0 [sflag:s0], s1  }
0x3d: {  	s1 =	ssub.s32 @!p0 $0x0, s1;
	[sflag:s0] =	ssyncset.done @!p0 $0x0  }
0x3e: {  	[sflag:s0] =	ssyncadd.s32 @!p0 s1  }
0x3f: {  	[bflag:$0x3] =	sbarrier.arrive $0xFFFF  }
0x40: {  	_ =	shalt  }

// kernel: sparse-core-data-format-call.1.cloned.1.call-start
scs
called_computation.1_lowered:
.L_overlay_start_0:
0x0: {  	s2 =	sld [smem:$0x3FD9]  }
0x1: {  	s3 =	sld [smem:$0x3FFE];
	_ =	sdelay $0x1  }
0x2: {  	s1 =	srdreg.scid  }
0x3: {  	s0 =	sand.u32 $0x1, s1  }
0x4: {  	s16 =	sshll.u32 s0, $0xA;
	s2 =	sadd.s32 s3, s2  }
0x5: {  	s2 =	sadd.s32 s2, s16  }
0x6: {  	[smem:$0x3FBF] =	sst s2  }
0x7: {  	_ = 	snop  }
0x8: {  	s2 =	sld [smem:$0x3FD0];
	_ =	sdelay $0x2  }
0x9: {  	s17 =	simm.s32 $0xF;
	s4 =	simm.s32 $0x10  }
0xa: {  	[smem:s4], [sflag:s17] =	dma.local [hbm:s2], $0x1  }
0xb: {  	_ =	swait.eq [sflag:s17], $0x1  }
0xc: {  	[sflag:s17] =	ssyncset.done $0x0  }
0xd: {  	[sflag:s17] =	ssyncadd.s32 $0xFFFFFFFF  }
0xe: {  	s18 =	sld [smem:$0x12];
	(tm) =	ssettm $0x1  }
0xf: {  	s19 =	sld [smem:$0x3FFB];
	_ =	sdelay $0x3  }
0x10: {  	_ =	strace s19  }
0x11: {  	s2 =	sld [smem:$0x3FFC];
	_ =	sdelay $0x3  }
0x12: {  	_ =	strace s2  }
0x13: {  	s2 =	sld [smem:$0x3FFD];
	_ =	sdelay $0x3  }
0x14: {  	_ =	strace s2  }
0x15: {  	_ =	strace $0x8FFFFFFF  }
0x16: {  	s20 =	sld [smem:$0x3FDB];
	_ =	sdelay $0x1  }
0x17: {  	s21 =	simm.s32 $_scs_section_size  }
0x18: {  	s5 =	simm.s32 $_size__tile_overlayer_lowered;
	s6 =	simm.s32 $_tile_overlayer_lowered  }
0x19: {  	s7 =	simm.s32 $0x1BFF;
	s22 =	sshll.u32 s6, $0x1;
	s4 =	sadd.s32 s21, s20  }
0x1a: {  	s23 =	simm.s32 $0x0;
	s5 =	sshll.u32 s5, $0x1;
	s6 =	sadd.s32 s22, s4  }
0x1b: {  	[timem:s23], [sflag:s7] =	dma.local [hbm:s6], s5  }
0x1c: {  	_ =	swait.ge [sflag:s7], s5  }
0x1d: {  	s5 =	ssub.s32 $0x0, s5;
	[sflag:s7] =	ssyncset.done $0x0  }
0x1e: {  	[sflag:s7] =	ssyncadd.s32 s5;
	_ =	sdelay $0x1  }
0x1f: {  	s24 =	simm.s32 $0x1B8B  }
0x20: {  	_ =	swait.ge [sflag:s24], $0x1  }
0x21: {  	[sflag:s24] =	ssyncset.done $0x0  }
0x22: {  	[sflag:s24] =	ssyncadd.s32 $0xFFFFFFFF  }
0x23: {  	s5 =	sld [smem:$0x0]  }
0x24: {  	s6 =	sand.u32 $0xFFFFFFFE, s1  }
0x25: {  	p0 =	sne.s32 s1, s6  }
0x26: {  	s6 =	sshll.u32 @p0 s6, $0xE  }
0x27: {  	s6 =	sadd.s32 @p0 $0x11B8D, s6;
	s7 =	sshll.u32 @p0 s5, $0x11  }
0x28: {  	s6 =	sor.u32 @p0 s7, s6  }
0x29: {  	[sflag:s6] =	ssyncadd.remote.s32 @p0 $0x1;
	_ =	sdelay $0x1  }
0x2a: {  	s6 =	simm.s32 @p0 $0x1B8D  }
0x2b: {  	_ =	swait.eq @p0 [sflag:s6], $0x1  }
0x2c: {  	[sflag:s6] =	ssyncadd.s32 @p0 $0xFFFFFFFF  }
0x2d: {  	s7 =	sshll.u32 @!p0 s1, $0xE  }
0x2e: {  	s7 =	sor.u32 @!p0 $0x4000, s7;
	s6 =	simm.s32 @!p0 $0x1B8D  }
0x2f: {  	s5 =	sshll.u32 @!p0 s5, $0x11;
	s7 =	sadd.s32 @!p0 $0x11B8D, s7;
	_ =	swait.eq @!p0 [sflag:s6], $0x1  }
0x30: {  	s5 =	sor.u32 @!p0 s5, s7;
	[sflag:s6] =	ssyncadd.s32 @!p0 $0xFFFFFFFF  }
0x31: {  	s26 =	simm.s32 $0x1B8E;
	s25 =	sld [smem:$0x3FFE];
	[sflag:s5] =	ssyncadd.remote.s32 @!p0 $0x1  }
0x32: {  	s27 =	simm.s32 $execute0_lowered;
	[smem:$0x3FD2] =	sst s26  }
0x33: {  	s6 =	sshll.u32 s27, $0x1;
	_ =	strace $0x80000058;
	[dreg:$0x1] =	wrdreg $0xFFFFFFFF  }
0x34: {  	s28 =	simm.s32 $_size_execute0_lowered;
	s4 =	sadd.s32 s4, s6;
	[dreg:$0x0] =	wrdreg $0x0  }
0x35: {  	s6 =	sshll.u32 s28, $0x1;
	[dreg:$0x2] =	wrdreg s4  }
0x36: {  	[dreg:$0x3] =	wrdreg s6  }
0x37: {  	[dreg:$0x4] =	wrdreg $0xC0  }
0x38: {  	_ =	task [dreg:s23], $0x5FFFF  }
0x39: {  	[dreg:$0x1] =	wrdreg $0xFFFFFFFF  }
0x3a: {  	[dreg:$0x0] =	wrdreg $0x60  }
0x3b: {  	[dreg:$0x2] =	wrdreg s25  }
0x3c: {  	[dreg:$0x3] =	wrdreg s18  }
0x3d: {  	[dreg:$0x4] =	wrdreg $0xC  }
0x3e: {  	_ =	task.clear_ibuf [dreg:s23], $0x5FFFF;
	_ =	strace $0x90000058  }
0x3f: {  	s29 =	simm.s32 $0xC;
	_ =	strace $0x8000005A  }
0x40: {  	_ =	swait.ge [sflag:s29], $0x1  }
0x41: {  	[sflag:s29] =	ssyncadd.s32 $0xFFFFFFFF  }
0x42: {  	_ =	strace $0x9000005A  }
0x43: {  	_ =	sfence  }
0x44: {  	s30 =	sld [smem:$0x0];
	_ =	sdelay $0x2  }
0x45: {  	s31 =	sshll.u32 s1, $0xD;
	s1 =	sshrl.u32 s1, $0x2  }
0x46: {  	s4 =	sand.u32 $0x4000, s31;
	s1 =	sadd.s32 s1, s30  }
0x47: {  	s0 =	sor.u32 s4, s0;
	s1 =	sshll.u32 s1, $0x11  }
0x48: {  	s0 =	sor.u32 s1, s0  }
0x49: {  	s0 =	sadd.s32 $0x8F2B, s0  }
0x4a: {  	[sflag:s0] =	ssyncadd.remote.s32 $0x1  }
0x4b: {  	_ =	sfence.sel $0xFFFF  }
0x4c: {  	[dreg:$0x0] =	wrdreg $0xFFFFFFFF;
	(pc) =	sbr.abs _section_cstart, $3  }
0x4d: {  	[dreg:$0x1] =	wrdreg $0xFFFFFFFF  }
0x4e: {  	_ =	task.clear_ibuf [dreg:s23], $0x2FFFF;
	_ =	strace $0x9FFFFFFF  }
0x4f: {  	(tm) =	ssettm $0x7FFFFFFF  }
tec
execute0_lowered:
.L_overlay_start_1:
0x0: {  	(tag) =	ssettag $0x1  }
0x1: {  	s0 =	srdreg.scid  }
0x2: {  	s1 =	sshll.u32 s0, $0x4  }
0x3: {  	s0 =	stileid.u32;
	s1 =	sand.u32 $0x10, s1  }
0x4: {  	s1 =	sor.u32 s0, s1  }
0x5: {  	s6 =	rddreg [dreg:$0x0];
	s4 =	simm.s32 $0x1;
	s2 =	sshll.u32 s1, $0x7  }
0x6: {  	s7 =	simm.s32 $0x2;
	s12 =	simm.s32 $0x0;
	s1 =	ssub.s32 $0x1000, s2  }
0x7: {  	s8 =	simm.s32 $0x8000;
	s13 =	simm.s32 $0x0;
	s3 =	sand.u32 $0xF80, s1  }
0x8: {  	s9 =	simm.s32 $0x0;
	s5 =	sshrl.u32 s1, $0xC;
	p0 =	sne.s32 s3, $0x0  }
.Ltmp0:
0x9: {  	s1 =	rddreg [dreg:$0x2];
	s4 =	simm.s32 @!p0 $0x0;
	(pc) =	sbr.rel .LBB1_1-.Ltmp0, $4  }
0xa: {  	s11 =	simm.s32 $0x0;
	s3 =	rddreg [dreg:$0x1];
	s5 =	sadd.s32 s4, s5  }
0xb: {  	_ =	strace $0x80000059;
	s4 =	simm.s32 $0x1;
	s5 =	smul.u32 $0x32, s5  }
0xc: {  	s6 =	sadd.s32 $0x8B2A00, s6;
	s10 =	smov.u32 s2;
	[sflag:s4] =	ssyncpa.u1 $0x0  }
0xd: {  	p0 =	por $0x0, $0x0;
	[sflag:s7] =	ssyncpa.u1 $0x0;
	s7 =	sor.u32 $0x1, s5  }
.LBB1_4:
0xe: {  	s16 =	sshll.u32 s13, $0x3;
	s17 =	sand.u32 $0x78, s13  }
0xf: {  	s30 =	sand.u32 $0x7E00, s13;
	s12 =	sshll.u32 s12, $0xF;
	s16 =	sand.u32 $0xC00, s16  }
0x10: {  	[tilespmem:s15+$0x810 ss:$0x81] =	vst.msk $0xffff, v2;
	s31 =	sand.u32 $0x7, s13;
	s16 =	sor.u32 s17, s16;
	s17 =	sadd.s32 s3, s30  }
0x11: {  	[tilespmem:s15+$0x1020 ss:$0x81] =	vst.msk $0xffff, v0;
	s13 =	sshll.u32 s31, $0x12;
	s12 =	sadd.s32 s12, s17;
	s16 =	sshrl.u32 s16, $0x3  }
0x12: {  	[tilespmem:s15+$0x0 ss:$0x81] =	vst.msk $0xffff, v1;
	s13 =	sor.u32 $0x400, s13;
	s12 =	sadd.s32 s16, s12  }
0x13: {  	[hbm4b:s12+s13] =	stream.strided.scatter [tilespmem:s14], [sflag:$0x2], $0x2000, s8, s13, $0x20;
	[tilespmem:$0x8080] =	vst v63  }
.LBB1_5:
0x14: {  	s14 =	sadd.s32 $0x1, s9  }
0x15: {  	s12 =	sadd.s32 $0x1000, s10;
	s16 =	smov.u32 s10;
	p2 =	sgt.s32 s14, $0x31  }
0x16: {  	s16 =	smov.u32 @p2 s12  }
0x17: {  	s14 =	simm.s32 @p2 $0x0;
	p2 =	sgt.s32 s16, $0xFFF  }
0x18: {  	s16 =	smov.u32 @p2 s2;
	p2 =	sne.s32 s11, s7  }
.Ltmp1:
0x19: {  	p1 =	slt.u32 s11, $0x2;
	(pc) =	sbr.rel @!p2 .LBB1_6-.Ltmp1, $4  }
0x1a: {  	s15 =	simm.s32 @!p1 $0x2  }
0x1b: {  	s13 =	smov.u32 s10;
	p0 =	por !p0, !p0;
	_ =	swait.ge @!p1 [sflag:s15], $0x2000  }
0x1c: {  	s12 =	smov.u32 s9;
	[sflag:s15] =	ssyncset.done @!p1 $0x0;
	s9 =	smov.u32 s14  }
0x1d: {  	s11 =	sadd.s32 $0x1, s11;
	[sflag:s15] =	ssyncadd.s32 @!p1 $0xFFFFE000;
	s10 =	smov.u32 s16  }
.LBB1_1:
0x1e: {  	p1 =	sge.u32 s11, s5  }
0x1f: {  	s14 =	sand.u32 @!p1 $0x1FFFFFF, s9  }
0x20: {  	s15 =	smulhi.u32 @!p1 $0x4924925, s14;
	_ =	sdelay $0x1  }
0x21: {  	s15 =	smul.u32 @!p1 $0x38, s15  }
0x22: {  	s16 =	sxor.u32 @!p1 $0xFFFFFFFF, s11;
	s17 =	smul.u32 @!p1 $0x380, s10  }
0x23: {  	s31 =	sadd.s32 $0xFFFFFFFF, s11;
	s16 =	sshll.u32 @!p1 s16, $0xD;
	s14 =	ssub.s32 @!p1 s14, s15  }
0x24: {  	s15 =	sand.u32 @!p1 $0x2000, s16;
	s16 =	sadd.s32 @!p1 s6, s17;
	s14 =	sshll.u32 @!p1 s14, $0x4  }
0x25: {  	s17 =	simm.s32 @!p1 $0x1C00;
	s14 =	sadd.s32 @!p1 s14, s16;
	s16 =	simm.s32 @!p1 $0x40  }
0x26: {  	[tilespmem:s15], [sflag:$0x1] =	stream.strided.gather @!p1 [hbm4b:s14+s16], $0x2000, s17, s16, $0x38;
	[tilespmem:$0x8080] =	vst v63  }
0x27: {  	p1 =	sge.u32 s31, s5  }
.Ltmp2:
0x28: {  	_ = 	snop;
	(pc) =	sbr.rel @p1 .LBB1_5-.Ltmp2, $1  }
0x29: {  	_ =	sdelay $0x3  }
0x2a: {  	s14 =	simm.s32 $0x1  }
0x2b: {  	_ =	swait.ge [sflag:s4], $0x2000;
	s14 =	simm.s32 @!p0 $0x0  }
0x2c: {  	[sflag:s4] =	ssyncset.done $0x0;
	s15 =	sshll.u32 s14, $0xD  }
0x2d: {  	[sflag:s4] =	ssyncadd.s32 $0xFFFFE000;
	s18 =	sor.u32 $0x20, s15  }
0x2e: {  	s14 =	smul.u32 $0x8100, s14;
	v3 =	vld [tilespmem:s18+$0x10]  }
0x2f: {  	s30 =	sand.u32 $0x1, s11;
	v2 =	vld [tilespmem:s18+$0xFFFFFFF0]  }
0x30: {  	s15 =	smul.u32 $0x8100, s30;
	s14 =	sshrl.u32 s14, $0x2;
	v0 =	vld [tilespmem:s18+$0x0]  }
0x31: {  	v1 =	vld [tilespmem:s18+$0xFFFFFFE0];
	s16 =	sor.u32 $0x4000, s14  }
0x32: {  	s31 =	sshrl.u32 s15, $0x2;
	s15 =	sadd.s32 $0x0, s16  }
0x33: {  	s17 =	simm.s32 $0x4;
	s18 =	sadd.s32 $0x40, s18;
	s14 =	sor.u32 $0x4000, s31;
	[tilespmem:s15+$0x1830 ss:$0x81] =	vst.msk $0xffff, v3  }
.LBB1_3:
0x34: {  	v3 =	vld [tilespmem:s18+$0x10];
	p1 =	sne.s32 s17, $0x1FC;
	[tilespmem:s15+$0x810 ss:$0x81] =	vst.msk $0xffff, v2;
	s19 =	smov.u32 s17;
	s17 =	sadd.s32 $0x4, s17  }
.Ltmp3:
0x35: {  	v2 =	vld [tilespmem:s18+$0xFFFFFFF0];
	[tilespmem:s15+$0x1020 ss:$0x81] =	vst.msk $0xffff, v0;
	(pc) =	sbr.rel @p1 .LBB1_3-.Ltmp3, $4  }
0x36: {  	v0 =	vld [tilespmem:s18+$0x0];
	[tilespmem:s15+$0x0 ss:$0x81] =	vst.msk $0xffff, v1  }
0x37: {  	s15 =	sshra.s32 s19, $0x2;
	v1 =	vld [tilespmem:s18+$0xFFFFFFE0]  }
0x38: {  	s15 =	sadd.s32 s15, s16  }
0x39: {  	s18 =	sadd.s32 $0x40, s18;
	[tilespmem:s15+$0x1830 ss:$0x81] =	vst.msk $0xffff, v3  }
.Ltmp4:
0x3a: {  	_ = 	snop;
	(pc) =	sbr.rel .LBB1_4-.Ltmp4, $1  }
0x3b: {  	_ =	sdelay $0x3  }
.LBB1_6:
0x3c: {  	_ =	sfence.sel $0x180000  }
0x3d: {  	s2 =	simm.s32 $0x1;
	[bflag:$0x0] =	sbarrier.arrive $0xFFFF  }
0x3e: {  	s31 =	simm.s32 $0x2;
	[sflag:s2] =	ssyncpa.u1 $0x1  }
0x3f: {  	[sflag:s31] =	ssyncpa.u1 $0x1  }
0x40: {  	p0 =	sne.s32 s0, $0x0;
	_ =	strace $0x90000059  }
0x41: {  	s0 =	sadd.s32 @!p0 $0x100000, s1;
	[bflag:$0x2] =	sbarrier.arrive $0xFFFF  }
0x42: {  	[sflag:s0] =	ssyncadd.tile.s32 @!p0 $0x1;
	_ =	shalt  }
.Lfunc_end1:
_tile_overlayer_lowered:
.L_overlay_start_2:
0x43: {  	(tag) =	ssettag $0x2  }
0x44: {  	s0 =	rddreg [dreg:$0x0];
	s2 =	stileid.u32  }
0x45: {  	s1 =	rddreg [dreg:$0x1];
	p0 =	sne.s32 s2, $0x0  }
0x46: {  	s3 =	rddreg [dreg:$0x2];
	[bflag:$0x3] =	sbarrier.arrive $0xFFFF;
	s2 =	simm.s32 @!p0 $0x1C01  }
0x47: {  	[timem:s3], [sflag:s2] =	dma.local @!p0 [hbm:s0], s1  }
0x48: {  	s0 =	simm.s32 @!p0 $0x1  }
0x49: {  	_ =	swait.ge @!p0 [sflag:s0], s1  }
0x4a: {  	s1 =	ssub.s32 @!p0 $0x0, s1;
	[sflag:s0] =	ssyncset.done @!p0 $0x0  }
0x4b: {  	[sflag:s0] =	ssyncadd.s32 @!p0 s1  }
0x4c: {  	[bflag:$0x3] =	sbarrier.arrive $0xFFFF  }
0x4d: {  	_ =	shalt  }

// kernel: sparse-core-data-format-call.2.cloned.1.call-start
scs
called_computation.2_lowered:
.L_overlay_start_0:
0x0: {  	s2 =	sld [smem:$0x3FD9]  }
0x1: {  	s3 =	sld [smem:$0x3FFE];
	_ =	sdelay $0x1  }
0x2: {  	s1 =	srdreg.scid  }
0x3: {  	s0 =	sand.u32 $0x1, s1  }
0x4: {  	s16 =	sshll.u32 s0, $0xA;
	s2 =	sadd.s32 s3, s2  }
0x5: {  	s2 =	sadd.s32 s2, s16  }
0x6: {  	[smem:$0x3FBF] =	sst s2  }
0x7: {  	_ = 	snop  }
0x8: {  	s2 =	sld [smem:$0x3FD0];
	_ =	sdelay $0x2  }
0x9: {  	s17 =	simm.s32 $0xF;
	s4 =	simm.s32 $0x10  }
0xa: {  	[smem:s4], [sflag:s17] =	dma.local [hbm:s2], $0x1  }
0xb: {  	_ =	swait.eq [sflag:s17], $0x1  }
0xc: {  	[sflag:s17] =	ssyncset.done $0x0  }
0xd: {  	[sflag:s17] =	ssyncadd.s32 $0xFFFFFFFF  }
0xe: {  	s18 =	sld [smem:$0x11];
	(tm) =	ssettm $0x1  }
0xf: {  	s19 =	sld [smem:$0x3FFB];
	_ =	sdelay $0x3  }
0x10: {  	_ =	strace s19  }
0x11: {  	s2 =	sld [smem:$0x3FFC];
	_ =	sdelay $0x3  }
0x12: {  	_ =	strace s2  }
0x13: {  	s2 =	sld [smem:$0x3FFD];
	_ =	sdelay $0x3  }
0x14: {  	_ =	strace s2  }
0x15: {  	_ =	strace $0x8FFFFFFF  }
0x16: {  	s20 =	sld [smem:$0x3FDB];
	_ =	sdelay $0x1  }
0x17: {  	s21 =	simm.s32 $_scs_section_size  }
0x18: {  	s5 =	simm.s32 $_size__tile_overlayer_lowered;
	s6 =	simm.s32 $_tile_overlayer_lowered  }
0x19: {  	s7 =	simm.s32 $0x1BFF;
	s22 =	sshll.u32 s6, $0x1;
	s4 =	sadd.s32 s21, s20  }
0x1a: {  	s23 =	simm.s32 $0x0;
	s5 =	sshll.u32 s5, $0x1;
	s6 =	sadd.s32 s22, s4  }
0x1b: {  	[timem:s23], [sflag:s7] =	dma.local [hbm:s6], s5  }
0x1c: {  	_ =	swait.ge [sflag:s7], s5  }
0x1d: {  	s5 =	ssub.s32 $0x0, s5;
	[sflag:s7] =	ssyncset.done $0x0  }
0x1e: {  	[sflag:s7] =	ssyncadd.s32 s5;
	_ =	sdelay $0x1  }
0x1f: {  	s24 =	simm.s32 $0x1B8B  }
0x20: {  	_ =	swait.ge [sflag:s24], $0x1  }
0x21: {  	[sflag:s24] =	ssyncset.done $0x0  }
0x22: {  	[sflag:s24] =	ssyncadd.s32 $0xFFFFFFFF  }
0x23: {  	s5 =	sld [smem:$0x0]  }
0x24: {  	s6 =	sand.u32 $0xFFFFFFFE, s1  }
0x25: {  	p0 =	sne.s32 s1, s6  }
0x26: {  	s6 =	sshll.u32 @p0 s6, $0xE  }
0x27: {  	s6 =	sadd.s32 @p0 $0x11B8D, s6;
	s7 =	sshll.u32 @p0 s5, $0x11  }
0x28: {  	s6 =	sor.u32 @p0 s7, s6  }
0x29: {  	[sflag:s6] =	ssyncadd.remote.s32 @p0 $0x1;
	_ =	sdelay $0x1  }
0x2a: {  	s6 =	simm.s32 @p0 $0x1B8D  }
0x2b: {  	_ =	swait.eq @p0 [sflag:s6], $0x1  }
0x2c: {  	[sflag:s6] =	ssyncadd.s32 @p0 $0xFFFFFFFF  }
0x2d: {  	s7 =	sshll.u32 @!p0 s1, $0xE  }
0x2e: {  	s7 =	sor.u32 @!p0 $0x4000, s7;
	s6 =	simm.s32 @!p0 $0x1B8D  }
0x2f: {  	s5 =	sshll.u32 @!p0 s5, $0x11;
	s7 =	sadd.s32 @!p0 $0x11B8D, s7;
	_ =	swait.eq @!p0 [sflag:s6], $0x1  }
0x30: {  	s5 =	sor.u32 @!p0 s5, s7;
	[sflag:s6] =	ssyncadd.s32 @!p0 $0xFFFFFFFF  }
0x31: {  	s26 =	simm.s32 $0x1B8E;
	s25 =	sld [smem:$0x3FFE];
	[sflag:s5] =	ssyncadd.remote.s32 @!p0 $0x1  }
0x32: {  	s27 =	simm.s32 $execute0_lowered;
	[smem:$0x3FD2] =	sst s26  }
0x33: {  	s6 =	sshll.u32 s27, $0x1;
	_ =	strace $0x8000005B;
	[dreg:$0x1] =	wrdreg $0xFFFFFFFF  }
0x34: {  	s28 =	simm.s32 $_size_execute0_lowered;
	s4 =	sadd.s32 s4, s6;
	[dreg:$0x0] =	wrdreg $0x0  }
0x35: {  	s6 =	sshll.u32 s28, $0x1;
	[dreg:$0x2] =	wrdreg s4  }
0x36: {  	[dreg:$0x3] =	wrdreg s6  }
0x37: {  	[dreg:$0x4] =	wrdreg $0xC0  }
0x38: {  	_ =	task [dreg:s23], $0x5FFFF  }
0x39: {  	[dreg:$0x1] =	wrdreg $0xFFFFFFFF  }
0x3a: {  	[dreg:$0x0] =	wrdreg $0x60  }
0x3b: {  	[dreg:$0x2] =	wrdreg s25  }
0x3c: {  	[dreg:$0x3] =	wrdreg s18  }
0x3d: {  	[dreg:$0x4] =	wrdreg $0xE  }
0x3e: {  	_ =	task.clear_ibuf [dreg:s23], $0x5FFFF;
	_ =	strace $0x9000005B  }
0x3f: {  	s29 =	simm.s32 $0xE;
	_ =	strace $0x8000005D  }
0x40: {  	_ =	swait.ge [sflag:s29], $0x1  }
0x41: {  	[sflag:s29] =	ssyncadd.s32 $0xFFFFFFFF  }
0x42: {  	_ =	strace $0x9000005D  }
0x43: {  	_ =	sfence  }
0x44: {  	s30 =	sld [smem:$0x0];
	_ =	sdelay $0x2  }
0x45: {  	s31 =	sshll.u32 s1, $0xD;
	s1 =	sshrl.u32 s1, $0x2  }
0x46: {  	s4 =	sand.u32 $0x4000, s31;
	s1 =	sadd.s32 s1, s30  }
0x47: {  	s0 =	sor.u32 s4, s0;
	s1 =	sshll.u32 s1, $0x11  }
0x48: {  	s0 =	sor.u32 s1, s0  }
0x49: {  	s0 =	sadd.s32 $0x8F2B, s0  }
0x4a: {  	[sflag:s0] =	ssyncadd.remote.s32 $0x1  }
0x4b: {  	_ =	sfence.sel $0xFFFF  }
0x4c: {  	[dreg:$0x0] =	wrdreg $0xFFFFFFFF;
	(pc) =	sbr.abs _section_cstart, $3  }
0x4d: {  	[dreg:$0x1] =	wrdreg $0xFFFFFFFF  }
0x4e: {  	_ =	task.clear_ibuf [dreg:s23], $0x2FFFF;
	_ =	strace $0x9FFFFFFF  }
0x4f: {  	(tm) =	ssettm $0x7FFFFFFF  }
tec
execute0_lowered:
.L_overlay_start_1:
0x0: {  	(tag) =	ssettag $0x1  }
0x1: {  	s0 =	srdreg.scid  }
0x2: {  	s1 =	sshll.u32 s0, $0x4  }
0x3: {  	s0 =	stileid.u32;
	s1 =	sand.u32 $0x10, s1  }
0x4: {  	s1 =	sor.u32 s0, s1  }
0x5: {  	s6 =	rddreg [dreg:$0x0];
	s4 =	simm.s32 $0x1;
	s2 =	sshll.u32 s1, $0x7  }
0x6: {  	s7 =	simm.s32 $0x2;
	s12 =	simm.s32 $0x0;
	s1 =	ssub.s32 $0x1000, s2  }
0x7: {  	s8 =	simm.s32 $0x8000;
	s13 =	simm.s32 $0x0;
	s3 =	sand.u32 $0xF80, s1  }
0x8: {  	s9 =	simm.s32 $0x0;
	s5 =	sshrl.u32 s1, $0xC;
	p0 =	sne.s32 s3, $0x0  }
.Ltmp0:
0x9: {  	s1 =	rddreg [dreg:$0x2];
	s4 =	simm.s32 @!p0 $0x0;
	(pc) =	sbr.rel .LBB1_1-.Ltmp0, $4  }
0xa: {  	s11 =	simm.s32 $0x0;
	s3 =	rddreg [dreg:$0x1];
	s5 =	sadd.s32 s4, s5  }
0xb: {  	_ =	strace $0x8000005C;
	s4 =	simm.s32 $0x1;
	s5 =	smul.u32 $0x32, s5  }
0xc: {  	s6 =	sadd.s32 $0xC32A00, s6;
	s10 =	smov.u32 s2;
	[sflag:s4] =	ssyncpa.u1 $0x0  }
0xd: {  	p0 =	por $0x0, $0x0;
	[sflag:s7] =	ssyncpa.u1 $0x0;
	s7 =	sor.u32 $0x1, s5  }
.LBB1_4:
0xe: {  	s16 =	sshll.u32 s13, $0x3;
	s17 =	sand.u32 $0x78, s13  }
0xf: {  	s30 =	sand.u32 $0x7E00, s13;
	s12 =	sshll.u32 s12, $0xF;
	s16 =	sand.u32 $0xC00, s16  }
0x10: {  	[tilespmem:s15+$0x810 ss:$0x81] =	vst.msk $0xffff, v2;
	s31 =	sand.u32 $0x7, s13;
	s16 =	sor.u32 s17, s16;
	s17 =	sadd.s32 s3, s30  }
0x11: {  	[tilespmem:s15+$0x1020 ss:$0x81] =	vst.msk $0xffff, v0;
	s13 =	sshll.u32 s31, $0x12;
	s12 =	sadd.s32 s12, s17;
	s16 =	sshrl.u32 s16, $0x3  }
0x12: {  	[tilespmem:s15+$0x0 ss:$0x81] =	vst.msk $0xffff, v1;
	s13 =	sor.u32 $0x400, s13;
	s12 =	sadd.s32 s16, s12  }
0x13: {  	[hbm4b:s12+s13] =	stream.strided.scatter [tilespmem:s14], [sflag:$0x2], $0x2000, s8, s13, $0x20;
	[tilespmem:$0x8080] =	vst v63  }
.LBB1_5:
0x14: {  	s14 =	sadd.s32 $0x1, s9  }
0x15: {  	s12 =	sadd.s32 $0x1000, s10;
	s16 =	smov.u32 s10;
	p2 =	sgt.s32 s14, $0x31  }
0x16: {  	s16 =	smov.u32 @p2 s12  }
0x17: {  	s14 =	simm.s32 @p2 $0x0;
	p2 =	sgt.s32 s16, $0xFFF  }
0x18: {  	s16 =	smov.u32 @p2 s2;
	p2 =	sne.s32 s11, s7  }
.Ltmp1:
0x19: {  	p1 =	slt.u32 s11, $0x2;
	(pc) =	sbr.rel @!p2 .LBB1_6-.Ltmp1, $4  }
0x1a: {  	s15 =	simm.s32 @!p1 $0x2  }
0x1b: {  	s13 =	smov.u32 s10;
	p0 =	por !p0, !p0;
	_ =	swait.ge @!p1 [sflag:s15], $0x2000  }
0x1c: {  	s12 =	smov.u32 s9;
	[sflag:s15] =	ssyncset.done @!p1 $0x0;
	s9 =	smov.u32 s14  }
0x1d: {  	s11 =	sadd.s32 $0x1, s11;
	[sflag:s15] =	ssyncadd.s32 @!p1 $0xFFFFE000;
	s10 =	smov.u32 s16  }
.LBB1_1:
0x1e: {  	p1 =	sge.u32 s11, s5  }
0x1f: {  	s14 =	sand.u32 @!p1 $0x1FFFFFF, s9  }
0x20: {  	s15 =	smulhi.u32 @!p1 $0x4924925, s14;
	_ =	sdelay $0x1  }
0x21: {  	s15 =	smul.u32 @!p1 $0x38, s15  }
0x22: {  	s16 =	sxor.u32 @!p1 $0xFFFFFFFF, s11;
	s17 =	smul.u32 @!p1 $0x380, s10  }
0x23: {  	s31 =	sadd.s32 $0xFFFFFFFF, s11;
	s16 =	sshll.u32 @!p1 s16, $0xD;
	s14 =	ssub.s32 @!p1 s14, s15  }
0x24: {  	s15 =	sand.u32 @!p1 $0x2000, s16;
	s16 =	sadd.s32 @!p1 s6, s17;
	s14 =	sshll.u32 @!p1 s14, $0x4  }
0x25: {  	s17 =	simm.s32 @!p1 $0x1C00;
	s14 =	sadd.s32 @!p1 s14, s16;
	s16 =	simm.s32 @!p1 $0x40  }
0x26: {  	[tilespmem:s15], [sflag:$0x1] =	stream.strided.gather @!p1 [hbm4b:s14+s16], $0x2000, s17, s16, $0x38;
	[tilespmem:$0x8080] =	vst v63  }
0x27: {  	p1 =	sge.u32 s31, s5  }
.Ltmp2:
0x28: {  	_ = 	snop;
	(pc) =	sbr.rel @p1 .LBB1_5-.Ltmp2, $1  }
0x29: {  	_ =	sdelay $0x3  }
0x2a: {  	s14 =	simm.s32 $0x1  }
0x2b: {  	_ =	swait.ge [sflag:s4], $0x2000;
	s14 =	simm.s32 @!p0 $0x0  }
0x2c: {  	[sflag:s4] =	ssyncset.done $0x0;
	s15 =	sshll.u32 s14, $0xD  }
0x2d: {  	[sflag:s4] =	ssyncadd.s32 $0xFFFFE000;
	s18 =	sor.u32 $0x20, s15  }
0x2e: {  	s14 =	smul.u32 $0x8100, s14;
	v3 =	vld [tilespmem:s18+$0x10]  }
0x2f: {  	s30 =	sand.u32 $0x1, s11;
	v2 =	vld [tilespmem:s18+$0xFFFFFFF0]  }
0x30: {  	s15 =	smul.u32 $0x8100, s30;
	s14 =	sshrl.u32 s14, $0x2;
	v0 =	vld [tilespmem:s18+$0x0]  }
0x31: {  	v1 =	vld [tilespmem:s18+$0xFFFFFFE0];
	s16 =	sor.u32 $0x4000, s14  }
0x32: {  	s31 =	sshrl.u32 s15, $0x2;
	s15 =	sadd.s32 $0x0, s16  }
0x33: {  	s17 =	simm.s32 $0x4;
	s18 =	sadd.s32 $0x40, s18;
	s14 =	sor.u32 $0x4000, s31;
	[tilespmem:s15+$0x1830 ss:$0x81] =	vst.msk $0xffff, v3  }
.LBB1_3:
0x34: {  	v3 =	vld [tilespmem:s18+$0x10];
	p1 =	sne.s32 s17, $0x1FC;
	[tilespmem:s15+$0x810 ss:$0x81] =	vst.msk $0xffff, v2;
	s19 =	smov.u32 s17;
	s17 =	sadd.s32 $0x4, s17  }
.Ltmp3:
0x35: {  	v2 =	vld [tilespmem:s18+$0xFFFFFFF0];
	[tilespmem:s15+$0x1020 ss:$0x81] =	vst.msk $0xffff, v0;
	(pc) =	sbr.rel @p1 .LBB1_3-.Ltmp3, $4  }
0x36: {  	v0 =	vld [tilespmem:s18+$0x0];
	[tilespmem:s15+$0x0 ss:$0x81] =	vst.msk $0xffff, v1  }
0x37: {  	s15 =	sshra.s32 s19, $0x2;
	v1 =	vld [tilespmem:s18+$0xFFFFFFE0]  }
0x38: {  	s15 =	sadd.s32 s15, s16  }
0x39: {  	s18 =	sadd.s32 $0x40, s18;
	[tilespmem:s15+$0x1830 ss:$0x81] =	vst.msk $0xffff, v3  }
.Ltmp4:
0x3a: {  	_ = 	snop;
	(pc) =	sbr.rel .LBB1_4-.Ltmp4, $1  }
0x3b: {  	_ =	sdelay $0x3  }
.LBB1_6:
0x3c: {  	_ =	sfence.sel $0x180000  }
0x3d: {  	s2 =	simm.s32 $0x1;
	[bflag:$0x0] =	sbarrier.arrive $0xFFFF  }
0x3e: {  	s31 =	simm.s32 $0x2;
	[sflag:s2] =	ssyncpa.u1 $0x1  }
0x3f: {  	[sflag:s31] =	ssyncpa.u1 $0x1  }
0x40: {  	p0 =	sne.s32 s0, $0x0;
	_ =	strace $0x9000005C  }
0x41: {  	s0 =	sadd.s32 @!p0 $0x100000, s1;
	[bflag:$0x2] =	sbarrier.arrive $0xFFFF  }
0x42: {  	[sflag:s0] =	ssyncadd.tile.s32 @!p0 $0x1;
	_ =	shalt  }
.Lfunc_end1:
_tile_overlayer_lowered:
.L_overlay_start_2:
0x43: {  	(tag) =	ssettag $0x2  }
0x44: {  	s0 =	rddreg [dreg:$0x0];
	s2 =	stileid.u32  }
0x45: {  	s1 =	rddreg [dreg:$0x1];
	p0 =	sne.s32 s2, $0x0  }
0x46: {  	s3 =	rddreg [dreg:$0x2];
	[bflag:$0x3] =	sbarrier.arrive $0xFFFF;
	s2 =	simm.s32 @!p0 $0x1C01  }
0x47: {  	[timem:s3], [sflag:s2] =	dma.local @!p0 [hbm:s0], s1  }
0x48: {  	s0 =	simm.s32 @!p0 $0x1  }
0x49: {  	_ =	swait.ge @!p0 [sflag:s0], s1  }
0x4a: {  	s1 =	ssub.s32 @!p0 $0x0, s1;
	[sflag:s0] =	ssyncset.done @!p0 $0x0  }
0x4b: {  	[sflag:s0] =	ssyncadd.s32 @!p0 s1  }
0x4c: {  	[bflag:$0x3] =	sbarrier.arrive $0xFFFF  }
0x4d: {  	_ =	shalt  }

// kernel: sparse-core-data-format-call.cloned.1.call-start
scs
called_computation_lowered:
.L_overlay_start_0:
0x0: {  	s2 =	sld [smem:$0x3FD9]  }
0x1: {  	s3 =	sld [smem:$0x3FFE];
	_ =	sdelay $0x1  }
0x2: {  	s1 =	srdreg.scid  }
0x3: {  	s0 =	sand.u32 $0x1, s1  }
0x4: {  	s16 =	sshll.u32 s0, $0xA;
	s2 =	sadd.s32 s3, s2  }
0x5: {  	s2 =	sadd.s32 s2, s16  }
0x6: {  	[smem:$0x3FBF] =	sst s2  }
0x7: {  	_ = 	snop  }
0x8: {  	s2 =	sld [smem:$0x3FD0];
	_ =	sdelay $0x2  }
0x9: {  	s17 =	simm.s32 $0xF;
	s4 =	simm.s32 $0x10  }
0xa: {  	[smem:s4], [sflag:s17] =	dma.local [hbm:s2], $0x1  }
0xb: {  	_ =	swait.eq [sflag:s17], $0x1  }
0xc: {  	[sflag:s17] =	ssyncset.done $0x0  }
0xd: {  	[sflag:s17] =	ssyncadd.s32 $0xFFFFFFFF  }
0xe: {  	s18 =	sld [smem:$0x13];
	(tm) =	ssettm $0x1  }
0xf: {  	s19 =	sld [smem:$0x3FFB];
	_ =	sdelay $0x3  }
0x10: {  	_ =	strace s19  }
0x11: {  	s2 =	sld [smem:$0x3FFC];
	_ =	sdelay $0x3  }
0x12: {  	_ =	strace s2  }
0x13: {  	s2 =	sld [smem:$0x3FFD];
	_ =	sdelay $0x3  }
0x14: {  	_ =	strace s2  }
0x15: {  	_ =	strace $0x8FFFFFFF  }
0x16: {  	s20 =	sld [smem:$0x3FDB];
	_ =	sdelay $0x1  }
0x17: {  	s21 =	simm.s32 $_scs_section_size  }
0x18: {  	s5 =	simm.s32 $_size__tile_overlayer_lowered;
	s6 =	simm.s32 $_tile_overlayer_lowered  }
0x19: {  	s7 =	simm.s32 $0x1BFF;
	s22 =	sshll.u32 s6, $0x1;
	s4 =	sadd.s32 s21, s20  }
0x1a: {  	s23 =	simm.s32 $0x0;
	s5 =	sshll.u32 s5, $0x1;
	s6 =	sadd.s32 s22, s4  }
0x1b: {  	[timem:s23], [sflag:s7] =	dma.local [hbm:s6], s5  }
0x1c: {  	_ =	swait.ge [sflag:s7], s5  }
0x1d: {  	s5 =	ssub.s32 $0x0, s5;
	[sflag:s7] =	ssyncset.done $0x0  }
0x1e: {  	[sflag:s7] =	ssyncadd.s32 s5;
	_ =	sdelay $0x1  }
0x1f: {  	s24 =	simm.s32 $0x1B8B  }
0x20: {  	_ =	swait.ge [sflag:s24], $0x1  }
0x21: {  	[sflag:s24] =	ssyncset.done $0x0  }
0x22: {  	[sflag:s24] =	ssyncadd.s32 $0xFFFFFFFF  }
0x23: {  	s5 =	sld [smem:$0x0]  }
0x24: {  	s6 =	sand.u32 $0xFFFFFFFE, s1  }
0x25: {  	p0 =	sne.s32 s1, s6  }
0x26: {  	s6 =	sshll.u32 @p0 s6, $0xE  }
0x27: {  	s6 =	sadd.s32 @p0 $0x11B8D, s6;
	s7 =	sshll.u32 @p0 s5, $0x11  }
0x28: {  	s6 =	sor.u32 @p0 s7, s6  }
0x29: {  	[sflag:s6] =	ssyncadd.remote.s32 @p0 $0x1;
	_ =	sdelay $0x1  }
0x2a: {  	s6 =	simm.s32 @p0 $0x1B8D  }
0x2b: {  	_ =	swait.eq @p0 [sflag:s6], $0x1  }
0x2c: {  	[sflag:s6] =	ssyncadd.s32 @p0 $0xFFFFFFFF  }
0x2d: {  	s7 =	sshll.u32 @!p0 s1, $0xE  }
0x2e: {  	s7 =	sor.u32 @!p0 $0x4000, s7;
	s6 =	simm.s32 @!p0 $0x1B8D  }
0x2f: {  	s5 =	sshll.u32 @!p0 s5, $0x11;
	s7 =	sadd.s32 @!p0 $0x11B8D, s7;
	_ =	swait.eq @!p0 [sflag:s6], $0x1  }
0x30: {  	s5 =	sor.u32 @!p0 s5, s7;
	[sflag:s6] =	ssyncadd.s32 @!p0 $0xFFFFFFFF  }
0x31: {  	s26 =	simm.s32 $0x1B8E;
	s25 =	sld [smem:$0x3FFE];
	[sflag:s5] =	ssyncadd.remote.s32 @!p0 $0x1  }
0x32: {  	s27 =	simm.s32 $execute0_lowered;
	[smem:$0x3FD2] =	sst s26  }
0x33: {  	s6 =	sshll.u32 s27, $0x1;
	_ =	strace $0x8000005E;
	[dreg:$0x1] =	wrdreg $0xFFFFFFFF  }
0x34: {  	s28 =	simm.s32 $_size_execute0_lowered;
	s4 =	sadd.s32 s4, s6;
	[dreg:$0x0] =	wrdreg $0x0  }
0x35: {  	s6 =	sshll.u32 s28, $0x1;
	[dreg:$0x2] =	wrdreg s4  }
0x36: {  	[dreg:$0x3] =	wrdreg s6  }
0x37: {  	[dreg:$0x4] =	wrdreg $0xC0  }
0x38: {  	_ =	task [dreg:s23], $0x5FFFF  }
0x39: {  	[dreg:$0x1] =	wrdreg $0xFFFFFFFF  }
0x3a: {  	[dreg:$0x0] =	wrdreg $0x60  }
0x3b: {  	[dreg:$0x2] =	wrdreg s25  }
0x3c: {  	[dreg:$0x3] =	wrdreg s18  }
0x3d: {  	[dreg:$0x4] =	wrdreg $0xD  }
0x3e: {  	_ =	task.clear_ibuf [dreg:s23], $0x5FFFF;
	_ =	strace $0x9000005E  }
0x3f: {  	s29 =	simm.s32 $0xD;
	_ =	strace $0x80000060  }
0x40: {  	_ =	swait.ge [sflag:s29], $0x1  }
0x41: {  	[sflag:s29] =	ssyncadd.s32 $0xFFFFFFFF  }
0x42: {  	_ =	strace $0x90000060  }
0x43: {  	_ =	sfence  }
0x44: {  	s30 =	sld [smem:$0x0];
	_ =	sdelay $0x2  }
0x45: {  	s31 =	sshll.u32 s1, $0xD;
	s1 =	sshrl.u32 s1, $0x2  }
0x46: {  	s4 =	sand.u32 $0x4000, s31;
	s1 =	sadd.s32 s1, s30  }
0x47: {  	s0 =	sor.u32 s4, s0;
	s1 =	sshll.u32 s1, $0x11  }
0x48: {  	s0 =	sor.u32 s1, s0  }
0x49: {  	s0 =	sadd.s32 $0x8F2B, s0  }
0x4a: {  	[sflag:s0] =	ssyncadd.remote.s32 $0x1  }
0x4b: {  	_ =	sfence.sel $0xFFFF  }
0x4c: {  	[dreg:$0x0] =	wrdreg $0xFFFFFFFF;
	(pc) =	sbr.abs _section_cstart, $3  }
0x4d: {  	[dreg:$0x1] =	wrdreg $0xFFFFFFFF  }
0x4e: {  	_ =	task.clear_ibuf [dreg:s23], $0x2FFFF;
	_ =	strace $0x9FFFFFFF  }
0x4f: {  	(tm) =	ssettm $0x7FFFFFFF  }
tec
execute0_lowered:
.L_overlay_start_1:
0x0: {  	(tag) =	ssettag $0x1  }
0x1: {  	s0 =	srdreg.scid  }
0x2: {  	s1 =	sshll.u32 s0, $0x4  }
0x3: {  	s0 =	stileid.u32;
	s1 =	sand.u32 $0x10, s1  }
0x4: {  	s1 =	sor.u32 s0, s1  }
0x5: {  	s6 =	rddreg [dreg:$0x0];
	s4 =	simm.s32 $0x1;
	s2 =	sshll.u32 s1, $0x7  }
0x6: {  	s7 =	simm.s32 $0x2;
	s12 =	simm.s32 $0x0;
	s1 =	ssub.s32 $0x1000, s2  }
0x7: {  	s8 =	simm.s32 $0x8000;
	s13 =	simm.s32 $0x0;
	s3 =	sand.u32 $0xF80, s1  }
0x8: {  	s9 =	simm.s32 $0x0;
	s5 =	sshrl.u32 s1, $0xC;
	p0 =	sne.s32 s3, $0x0  }
.Ltmp0:
0x9: {  	s1 =	rddreg [dreg:$0x2];
	s4 =	simm.s32 @!p0 $0x0;
	(pc) =	sbr.rel .LBB1_1-.Ltmp0, $4  }
0xa: {  	s11 =	simm.s32 $0x0;
	s3 =	rddreg [dreg:$0x1];
	s5 =	sadd.s32 s4, s5  }
0xb: {  	_ =	strace $0x8000005F;
	s4 =	simm.s32 $0x1;
	s5 =	smul.u32 $0xC8, s5  }
0xc: {  	s6 =	sadd.s32 $0x17B0000, s6;
	s10 =	smov.u32 s2;
	[sflag:s4] =	ssyncpa.u1 $0x0  }
0xd: {  	p0 =	por $0x0, $0x0;
	[sflag:s7] =	ssyncpa.u1 $0x0;
	s7 =	sor.u32 $0x1, s5  }
.LBB1_4:
0xe: {  	s16 =	sshll.u32 s13, $0x3;
	s17 =	sand.u32 $0x78, s13  }
0xf: {  	s30 =	sand.u32 $0x7E00, s13;
	s12 =	sshll.u32 s12, $0xF;
	s16 =	sand.u32 $0xC00, s16  }
0x10: {  	[tilespmem:s15+$0x810 ss:$0x81] =	vst.msk $0xffff, v2;
	s31 =	sand.u32 $0x7, s13;
	s16 =	sor.u32 s17, s16;
	s17 =	sadd.s32 s3, s30  }
0x11: {  	[tilespmem:s15+$0x1020 ss:$0x81] =	vst.msk $0xffff, v0;
	s13 =	sshll.u32 s31, $0x12;
	s12 =	sadd.s32 s12, s17;
	s16 =	sshrl.u32 s16, $0x3  }
0x12: {  	[tilespmem:s15+$0x0 ss:$0x81] =	vst.msk $0xffff, v1;
	s13 =	sor.u32 $0x400, s13;
	s12 =	sadd.s32 s16, s12  }
0x13: {  	[hbm4b:s12+s13] =	stream.strided.scatter [tilespmem:s14], [sflag:$0x2], $0x2000, s8, s13, $0x20;
	[tilespmem:$0x8080] =	vst v63  }
.LBB1_5:
0x14: {  	s14 =	sadd.s32 $0x1, s9  }
0x15: {  	s12 =	sadd.s32 $0x1000, s10;
	s16 =	smov.u32 s10;
	p2 =	sgt.s32 s14, $0xC7  }
0x16: {  	s16 =	smov.u32 @p2 s12  }
0x17: {  	s14 =	simm.s32 @p2 $0x0;
	p2 =	sgt.s32 s16, $0xFFF  }
0x18: {  	s16 =	smov.u32 @p2 s2;
	p2 =	sne.s32 s11, s7  }
.Ltmp1:
0x19: {  	p1 =	slt.u32 s11, $0x2;
	(pc) =	sbr.rel @!p2 .LBB1_6-.Ltmp1, $4  }
0x1a: {  	s15 =	simm.s32 @!p1 $0x2  }
0x1b: {  	s13 =	smov.u32 s10;
	p0 =	por !p0, !p0;
	_ =	swait.ge @!p1 [sflag:s15], $0x2000  }
0x1c: {  	s12 =	smov.u32 s9;
	[sflag:s15] =	ssyncset.done @!p1 $0x0;
	s9 =	smov.u32 s14  }
0x1d: {  	s11 =	sadd.s32 $0x1, s11;
	[sflag:s15] =	ssyncadd.s32 @!p1 $0xFFFFE000;
	s10 =	smov.u32 s16  }
.LBB1_1:
0x1e: {  	p1 =	sge.u32 s11, s5  }
0x1f: {  	s14 =	sand.u32 @!p1 $0x1FFFFFF, s9  }
0x20: {  	s15 =	smulhi.u32 @!p1 $0x147AE15, s14;
	_ =	sdelay $0x1  }
0x21: {  	s15 =	smul.u32 @!p1 $0xC8, s15  }
0x22: {  	s16 =	sxor.u32 @!p1 $0xFFFFFFFF, s11;
	s17 =	smul.u32 @!p1 $0xC80, s10  }
0x23: {  	s31 =	sadd.s32 $0xFFFFFFFF, s11;
	s16 =	sshll.u32 @!p1 s16, $0xD;
	s14 =	ssub.s32 @!p1 s14, s15  }
0x24: {  	s15 =	sand.u32 @!p1 $0x2000, s16;
	s16 =	sadd.s32 @!p1 s6, s17;
	s14 =	sshll.u32 @!p1 s14, $0x4  }
0x25: {  	s17 =	simm.s32 @!p1 $0x6400;
	s14 =	sadd.s32 @!p1 s14, s16;
	s16 =	simm.s32 @!p1 $0x40  }
0x26: {  	[tilespmem:s15], [sflag:$0x1] =	stream.strided.gather @!p1 [hbm4b:s14+s16], $0x2000, s17, s16, $0x38;
	[tilespmem:$0x8080] =	vst v63  }
0x27: {  	p1 =	sge.u32 s31, s5  }
.Ltmp2:
0x28: {  	_ = 	snop;
	(pc) =	sbr.rel @p1 .LBB1_5-.Ltmp2, $1  }
0x29: {  	_ =	sdelay $0x3  }
0x2a: {  	s14 =	simm.s32 $0x1  }
0x2b: {  	_ =	swait.ge [sflag:s4], $0x2000;
	s14 =	simm.s32 @!p0 $0x0  }
0x2c: {  	[sflag:s4] =	ssyncset.done $0x0;
	s15 =	sshll.u32 s14, $0xD  }
0x2d: {  	[sflag:s4] =	ssyncadd.s32 $0xFFFFE000;
	s18 =	sor.u32 $0x20, s15  }
0x2e: {  	s14 =	smul.u32 $0x8100, s14;
	v3 =	vld [tilespmem:s18+$0x10]  }
0x2f: {  	s30 =	sand.u32 $0x1, s11;
	v2 =	vld [tilespmem:s18+$0xFFFFFFF0]  }
0x30: {  	s15 =	smul.u32 $0x8100, s30;
	s14 =	sshrl.u32 s14, $0x2;
	v0 =	vld [tilespmem:s18+$0x0]  }
0x31: {  	v1 =	vld [tilespmem:s18+$0xFFFFFFE0];
	s16 =	sor.u32 $0x4000, s14  }
0x32: {  	s31 =	sshrl.u32 s15, $0x2;
	s15 =	sadd.s32 $0x0, s16  }
0x33: {  	s17 =	simm.s32 $0x4;
	s18 =	sadd.s32 $0x40, s18;
	s14 =	sor.u32 $0x4000, s31;
	[tilespmem:s15+$0x1830 ss:$0x81] =	vst.msk $0xffff, v3  }
.LBB1_3:
0x34: {  	v3 =	vld [tilespmem:s18+$0x10];
	p1 =	sne.s32 s17, $0x1FC;
	[tilespmem:s15+$0x810 ss:$0x81] =	vst.msk $0xffff, v2;
	s19 =	smov.u32 s17;
	s17 =	sadd.s32 $0x4, s17  }
.Ltmp3:
0x35: {  	v2 =	vld [tilespmem:s18+$0xFFFFFFF0];
	[tilespmem:s15+$0x1020 ss:$0x81] =	vst.msk $0xffff, v0;
	(pc) =	sbr.rel @p1 .LBB1_3-.Ltmp3, $4  }
0x36: {  	v0 =	vld [tilespmem:s18+$0x0];
	[tilespmem:s15+$0x0 ss:$0x81] =	vst.msk $0xffff, v1  }
0x37: {  	s15 =	sshra.s32 s19, $0x2;
	v1 =	vld [tilespmem:s18+$0xFFFFFFE0]  }
0x38: {  	s15 =	sadd.s32 s15, s16  }
0x39: {  	s18 =	sadd.s32 $0x40, s18;
	[tilespmem:s15+$0x1830 ss:$0x81] =	vst.msk $0xffff, v3  }
.Ltmp4:
0x3a: {  	_ = 	snop;
	(pc) =	sbr.rel .LBB1_4-.Ltmp4, $1  }
0x3b: {  	_ =	sdelay $0x3  }
.LBB1_6:
0x3c: {  	_ =	sfence.sel $0x180000  }
0x3d: {  	s2 =	simm.s32 $0x1;
	[bflag:$0x0] =	sbarrier.arrive $0xFFFF  }
0x3e: {  	s31 =	simm.s32 $0x2;
	[sflag:s2] =	ssyncpa.u1 $0x1  }
0x3f: {  	[sflag:s31] =	ssyncpa.u1 $0x1  }
0x40: {  	p0 =	sne.s32 s0, $0x0;
	_ =	strace $0x9000005F  }
0x41: {  	s0 =	sadd.s32 @!p0 $0x100000, s1;
	[bflag:$0x2] =	sbarrier.arrive $0xFFFF  }
0x42: {  	[sflag:s0] =	ssyncadd.tile.s32 @!p0 $0x1;
	_ =	shalt  }
.Lfunc_end1:
_tile_overlayer_lowered:
.L_overlay_start_2:
0x43: {  	(tag) =	ssettag $0x2  }
0x44: {  	s0 =	rddreg [dreg:$0x0];
	s2 =	stileid.u32  }
0x45: {  	s1 =	rddreg [dreg:$0x1];
	p0 =	sne.s32 s2, $0x0  }
0x46: {  	s3 =	rddreg [dreg:$0x2];
	[bflag:$0x3] =	sbarrier.arrive $0xFFFF;
	s2 =	simm.s32 @!p0 $0x1C01  }
0x47: {  	[timem:s3], [sflag:s2] =	dma.local @!p0 [hbm:s0], s1  }
0x48: {  	s0 =	simm.s32 @!p0 $0x1  }
0x49: {  	_ =	swait.ge @!p0 [sflag:s0], s1  }
0x4a: {  	s1 =	ssub.s32 @!p0 $0x0, s1;
	[sflag:s0] =	ssyncset.done @!p0 $0x0  }
0x4b: {  	[sflag:s0] =	ssyncadd.s32 @!p0 s1  }
0x4c: {  	[bflag:$0x3] =	sbarrier.arrive $0xFFFF  }
0x4d: {  	_ =	shalt  }

</sc_bundles>
